<compile_context>
chip_gen: v7x
topology: tpu7x:2x2x1
jax: 0.10.2.dev20260603
libtpu: 0.0.44.dev20260713+nightly
codegen_flags: <defaults>
</compile_context>

<pallas_src>
import functools
import jax
import jax.numpy as jnp
from jax import lax
from jax.experimental import pallas as pl
from jax.experimental.pallas import tpu as pltpu
from jax.experimental.pallas import tpu_sc as plsc

N = 10000
E = 320000
D_IN = 128
D_HID = 20
D_OUT = 10
DH = 32

NC, NS = 2, 16
NW = NC * NS
EPW = E // NW
CHUNK = 125
NCHUNK = EPW // CHUNK
ROWS_PER_SUB = N // NS

_mesh = plsc.VectorSubcoreMesh(
    core_axis_name="c", subcore_axis_name="s", num_cores=NC, num_subcores=NS
)


DCH = 128
NDCH = EPW // DCH
DTAIL = EPW - NDCH * DCH


@functools.partial(
    pl.kernel,
    out_type=jax.ShapeDtypeStruct((NC * N,), jnp.float32),
    mesh=_mesh,
    scratch_types=[
        pltpu.VMEM((EPW,), jnp.int32),
        pltpu.VMEM((DCH,), jnp.float32),
        pltpu.VMEM((624,), jnp.float32),
        pltpu.VMEM_SHARED((N,), jnp.float32),
        pltpu.SemaphoreType.DMA,
        pltpu.SemaphoreType.DMA,
    ],
)
def _deg_kernel(col_hbm, ones_hbm, zeros_hbm, out_hbm,
                colv, onesv, zbuf, acc, ci, ss):
    c = lax.axis_index("c")
    s = lax.axis_index("s")
    wid = c * NS + s
    M = 624
    REM = N - NS * M
    sl = pl.ds(s * M, M)
    rem = pl.ds(NS * M, REM)
    pltpu.async_copy(col_hbm.at[pl.ds(wid * EPW, EPW)], colv, ci)
    pltpu.sync_copy(zeros_hbm, zbuf)
    pltpu.sync_copy(zbuf, acc.at[sl])

    @pl.when(s == 0)
    def _():
        pltpu.sync_copy(zbuf.at[pl.ds(0, REM)], acc.at[rem])

    pltpu.sync_copy(ones_hbm, onesv)
    pltpu.make_async_copy(col_hbm.at[pl.ds(wid * EPW, EPW)], colv, ci).wait()
    plsc.subcore_barrier()

    def body(j, carry):
        pltpu.async_copy(onesv, acc.at[colv.at[pl.ds(j * DCH, DCH)]], ss,
                         add=True)
        return carry

    lax.fori_loop(0, NDCH, body, 0)
    pltpu.async_copy(onesv.at[pl.ds(0, DTAIL)],
                     acc.at[colv.at[pl.ds(NDCH * DCH, DTAIL)]], ss, add=True)

    def drain(j, carry):
        pltpu.make_async_copy(
            onesv, acc.at[colv.at[pl.ds(j * DCH, DCH)]], ss).wait()
        return carry

    lax.fori_loop(0, NDCH, drain, 0)
    pltpu.make_async_copy(onesv.at[pl.ds(0, DTAIL)],
                          acc.at[colv.at[pl.ds(NDCH * DCH, DTAIL)]], ss).wait()
    plsc.subcore_barrier()
    pltpu.sync_copy(acc.at[sl], zbuf)
    pltpu.sync_copy(zbuf, out_hbm.at[pl.ds(c * N + s * M, M)])

    @pl.when(s == 0)
    def _():
        pltpu.sync_copy(acc.at[rem], zbuf.at[pl.ds(0, REM)])
        pltpu.sync_copy(zbuf.at[pl.ds(0, REM)], out_hbm.at[pl.ds(c * N + NS * M, REM)])


@functools.partial(
    pl.kernel,
    out_type=jax.ShapeDtypeStruct((NC, N, DH), jnp.float32),
    mesh=_mesh,
    scratch_types=[
        pltpu.VMEM((NCHUNK, CHUNK), jnp.int32),
        pltpu.VMEM((NCHUNK, CHUNK), jnp.int32),
        pltpu.VMEM((CHUNK, DH), jnp.float32),
        pltpu.VMEM((CHUNK, DH), jnp.float32),
        pltpu.VMEM((CHUNK, DH), jnp.float32),
        pltpu.VMEM((CHUNK, DH), jnp.float32),
        pltpu.VMEM((CHUNK, DH), jnp.float32),
        pltpu.VMEM((CHUNK, DH), jnp.float32),
        pltpu.VMEM((CHUNK, DH), jnp.float32),
        pltpu.VMEM((CHUNK, DH), jnp.float32),
        pltpu.VMEM((624, DH), jnp.float32),
        pltpu.VMEM_SHARED((N, DH), jnp.float32),
        pltpu.SemaphoreType.DMA,
        pltpu.SemaphoreType.DMA,
        pltpu.SemaphoreType.DMA,
        pltpu.SemaphoreType.DMA,
        pltpu.SemaphoreType.DMA,
        pltpu.SemaphoreType.DMA,
        pltpu.SemaphoreType.DMA,
        pltpu.SemaphoreType.DMA,
        pltpu.SemaphoreType.DMA,
        pltpu.SemaphoreType.DMA,
        pltpu.SemaphoreType.DMA,
        pltpu.SemaphoreType.DMA,
        pltpu.SemaphoreType.DMA,
        pltpu.SemaphoreType.DMA,
        pltpu.SemaphoreType.DMA,
        pltpu.SemaphoreType.DMA,
        pltpu.SemaphoreType.DMA,
        pltpu.SemaphoreType.DMA,
    ],
    compiler_params=pltpu.CompilerParams(use_tc_tiling_on_sc=False),
)
def _agg_kernel(hs_hbm, row_hbm, col_hbm, out_hbm,
                rowv, colv, b0, b1, b2, b3, b4, b5, b6, b7, sbuf, acc,
                g0, g1, g2, g3, g4, g5, g6, g7,
                s0, s1, s2, s3, s4, s5, s6, s7, ri, ci):
    c = lax.axis_index("c")
    s = lax.axis_index("s")
    M = 624
    REM = N - NS * M
    sl = pl.ds(s * M, M)
    rem = pl.ds(NS * M, REM)
    bufs = (b0, b1, b2, b3, b4, b5, b6, b7)
    gsem = (g0, g1, g2, g3, g4, g5, g6, g7)
    ssem = (s0, s1, s2, s3, s4, s5, s6, s7)
    pltpu.async_copy(row_hbm.at[c, s], rowv, ri)
    pltpu.async_copy(col_hbm.at[c, s], colv, ci)
    pltpu.sync_copy(hs_hbm.at[sl], sbuf)
    pltpu.sync_copy(sbuf, acc.at[sl])

    @pl.when(s == 0)
    def _():
        pltpu.sync_copy(hs_hbm.at[rem], sbuf.at[pl.ds(0, REM)])
        pltpu.sync_copy(sbuf.at[pl.ds(0, REM)], acc.at[rem])

    pltpu.make_async_copy(row_hbm.at[c, s], rowv, ri).wait()
    pltpu.make_async_copy(col_hbm.at[c, s], colv, ci).wait()
    plsc.subcore_barrier()

    RING = 8
    AHEAD = 6
    for j in range(AHEAD):
        pltpu.async_copy(hs_hbm.at[rowv.at[j]], bufs[j], gsem[j])

    def body(jj, carry):
        j0 = jj * RING
        for b in range(RING):
            j = j0 + b
            pltpu.make_async_copy(hs_hbm.at[rowv.at[j]], bufs[b], gsem[b]).wait()
            pltpu.async_copy(bufs[b], acc.at[colv.at[j]], ssem[b], add=True)
            m = j + AHEAD
            mb = (b + AHEAD) % RING

            @pl.when(m < NCHUNK)
            def _():
                @pl.when(m >= RING)
                def _():
                    pltpu.make_async_copy(
                        bufs[mb], acc.at[colv.at[m - RING]], ssem[mb]
                    ).wait()

                pltpu.async_copy(hs_hbm.at[rowv.at[m]], bufs[mb], gsem[mb])

        return carry

    lax.fori_loop(0, NCHUNK // RING, body, 0)
    for b in range(RING):
        j = NCHUNK - RING + b
        pltpu.make_async_copy(bufs[b], acc.at[colv.at[j]], ssem[b]).wait()
    plsc.subcore_barrier()
    pltpu.sync_copy(acc.at[sl], sbuf)
    pltpu.sync_copy(sbuf, out_hbm.at[c, sl])

    @pl.when(s == 0)
    def _():
        pltpu.sync_copy(acc.at[rem], sbuf.at[pl.ds(0, REM)])
        pltpu.sync_copy(sbuf.at[pl.ds(0, REM)], out_hbm.at[c, rem])


MROWS = 312
MTAIL = N - NW * MROWS


@functools.partial(
    pl.kernel,
    out_type=jax.ShapeDtypeStruct((N, DH), jnp.float32),
    mesh=_mesh,
    scratch_types=[
        pltpu.VMEM((MROWS + MTAIL, DH), jnp.float32),
        pltpu.VMEM((MROWS + MTAIL, DH), jnp.float32),
        pltpu.VMEM((MROWS + MTAIL, DH), jnp.float32),
        pltpu.VMEM((MROWS + MTAIL + 16,), jnp.float32),
        pltpu.VMEM((DH,), jnp.float32),
    ],
    compiler_params=pltpu.CompilerParams(use_tc_tiling_on_sc=False),
)
def _mid_kernel(p_hbm, hs1_hbm, dinv_hbm, b_hbm, out_hbm, t0, t1, t2, td, tb):
    c = lax.axis_index("c")
    s = lax.axis_index("s")
    wid = c * NS + s
    base = wid * MROWS
    sl = pl.ds(base, MROWS)
    pltpu.sync_copy(p_hbm.at[0, sl], t0.at[pl.ds(0, MROWS)])
    pltpu.sync_copy(p_hbm.at[1, sl], t1.at[pl.ds(0, MROWS)])
    pltpu.sync_copy(hs1_hbm.at[sl], t2.at[pl.ds(0, MROWS)])
    pltpu.sync_copy(dinv_hbm.at[pl.ds(base, MROWS)], td.at[pl.ds(0, MROWS)])
    pltpu.sync_copy(b_hbm, tb)

    @pl.when(wid == NW - 1)
    def _():
        tl = pl.ds(N - MTAIL, MTAIL)
        pltpu.sync_copy(p_hbm.at[0, tl], t0.at[pl.ds(MROWS, MTAIL)])
        pltpu.sync_copy(p_hbm.at[1, tl], t1.at[pl.ds(MROWS, MTAIL)])
        pltpu.sync_copy(hs1_hbm.at[tl], t2.at[pl.ds(MROWS, MTAIL)])
        pltpu.sync_copy(dinv_hbm.at[pl.ds(N - MTAIL, MTAIL)],
                        td.at[pl.ds(MROWS, MTAIL)])

    blo = tb[0:16]
    bhi = tb[16:DH]

    def body(r, carry):
        d = td[pl.ds(r, 16)][0]
        for h, bv in ((0, blo), (16, bhi)):
            agg = t0[r, h:h + 16] + t1[r, h:h + 16] - t2[r, h:h + 16]
            hval = jnp.maximum(d * agg + bv, 0.0)
            t0[r, h:h + 16] = d * hval
        return carry

    lax.fori_loop(0, MROWS, body, 0)

    @pl.when(wid == NW - 1)
    def _():
        lax.fori_loop(MROWS, MROWS + MTAIL, body, 0)

    pltpu.sync_copy(t0.at[pl.ds(0, MROWS)], out_hbm.at[sl])

    @pl.when(wid == NW - 1)
    def _():
        pltpu.sync_copy(t0.at[pl.ds(MROWS, MTAIL)],
                        out_hbm.at[pl.ds(N - MTAIL, MTAIL)])


def _mm1_body(x_ref, w_ref, o_ref):
    w = jnp.concatenate(
        [w_ref[...], jnp.zeros((D_IN, DH - D_HID), jnp.float32)], axis=1)
    o_ref[...] = jnp.dot(x_ref[...], w, preferred_element_type=jnp.float32)


_mm1 = pl.pallas_call(
    _mm1_body,
    out_shape=jax.ShapeDtypeStruct((N, DH), jnp.float32),
)


def _scale_body(deg_ref, y_ref, hs_ref, dinv_ref, dinv1_ref):
    d = lax.rsqrt(deg_ref[0] + deg_ref[1] + 1.0).reshape(N, 1)
    dinv_ref[...] = d
    dinv1_ref[...] = d.reshape(N)
    hs_ref[...] = d * y_ref[...]


_scale = pl.pallas_call(
    _scale_body,
    out_shape=(
        jax.ShapeDtypeStruct((N, DH), jnp.float32),
        jax.ShapeDtypeStruct((N, 1), jnp.float32),
        jax.ShapeDtypeStruct((N,), jnp.float32),
    ),
)


def _fin_body(q_ref, hs2_ref, dinv_ref, wmu_ref, bmu_ref, wls_ref, bls_ref,
              mu_ref, ls_ref):
    zpad = jnp.zeros((DH - D_HID, D_OUT), jnp.float32)
    wmu = jnp.concatenate([wmu_ref[...], zpad], axis=0)
    wls = jnp.concatenate([wls_ref[...], zpad], axis=0)
    t = dinv_ref[...] * (q_ref[0] + q_ref[1] - hs2_ref[...])
    mu_ref[...] = jnp.dot(t, wmu,
                          preferred_element_type=jnp.float32) + bmu_ref[...]
    ls_ref[...] = jnp.dot(t, wls,
                          preferred_element_type=jnp.float32) + bls_ref[...]


_fin = pl.pallas_call(
    _fin_body,
    out_shape=(
        jax.ShapeDtypeStruct((N, D_OUT), jnp.float32),
        jax.ShapeDtypeStruct((N, D_OUT), jnp.float32),
    ),
)


def kernel(x, edge_index, W1, b1, Wmu, bmu, Wls, bls):
    row = edge_index[0].reshape(NC, NS, NCHUNK, CHUNK)
    col = edge_index[1].reshape(NC, NS, NCHUNK, CHUNK)
    col1d = edge_index[1]
    ones = jnp.ones((DCH,), jnp.float32)
    zeros = jnp.zeros((624,), jnp.float32)

    degp = _deg_kernel(col1d, ones, zeros).reshape(NC, N)
    y1 = _mm1(x, W1)
    hs1, dinv, dinv1 = _scale(degp, y1)
    b32 = jnp.zeros((DH,), jnp.float32).at[:D_HID].set(b1)

    p = _agg_kernel(hs1, row, col)
    hs2 = _mid_kernel(p, hs1, dinv1, b32)
    q = _agg_kernel(hs2, row, col)
    mu, ls = _fin(q, hs2, dinv, Wmu, bmu.reshape(1, D_OUT),
                  Wls, bls.reshape(1, D_OUT))
    return (mu, ls)

# --- scband reference (transcript-rebuilt; emitter-appended) ---
"""Pipeline reference for scband-variational-gcnencoder-5377299055295 (READ-ONLY COPY).

The authoritative reference and input builder live on the scoring server;
editing this copy changes nothing except your own understanding.
"""

import jax, jax.numpy as jnp
import numpy as np

N_NODES = 10000
N_EDGES = 320000
D_IN = 128
D_OUT = 10


def gcn_conv(x, edge_index, W, b):
    # Faithful PyG GCNConv: add self-loops, symmetric normalization D^-1/2 A D^-1/2,
    # linear transform, scatter-add aggregation, bias.
    N = x.shape[0]
    loops = jnp.arange(N, dtype=edge_index.dtype)
    row = jnp.concatenate([edge_index[0], loops])  # src
    col = jnp.concatenate([edge_index[1], loops])  # dst
    h = x @ W
    deg = jax.ops.segment_sum(jnp.ones(row.shape[0], dtype=h.dtype), col, num_segments=N)
    dinv = jnp.where(deg > 0, jax.lax.rsqrt(jnp.maximum(deg, 1e-12)), 0.0)
    norm = dinv[row] * dinv[col]
    msg = h[row] * norm[:, None]
    out = jax.ops.segment_sum(msg, col, num_segments=N)
    return out + b


def setup_inputs(seed: int = 0) -> dict:
    key = jax.random.key(seed)
    ks = jax.random.split(key, 8)
    x = jax.random.normal(ks[0], (N_NODES, D_IN), dtype=jnp.float32)
    edge_index = jax.random.randint(ks[1], (2, N_EDGES), 0, N_NODES, dtype=jnp.int32)
    d_hid = 2 * D_OUT
    W1 = jax.random.normal(ks[2], (D_IN, d_hid), dtype=jnp.float32) * (1.0 / np.sqrt(D_IN))
    b1 = jnp.zeros((d_hid,), dtype=jnp.float32)
    Wmu = jax.random.normal(ks[3], (d_hid, D_OUT), dtype=jnp.float32) * (1.0 / np.sqrt(d_hid))
    bmu = jnp.zeros((D_OUT,), dtype=jnp.float32)
    Wls = jax.random.normal(ks[4], (d_hid, D_OUT), dtype=jnp.float32) * (1.0 / np.sqrt(d_hid))
    bls = jnp.zeros((D_OUT,), dtype=jnp.float32)
    return {"x": x, "edge_index": edge_index, "W1": W1, "b1": b1, "Wmu": Wmu, "bmu": bmu, "Wls": Wls, "bls": bls}


def reference(x, edge_index, W1, b1, Wmu, bmu, Wls, bls):
    h = jax.nn.relu(gcn_conv(x, edge_index, W1, b1))
    mu = gcn_conv(h, edge_index, Wmu, bmu)
    logstd = gcn_conv(h, edge_index, Wls, bls)
    return (mu, logstd)

if __name__ == "__main__":
    import jax
    _d = setup_inputs()
    print(jax.jit(kernel)(*tuple(_d.values())))

</pallas_src>

<mosaic_0001>
#map = affine_map<(d0, d1) -> (0, 0, 0)>
#map1 = affine_map<(d0, d1) -> (0, 0)>
#map2 = affine_map<(d0, d1) -> (0)>
module attributes {stable_mosaic.version = 14 : i64} {
  func.func @_mid_kernel(%arg0: i32, %arg1: i32, %arg2: memref<2x10000x32xf32, #tpu.memory_space<hbm>>, %arg3: memref<10000x32xf32, #tpu.memory_space<hbm>>, %arg4: memref<10000xf32, #tpu.memory_space<hbm>>, %arg5: memref<32xf32, #tpu.memory_space<hbm>>, %arg6: memref<10000x32xf32, #tpu.memory_space<hbm>>, %arg7: memref<328x32xf32, #tpu.memory_space<vmem>>, %arg8: memref<328x32xf32, #tpu.memory_space<vmem>>, %arg9: memref<328x32xf32, #tpu.memory_space<vmem>>, %arg10: memref<344xf32, #tpu.memory_space<vmem>>, %arg11: memref<32xf32, #tpu.memory_space<vmem>>) attributes {dimension_semantics = [#tpu.dimension_semantics<core_parallel>, #tpu.dimension_semantics<subcore_parallel>], iteration_bounds = array<i64: 2, 16>, scalar_prefetch = 0 : i64, scratch_operands = 5 : i64, tpu.core_type = #tpu.core_type<sc_vector_subcore>, window_params = [{transform_indices = #map}, {transform_indices = #map1}, {transform_indices = #map2}, {transform_indices = #map2}, {transform_indices = #map1}]} {
    %mul3A = arith.constant 16 : i32
    %mul3A_0 = arith.muli %arg0, %mul3A : i32
    %add3A = arith.addi %mul3A_0, %arg1 : i32
    %mul3A_1 = arith.constant 312 : i32
    %mul3A_2 = arith.muli %add3A, %mul3A_1 : i32
    %run_scoped3A = arith.constant 0 : i32
    "tpu.region"() ({
      %run_scoped3A_26 = tpu.sem_alloc : memref<!tpu.dma_semaphore, #tpu.memory_space<semaphore_mem>>
      %dma_start3A = arith.constant 0 : i32
      %dma_start3A_27 = arith.constant 0 : i32
      %dma_start3A_28 = tpu.memref_slice %arg7[%dma_start3A, %dma_start3A_27] : memref<328x32xf32, #tpu.memory_space<vmem>> -> memref<312x32xf32, #tpu.memory_space<vmem>>
      %dma_start3A_29 = arith.constant 0 : i32
      %dma_start3A_30 = tpu.memref_slice %arg2[%run_scoped3A, %mul3A_2, %dma_start3A_29] : memref<2x10000x32xf32, #tpu.memory_space<hbm>> -> memref<1x312x32xf32, #tpu.memory_space<hbm>>
      %dma_start3A_31 = tpu.memref_squeeze %dma_start3A_30 : memref<1x312x32xf32, #tpu.memory_space<hbm>> -> memref<312x32xf32, #tpu.memory_space<hbm>>
      %dma_start3A_32 = arith.constant 0 : i32
      %dma_start3A_33 = arith.constant 0 : i32
      %dma_start3A_34 = tpu.memref_slice %arg7[%dma_start3A_32, %dma_start3A_33] : memref<328x32xf32, #tpu.memory_space<vmem>> -> memref<312x32xf32, #tpu.memory_space<vmem>>
      %dma_start3A_35 = arith.constant 0 : i32
      %dma_start3A_36 = tpu.memref_slice %arg2[%run_scoped3A, %mul3A_2, %dma_start3A_35] : memref<2x10000x32xf32, #tpu.memory_space<hbm>> -> memref<1x312x32xf32, #tpu.memory_space<hbm>>
      %dma_start3A_37 = tpu.memref_squeeze %dma_start3A_36 : memref<1x312x32xf32, #tpu.memory_space<hbm>> -> memref<312x32xf32, #tpu.memory_space<hbm>>
      tpu.enqueue_dma source(%dma_start3A_37 : memref<312x32xf32, #tpu.memory_space<hbm>>) target(%dma_start3A_34 : memref<312x32xf32, #tpu.memory_space<vmem>>) target_semaphore(%run_scoped3A_26 : memref<!tpu.dma_semaphore, #tpu.memory_space<semaphore_mem>>)
      %dma_wait3A = arith.constant 0 : i32
      %dma_wait3A_38 = arith.constant 0 : i32
      %dma_wait3A_39 = tpu.memref_slice %arg7[%dma_wait3A, %dma_wait3A_38] : memref<328x32xf32, #tpu.memory_space<vmem>> -> memref<312x32xf32, #tpu.memory_space<vmem>>
      %dma_wait3A_40 = arith.constant 0 : i32
      %dma_wait3A_41 = tpu.memref_slice %arg2[%run_scoped3A, %mul3A_2, %dma_wait3A_40] : memref<2x10000x32xf32, #tpu.memory_space<hbm>> -> memref<1x312x32xf32, #tpu.memory_space<hbm>>
      %dma_wait3A_42 = tpu.memref_squeeze %dma_wait3A_41 : memref<1x312x32xf32, #tpu.memory_space<hbm>> -> memref<312x32xf32, #tpu.memory_space<hbm>>
      %dma_wait3A_43 = arith.constant 0 : i32
      %dma_wait3A_44 = arith.constant 0 : i32
      %dma_wait3A_45 = tpu.memref_slice %arg7[%dma_wait3A_43, %dma_wait3A_44] : memref<328x32xf32, #tpu.memory_space<vmem>> -> memref<312x32xf32, #tpu.memory_space<vmem>>
      %dma_wait3A_46 = arith.constant 0 : i32
      %dma_wait3A_47 = tpu.memref_slice %arg2[%run_scoped3A, %mul3A_2, %dma_wait3A_46] : memref<2x10000x32xf32, #tpu.memory_space<hbm>> -> memref<1x312x32xf32, #tpu.memory_space<hbm>>
      %dma_wait3A_48 = tpu.memref_squeeze %dma_wait3A_47 : memref<1x312x32xf32, #tpu.memory_space<hbm>> -> memref<312x32xf32, #tpu.memory_space<hbm>>
      tpu.wait_dma2 semaphore(%run_scoped3A_26 : memref<!tpu.dma_semaphore, #tpu.memory_space<semaphore_mem>>) src(%dma_wait3A_48 : memref<312x32xf32, #tpu.memory_space<hbm>>) dst(%dma_wait3A_45 : memref<312x32xf32, #tpu.memory_space<vmem>>)
      tpu.yield
    }) : () -> ()
    %run_scoped3A_3 = arith.constant 1 : i32
    "tpu.region"() ({
      %run_scoped3A_26 = tpu.sem_alloc : memref<!tpu.dma_semaphore, #tpu.memory_space<semaphore_mem>>
      %dma_start3A = arith.constant 0 : i32
      %dma_start3A_27 = arith.constant 0 : i32
      %dma_start3A_28 = tpu.memref_slice %arg8[%dma_start3A, %dma_start3A_27] : memref<328x32xf32, #tpu.memory_space<vmem>> -> memref<312x32xf32, #tpu.memory_space<vmem>>
      %dma_start3A_29 = arith.constant 0 : i32
      %dma_start3A_30 = tpu.memref_slice %arg2[%run_scoped3A_3, %mul3A_2, %dma_start3A_29] : memref<2x10000x32xf32, #tpu.memory_space<hbm>> -> memref<1x312x32xf32, #tpu.memory_space<hbm>>
      %dma_start3A_31 = tpu.memref_squeeze %dma_start3A_30 : memref<1x312x32xf32, #tpu.memory_space<hbm>> -> memref<312x32xf32, #tpu.memory_space<hbm>>
      %dma_start3A_32 = arith.constant 0 : i32
      %dma_start3A_33 = arith.constant 0 : i32
      %dma_start3A_34 = tpu.memref_slice %arg8[%dma_start3A_32, %dma_start3A_33] : memref<328x32xf32, #tpu.memory_space<vmem>> -> memref<312x32xf32, #tpu.memory_space<vmem>>
      %dma_start3A_35 = arith.constant 0 : i32
      %dma_start3A_36 = tpu.memref_slice %arg2[%run_scoped3A_3, %mul3A_2, %dma_start3A_35] : memref<2x10000x32xf32, #tpu.memory_space<hbm>> -> memref<1x312x32xf32, #tpu.memory_space<hbm>>
      %dma_start3A_37 = tpu.memref_squeeze %dma_start3A_36 : memref<1x312x32xf32, #tpu.memory_space<hbm>> -> memref<312x32xf32, #tpu.memory_space<hbm>>
      tpu.enqueue_dma source(%dma_start3A_37 : memref<312x32xf32, #tpu.memory_space<hbm>>) target(%dma_start3A_34 : memref<312x32xf32, #tpu.memory_space<vmem>>) target_semaphore(%run_scoped3A_26 : memref<!tpu.dma_semaphore, #tpu.memory_space<semaphore_mem>>)
      %dma_wait3A = arith.constant 0 : i32
      %dma_wait3A_38 = arith.constant 0 : i32
      %dma_wait3A_39 = tpu.memref_slice %arg8[%dma_wait3A, %dma_wait3A_38] : memref<328x32xf32, #tpu.memory_space<vmem>> -> memref<312x32xf32, #tpu.memory_space<vmem>>
      %dma_wait3A_40 = arith.constant 0 : i32
      %dma_wait3A_41 = tpu.memref_slice %arg2[%run_scoped3A_3, %mul3A_2, %dma_wait3A_40] : memref<2x10000x32xf32, #tpu.memory_space<hbm>> -> memref<1x312x32xf32, #tpu.memory_space<hbm>>
      %dma_wait3A_42 = tpu.memref_squeeze %dma_wait3A_41 : memref<1x312x32xf32, #tpu.memory_space<hbm>> -> memref<312x32xf32, #tpu.memory_space<hbm>>
      %dma_wait3A_43 = arith.constant 0 : i32
      %dma_wait3A_44 = arith.constant 0 : i32
      %dma_wait3A_45 = tpu.memref_slice %arg8[%dma_wait3A_43, %dma_wait3A_44] : memref<328x32xf32, #tpu.memory_space<vmem>> -> memref<312x32xf32, #tpu.memory_space<vmem>>
      %dma_wait3A_46 = arith.constant 0 : i32
      %dma_wait3A_47 = tpu.memref_slice %arg2[%run_scoped3A_3, %mul3A_2, %dma_wait3A_46] : memref<2x10000x32xf32, #tpu.memory_space<hbm>> -> memref<1x312x32xf32, #tpu.memory_space<hbm>>
      %dma_wait3A_48 = tpu.memref_squeeze %dma_wait3A_47 : memref<1x312x32xf32, #tpu.memory_space<hbm>> -> memref<312x32xf32, #tpu.memory_space<hbm>>
      tpu.wait_dma2 semaphore(%run_scoped3A_26 : memref<!tpu.dma_semaphore, #tpu.memory_space<semaphore_mem>>) src(%dma_wait3A_48 : memref<312x32xf32, #tpu.memory_space<hbm>>) dst(%dma_wait3A_45 : memref<312x32xf32, #tpu.memory_space<vmem>>)
      tpu.yield
    }) : () -> ()
    "tpu.region"() ({
      %run_scoped3A_26 = tpu.sem_alloc : memref<!tpu.dma_semaphore, #tpu.memory_space<semaphore_mem>>
      %dma_start3A = arith.constant 0 : i32
      %dma_start3A_27 = arith.constant 0 : i32
      %dma_start3A_28 = tpu.memref_slice %arg9[%dma_start3A, %dma_start3A_27] : memref<328x32xf32, #tpu.memory_space<vmem>> -> memref<312x32xf32, #tpu.memory_space<vmem>>
      %dma_start3A_29 = arith.constant 0 : i32
      %dma_start3A_30 = tpu.memref_slice %arg3[%mul3A_2, %dma_start3A_29] : memref<10000x32xf32, #tpu.memory_space<hbm>> -> memref<312x32xf32, #tpu.memory_space<hbm>>
      %dma_start3A_31 = arith.constant 0 : i32
      %dma_start3A_32 = arith.constant 0 : i32
      %dma_start3A_33 = tpu.memref_slice %arg9[%dma_start3A_31, %dma_start3A_32] : memref<328x32xf32, #tpu.memory_space<vmem>> -> memref<312x32xf32, #tpu.memory_space<vmem>>
      %dma_start3A_34 = arith.constant 0 : i32
      %dma_start3A_35 = tpu.memref_slice %arg3[%mul3A_2, %dma_start3A_34] : memref<10000x32xf32, #tpu.memory_space<hbm>> -> memref<312x32xf32, #tpu.memory_space<hbm>>
      tpu.enqueue_dma source(%dma_start3A_35 : memref<312x32xf32, #tpu.memory_space<hbm>>) target(%dma_start3A_33 : memref<312x32xf32, #tpu.memory_space<vmem>>) target_semaphore(%run_scoped3A_26 : memref<!tpu.dma_semaphore, #tpu.memory_space<semaphore_mem>>)
      %dma_wait3A = arith.constant 0 : i32
      %dma_wait3A_36 = arith.constant 0 : i32
      %dma_wait3A_37 = tpu.memref_slice %arg9[%dma_wait3A, %dma_wait3A_36] : memref<328x32xf32, #tpu.memory_space<vmem>> -> memref<312x32xf32, #tpu.memory_space<vmem>>
      %dma_wait3A_38 = arith.constant 0 : i32
      %dma_wait3A_39 = tpu.memref_slice %arg3[%mul3A_2, %dma_wait3A_38] : memref<10000x32xf32, #tpu.memory_space<hbm>> -> memref<312x32xf32, #tpu.memory_space<hbm>>
      %dma_wait3A_40 = arith.constant 0 : i32
      %dma_wait3A_41 = arith.constant 0 : i32
      %dma_wait3A_42 = tpu.memref_slice %arg9[%dma_wait3A_40, %dma_wait3A_41] : memref<328x32xf32, #tpu.memory_space<vmem>> -> memref<312x32xf32, #tpu.memory_space<vmem>>
      %dma_wait3A_43 = arith.constant 0 : i32
      %dma_wait3A_44 = tpu.memref_slice %arg3[%mul3A_2, %dma_wait3A_43] : memref<10000x32xf32, #tpu.memory_space<hbm>> -> memref<312x32xf32, #tpu.memory_space<hbm>>
      tpu.wait_dma2 semaphore(%run_scoped3A_26 : memref<!tpu.dma_semaphore, #tpu.memory_space<semaphore_mem>>) src(%dma_wait3A_44 : memref<312x32xf32, #tpu.memory_space<hbm>>) dst(%dma_wait3A_42 : memref<312x32xf32, #tpu.memory_space<vmem>>)
      tpu.yield
    }) : () -> ()
    "tpu.region"() ({
      %run_scoped3A_26 = tpu.sem_alloc : memref<!tpu.dma_semaphore, #tpu.memory_space<semaphore_mem>>
      %dma_start3A = arith.constant 0 : i32
      %dma_start3A_27 = tpu.memref_slice %arg10[%dma_start3A] : memref<344xf32, #tpu.memory_space<vmem>> -> memref<312xf32, #tpu.memory_space<vmem>>
      %dma_start3A_28 = tpu.memref_slice %arg4[%mul3A_2] : memref<10000xf32, #tpu.memory_space<hbm>> -> memref<312xf32, #tpu.memory_space<hbm>>
      %dma_start3A_29 = arith.constant 0 : i32
      %dma_start3A_30 = tpu.memref_slice %arg10[%dma_start3A_29] : memref<344xf32, #tpu.memory_space<vmem>> -> memref<312xf32, #tpu.memory_space<vmem>>
      %dma_start3A_31 = tpu.memref_slice %arg4[%mul3A_2] : memref<10000xf32, #tpu.memory_space<hbm>> -> memref<312xf32, #tpu.memory_space<hbm>>
      tpu.enqueue_dma source(%dma_start3A_31 : memref<312xf32, #tpu.memory_space<hbm>>) target(%dma_start3A_30 : memref<312xf32, #tpu.memory_space<vmem>>) target_semaphore(%run_scoped3A_26 : memref<!tpu.dma_semaphore, #tpu.memory_space<semaphore_mem>>)
      %dma_wait3A = arith.constant 0 : i32
      %dma_wait3A_32 = tpu.memref_slice %arg10[%dma_wait3A] : memref<344xf32, #tpu.memory_space<vmem>> -> memref<312xf32, #tpu.memory_space<vmem>>
      %dma_wait3A_33 = tpu.memref_slice %arg4[%mul3A_2] : memref<10000xf32, #tpu.memory_space<hbm>> -> memref<312xf32, #tpu.memory_space<hbm>>
      %dma_wait3A_34 = arith.constant 0 : i32
      %dma_wait3A_35 = tpu.memref_slice %arg10[%dma_wait3A_34] : memref<344xf32, #tpu.memory_space<vmem>> -> memref<312xf32, #tpu.memory_space<vmem>>
      %dma_wait3A_36 = tpu.memref_slice %arg4[%mul3A_2] : memref<10000xf32, #tpu.memory_space<hbm>> -> memref<312xf32, #tpu.memory_space<hbm>>
      tpu.wait_dma2 semaphore(%run_scoped3A_26 : memref<!tpu.dma_semaphore, #tpu.memory_space<semaphore_mem>>) src(%dma_wait3A_36 : memref<312xf32, #tpu.memory_space<hbm>>) dst(%dma_wait3A_35 : memref<312xf32, #tpu.memory_space<vmem>>)
      tpu.yield
    }) : () -> ()
    "tpu.region"() ({
      %run_scoped3A_26 = tpu.sem_alloc : memref<!tpu.dma_semaphore, #tpu.memory_space<semaphore_mem>>
      tpu.enqueue_dma source(%arg5 : memref<32xf32, #tpu.memory_space<hbm>>) target(%arg11 : memref<32xf32, #tpu.memory_space<vmem>>) target_semaphore(%run_scoped3A_26 : memref<!tpu.dma_semaphore, #tpu.memory_space<semaphore_mem>>)
      tpu.wait_dma2 semaphore(%run_scoped3A_26 : memref<!tpu.dma_semaphore, #tpu.memory_space<semaphore_mem>>) src(%arg5 : memref<32xf32, #tpu.memory_space<hbm>>) dst(%arg11 : memref<32xf32, #tpu.memory_space<vmem>>)
      tpu.yield
    }) : () -> ()
    %eq3A = arith.constant 31 : i32
    %eq3A_4 = arith.cmpi eq, %add3A, %eq3A : i32
    %convert_element_type3A = arith.extui %eq3A_4 : i1 to i32
    %cond3A = arith.constant 0 : i32
    %cond3A_5 = arith.cmpi ne, %convert_element_type3A, %cond3A : i32
    scf.if %cond3A_5 {
      %run_scoped3A_26 = arith.constant 0 : i32
      "tpu.region"() ({
        %run_scoped3A_28 = tpu.sem_alloc : memref<!tpu.dma_semaphore, #tpu.memory_space<semaphore_mem>>
        %dma_start3A = arith.constant 312 : i32
        %dma_start3A_29 = arith.constant 0 : i32
        %dma_start3A_30 = tpu.memref_slice %arg7[%dma_start3A, %dma_start3A_29] : memref<328x32xf32, #tpu.memory_space<vmem>> -> memref<16x32xf32, #tpu.memory_space<vmem>>
        %dma_start3A_31 = arith.constant 9984 : i32
        %dma_start3A_32 = arith.constant 0 : i32
        %dma_start3A_33 = tpu.memref_slice %arg2[%run_scoped3A_26, %dma_start3A_31, %dma_start3A_32] : memref<2x10000x32xf32, #tpu.memory_space<hbm>> -> memref<1x16x32xf32, #tpu.memory_space<hbm>>
        %dma_start3A_34 = tpu.memref_squeeze %dma_start3A_33 : memref<1x16x32xf32, #tpu.memory_space<hbm>> -> memref<16x32xf32, #tpu.memory_space<hbm>>
        %dma_start3A_35 = arith.constant 312 : i32
        %dma_start3A_36 = arith.constant 0 : i32
        %dma_start3A_37 = tpu.memref_slice %arg7[%dma_start3A_35, %dma_start3A_36] : memref<328x32xf32, #tpu.memory_space<vmem>> -> memref<16x32xf32, #tpu.memory_space<vmem>>
        %dma_start3A_38 = arith.constant 9984 : i32
        %dma_start3A_39 = arith.constant 0 : i32
        %dma_start3A_40 = tpu.memref_slice %arg2[%run_scoped3A_26, %dma_start3A_38, %dma_start3A_39] : memref<2x10000x32xf32, #tpu.memory_space<hbm>> -> memref<1x16x32xf32, #tpu.memory_space<hbm>>
        %dma_start3A_41 = tpu.memref_squeeze %dma_start3A_40 : memref<1x16x32xf32, #tpu.memory_space<hbm>> -> memref<16x32xf32, #tpu.memory_space<hbm>>
        tpu.enqueue_dma source(%dma_start3A_41 : memref<16x32xf32, #tpu.memory_space<hbm>>) target(%dma_start3A_37 : memref<16x32xf32, #tpu.memory_space<vmem>>) target_semaphore(%run_scoped3A_28 : memref<!tpu.dma_semaphore, #tpu.memory_space<semaphore_mem>>)
        %dma_wait3A = arith.constant 312 : i32
        %dma_wait3A_42 = arith.constant 0 : i32
        %dma_wait3A_43 = tpu.memref_slice %arg7[%dma_wait3A, %dma_wait3A_42] : memref<328x32xf32, #tpu.memory_space<vmem>> -> memref<16x32xf32, #tpu.memory_space<vmem>>
        %dma_wait3A_44 = arith.constant 9984 : i32
        %dma_wait3A_45 = arith.constant 0 : i32
        %dma_wait3A_46 = tpu.memref_slice %arg2[%run_scoped3A_26, %dma_wait3A_44, %dma_wait3A_45] : memref<2x10000x32xf32, #tpu.memory_space<hbm>> -> memref<1x16x32xf32, #tpu.memory_space<hbm>>
        %dma_wait3A_47 = tpu.memref_squeeze %dma_wait3A_46 : memref<1x16x32xf32, #tpu.memory_space<hbm>> -> memref<16x32xf32, #tpu.memory_space<hbm>>
        %dma_wait3A_48 = arith.constant 312 : i32
        %dma_wait3A_49 = arith.constant 0 : i32
        %dma_wait3A_50 = tpu.memref_slice %arg7[%dma_wait3A_48, %dma_wait3A_49] : memref<328x32xf32, #tpu.memory_space<vmem>> -> memref<16x32xf32, #tpu.memory_space<vmem>>
        %dma_wait3A_51 = arith.constant 9984 : i32
        %dma_wait3A_52 = arith.constant 0 : i32
        %dma_wait3A_53 = tpu.memref_slice %arg2[%run_scoped3A_26, %dma_wait3A_51, %dma_wait3A_52] : memref<2x10000x32xf32, #tpu.memory_space<hbm>> -> memref<1x16x32xf32, #tpu.memory_space<hbm>>
        %dma_wait3A_54 = tpu.memref_squeeze %dma_wait3A_53 : memref<1x16x32xf32, #tpu.memory_space<hbm>> -> memref<16x32xf32, #tpu.memory_space<hbm>>
        tpu.wait_dma2 semaphore(%run_scoped3A_28 : memref<!tpu.dma_semaphore, #tpu.memory_space<semaphore_mem>>) src(%dma_wait3A_54 : memref<16x32xf32, #tpu.memory_space<hbm>>) dst(%dma_wait3A_50 : memref<16x32xf32, #tpu.memory_space<vmem>>)
        tpu.yield
      }) : () -> ()
      %run_scoped3A_27 = arith.constant 1 : i32
      "tpu.region"() ({
        %run_scoped3A_28 = tpu.sem_alloc : memref<!tpu.dma_semaphore, #tpu.memory_space<semaphore_mem>>
        %dma_start3A = arith.constant 312 : i32
        %dma_start3A_29 = arith.constant 0 : i32
        %dma_start3A_30 = tpu.memref_slice %arg8[%dma_start3A, %dma_start3A_29] : memref<328x32xf32, #tpu.memory_space<vmem>> -> memref<16x32xf32, #tpu.memory_space<vmem>>
        %dma_start3A_31 = arith.constant 9984 : i32
        %dma_start3A_32 = arith.constant 0 : i32
        %dma_start3A_33 = tpu.memref_slice %arg2[%run_scoped3A_27, %dma_start3A_31, %dma_start3A_32] : memref<2x10000x32xf32, #tpu.memory_space<hbm>> -> memref<1x16x32xf32, #tpu.memory_space<hbm>>
        %dma_start3A_34 = tpu.memref_squeeze %dma_start3A_33 : memref<1x16x32xf32, #tpu.memory_space<hbm>> -> memref<16x32xf32, #tpu.memory_space<hbm>>
        %dma_start3A_35 = arith.constant 312 : i32
        %dma_start3A_36 = arith.constant 0 : i32
        %dma_start3A_37 = tpu.memref_slice %arg8[%dma_start3A_35, %dma_start3A_36] : memref<328x32xf32, #tpu.memory_space<vmem>> -> memref<16x32xf32, #tpu.memory_space<vmem>>
        %dma_start3A_38 = arith.constant 9984 : i32
        %dma_start3A_39 = arith.constant 0 : i32
        %dma_start3A_40 = tpu.memref_slice %arg2[%run_scoped3A_27, %dma_start3A_38, %dma_start3A_39] : memref<2x10000x32xf32, #tpu.memory_space<hbm>> -> memref<1x16x32xf32, #tpu.memory_space<hbm>>
        %dma_start3A_41 = tpu.memref_squeeze %dma_start3A_40 : memref<1x16x32xf32, #tpu.memory_space<hbm>> -> memref<16x32xf32, #tpu.memory_space<hbm>>
        tpu.enqueue_dma source(%dma_start3A_41 : memref<16x32xf32, #tpu.memory_space<hbm>>) target(%dma_start3A_37 : memref<16x32xf32, #tpu.memory_space<vmem>>) target_semaphore(%run_scoped3A_28 : memref<!tpu.dma_semaphore, #tpu.memory_space<semaphore_mem>>)
        %dma_wait3A = arith.constant 312 : i32
        %dma_wait3A_42 = arith.constant 0 : i32
        %dma_wait3A_43 = tpu.memref_slice %arg8[%dma_wait3A, %dma_wait3A_42] : memref<328x32xf32, #tpu.memory_space<vmem>> -> memref<16x32xf32, #tpu.memory_space<vmem>>
        %dma_wait3A_44 = arith.constant 9984 : i32
        %dma_wait3A_45 = arith.constant 0 : i32
        %dma_wait3A_46 = tpu.memref_slice %arg2[%run_scoped3A_27, %dma_wait3A_44, %dma_wait3A_45] : memref<2x10000x32xf32, #tpu.memory_space<hbm>> -> memref<1x16x32xf32, #tpu.memory_space<hbm>>
        %dma_wait3A_47 = tpu.memref_squeeze %dma_wait3A_46 : memref<1x16x32xf32, #tpu.memory_space<hbm>> -> memref<16x32xf32, #tpu.memory_space<hbm>>
        %dma_wait3A_48 = arith.constant 312 : i32
        %dma_wait3A_49 = arith.constant 0 : i32
        %dma_wait3A_50 = tpu.memref_slice %arg8[%dma_wait3A_48, %dma_wait3A_49] : memref<328x32xf32, #tpu.memory_space<vmem>> -> memref<16x32xf32, #tpu.memory_space<vmem>>
        %dma_wait3A_51 = arith.constant 9984 : i32
        %dma_wait3A_52 = arith.constant 0 : i32
        %dma_wait3A_53 = tpu.memref_slice %arg2[%run_scoped3A_27, %dma_wait3A_51, %dma_wait3A_52] : memref<2x10000x32xf32, #tpu.memory_space<hbm>> -> memref<1x16x32xf32, #tpu.memory_space<hbm>>
        %dma_wait3A_54 = tpu.memref_squeeze %dma_wait3A_53 : memref<1x16x32xf32, #tpu.memory_space<hbm>> -> memref<16x32xf32, #tpu.memory_space<hbm>>
        tpu.wait_dma2 semaphore(%run_scoped3A_28 : memref<!tpu.dma_semaphore, #tpu.memory_space<semaphore_mem>>) src(%dma_wait3A_54 : memref<16x32xf32, #tpu.memory_space<hbm>>) dst(%dma_wait3A_50 : memref<16x32xf32, #tpu.memory_space<vmem>>)
        tpu.yield
      }) : () -> ()
      "tpu.region"() ({
        %run_scoped3A_28 = tpu.sem_alloc : memref<!tpu.dma_semaphore, #tpu.memory_space<semaphore_mem>>
        %dma_start3A = arith.constant 312 : i32
        %dma_start3A_29 = arith.constant 0 : i32
        %dma_start3A_30 = tpu.memref_slice %arg9[%dma_start3A, %dma_start3A_29] : memref<328x32xf32, #tpu.memory_space<vmem>> -> memref<16x32xf32, #tpu.memory_space<vmem>>
        %dma_start3A_31 = arith.constant 9984 : i32
        %dma_start3A_32 = arith.constant 0 : i32
        %dma_start3A_33 = tpu.memref_slice %arg3[%dma_start3A_31, %dma_start3A_32] : memref<10000x32xf32, #tpu.memory_space<hbm>> -> memref<16x32xf32, #tpu.memory_space<hbm>>
        %dma_start3A_34 = arith.constant 312 : i32
        %dma_start3A_35 = arith.constant 0 : i32
        %dma_start3A_36 = tpu.memref_slice %arg9[%dma_start3A_34, %dma_start3A_35] : memref<328x32xf32, #tpu.memory_space<vmem>> -> memref<16x32xf32, #tpu.memory_space<vmem>>
        %dma_start3A_37 = arith.constant 9984 : i32
        %dma_start3A_38 = arith.constant 0 : i32
        %dma_start3A_39 = tpu.memref_slice %arg3[%dma_start3A_37, %dma_start3A_38] : memref<10000x32xf32, #tpu.memory_space<hbm>> -> memref<16x32xf32, #tpu.memory_space<hbm>>
        tpu.enqueue_dma source(%dma_start3A_39 : memref<16x32xf32, #tpu.memory_space<hbm>>) target(%dma_start3A_36 : memref<16x32xf32, #tpu.memory_space<vmem>>) target_semaphore(%run_scoped3A_28 : memref<!tpu.dma_semaphore, #tpu.memory_space<semaphore_mem>>)
        %dma_wait3A = arith.constant 312 : i32
        %dma_wait3A_40 = arith.constant 0 : i32
        %dma_wait3A_41 = tpu.memref_slice %arg9[%dma_wait3A, %dma_wait3A_40] : memref<328x32xf32, #tpu.memory_space<vmem>> -> memref<16x32xf32, #tpu.memory_space<vmem>>
        %dma_wait3A_42 = arith.constant 9984 : i32
        %dma_wait3A_43 = arith.constant 0 : i32
        %dma_wait3A_44 = tpu.memref_slice %arg3[%dma_wait3A_42, %dma_wait3A_43] : memref<10000x32xf32, #tpu.memory_space<hbm>> -> memref<16x32xf32, #tpu.memory_space<hbm>>
        %dma_wait3A_45 = arith.constant 312 : i32
        %dma_wait3A_46 = arith.constant 0 : i32
        %dma_wait3A_47 = tpu.memref_slice %arg9[%dma_wait3A_45, %dma_wait3A_46] : memref<328x32xf32, #tpu.memory_space<vmem>> -> memref<16x32xf32, #tpu.memory_space<vmem>>
        %dma_wait3A_48 = arith.constant 9984 : i32
        %dma_wait3A_49 = arith.constant 0 : i32
        %dma_wait3A_50 = tpu.memref_slice %arg3[%dma_wait3A_48, %dma_wait3A_49] : memref<10000x32xf32, #tpu.memory_space<hbm>> -> memref<16x32xf32, #tpu.memory_space<hbm>>
        tpu.wait_dma2 semaphore(%run_scoped3A_28 : memref<!tpu.dma_semaphore, #tpu.memory_space<semaphore_mem>>) src(%dma_wait3A_50 : memref<16x32xf32, #tpu.memory_space<hbm>>) dst(%dma_wait3A_47 : memref<16x32xf32, #tpu.memory_space<vmem>>)
        tpu.yield
      }) : () -> ()
      "tpu.region"() ({
        %run_scoped3A_28 = tpu.sem_alloc : memref<!tpu.dma_semaphore, #tpu.memory_space<semaphore_mem>>
        %dma_start3A = arith.constant 312 : i32
        %dma_start3A_29 = tpu.memref_slice %arg10[%dma_start3A] : memref<344xf32, #tpu.memory_space<vmem>> -> memref<16xf32, #tpu.memory_space<vmem>>
        %dma_start3A_30 = arith.constant 9984 : i32
        %dma_start3A_31 = tpu.memref_slice %arg4[%dma_start3A_30] : memref<10000xf32, #tpu.memory_space<hbm>> -> memref<16xf32, #tpu.memory_space<hbm>>
        %dma_start3A_32 = arith.constant 312 : i32
        %dma_start3A_33 = tpu.memref_slice %arg10[%dma_start3A_32] : memref<344xf32, #tpu.memory_space<vmem>> -> memref<16xf32, #tpu.memory_space<vmem>>
        %dma_start3A_34 = arith.constant 9984 : i32
        %dma_start3A_35 = tpu.memref_slice %arg4[%dma_start3A_34] : memref<10000xf32, #tpu.memory_space<hbm>> -> memref<16xf32, #tpu.memory_space<hbm>>
        tpu.enqueue_dma source(%dma_start3A_35 : memref<16xf32, #tpu.memory_space<hbm>>) target(%dma_start3A_33 : memref<16xf32, #tpu.memory_space<vmem>>) target_semaphore(%run_scoped3A_28 : memref<!tpu.dma_semaphore, #tpu.memory_space<semaphore_mem>>)
        %dma_wait3A = arith.constant 312 : i32
        %dma_wait3A_36 = tpu.memref_slice %arg10[%dma_wait3A] : memref<344xf32, #tpu.memory_space<vmem>> -> memref<16xf32, #tpu.memory_space<vmem>>
        %dma_wait3A_37 = arith.constant 9984 : i32
        %dma_wait3A_38 = tpu.memref_slice %arg4[%dma_wait3A_37] : memref<10000xf32, #tpu.memory_space<hbm>> -> memref<16xf32, #tpu.memory_space<hbm>>
        %dma_wait3A_39 = arith.constant 312 : i32
        %dma_wait3A_40 = tpu.memref_slice %arg10[%dma_wait3A_39] : memref<344xf32, #tpu.memory_space<vmem>> -> memref<16xf32, #tpu.memory_space<vmem>>
        %dma_wait3A_41 = arith.constant 9984 : i32
        %dma_wait3A_42 = tpu.memref_slice %arg4[%dma_wait3A_41] : memref<10000xf32, #tpu.memory_space<hbm>> -> memref<16xf32, #tpu.memory_space<hbm>>
        tpu.wait_dma2 semaphore(%run_scoped3A_28 : memref<!tpu.dma_semaphore, #tpu.memory_space<semaphore_mem>>) src(%dma_wait3A_42 : memref<16xf32, #tpu.memory_space<hbm>>) dst(%dma_wait3A_40 : memref<16xf32, #tpu.memory_space<vmem>>)
        tpu.yield
      }) : () -> ()
    } else {
    }
    %get3A = arith.constant 0 : index
    %get3A_6 = tpu.vector_load %arg11[%get3A] {strides = array<i32>} : memref<32xf32, #tpu.memory_space<vmem>>, vector<16xf32>,
    %get3A_7 = vector.shape_cast %get3A_6 : vector<16xf32> to vector<16xf32>
    %get3A_8 = arith.constant 16 : index
    %get3A_9 = tpu.vector_load %arg11[%get3A_8] {strides = array<i32>} : memref<32xf32, #tpu.memory_space<vmem>>, vector<16xf32>,
    %get3A_10 = vector.shape_cast %get3A_9 : vector<16xf32> to vector<16xf32>
    %scan3A = arith.constant 0 : i32
    %scan3A_11 = arith.constant 0 : i32
    %scan3A_12 = arith.constant 312 : i32
    %scan3A_13 = arith.addi %scan3A_11, %scan3A_12 : i32
    %scan3A_14 = arith.constant 1 : i32
    scf.for %scan3A_26 = %scan3A_11 to %scan3A_13 step %scan3A_14  : i32 {
      %get3A_27 = arith.index_cast %scan3A_26 : i32 to index
      %get3A_28 = tpu.vector_load %arg10[%get3A_27] {strides = array<i32>} : memref<344xf32, #tpu.memory_space<vmem>>, vector<16xf32>,
      %get3A_29 = vector.shape_cast %get3A_28 : vector<16xf32> to vector<16xf32>
      %slice3A = vector.extract_strided_slice %get3A_29 {offsets = [0], sizes = [1], strides = [1]} : vector<16xf32> to vector<1xf32>
      %squeeze3A = vector.extract %slice3A[0] : f32 from vector<1xf32>
      %get3A_30 = arith.index_cast %scan3A_26 : i32 to index
      %get3A_31 = arith.constant 0 : index
      %get3A_32 = tpu.vector_load %arg7[%get3A_30, %get3A_31] {strides = array<i32>} : memref<328x32xf32, #tpu.memory_space<vmem>>, vector<1x16xf32>,
      %get3A_33 = vector.shape_cast %get3A_32 : vector<1x16xf32> to vector<16xf32>
      %get3A_34 = arith.index_cast %scan3A_26 : i32 to index
      %get3A_35 = arith.constant 0 : index
      %get3A_36 = tpu.vector_load %arg8[%get3A_34, %get3A_35] {strides = array<i32>} : memref<328x32xf32, #tpu.memory_space<vmem>>, vector<1x16xf32>,
      %get3A_37 = vector.shape_cast %get3A_36 : vector<1x16xf32> to vector<16xf32>
      %add3A_38 = arith.addf %get3A_33, %get3A_37 : vector<16xf32>
      %get3A_39 = arith.index_cast %scan3A_26 : i32 to index
      %get3A_40 = arith.constant 0 : index
      %get3A_41 = tpu.vector_load %arg9[%get3A_39, %get3A_40] {strides = array<i32>} : memref<328x32xf32, #tpu.memory_space<vmem>>, vector<1x16xf32>,
      %get3A_42 = vector.shape_cast %get3A_41 : vector<1x16xf32> to vector<16xf32>
      %sub3A = arith.subf %add3A_38, %get3A_42 : vector<16xf32>
      %mul3A_43 = vector.broadcast %squeeze3A : f32 to vector<16xf32>
      %mul3A_44 = arith.mulf %mul3A_43, %sub3A : vector<16xf32>
      %add3A_45 = arith.addf %mul3A_44, %get3A_7 : vector<16xf32>
      %max3A = arith.constant 0.000000e+00 : f32
      %max3A_46 = vector.broadcast %max3A : f32 to vector<16xf32>
      %max3A_47 = arith.maximumf %add3A_45, %max3A_46 : vector<16xf32>
      %mul3A_48 = vector.broadcast %squeeze3A : f32 to vector<16xf32>
      %mul3A_49 = arith.mulf %mul3A_48, %max3A_47 : vector<16xf32>
      %swap3A = arith.index_cast %scan3A_26 : i32 to index
      %swap3A_50 = arith.constant 0 : index
      %swap3A_51 = tpu.vector_load %arg7[%swap3A, %swap3A_50] {strides = array<i32>} : memref<328x32xf32, #tpu.memory_space<vmem>>, vector<1x16xf32>,
      %swap3A_52 = vector.shape_cast %swap3A_51 : vector<1x16xf32> to vector<16xf32>
      %swap3A_53 = vector.shape_cast %mul3A_49 : vector<16xf32> to vector<1x16xf32>
      tpu.vector_store %arg7[%swap3A, %swap3A_50], %swap3A_53 {strides = array<i32>} : memref<328x32xf32, #tpu.memory_space<vmem>>, vector<1x16xf32>,
      %get3A_54 = arith.index_cast %scan3A_26 : i32 to index
      %get3A_55 = arith.constant 16 : index
      %get3A_56 = tpu.vector_load %arg7[%get3A_54, %get3A_55] {strides = array<i32>} : memref<328x32xf32, #tpu.memory_space<vmem>>, vector<1x16xf32>,
      %get3A_57 = vector.shape_cast %get3A_56 : vector<1x16xf32> to vector<16xf32>
      %get3A_58 = arith.index_cast %scan3A_26 : i32 to index
      %get3A_59 = arith.constant 16 : index
      %get3A_60 = tpu.vector_load %arg8[%get3A_58, %get3A_59] {strides = array<i32>} : memref<328x32xf32, #tpu.memory_space<vmem>>, vector<1x16xf32>,
      %get3A_61 = vector.shape_cast %get3A_60 : vector<1x16xf32> to vector<16xf32>
      %add3A_62 = arith.addf %get3A_57, %get3A_61 : vector<16xf32>
      %get3A_63 = arith.index_cast %scan3A_26 : i32 to index
      %get3A_64 = arith.constant 16 : index
      %get3A_65 = tpu.vector_load %arg9[%get3A_63, %get3A_64] {strides = array<i32>} : memref<328x32xf32, #tpu.memory_space<vmem>>, vector<1x16xf32>,
      %get3A_66 = vector.shape_cast %get3A_65 : vector<1x16xf32> to vector<16xf32>
      %sub3A_67 = arith.subf %add3A_62, %get3A_66 : vector<16xf32>
      %mul3A_68 = vector.broadcast %squeeze3A : f32 to vector<16xf32>
      %mul3A_69 = arith.mulf %mul3A_68, %sub3A_67 : vector<16xf32>
      %add3A_70 = arith.addf %mul3A_69, %get3A_10 : vector<16xf32>
      %max3A_71 = arith.constant 0.000000e+00 : f32
      %max3A_72 = vector.broadcast %max3A_71 : f32 to vector<16xf32>
      %max3A_73 = arith.maximumf %add3A_70, %max3A_72 : vector<16xf32>
      %mul3A_74 = vector.broadcast %squeeze3A : f32 to vector<16xf32>
      %mul3A_75 = arith.mulf %mul3A_74, %max3A_73 : vector<16xf32>
      %swap3A_76 = arith.index_cast %scan3A_26 : i32 to index
      %swap3A_77 = arith.constant 16 : index
      %swap3A_78 = tpu.vector_load %arg7[%swap3A_76, %swap3A_77] {strides = array<i32>} : memref<328x32xf32, #tpu.memory_space<vmem>>, vector<1x16xf32>,
      %swap3A_79 = vector.shape_cast %swap3A_78 : vector<1x16xf32> to vector<16xf32>
      %swap3A_80 = vector.shape_cast %mul3A_75 : vector<16xf32> to vector<1x16xf32>
      tpu.vector_store %arg7[%swap3A_76, %swap3A_77], %swap3A_80 {strides = array<i32>} : memref<328x32xf32, #tpu.memory_space<vmem>>, vector<1x16xf32>,
    }
    %scan3A_15 = arith.constant 312 : i32
    %eq3A_16 = arith.constant 31 : i32
    %eq3A_17 = arith.cmpi eq, %add3A, %eq3A_16 : i32
    %convert_element_type3A_18 = arith.extui %eq3A_17 : i1 to i32
    %cond3A_19 = arith.constant 0 : i32
    %cond3A_20 = arith.cmpi ne, %convert_element_type3A_18, %cond3A_19 : i32
    scf.if %cond3A_20 {
      %scan3A_26 = arith.constant 0 : i32
      %scan3A_27 = arith.constant 312 : i32
      %scan3A_28 = arith.constant 16 : i32
      %scan3A_29 = arith.addi %scan3A_27, %scan3A_28 : i32
      %scan3A_30 = arith.constant 1 : i32
      scf.for %scan3A_32 = %scan3A_27 to %scan3A_29 step %scan3A_30  : i32 {
        %get3A_33 = arith.index_cast %scan3A_32 : i32 to index
        %get3A_34 = tpu.vector_load %arg10[%get3A_33] {strides = array<i32>} : memref<344xf32, #tpu.memory_space<vmem>>, vector<16xf32>,
        %get3A_35 = vector.shape_cast %get3A_34 : vector<16xf32> to vector<16xf32>
        %slice3A = vector.extract_strided_slice %get3A_35 {offsets = [0], sizes = [1], strides = [1]} : vector<16xf32> to vector<1xf32>
        %squeeze3A = vector.extract %slice3A[0] : f32 from vector<1xf32>
        %get3A_36 = arith.index_cast %scan3A_32 : i32 to index
        %get3A_37 = arith.constant 0 : index
        %get3A_38 = tpu.vector_load %arg7[%get3A_36, %get3A_37] {strides = array<i32>} : memref<328x32xf32, #tpu.memory_space<vmem>>, vector<1x16xf32>,
        %get3A_39 = vector.shape_cast %get3A_38 : vector<1x16xf32> to vector<16xf32>
        %get3A_40 = arith.index_cast %scan3A_32 : i32 to index
        %get3A_41 = arith.constant 0 : index
        %get3A_42 = tpu.vector_load %arg8[%get3A_40, %get3A_41] {strides = array<i32>} : memref<328x32xf32, #tpu.memory_space<vmem>>, vector<1x16xf32>,
        %get3A_43 = vector.shape_cast %get3A_42 : vector<1x16xf32> to vector<16xf32>
        %add3A_44 = arith.addf %get3A_39, %get3A_43 : vector<16xf32>
        %get3A_45 = arith.index_cast %scan3A_32 : i32 to index
        %get3A_46 = arith.constant 0 : index
        %get3A_47 = tpu.vector_load %arg9[%get3A_45, %get3A_46] {strides = array<i32>} : memref<328x32xf32, #tpu.memory_space<vmem>>, vector<1x16xf32>,
        %get3A_48 = vector.shape_cast %get3A_47 : vector<1x16xf32> to vector<16xf32>
        %sub3A = arith.subf %add3A_44, %get3A_48 : vector<16xf32>
        %mul3A_49 = vector.broadcast %squeeze3A : f32 to vector<16xf32>
        %mul3A_50 = arith.mulf %mul3A_49, %sub3A : vector<16xf32>
        %add3A_51 = arith.addf %mul3A_50, %get3A_7 : vector<16xf32>
        %max3A = arith.constant 0.000000e+00 : f32
        %max3A_52 = vector.broadcast %max3A : f32 to vector<16xf32>
        %max3A_53 = arith.maximumf %add3A_51, %max3A_52 : vector<16xf32>
        %mul3A_54 = vector.broadcast %squeeze3A : f32 to vector<16xf32>
        %mul3A_55 = arith.mulf %mul3A_54, %max3A_53 : vector<16xf32>
        %swap3A = arith.index_cast %scan3A_32 : i32 to index
        %swap3A_56 = arith.constant 0 : index
        %swap3A_57 = tpu.vector_load %arg7[%swap3A, %swap3A_56] {strides = array<i32>} : memref<328x32xf32, #tpu.memory_space<vmem>>, vector<1x16xf32>,
        %swap3A_58 = vector.shape_cast %swap3A_57 : vector<1x16xf32> to vector<16xf32>
        %swap3A_59 = vector.shape_cast %mul3A_55 : vector<16xf32> to vector<1x16xf32>
        tpu.vector_store %arg7[%swap3A, %swap3A_56], %swap3A_59 {strides = array<i32>} : memref<328x32xf32, #tpu.memory_space<vmem>>, vector<1x16xf32>,
        %get3A_60 = arith.index_cast %scan3A_32 : i32 to index
        %get3A_61 = arith.constant 16 : index
        %get3A_62 = tpu.vector_load %arg7[%get3A_60, %get3A_61] {strides = array<i32>} : memref<328x32xf32, #tpu.memory_space<vmem>>, vector<1x16xf32>,
        %get3A_63 = vector.shape_cast %get3A_62 : vector<1x16xf32> to vector<16xf32>
        %get3A_64 = arith.index_cast %scan3A_32 : i32 to index
        %get3A_65 = arith.constant 16 : index
        %get3A_66 = tpu.vector_load %arg8[%get3A_64, %get3A_65] {strides = array<i32>} : memref<328x32xf32, #tpu.memory_space<vmem>>, vector<1x16xf32>,
        %get3A_67 = vector.shape_cast %get3A_66 : vector<1x16xf32> to vector<16xf32>
        %add3A_68 = arith.addf %get3A_63, %get3A_67 : vector<16xf32>
        %get3A_69 = arith.index_cast %scan3A_32 : i32 to index
        %get3A_70 = arith.constant 16 : index
        %get3A_71 = tpu.vector_load %arg9[%get3A_69, %get3A_70] {strides = array<i32>} : memref<328x32xf32, #tpu.memory_space<vmem>>, vector<1x16xf32>,
        %get3A_72 = vector.shape_cast %get3A_71 : vector<1x16xf32> to vector<16xf32>
        %sub3A_73 = arith.subf %add3A_68, %get3A_72 : vector<16xf32>
        %mul3A_74 = vector.broadcast %squeeze3A : f32 to vector<16xf32>
        %mul3A_75 = arith.mulf %mul3A_74, %sub3A_73 : vector<16xf32>
        %add3A_76 = arith.addf %mul3A_75, %get3A_10 : vector<16xf32>
        %max3A_77 = arith.constant 0.000000e+00 : f32
        %max3A_78 = vector.broadcast %max3A_77 : f32 to vector<16xf32>
        %max3A_79 = arith.maximumf %add3A_76, %max3A_78 : vector<16xf32>
        %mul3A_80 = vector.broadcast %squeeze3A : f32 to vector<16xf32>
        %mul3A_81 = arith.mulf %mul3A_80, %max3A_79 : vector<16xf32>
        %swap3A_82 = arith.index_cast %scan3A_32 : i32 to index
        %swap3A_83 = arith.constant 16 : index
        %swap3A_84 = tpu.vector_load %arg7[%swap3A_82, %swap3A_83] {strides = array<i32>} : memref<328x32xf32, #tpu.memory_space<vmem>>, vector<1x16xf32>,
        %swap3A_85 = vector.shape_cast %swap3A_84 : vector<1x16xf32> to vector<16xf32>
        %swap3A_86 = vector.shape_cast %mul3A_81 : vector<16xf32> to vector<1x16xf32>
        tpu.vector_store %arg7[%swap3A_82, %swap3A_83], %swap3A_86 {strides = array<i32>} : memref<328x32xf32, #tpu.memory_space<vmem>>, vector<1x16xf32>,
      }
      %scan3A_31 = arith.constant 16 : i32
    } else {
    }
    "tpu.region"() ({
      %run_scoped3A_26 = tpu.sem_alloc : memref<!tpu.dma_semaphore, #tpu.memory_space<semaphore_mem>>
      %dma_start3A = arith.constant 0 : i32
      %dma_start3A_27 = arith.constant 0 : i32
      %dma_start3A_28 = tpu.memref_slice %arg7[%dma_start3A, %dma_start3A_27] : memref<328x32xf32, #tpu.memory_space<vmem>> -> memref<312x32xf32, #tpu.memory_space<vmem>>
      %dma_start3A_29 = arith.constant 0 : i32
      %dma_start3A_30 = tpu.memref_slice %arg6[%mul3A_2, %dma_start3A_29] : memref<10000x32xf32, #tpu.memory_space<hbm>> -> memref<312x32xf32, #tpu.memory_space<hbm>>
      %dma_start3A_31 = arith.constant 0 : i32
      %dma_start3A_32 = tpu.memref_slice %arg6[%mul3A_2, %dma_start3A_31] : memref<10000x32xf32, #tpu.memory_space<hbm>> -> memref<312x32xf32, #tpu.memory_space<hbm>>
      %dma_start3A_33 = arith.constant 0 : i32
      %dma_start3A_34 = arith.constant 0 : i32
      %dma_start3A_35 = tpu.memref_slice %arg7[%dma_start3A_33, %dma_start3A_34] : memref<328x32xf32, #tpu.memory_space<vmem>> -> memref<312x32xf32, #tpu.memory_space<vmem>>
      tpu.enqueue_dma source(%dma_start3A_35 : memref<312x32xf32, #tpu.memory_space<vmem>>) target(%dma_start3A_32 : memref<312x32xf32, #tpu.memory_space<hbm>>) target_semaphore(%run_scoped3A_26 : memref<!tpu.dma_semaphore, #tpu.memory_space<semaphore_mem>>)
      %dma_wait3A = arith.constant 0 : i32
      %dma_wait3A_36 = arith.constant 0 : i32
      %dma_wait3A_37 = tpu.memref_slice %arg7[%dma_wait3A, %dma_wait3A_36] : memref<328x32xf32, #tpu.memory_space<vmem>> -> memref<312x32xf32, #tpu.memory_space<vmem>>
      %dma_wait3A_38 = arith.constant 0 : i32
      %dma_wait3A_39 = tpu.memref_slice %arg6[%mul3A_2, %dma_wait3A_38] : memref<10000x32xf32, #tpu.memory_space<hbm>> -> memref<312x32xf32, #tpu.memory_space<hbm>>
      %dma_wait3A_40 = arith.constant 0 : i32
      %dma_wait3A_41 = tpu.memref_slice %arg6[%mul3A_2, %dma_wait3A_40] : memref<10000x32xf32, #tpu.memory_space<hbm>> -> memref<312x32xf32, #tpu.memory_space<hbm>>
      %dma_wait3A_42 = arith.constant 0 : i32
      %dma_wait3A_43 = arith.constant 0 : i32
      %dma_wait3A_44 = tpu.memref_slice %arg7[%dma_wait3A_42, %dma_wait3A_43] : memref<328x32xf32, #tpu.memory_space<vmem>> -> memref<312x32xf32, #tpu.memory_space<vmem>>
      tpu.wait_dma2 semaphore(%run_scoped3A_26 : memref<!tpu.dma_semaphore, #tpu.memory_space<semaphore_mem>>) src(%dma_wait3A_44 : memref<312x32xf32, #tpu.memory_space<vmem>>) dst(%dma_wait3A_41 : memref<312x32xf32, #tpu.memory_space<hbm>>)
      tpu.yield
    }) : () -> ()
    %eq3A_21 = arith.constant 31 : i32
    %eq3A_22 = arith.cmpi eq, %add3A, %eq3A_21 : i32
    %convert_element_type3A_23 = arith.extui %eq3A_22 : i1 to i32
    %cond3A_24 = arith.constant 0 : i32
    %cond3A_25 = arith.cmpi ne, %convert_element_type3A_23, %cond3A_24 : i32
    scf.if %cond3A_25 {
      "tpu.region"() ({
        %run_scoped3A_26 = tpu.sem_alloc : memref<!tpu.dma_semaphore, #tpu.memory_space<semaphore_mem>>
        %dma_start3A = arith.constant 312 : i32
        %dma_start3A_27 = arith.constant 0 : i32
        %dma_start3A_28 = tpu.memref_slice %arg7[%dma_start3A, %dma_start3A_27] : memref<328x32xf32, #tpu.memory_space<vmem>> -> memref<16x32xf32, #tpu.memory_space<vmem>>
        %dma_start3A_29 = arith.constant 9984 : i32
        %dma_start3A_30 = arith.constant 0 : i32
        %dma_start3A_31 = tpu.memref_slice %arg6[%dma_start3A_29, %dma_start3A_30] : memref<10000x32xf32, #tpu.memory_space<hbm>> -> memref<16x32xf32, #tpu.memory_space<hbm>>
        %dma_start3A_32 = arith.constant 9984 : i32
        %dma_start3A_33 = arith.constant 0 : i32
        %dma_start3A_34 = tpu.memref_slice %arg6[%dma_start3A_32, %dma_start3A_33] : memref<10000x32xf32, #tpu.memory_space<hbm>> -> memref<16x32xf32, #tpu.memory_space<hbm>>
        %dma_start3A_35 = arith.constant 312 : i32
        %dma_start3A_36 = arith.constant 0 : i32
        %dma_start3A_37 = tpu.memref_slice %arg7[%dma_start3A_35, %dma_start3A_36] : memref<328x32xf32, #tpu.memory_space<vmem>> -> memref<16x32xf32, #tpu.memory_space<vmem>>
        tpu.enqueue_dma source(%dma_start3A_37 : memref<16x32xf32, #tpu.memory_space<vmem>>) target(%dma_start3A_34 : memref<16x32xf32, #tpu.memory_space<hbm>>) target_semaphore(%run_scoped3A_26 : memref<!tpu.dma_semaphore, #tpu.memory_space<semaphore_mem>>)
        %dma_wait3A = arith.constant 312 : i32
        %dma_wait3A_38 = arith.constant 0 : i32
        %dma_wait3A_39 = tpu.memref_slice %arg7[%dma_wait3A, %dma_wait3A_38] : memref<328x32xf32, #tpu.memory_space<vmem>> -> memref<16x32xf32, #tpu.memory_space<vmem>>
        %dma_wait3A_40 = arith.constant 9984 : i32
        %dma_wait3A_41 = arith.constant 0 : i32
        %dma_wait3A_42 = tpu.memref_slice %arg6[%dma_wait3A_40, %dma_wait3A_41] : memref<10000x32xf32, #tpu.memory_space<hbm>> -> memref<16x32xf32, #tpu.memory_space<hbm>>
        %dma_wait3A_43 = arith.constant 9984 : i32
        %dma_wait3A_44 = arith.constant 0 : i32
        %dma_wait3A_45 = tpu.memref_slice %arg6[%dma_wait3A_43, %dma_wait3A_44] : memref<10000x32xf32, #tpu.memory_space<hbm>> -> memref<16x32xf32, #tpu.memory_space<hbm>>
        %dma_wait3A_46 = arith.constant 312 : i32
        %dma_wait3A_47 = arith.constant 0 : i32
        %dma_wait3A_48 = tpu.memref_slice %arg7[%dma_wait3A_46, %dma_wait3A_47] : memref<328x32xf32, #tpu.memory_space<vmem>> -> memref<16x32xf32, #tpu.memory_space<vmem>>
        tpu.wait_dma2 semaphore(%run_scoped3A_26 : memref<!tpu.dma_semaphore, #tpu.memory_space<semaphore_mem>>) src(%dma_wait3A_48 : memref<16x32xf32, #tpu.memory_space<vmem>>) dst(%dma_wait3A_45 : memref<16x32xf32, #tpu.memory_space<hbm>>)
        tpu.yield
      }) : () -> ()
    } else {
    }
    return
  }
}

#map = affine_map<(d0, d1) -> (0)>
module attributes {stable_mosaic.version = 14 : i64} {
  func.func @_deg_kernel(%arg0: i32, %arg1: i32, %arg2: memref<320000xi32, #tpu.memory_space<hbm>>, %arg3: memref<128xf32, #tpu.memory_space<hbm>>, %arg4: memref<624xf32, #tpu.memory_space<hbm>>, %arg5: memref<20000xf32, #tpu.memory_space<hbm>>, %arg6: memref<10000xi32, #tpu.memory_space<vmem>>, %arg7: memref<128xf32, #tpu.memory_space<vmem>>, %arg8: memref<624xf32, #tpu.memory_space<vmem>>, %arg9: memref<10000xf32, #tpu.memory_space<vmem_shared>>, %arg10: memref<!tpu.dma_semaphore, #tpu.memory_space<semaphore_mem>>, %arg11: memref<!tpu.dma_semaphore, #tpu.memory_space<semaphore_mem>>) attributes {dimension_semantics = [#tpu.dimension_semantics<core_parallel>, #tpu.dimension_semantics<subcore_parallel>], iteration_bounds = array<i64: 2, 16>, scalar_prefetch = 0 : i64, scratch_operands = 6 : i64, tpu.core_type = #tpu.core_type<sc_vector_subcore>, window_params = [{transform_indices = #map}, {transform_indices = #map}, {transform_indices = #map}, {transform_indices = #map}]} {
    %mul3A = arith.constant 16 : i32
    %mul3A_0 = arith.muli %arg0, %mul3A : i32
    %add3A = arith.addi %mul3A_0, %arg1 : i32
    %mul3A_1 = arith.constant 624 : i32
    %mul3A_2 = arith.muli %arg1, %mul3A_1 : i32
    %mul3A_3 = arith.constant 10000 : i32
    %mul3A_4 = arith.muli %add3A, %mul3A_3 : i32
    %dma_start3A = tpu.memref_slice %arg2[%mul3A_4] : memref<320000xi32, #tpu.memory_space<hbm>> -> memref<10000xi32, #tpu.memory_space<hbm>>
    %dma_start3A_5 = tpu.memref_slice %arg2[%mul3A_4] : memref<320000xi32, #tpu.memory_space<hbm>> -> memref<10000xi32, #tpu.memory_space<hbm>>
    tpu.enqueue_dma source(%dma_start3A_5 : memref<10000xi32, #tpu.memory_space<hbm>>) target(%arg6 : memref<10000xi32, #tpu.memory_space<vmem>>) target_semaphore(%arg10 : memref<!tpu.dma_semaphore, #tpu.memory_space<semaphore_mem>>)
    "tpu.region"() ({
      %run_scoped3A = tpu.sem_alloc : memref<!tpu.dma_semaphore, #tpu.memory_space<semaphore_mem>>
      tpu.enqueue_dma source(%arg4 : memref<624xf32, #tpu.memory_space<hbm>>) target(%arg8 : memref<624xf32, #tpu.memory_space<vmem>>) target_semaphore(%run_scoped3A : memref<!tpu.dma_semaphore, #tpu.memory_space<semaphore_mem>>)
      tpu.wait_dma2 semaphore(%run_scoped3A : memref<!tpu.dma_semaphore, #tpu.memory_space<semaphore_mem>>) src(%arg4 : memref<624xf32, #tpu.memory_space<hbm>>) dst(%arg8 : memref<624xf32, #tpu.memory_space<vmem>>)
      tpu.yield
    }) : () -> ()
    "tpu.region"() ({
      %run_scoped3A = tpu.sem_alloc : memref<!tpu.dma_semaphore, #tpu.memory_space<semaphore_mem>>
      %dma_start3A_45 = tpu.memref_slice %arg9[%mul3A_2] : memref<10000xf32, #tpu.memory_space<vmem_shared>> -> memref<624xf32, #tpu.memory_space<vmem_shared>>
      %dma_start3A_46 = tpu.memref_slice %arg9[%mul3A_2] : memref<10000xf32, #tpu.memory_space<vmem_shared>> -> memref<624xf32, #tpu.memory_space<vmem_shared>>
      tpu.enqueue_dma source(%arg8 : memref<624xf32, #tpu.memory_space<vmem>>) target(%dma_start3A_46 : memref<624xf32, #tpu.memory_space<vmem_shared>>) target_semaphore(%run_scoped3A : memref<!tpu.dma_semaphore, #tpu.memory_space<semaphore_mem>>)
      %dma_wait3A_47 = tpu.memref_slice %arg9[%mul3A_2] : memref<10000xf32, #tpu.memory_space<vmem_shared>> -> memref<624xf32, #tpu.memory_space<vmem_shared>>
      %dma_wait3A_48 = tpu.memref_slice %arg9[%mul3A_2] : memref<10000xf32, #tpu.memory_space<vmem_shared>> -> memref<624xf32, #tpu.memory_space<vmem_shared>>
      tpu.wait_dma2 semaphore(%run_scoped3A : memref<!tpu.dma_semaphore, #tpu.memory_space<semaphore_mem>>) src(%arg8 : memref<624xf32, #tpu.memory_space<vmem>>) dst(%dma_wait3A_48 : memref<624xf32, #tpu.memory_space<vmem_shared>>)
      tpu.yield
    }) : () -> ()
    %eq3A = arith.constant 0 : i32
    %eq3A_6 = arith.cmpi eq, %arg1, %eq3A : i32
    %convert_element_type3A = arith.extui %eq3A_6 : i1 to i32
    %cond3A = arith.constant 0 : i32
    %cond3A_7 = arith.cmpi ne, %convert_element_type3A, %cond3A : i32
    scf.if %cond3A_7 {
      "tpu.region"() ({
        %run_scoped3A = tpu.sem_alloc : memref<!tpu.dma_semaphore, #tpu.memory_space<semaphore_mem>>
        %dma_start3A_45 = arith.constant 0 : i32
        %dma_start3A_46 = tpu.memref_slice %arg8[%dma_start3A_45] : memref<624xf32, #tpu.memory_space<vmem>> -> memref<16xf32, #tpu.memory_space<vmem>>
        %dma_start3A_47 = arith.constant 9984 : i32
        %dma_start3A_48 = tpu.memref_slice %arg9[%dma_start3A_47] : memref<10000xf32, #tpu.memory_space<vmem_shared>> -> memref<16xf32, #tpu.memory_space<vmem_shared>>
        %dma_start3A_49 = arith.constant 9984 : i32
        %dma_start3A_50 = tpu.memref_slice %arg9[%dma_start3A_49] : memref<10000xf32, #tpu.memory_space<vmem_shared>> -> memref<16xf32, #tpu.memory_space<vmem_shared>>
        %dma_start3A_51 = arith.constant 0 : i32
        %dma_start3A_52 = tpu.memref_slice %arg8[%dma_start3A_51] : memref<624xf32, #tpu.memory_space<vmem>> -> memref<16xf32, #tpu.memory_space<vmem>>
        tpu.enqueue_dma source(%dma_start3A_52 : memref<16xf32, #tpu.memory_space<vmem>>) target(%dma_start3A_50 : memref<16xf32, #tpu.memory_space<vmem_shared>>) target_semaphore(%run_scoped3A : memref<!tpu.dma_semaphore, #tpu.memory_space<semaphore_mem>>)
        %dma_wait3A_53 = arith.constant 0 : i32
        %dma_wait3A_54 = tpu.memref_slice %arg8[%dma_wait3A_53] : memref<624xf32, #tpu.memory_space<vmem>> -> memref<16xf32, #tpu.memory_space<vmem>>
        %dma_wait3A_55 = arith.constant 9984 : i32
        %dma_wait3A_56 = tpu.memref_slice %arg9[%dma_wait3A_55] : memref<10000xf32, #tpu.memory_space<vmem_shared>> -> memref<16xf32, #tpu.memory_space<vmem_shared>>
        %dma_wait3A_57 = arith.constant 9984 : i32
        %dma_wait3A_58 = tpu.memref_slice %arg9[%dma_wait3A_57] : memref<10000xf32, #tpu.memory_space<vmem_shared>> -> memref<16xf32, #tpu.memory_space<vmem_shared>>
        %dma_wait3A_59 = arith.constant 0 : i32
        %dma_wait3A_60 = tpu.memref_slice %arg8[%dma_wait3A_59] : memref<624xf32, #tpu.memory_space<vmem>> -> memref<16xf32, #tpu.memory_space<vmem>>
        tpu.wait_dma2 semaphore(%run_scoped3A : memref<!tpu.dma_semaphore, #tpu.memory_space<semaphore_mem>>) src(%dma_wait3A_60 : memref<16xf32, #tpu.memory_space<vmem>>) dst(%dma_wait3A_58 : memref<16xf32, #tpu.memory_space<vmem_shared>>)
        tpu.yield
      }) : () -> ()
    } else {
    }
    "tpu.region"() ({
      %run_scoped3A = tpu.sem_alloc : memref<!tpu.dma_semaphore, #tpu.memory_space<semaphore_mem>>
      tpu.enqueue_dma source(%arg3 : memref<128xf32, #tpu.memory_space<hbm>>) target(%arg7 : memref<128xf32, #tpu.memory_space<vmem>>) target_semaphore(%run_scoped3A : memref<!tpu.dma_semaphore, #tpu.memory_space<semaphore_mem>>)
      tpu.wait_dma2 semaphore(%run_scoped3A : memref<!tpu.dma_semaphore, #tpu.memory_space<semaphore_mem>>) src(%arg3 : memref<128xf32, #tpu.memory_space<hbm>>) dst(%arg7 : memref<128xf32, #tpu.memory_space<vmem>>)
      tpu.yield
    }) : () -> ()
    %mul3A_8 = arith.constant 10000 : i32
    %mul3A_9 = arith.muli %add3A, %mul3A_8 : i32
    %dma_wait3A = tpu.memref_slice %arg2[%mul3A_9] : memref<320000xi32, #tpu.memory_space<hbm>> -> memref<10000xi32, #tpu.memory_space<hbm>>
    %dma_wait3A_10 = tpu.memref_slice %arg2[%mul3A_9] : memref<320000xi32, #tpu.memory_space<hbm>> -> memref<10000xi32, #tpu.memory_space<hbm>>
    tpu.wait_dma2 semaphore(%arg10 : memref<!tpu.dma_semaphore, #tpu.memory_space<semaphore_mem>>) src(%dma_wait3A_10 : memref<10000xi32, #tpu.memory_space<hbm>>) dst(%arg6 : memref<10000xi32, #tpu.memory_space<vmem>>)
    %barrier3A = arith.constant 0 : index
    tpu.barrier barrier_id(%barrier3A)
    %scan3A = arith.constant 0 : i32
    %scan3A_11 = arith.constant 0 : i32
    %scan3A_12 = arith.constant 78 : i32
    %scan3A_13 = arith.addi %scan3A_11, %scan3A_12 : i32
    %scan3A_14 = arith.constant 1 : i32
    scf.for %scan3A_45 = %scan3A_11 to %scan3A_13 step %scan3A_14  : i32 {
      %mul3A_46 = arith.constant 128 : i32
      %mul3A_47 = arith.muli %scan3A_45, %mul3A_46 : i32
      %dma_start3A_48 = tpu.memref_slice %arg6[%mul3A_47] : memref<10000xi32, #tpu.memory_space<vmem>> -> memref<128xi32, #tpu.memory_space<vmem>>
      %dma_start3A_49 = arith.constant 0 : i32
      %dma_start3A_50 = tpu.memref_slice %arg9[%dma_start3A_49] : memref<10000xf32, #tpu.memory_space<vmem_shared>> -> memref<10000xf32, #tpu.memory_space<vmem_shared>>
      tpu.enqueue_indirect_dma source(%arg7 : memref<128xf32, #tpu.memory_space<vmem>>) target(%dma_start3A_50 : memref<10000xf32, #tpu.memory_space<vmem_shared>>) offsets(%dma_start3A_48 : memref<128xi32, #tpu.memory_space<vmem>>) semaphore(%arg11 : memref<!tpu.dma_semaphore, #tpu.memory_space<semaphore_mem>>) {add = true}
    }
    %scan3A_15 = arith.constant 78 : i32
    %dma_start3A_16 = arith.constant 0 : i32
    %dma_start3A_17 = tpu.memref_slice %arg7[%dma_start3A_16] : memref<128xf32, #tpu.memory_space<vmem>> -> memref<16xf32, #tpu.memory_space<vmem>>
    %dma_start3A_18 = arith.constant 9984 : i32
    %dma_start3A_19 = tpu.memref_slice %arg6[%dma_start3A_18] : memref<10000xi32, #tpu.memory_space<vmem>> -> memref<16xi32, #tpu.memory_space<vmem>>
    %dma_start3A_20 = arith.constant 0 : i32
    %dma_start3A_21 = tpu.memref_slice %arg9[%dma_start3A_20] : memref<10000xf32, #tpu.memory_space<vmem_shared>> -> memref<10000xf32, #tpu.memory_space<vmem_shared>>
    tpu.enqueue_indirect_dma source(%dma_start3A_17 : memref<16xf32, #tpu.memory_space<vmem>>) target(%dma_start3A_21 : memref<10000xf32, #tpu.memory_space<vmem_shared>>) offsets(%dma_start3A_19 : memref<16xi32, #tpu.memory_space<vmem>>) semaphore(%arg11 : memref<!tpu.dma_semaphore, #tpu.memory_space<semaphore_mem>>) {add = true}
    %scan3A_22 = arith.constant 0 : i32
    %scan3A_23 = arith.constant 0 : i32
    %scan3A_24 = arith.constant 78 : i32
    %scan3A_25 = arith.addi %scan3A_23, %scan3A_24 : i32
    %scan3A_26 = arith.constant 1 : i32
    scf.for %scan3A_45 = %scan3A_23 to %scan3A_25 step %scan3A_26  : i32 {
      %mul3A_46 = arith.constant 128 : i32
      %mul3A_47 = arith.muli %scan3A_45, %mul3A_46 : i32
      %dma_wait3A_48 = tpu.memref_slice %arg6[%mul3A_47] : memref<10000xi32, #tpu.memory_space<vmem>> -> memref<128xi32, #tpu.memory_space<vmem>>
      %dma_wait3A_49 = arith.constant 0 : i32
      %dma_wait3A_50 = tpu.memref_slice %arg9[%dma_wait3A_49] : memref<10000xf32, #tpu.memory_space<vmem_shared>> -> memref<10000xf32, #tpu.memory_space<vmem_shared>>
      tpu.wait_indirect_dma semaphore(%arg11 : memref<!tpu.dma_semaphore, #tpu.memory_space<semaphore_mem>>) src(%arg7 : memref<128xf32, #tpu.memory_space<vmem>>) dst(%dma_wait3A_50 : memref<10000xf32, #tpu.memory_space<vmem_shared>>)
    }
    %scan3A_27 = arith.constant 78 : i32
    %dma_wait3A_28 = arith.constant 0 : i32
    %dma_wait3A_29 = tpu.memref_slice %arg7[%dma_wait3A_28] : memref<128xf32, #tpu.memory_space<vmem>> -> memref<16xf32, #tpu.memory_space<vmem>>
    %dma_wait3A_30 = arith.constant 9984 : i32
    %dma_wait3A_31 = tpu.memref_slice %arg6[%dma_wait3A_30] : memref<10000xi32, #tpu.memory_space<vmem>> -> memref<16xi32, #tpu.memory_space<vmem>>
    %dma_wait3A_32 = arith.constant 0 : i32
    %dma_wait3A_33 = tpu.memref_slice %arg9[%dma_wait3A_32] : memref<10000xf32, #tpu.memory_space<vmem_shared>> -> memref<10000xf32, #tpu.memory_space<vmem_shared>>
    tpu.wait_indirect_dma semaphore(%arg11 : memref<!tpu.dma_semaphore, #tpu.memory_space<semaphore_mem>>) src(%dma_wait3A_29 : memref<16xf32, #tpu.memory_space<vmem>>) dst(%dma_wait3A_33 : memref<10000xf32, #tpu.memory_space<vmem_shared>>)
    %barrier3A_34 = arith.constant 0 : index
    tpu.barrier barrier_id(%barrier3A_34)
    "tpu.region"() ({
      %run_scoped3A = tpu.sem_alloc : memref<!tpu.dma_semaphore, #tpu.memory_space<semaphore_mem>>
      %dma_start3A_45 = tpu.memref_slice %arg9[%mul3A_2] : memref<10000xf32, #tpu.memory_space<vmem_shared>> -> memref<624xf32, #tpu.memory_space<vmem_shared>>
      %dma_start3A_46 = tpu.memref_slice %arg9[%mul3A_2] : memref<10000xf32, #tpu.memory_space<vmem_shared>> -> memref<624xf32, #tpu.memory_space<vmem_shared>>
      tpu.enqueue_dma source(%dma_start3A_46 : memref<624xf32, #tpu.memory_space<vmem_shared>>) target(%arg8 : memref<624xf32, #tpu.memory_space<vmem>>) target_semaphore(%run_scoped3A : memref<!tpu.dma_semaphore, #tpu.memory_space<semaphore_mem>>)
      %dma_wait3A_47 = tpu.memref_slice %arg9[%mul3A_2] : memref<10000xf32, #tpu.memory_space<vmem_shared>> -> memref<624xf32, #tpu.memory_space<vmem_shared>>
      %dma_wait3A_48 = tpu.memref_slice %arg9[%mul3A_2] : memref<10000xf32, #tpu.memory_space<vmem_shared>> -> memref<624xf32, #tpu.memory_space<vmem_shared>>
      tpu.wait_dma2 semaphore(%run_scoped3A : memref<!tpu.dma_semaphore, #tpu.memory_space<semaphore_mem>>) src(%dma_wait3A_48 : memref<624xf32, #tpu.memory_space<vmem_shared>>) dst(%arg8 : memref<624xf32, #tpu.memory_space<vmem>>)
      tpu.yield
    }) : () -> ()
    %mul3A_35 = arith.constant 10000 : i32
    %mul3A_36 = arith.muli %arg0, %mul3A_35 : i32
    %mul3A_37 = arith.constant 624 : i32
    %mul3A_38 = arith.muli %arg1, %mul3A_37 : i32
    %add3A_39 = arith.addi %mul3A_36, %mul3A_38 : i32
    "tpu.region"() ({
      %run_scoped3A = tpu.sem_alloc : memref<!tpu.dma_semaphore, #tpu.memory_space<semaphore_mem>>
      %dma_start3A_45 = tpu.memref_slice %arg5[%add3A_39] : memref<20000xf32, #tpu.memory_space<hbm>> -> memref<624xf32, #tpu.memory_space<hbm>>
      %dma_start3A_46 = tpu.memref_slice %arg5[%add3A_39] : memref<20000xf32, #tpu.memory_space<hbm>> -> memref<624xf32, #tpu.memory_space<hbm>>
      tpu.enqueue_dma source(%arg8 : memref<624xf32, #tpu.memory_space<vmem>>) target(%dma_start3A_46 : memref<624xf32, #tpu.memory_space<hbm>>) target_semaphore(%run_scoped3A : memref<!tpu.dma_semaphore, #tpu.memory_space<semaphore_mem>>)
      %dma_wait3A_47 = tpu.memref_slice %arg5[%add3A_39] : memref<20000xf32, #tpu.memory_space<hbm>> -> memref<624xf32, #tpu.memory_space<hbm>>
      %dma_wait3A_48 = tpu.memref_slice %arg5[%add3A_39] : memref<20000xf32, #tpu.memory_space<hbm>> -> memref<624xf32, #tpu.memory_space<hbm>>
      tpu.wait_dma2 semaphore(%run_scoped3A : memref<!tpu.dma_semaphore, #tpu.memory_space<semaphore_mem>>) src(%arg8 : memref<624xf32, #tpu.memory_space<vmem>>) dst(%dma_wait3A_48 : memref<624xf32, #tpu.memory_space<hbm>>)
      tpu.yield
    }) : () -> ()
    %eq3A_40 = arith.constant 0 : i32
    %eq3A_41 = arith.cmpi eq, %arg1, %eq3A_40 : i32
    %convert_element_type3A_42 = arith.extui %eq3A_41 : i1 to i32
    %cond3A_43 = arith.constant 0 : i32
    %cond3A_44 = arith.cmpi ne, %convert_element_type3A_42, %cond3A_43 : i32
    scf.if %cond3A_44 {
      "tpu.region"() ({
        %run_scoped3A = tpu.sem_alloc : memref<!tpu.dma_semaphore, #tpu.memory_space<semaphore_mem>>
        %dma_start3A_49 = arith.constant 0 : i32
        %dma_start3A_50 = tpu.memref_slice %arg8[%dma_start3A_49] : memref<624xf32, #tpu.memory_space<vmem>> -> memref<16xf32, #tpu.memory_space<vmem>>
        %dma_start3A_51 = arith.constant 9984 : i32
        %dma_start3A_52 = tpu.memref_slice %arg9[%dma_start3A_51] : memref<10000xf32, #tpu.memory_space<vmem_shared>> -> memref<16xf32, #tpu.memory_space<vmem_shared>>
        %dma_start3A_53 = arith.constant 0 : i32
        %dma_start3A_54 = tpu.memref_slice %arg8[%dma_start3A_53] : memref<624xf32, #tpu.memory_space<vmem>> -> memref<16xf32, #tpu.memory_space<vmem>>
        %dma_start3A_55 = arith.constant 9984 : i32
        %dma_start3A_56 = tpu.memref_slice %arg9[%dma_start3A_55] : memref<10000xf32, #tpu.memory_space<vmem_shared>> -> memref<16xf32, #tpu.memory_space<vmem_shared>>
        tpu.enqueue_dma source(%dma_start3A_56 : memref<16xf32, #tpu.memory_space<vmem_shared>>) target(%dma_start3A_54 : memref<16xf32, #tpu.memory_space<vmem>>) target_semaphore(%run_scoped3A : memref<!tpu.dma_semaphore, #tpu.memory_space<semaphore_mem>>)
        %dma_wait3A_57 = arith.constant 0 : i32
        %dma_wait3A_58 = tpu.memref_slice %arg8[%dma_wait3A_57] : memref<624xf32, #tpu.memory_space<vmem>> -> memref<16xf32, #tpu.memory_space<vmem>>
        %dma_wait3A_59 = arith.constant 9984 : i32
        %dma_wait3A_60 = tpu.memref_slice %arg9[%dma_wait3A_59] : memref<10000xf32, #tpu.memory_space<vmem_shared>> -> memref<16xf32, #tpu.memory_space<vmem_shared>>
        %dma_wait3A_61 = arith.constant 0 : i32
        %dma_wait3A_62 = tpu.memref_slice %arg8[%dma_wait3A_61] : memref<624xf32, #tpu.memory_space<vmem>> -> memref<16xf32, #tpu.memory_space<vmem>>
        %dma_wait3A_63 = arith.constant 9984 : i32
        %dma_wait3A_64 = tpu.memref_slice %arg9[%dma_wait3A_63] : memref<10000xf32, #tpu.memory_space<vmem_shared>> -> memref<16xf32, #tpu.memory_space<vmem_shared>>
        tpu.wait_dma2 semaphore(%run_scoped3A : memref<!tpu.dma_semaphore, #tpu.memory_space<semaphore_mem>>) src(%dma_wait3A_64 : memref<16xf32, #tpu.memory_space<vmem_shared>>) dst(%dma_wait3A_62 : memref<16xf32, #tpu.memory_space<vmem>>)
        tpu.yield
      }) : () -> ()
      %mul3A_45 = arith.constant 10000 : i32
      %mul3A_46 = arith.muli %arg0, %mul3A_45 : i32
      %add3A_47 = arith.constant 9984 : i32
      %add3A_48 = arith.addi %mul3A_46, %add3A_47 : i32
      "tpu.region"() ({
        %run_scoped3A = tpu.sem_alloc : memref<!tpu.dma_semaphore, #tpu.memory_space<semaphore_mem>>
        %dma_start3A_49 = arith.constant 0 : i32
        %dma_start3A_50 = tpu.memref_slice %arg8[%dma_start3A_49] : memref<624xf32, #tpu.memory_space<vmem>> -> memref<16xf32, #tpu.memory_space<vmem>>
        %dma_start3A_51 = tpu.memref_slice %arg5[%add3A_48] : memref<20000xf32, #tpu.memory_space<hbm>> -> memref<16xf32, #tpu.memory_space<hbm>>
        %dma_start3A_52 = tpu.memref_slice %arg5[%add3A_48] : memref<20000xf32, #tpu.memory_space<hbm>> -> memref<16xf32, #tpu.memory_space<hbm>>
        %dma_start3A_53 = arith.constant 0 : i32
        %dma_start3A_54 = tpu.memref_slice %arg8[%dma_start3A_53] : memref<624xf32, #tpu.memory_space<vmem>> -> memref<16xf32, #tpu.memory_space<vmem>>
        tpu.enqueue_dma source(%dma_start3A_54 : memref<16xf32, #tpu.memory_space<vmem>>) target(%dma_start3A_52 : memref<16xf32, #tpu.memory_space<hbm>>) target_semaphore(%run_scoped3A : memref<!tpu.dma_semaphore, #tpu.memory_space<semaphore_mem>>)
        %dma_wait3A_55 = arith.constant 0 : i32
        %dma_wait3A_56 = tpu.memref_slice %arg8[%dma_wait3A_55] : memref<624xf32, #tpu.memory_space<vmem>> -> memref<16xf32, #tpu.memory_space<vmem>>
        %dma_wait3A_57 = tpu.memref_slice %arg5[%add3A_48] : memref<20000xf32, #tpu.memory_space<hbm>> -> memref<16xf32, #tpu.memory_space<hbm>>
        %dma_wait3A_58 = tpu.memref_slice %arg5[%add3A_48] : memref<20000xf32, #tpu.memory_space<hbm>> -> memref<16xf32, #tpu.memory_space<hbm>>
        %dma_wait3A_59 = arith.constant 0 : i32
        %dma_wait3A_60 = tpu.memref_slice %arg8[%dma_wait3A_59] : memref<624xf32, #tpu.memory_space<vmem>> -> memref<16xf32, #tpu.memory_space<vmem>>
        tpu.wait_dma2 semaphore(%run_scoped3A : memref<!tpu.dma_semaphore, #tpu.memory_space<semaphore_mem>>) src(%dma_wait3A_60 : memref<16xf32, #tpu.memory_space<vmem>>) dst(%dma_wait3A_58 : memref<16xf32, #tpu.memory_space<hbm>>)
        tpu.yield
      }) : () -> ()
    } else {
    }
    return
  }
}

#map = affine_map<(d0, d1) -> (0, 0)>
#map1 = affine_map<(d0, d1) -> (0, 0, 0, 0)>
#map2 = affine_map<(d0, d1) -> (0, 0, 0)>
module attributes {stable_mosaic.version = 14 : i64} {
  func.func @_agg_kernel(%arg0: i32, %arg1: i32, %arg2: memref<10000x32xf32, #tpu.memory_space<hbm>>, %arg3: memref<2x16x80x125xi32, #tpu.memory_space<hbm>>, %arg4: memref<2x16x80x125xi32, #tpu.memory_space<hbm>>, %arg5: memref<2x10000x32xf32, #tpu.memory_space<hbm>>, %arg6: memref<80x125xi32, #tpu.memory_space<vmem>>, %arg7: memref<80x125xi32, #tpu.memory_space<vmem>>, %arg8: memref<125x32xf32, #tpu.memory_space<vmem>>, %arg9: memref<125x32xf32, #tpu.memory_space<vmem>>, %arg10: memref<125x32xf32, #tpu.memory_space<vmem>>, %arg11: memref<125x32xf32, #tpu.memory_space<vmem>>, %arg12: memref<125x32xf32, #tpu.memory_space<vmem>>, %arg13: memref<125x32xf32, #tpu.memory_space<vmem>>, %arg14: memref<125x32xf32, #tpu.memory_space<vmem>>, %arg15: memref<125x32xf32, #tpu.memory_space<vmem>>, %arg16: memref<624x32xf32, #tpu.memory_space<vmem>>, %arg17: memref<10000x32xf32, #tpu.memory_space<vmem_shared>>, %arg18: memref<!tpu.dma_semaphore, #tpu.memory_space<semaphore_mem>>, %arg19: memref<!tpu.dma_semaphore, #tpu.memory_space<semaphore_mem>>, %arg20: memref<!tpu.dma_semaphore, #tpu.memory_space<semaphore_mem>>, %arg21: memref<!tpu.dma_semaphore, #tpu.memory_space<semaphore_mem>>, %arg22: memref<!tpu.dma_semaphore, #tpu.memory_space<semaphore_mem>>, %arg23: memref<!tpu.dma_semaphore, #tpu.memory_space<semaphore_mem>>, %arg24: memref<!tpu.dma_semaphore, #tpu.memory_space<semaphore_mem>>, %arg25: memref<!tpu.dma_semaphore, #tpu.memory_space<semaphore_mem>>, %arg26: memref<!tpu.dma_semaphore, #tpu.memory_space<semaphore_mem>>, %arg27: memref<!tpu.dma_semaphore, #tpu.memory_space<semaphore_mem>>, %arg28: memref<!tpu.dma_semaphore, #tpu.memory_space<semaphore_mem>>, %arg29: memref<!tpu.dma_semaphore, #tpu.memory_space<semaphore_mem>>, %arg30: memref<!tpu.dma_semaphore, #tpu.memory_space<semaphore_mem>>, %arg31: memref<!tpu.dma_semaphore, #tpu.memory_space<semaphore_mem>>, %arg32: memref<!tpu.dma_semaphore, #tpu.memory_space<semaphore_mem>>, %arg33: memref<!tpu.dma_semaphore, #tpu.memory_space<semaphore_mem>>, %arg34: memref<!tpu.dma_semaphore, #tpu.memory_space<semaphore_mem>>, %arg35: memref<!tpu.dma_semaphore, #tpu.memory_space<semaphore_mem>>) attributes {dimension_semantics = [#tpu.dimension_semantics<core_parallel>, #tpu.dimension_semantics<subcore_parallel>], iteration_bounds = array<i64: 2, 16>, scalar_prefetch = 0 : i64, scratch_operands = 30 : i64, tpu.core_type = #tpu.core_type<sc_vector_subcore>, window_params = [{transform_indices = #map}, {transform_indices = #map1}, {transform_indices = #map1}, {transform_indices = #map2}]} {
    %mul3A = arith.constant 624 : i32
    %mul3A_0 = arith.muli %arg1, %mul3A : i32
    %dma_start3A = arith.constant 0 : i32
    %dma_start3A_1 = arith.constant 0 : i32
    %dma_start3A_2 = tpu.memref_slice %arg3[%arg0, %arg1, %dma_start3A, %dma_start3A_1] : memref<2x16x80x125xi32, #tpu.memory_space<hbm>> -> memref<1x1x80x125xi32, #tpu.memory_space<hbm>>
    %dma_start3A_3 = tpu.memref_squeeze %dma_start3A_2 : memref<1x1x80x125xi32, #tpu.memory_space<hbm>> -> memref<80x125xi32, #tpu.memory_space<hbm>>
    %dma_start3A_4 = arith.constant 0 : i32
    %dma_start3A_5 = arith.constant 0 : i32
    %dma_start3A_6 = tpu.memref_slice %arg3[%arg0, %arg1, %dma_start3A_4, %dma_start3A_5] : memref<2x16x80x125xi32, #tpu.memory_space<hbm>> -> memref<1x1x80x125xi32, #tpu.memory_space<hbm>>
    %dma_start3A_7 = tpu.memref_squeeze %dma_start3A_6 : memref<1x1x80x125xi32, #tpu.memory_space<hbm>> -> memref<80x125xi32, #tpu.memory_space<hbm>>
    tpu.enqueue_dma source(%dma_start3A_7 : memref<80x125xi32, #tpu.memory_space<hbm>>) target(%arg6 : memref<80x125xi32, #tpu.memory_space<vmem>>) target_semaphore(%arg34 : memref<!tpu.dma_semaphore, #tpu.memory_space<semaphore_mem>>)
    %dma_start3A_8 = arith.constant 0 : i32
    %dma_start3A_9 = arith.constant 0 : i32
    %dma_start3A_10 = tpu.memref_slice %arg4[%arg0, %arg1, %dma_start3A_8, %dma_start3A_9] : memref<2x16x80x125xi32, #tpu.memory_space<hbm>> -> memref<1x1x80x125xi32, #tpu.memory_space<hbm>>
    %dma_start3A_11 = tpu.memref_squeeze %dma_start3A_10 : memref<1x1x80x125xi32, #tpu.memory_space<hbm>> -> memref<80x125xi32, #tpu.memory_space<hbm>>
    %dma_start3A_12 = arith.constant 0 : i32
    %dma_start3A_13 = arith.constant 0 : i32
    %dma_start3A_14 = tpu.memref_slice %arg4[%arg0, %arg1, %dma_start3A_12, %dma_start3A_13] : memref<2x16x80x125xi32, #tpu.memory_space<hbm>> -> memref<1x1x80x125xi32, #tpu.memory_space<hbm>>
    %dma_start3A_15 = tpu.memref_squeeze %dma_start3A_14 : memref<1x1x80x125xi32, #tpu.memory_space<hbm>> -> memref<80x125xi32, #tpu.memory_space<hbm>>
    tpu.enqueue_dma source(%dma_start3A_15 : memref<80x125xi32, #tpu.memory_space<hbm>>) target(%arg7 : memref<80x125xi32, #tpu.memory_space<vmem>>) target_semaphore(%arg35 : memref<!tpu.dma_semaphore, #tpu.memory_space<semaphore_mem>>)
    "tpu.region"() ({
      %run_scoped3A = tpu.sem_alloc : memref<!tpu.dma_semaphore, #tpu.memory_space<semaphore_mem>>
      %dma_start3A_142 = arith.constant 0 : i32
      %dma_start3A_143 = tpu.memref_slice %arg2[%mul3A_0, %dma_start3A_142] : memref<10000x32xf32, #tpu.memory_space<hbm>> -> memref<624x32xf32, #tpu.memory_space<hbm>>
      %dma_start3A_144 = arith.constant 0 : i32
      %dma_start3A_145 = tpu.memref_slice %arg2[%mul3A_0, %dma_start3A_144] : memref<10000x32xf32, #tpu.memory_space<hbm>> -> memref<624x32xf32, #tpu.memory_space<hbm>>
      tpu.enqueue_dma source(%dma_start3A_145 : memref<624x32xf32, #tpu.memory_space<hbm>>) target(%arg16 : memref<624x32xf32, #tpu.memory_space<vmem>>) target_semaphore(%run_scoped3A : memref<!tpu.dma_semaphore, #tpu.memory_space<semaphore_mem>>)
      %dma_wait3A_146 = arith.constant 0 : i32
      %dma_wait3A_147 = tpu.memref_slice %arg2[%mul3A_0, %dma_wait3A_146] : memref<10000x32xf32, #tpu.memory_space<hbm>> -> memref<624x32xf32, #tpu.memory_space<hbm>>
      %dma_wait3A_148 = arith.constant 0 : i32
      %dma_wait3A_149 = tpu.memref_slice %arg2[%mul3A_0, %dma_wait3A_148] : memref<10000x32xf32, #tpu.memory_space<hbm>> -> memref<624x32xf32, #tpu.memory_space<hbm>>
      tpu.wait_dma2 semaphore(%run_scoped3A : memref<!tpu.dma_semaphore, #tpu.memory_space<semaphore_mem>>) src(%dma_wait3A_149 : memref<624x32xf32, #tpu.memory_space<hbm>>) dst(%arg16 : memref<624x32xf32, #tpu.memory_space<vmem>>)
      tpu.yield
    }) : () -> ()
    "tpu.region"() ({
      %run_scoped3A = tpu.sem_alloc : memref<!tpu.dma_semaphore, #tpu.memory_space<semaphore_mem>>
      %dma_start3A_142 = arith.constant 0 : i32
      %dma_start3A_143 = tpu.memref_slice %arg17[%mul3A_0, %dma_start3A_142] : memref<10000x32xf32, #tpu.memory_space<vmem_shared>> -> memref<624x32xf32, #tpu.memory_space<vmem_shared>>
      %dma_start3A_144 = arith.constant 0 : i32
      %dma_start3A_145 = tpu.memref_slice %arg17[%mul3A_0, %dma_start3A_144] : memref<10000x32xf32, #tpu.memory_space<vmem_shared>> -> memref<624x32xf32, #tpu.memory_space<vmem_shared>>
      tpu.enqueue_dma source(%arg16 : memref<624x32xf32, #tpu.memory_space<vmem>>) target(%dma_start3A_145 : memref<624x32xf32, #tpu.memory_space<vmem_shared>>) target_semaphore(%run_scoped3A : memref<!tpu.dma_semaphore, #tpu.memory_space<semaphore_mem>>)
      %dma_wait3A_146 = arith.constant 0 : i32
      %dma_wait3A_147 = tpu.memref_slice %arg17[%mul3A_0, %dma_wait3A_146] : memref<10000x32xf32, #tpu.memory_space<vmem_shared>> -> memref<624x32xf32, #tpu.memory_space<vmem_shared>>
      %dma_wait3A_148 = arith.constant 0 : i32
      %dma_wait3A_149 = tpu.memref_slice %arg17[%mul3A_0, %dma_wait3A_148] : memref<10000x32xf32, #tpu.memory_space<vmem_shared>> -> memref<624x32xf32, #tpu.memory_space<vmem_shared>>
      tpu.wait_dma2 semaphore(%run_scoped3A : memref<!tpu.dma_semaphore, #tpu.memory_space<semaphore_mem>>) src(%arg16 : memref<624x32xf32, #tpu.memory_space<vmem>>) dst(%dma_wait3A_149 : memref<624x32xf32, #tpu.memory_space<vmem_shared>>)
      tpu.yield
    }) : () -> ()
    %eq3A = arith.constant 0 : i32
    %eq3A_16 = arith.cmpi eq, %arg1, %eq3A : i32
    %convert_element_type3A = arith.extui %eq3A_16 : i1 to i32
    %cond3A = arith.constant 0 : i32
    %cond3A_17 = arith.cmpi ne, %convert_element_type3A, %cond3A : i32
    scf.if %cond3A_17 {
      "tpu.region"() ({
        %run_scoped3A = tpu.sem_alloc : memref<!tpu.dma_semaphore, #tpu.memory_space<semaphore_mem>>
        %dma_start3A_142 = arith.constant 0 : i32
        %dma_start3A_143 = arith.constant 0 : i32
        %dma_start3A_144 = tpu.memref_slice %arg16[%dma_start3A_142, %dma_start3A_143] : memref<624x32xf32, #tpu.memory_space<vmem>> -> memref<16x32xf32, #tpu.memory_space<vmem>>
        %dma_start3A_145 = arith.constant 9984 : i32
        %dma_start3A_146 = arith.constant 0 : i32
        %dma_start3A_147 = tpu.memref_slice %arg2[%dma_start3A_145, %dma_start3A_146] : memref<10000x32xf32, #tpu.memory_space<hbm>> -> memref<16x32xf32, #tpu.memory_space<hbm>>
        %dma_start3A_148 = arith.constant 0 : i32
        %dma_start3A_149 = arith.constant 0 : i32
        %dma_start3A_150 = tpu.memref_slice %arg16[%dma_start3A_148, %dma_start3A_149] : memref<624x32xf32, #tpu.memory_space<vmem>> -> memref<16x32xf32, #tpu.memory_space<vmem>>
        %dma_start3A_151 = arith.constant 9984 : i32
        %dma_start3A_152 = arith.constant 0 : i32
        %dma_start3A_153 = tpu.memref_slice %arg2[%dma_start3A_151, %dma_start3A_152] : memref<10000x32xf32, #tpu.memory_space<hbm>> -> memref<16x32xf32, #tpu.memory_space<hbm>>
        tpu.enqueue_dma source(%dma_start3A_153 : memref<16x32xf32, #tpu.memory_space<hbm>>) target(%dma_start3A_150 : memref<16x32xf32, #tpu.memory_space<vmem>>) target_semaphore(%run_scoped3A : memref<!tpu.dma_semaphore, #tpu.memory_space<semaphore_mem>>)
        %dma_wait3A_154 = arith.constant 0 : i32
        %dma_wait3A_155 = arith.constant 0 : i32
        %dma_wait3A_156 = tpu.memref_slice %arg16[%dma_wait3A_154, %dma_wait3A_155] : memref<624x32xf32, #tpu.memory_space<vmem>> -> memref<16x32xf32, #tpu.memory_space<vmem>>
        %dma_wait3A_157 = arith.constant 9984 : i32
        %dma_wait3A_158 = arith.constant 0 : i32
        %dma_wait3A_159 = tpu.memref_slice %arg2[%dma_wait3A_157, %dma_wait3A_158] : memref<10000x32xf32, #tpu.memory_space<hbm>> -> memref<16x32xf32, #tpu.memory_space<hbm>>
        %dma_wait3A_160 = arith.constant 0 : i32
        %dma_wait3A_161 = arith.constant 0 : i32
        %dma_wait3A_162 = tpu.memref_slice %arg16[%dma_wait3A_160, %dma_wait3A_161] : memref<624x32xf32, #tpu.memory_space<vmem>> -> memref<16x32xf32, #tpu.memory_space<vmem>>
        %dma_wait3A_163 = arith.constant 9984 : i32
        %dma_wait3A_164 = arith.constant 0 : i32
        %dma_wait3A_165 = tpu.memref_slice %arg2[%dma_wait3A_163, %dma_wait3A_164] : memref<10000x32xf32, #tpu.memory_space<hbm>> -> memref<16x32xf32, #tpu.memory_space<hbm>>
        tpu.wait_dma2 semaphore(%run_scoped3A : memref<!tpu.dma_semaphore, #tpu.memory_space<semaphore_mem>>) src(%dma_wait3A_165 : memref<16x32xf32, #tpu.memory_space<hbm>>) dst(%dma_wait3A_162 : memref<16x32xf32, #tpu.memory_space<vmem>>)
        tpu.yield
      }) : () -> ()
      "tpu.region"() ({
        %run_scoped3A = tpu.sem_alloc : memref<!tpu.dma_semaphore, #tpu.memory_space<semaphore_mem>>
        %dma_start3A_142 = arith.constant 0 : i32
        %dma_start3A_143 = arith.constant 0 : i32
        %dma_start3A_144 = tpu.memref_slice %arg16[%dma_start3A_142, %dma_start3A_143] : memref<624x32xf32, #tpu.memory_space<vmem>> -> memref<16x32xf32, #tpu.memory_space<vmem>>
        %dma_start3A_145 = arith.constant 9984 : i32
        %dma_start3A_146 = arith.constant 0 : i32
        %dma_start3A_147 = tpu.memref_slice %arg17[%dma_start3A_145, %dma_start3A_146] : memref<10000x32xf32, #tpu.memory_space<vmem_shared>> -> memref<16x32xf32, #tpu.memory_space<vmem_shared>>
        %dma_start3A_148 = arith.constant 9984 : i32
        %dma_start3A_149 = arith.constant 0 : i32
        %dma_start3A_150 = tpu.memref_slice %arg17[%dma_start3A_148, %dma_start3A_149] : memref<10000x32xf32, #tpu.memory_space<vmem_shared>> -> memref<16x32xf32, #tpu.memory_space<vmem_shared>>
        %dma_start3A_151 = arith.constant 0 : i32
        %dma_start3A_152 = arith.constant 0 : i32
        %dma_start3A_153 = tpu.memref_slice %arg16[%dma_start3A_151, %dma_start3A_152] : memref<624x32xf32, #tpu.memory_space<vmem>> -> memref<16x32xf32, #tpu.memory_space<vmem>>
        tpu.enqueue_dma source(%dma_start3A_153 : memref<16x32xf32, #tpu.memory_space<vmem>>) target(%dma_start3A_150 : memref<16x32xf32, #tpu.memory_space<vmem_shared>>) target_semaphore(%run_scoped3A : memref<!tpu.dma_semaphore, #tpu.memory_space<semaphore_mem>>)
        %dma_wait3A_154 = arith.constant 0 : i32
        %dma_wait3A_155 = arith.constant 0 : i32
        %dma_wait3A_156 = tpu.memref_slice %arg16[%dma_wait3A_154, %dma_wait3A_155] : memref<624x32xf32, #tpu.memory_space<vmem>> -> memref<16x32xf32, #tpu.memory_space<vmem>>
        %dma_wait3A_157 = arith.constant 9984 : i32
        %dma_wait3A_158 = arith.constant 0 : i32
        %dma_wait3A_159 = tpu.memref_slice %arg17[%dma_wait3A_157, %dma_wait3A_158] : memref<10000x32xf32, #tpu.memory_space<vmem_shared>> -> memref<16x32xf32, #tpu.memory_space<vmem_shared>>
        %dma_wait3A_160 = arith.constant 9984 : i32
        %dma_wait3A_161 = arith.constant 0 : i32
        %dma_wait3A_162 = tpu.memref_slice %arg17[%dma_wait3A_160, %dma_wait3A_161] : memref<10000x32xf32, #tpu.memory_space<vmem_shared>> -> memref<16x32xf32, #tpu.memory_space<vmem_shared>>
        %dma_wait3A_163 = arith.constant 0 : i32
        %dma_wait3A_164 = arith.constant 0 : i32
        %dma_wait3A_165 = tpu.memref_slice %arg16[%dma_wait3A_163, %dma_wait3A_164] : memref<624x32xf32, #tpu.memory_space<vmem>> -> memref<16x32xf32, #tpu.memory_space<vmem>>
        tpu.wait_dma2 semaphore(%run_scoped3A : memref<!tpu.dma_semaphore, #tpu.memory_space<semaphore_mem>>) src(%dma_wait3A_165 : memref<16x32xf32, #tpu.memory_space<vmem>>) dst(%dma_wait3A_162 : memref<16x32xf32, #tpu.memory_space<vmem_shared>>)
        tpu.yield
      }) : () -> ()
    } else {
    }
    %dma_wait3A = arith.constant 0 : i32
    %dma_wait3A_18 = arith.constant 0 : i32
    %dma_wait3A_19 = tpu.memref_slice %arg3[%arg0, %arg1, %dma_wait3A, %dma_wait3A_18] : memref<2x16x80x125xi32, #tpu.memory_space<hbm>> -> memref<1x1x80x125xi32, #tpu.memory_space<hbm>>
    %dma_wait3A_20 = tpu.memref_squeeze %dma_wait3A_19 : memref<1x1x80x125xi32, #tpu.memory_space<hbm>> -> memref<80x125xi32, #tpu.memory_space<hbm>>
    %dma_wait3A_21 = arith.constant 0 : i32
    %dma_wait3A_22 = arith.constant 0 : i32
    %dma_wait3A_23 = tpu.memref_slice %arg3[%arg0, %arg1, %dma_wait3A_21, %dma_wait3A_22] : memref<2x16x80x125xi32, #tpu.memory_space<hbm>> -> memref<1x1x80x125xi32, #tpu.memory_space<hbm>>
    %dma_wait3A_24 = tpu.memref_squeeze %dma_wait3A_23 : memref<1x1x80x125xi32, #tpu.memory_space<hbm>> -> memref<80x125xi32, #tpu.memory_space<hbm>>
    tpu.wait_dma2 semaphore(%arg34 : memref<!tpu.dma_semaphore, #tpu.memory_space<semaphore_mem>>) src(%dma_wait3A_24 : memref<80x125xi32, #tpu.memory_space<hbm>>) dst(%arg6 : memref<80x125xi32, #tpu.memory_space<vmem>>)
    %dma_wait3A_25 = arith.constant 0 : i32
    %dma_wait3A_26 = arith.constant 0 : i32
    %dma_wait3A_27 = tpu.memref_slice %arg4[%arg0, %arg1, %dma_wait3A_25, %dma_wait3A_26] : memref<2x16x80x125xi32, #tpu.memory_space<hbm>> -> memref<1x1x80x125xi32, #tpu.memory_space<hbm>>
    %dma_wait3A_28 = tpu.memref_squeeze %dma_wait3A_27 : memref<1x1x80x125xi32, #tpu.memory_space<hbm>> -> memref<80x125xi32, #tpu.memory_space<hbm>>
    %dma_wait3A_29 = arith.constant 0 : i32
    %dma_wait3A_30 = arith.constant 0 : i32
    %dma_wait3A_31 = tpu.memref_slice %arg4[%arg0, %arg1, %dma_wait3A_29, %dma_wait3A_30] : memref<2x16x80x125xi32, #tpu.memory_space<hbm>> -> memref<1x1x80x125xi32, #tpu.memory_space<hbm>>
    %dma_wait3A_32 = tpu.memref_squeeze %dma_wait3A_31 : memref<1x1x80x125xi32, #tpu.memory_space<hbm>> -> memref<80x125xi32, #tpu.memory_space<hbm>>
    tpu.wait_dma2 semaphore(%arg35 : memref<!tpu.dma_semaphore, #tpu.memory_space<semaphore_mem>>) src(%dma_wait3A_32 : memref<80x125xi32, #tpu.memory_space<hbm>>) dst(%arg7 : memref<80x125xi32, #tpu.memory_space<vmem>>)
    %barrier3A = arith.constant 0 : index
    tpu.barrier barrier_id(%barrier3A)
    %dma_start3A_33 = arith.constant 0 : i32
    %dma_start3A_34 = arith.constant 0 : i32
    %dma_start3A_35 = tpu.memref_slice %arg6[%dma_start3A_33, %dma_start3A_34] : memref<80x125xi32, #tpu.memory_space<vmem>> -> memref<1x125xi32, #tpu.memory_space<vmem>>
    %dma_start3A_36 = tpu.memref_squeeze %dma_start3A_35 : memref<1x125xi32, #tpu.memory_space<vmem>> -> memref<125xi32, #tpu.memory_space<vmem>>
    %dma_start3A_37 = arith.constant 0 : i32
    %dma_start3A_38 = arith.constant 0 : i32
    %dma_start3A_39 = tpu.memref_slice %arg2[%dma_start3A_37, %dma_start3A_38] : memref<10000x32xf32, #tpu.memory_space<hbm>> -> memref<10000x32xf32, #tpu.memory_space<hbm>>
    tpu.enqueue_indirect_dma source(%dma_start3A_39 : memref<10000x32xf32, #tpu.memory_space<hbm>>) target(%arg8 : memref<125x32xf32, #tpu.memory_space<vmem>>) offsets(%dma_start3A_36 : memref<125xi32, #tpu.memory_space<vmem>>) semaphore(%arg18 : memref<!tpu.dma_semaphore, #tpu.memory_space<semaphore_mem>>)
    %dma_start3A_40 = arith.constant 1 : i32
    %dma_start3A_41 = arith.constant 0 : i32
    %dma_start3A_42 = tpu.memref_slice %arg6[%dma_start3A_40, %dma_start3A_41] : memref<80x125xi32, #tpu.memory_space<vmem>> -> memref<1x125xi32, #tpu.memory_space<vmem>>
    %dma_start3A_43 = tpu.memref_squeeze %dma_start3A_42 : memref<1x125xi32, #tpu.memory_space<vmem>> -> memref<125xi32, #tpu.memory_space<vmem>>
    %dma_start3A_44 = arith.constant 0 : i32
    %dma_start3A_45 = arith.constant 0 : i32
    %dma_start3A_46 = tpu.memref_slice %arg2[%dma_start3A_44, %dma_start3A_45] : memref<10000x32xf32, #tpu.memory_space<hbm>> -> memref<10000x32xf32, #tpu.memory_space<hbm>>
    tpu.enqueue_indirect_dma source(%dma_start3A_46 : memref<10000x32xf32, #tpu.memory_space<hbm>>) target(%arg9 : memref<125x32xf32, #tpu.memory_space<vmem>>) offsets(%dma_start3A_43 : memref<125xi32, #tpu.memory_space<vmem>>) semaphore(%arg19 : memref<!tpu.dma_semaphore, #tpu.memory_space<semaphore_mem>>)
    %dma_start3A_47 = arith.constant 2 : i32
    %dma_start3A_48 = arith.constant 0 : i32
    %dma_start3A_49 = tpu.memref_slice %arg6[%dma_start3A_47, %dma_start3A_48] : memref<80x125xi32, #tpu.memory_space<vmem>> -> memref<1x125xi32, #tpu.memory_space<vmem>>
    %dma_start3A_50 = tpu.memref_squeeze %dma_start3A_49 : memref<1x125xi32, #tpu.memory_space<vmem>> -> memref<125xi32, #tpu.memory_space<vmem>>
    %dma_start3A_51 = arith.constant 0 : i32
    %dma_start3A_52 = arith.constant 0 : i32
    %dma_start3A_53 = tpu.memref_slice %arg2[%dma_start3A_51, %dma_start3A_52] : memref<10000x32xf32, #tpu.memory_space<hbm>> -> memref<10000x32xf32, #tpu.memory_space<hbm>>
    tpu.enqueue_indirect_dma source(%dma_start3A_53 : memref<10000x32xf32, #tpu.memory_space<hbm>>) target(%arg10 : memref<125x32xf32, #tpu.memory_space<vmem>>) offsets(%dma_start3A_50 : memref<125xi32, #tpu.memory_space<vmem>>) semaphore(%arg20 : memref<!tpu.dma_semaphore, #tpu.memory_space<semaphore_mem>>)
    %dma_start3A_54 = arith.constant 3 : i32
    %dma_start3A_55 = arith.constant 0 : i32
    %dma_start3A_56 = tpu.memref_slice %arg6[%dma_start3A_54, %dma_start3A_55] : memref<80x125xi32, #tpu.memory_space<vmem>> -> memref<1x125xi32, #tpu.memory_space<vmem>>
    %dma_start3A_57 = tpu.memref_squeeze %dma_start3A_56 : memref<1x125xi32, #tpu.memory_space<vmem>> -> memref<125xi32, #tpu.memory_space<vmem>>
    %dma_start3A_58 = arith.constant 0 : i32
    %dma_start3A_59 = arith.constant 0 : i32
    %dma_start3A_60 = tpu.memref_slice %arg2[%dma_start3A_58, %dma_start3A_59] : memref<10000x32xf32, #tpu.memory_space<hbm>> -> memref<10000x32xf32, #tpu.memory_space<hbm>>
    tpu.enqueue_indirect_dma source(%dma_start3A_60 : memref<10000x32xf32, #tpu.memory_space<hbm>>) target(%arg11 : memref<125x32xf32, #tpu.memory_space<vmem>>) offsets(%dma_start3A_57 : memref<125xi32, #tpu.memory_space<vmem>>) semaphore(%arg21 : memref<!tpu.dma_semaphore, #tpu.memory_space<semaphore_mem>>)
    %dma_start3A_61 = arith.constant 4 : i32
    %dma_start3A_62 = arith.constant 0 : i32
    %dma_start3A_63 = tpu.memref_slice %arg6[%dma_start3A_61, %dma_start3A_62] : memref<80x125xi32, #tpu.memory_space<vmem>> -> memref<1x125xi32, #tpu.memory_space<vmem>>
    %dma_start3A_64 = tpu.memref_squeeze %dma_start3A_63 : memref<1x125xi32, #tpu.memory_space<vmem>> -> memref<125xi32, #tpu.memory_space<vmem>>
    %dma_start3A_65 = arith.constant 0 : i32
    %dma_start3A_66 = arith.constant 0 : i32
    %dma_start3A_67 = tpu.memref_slice %arg2[%dma_start3A_65, %dma_start3A_66] : memref<10000x32xf32, #tpu.memory_space<hbm>> -> memref<10000x32xf32, #tpu.memory_space<hbm>>
    tpu.enqueue_indirect_dma source(%dma_start3A_67 : memref<10000x32xf32, #tpu.memory_space<hbm>>) target(%arg12 : memref<125x32xf32, #tpu.memory_space<vmem>>) offsets(%dma_start3A_64 : memref<125xi32, #tpu.memory_space<vmem>>) semaphore(%arg22 : memref<!tpu.dma_semaphore, #tpu.memory_space<semaphore_mem>>)
    %dma_start3A_68 = arith.constant 5 : i32
    %dma_start3A_69 = arith.constant 0 : i32
    %dma_start3A_70 = tpu.memref_slice %arg6[%dma_start3A_68, %dma_start3A_69] : memref<80x125xi32, #tpu.memory_space<vmem>> -> memref<1x125xi32, #tpu.memory_space<vmem>>
    %dma_start3A_71 = tpu.memref_squeeze %dma_start3A_70 : memref<1x125xi32, #tpu.memory_space<vmem>> -> memref<125xi32, #tpu.memory_space<vmem>>
    %dma_start3A_72 = arith.constant 0 : i32
    %dma_start3A_73 = arith.constant 0 : i32
    %dma_start3A_74 = tpu.memref_slice %arg2[%dma_start3A_72, %dma_start3A_73] : memref<10000x32xf32, #tpu.memory_space<hbm>> -> memref<10000x32xf32, #tpu.memory_space<hbm>>
    tpu.enqueue_indirect_dma source(%dma_start3A_74 : memref<10000x32xf32, #tpu.memory_space<hbm>>) target(%arg13 : memref<125x32xf32, #tpu.memory_space<vmem>>) offsets(%dma_start3A_71 : memref<125xi32, #tpu.memory_space<vmem>>) semaphore(%arg23 : memref<!tpu.dma_semaphore, #tpu.memory_space<semaphore_mem>>)
    %scan3A = arith.constant 0 : i32
    %scan3A_75 = arith.constant 0 : i32
    %scan3A_76 = arith.constant 10 : i32
    %scan3A_77 = arith.addi %scan3A_75, %scan3A_76 : i32
    %scan3A_78 = arith.constant 1 : i32
    scf.for %scan3A_142 = %scan3A_75 to %scan3A_77 step %scan3A_78  : i32 {
      %mul3A_143 = arith.constant 8 : i32
      %mul3A_144 = arith.muli %scan3A_142, %mul3A_143 : i32
      %add3A = arith.constant 0 : i32
      %add3A_145 = arith.addi %mul3A_144, %add3A : i32
      %dma_wait3A_146 = arith.constant 0 : i32
      %dma_wait3A_147 = tpu.memref_slice %arg6[%add3A_145, %dma_wait3A_146] : memref<80x125xi32, #tpu.memory_space<vmem>> -> memref<1x125xi32, #tpu.memory_space<vmem>>
      %dma_wait3A_148 = tpu.memref_squeeze %dma_wait3A_147 : memref<1x125xi32, #tpu.memory_space<vmem>> -> memref<125xi32, #tpu.memory_space<vmem>>
      %dma_wait3A_149 = arith.constant 0 : i32
      %dma_wait3A_150 = arith.constant 0 : i32
      %dma_wait3A_151 = tpu.memref_slice %arg2[%dma_wait3A_149, %dma_wait3A_150] : memref<10000x32xf32, #tpu.memory_space<hbm>> -> memref<10000x32xf32, #tpu.memory_space<hbm>>
      tpu.wait_indirect_dma semaphore(%arg18 : memref<!tpu.dma_semaphore, #tpu.memory_space<semaphore_mem>>) src(%dma_wait3A_151 : memref<10000x32xf32, #tpu.memory_space<hbm>>) dst(%arg8 : memref<125x32xf32, #tpu.memory_space<vmem>>)
      %dma_start3A_152 = arith.constant 0 : i32
      %dma_start3A_153 = tpu.memref_slice %arg7[%add3A_145, %dma_start3A_152] : memref<80x125xi32, #tpu.memory_space<vmem>> -> memref<1x125xi32, #tpu.memory_space<vmem>>
      %dma_start3A_154 = tpu.memref_squeeze %dma_start3A_153 : memref<1x125xi32, #tpu.memory_space<vmem>> -> memref<125xi32, #tpu.memory_space<vmem>>
      %dma_start3A_155 = arith.constant 0 : i32
      %dma_start3A_156 = arith.constant 0 : i32
      %dma_start3A_157 = tpu.memref_slice %arg17[%dma_start3A_155, %dma_start3A_156] : memref<10000x32xf32, #tpu.memory_space<vmem_shared>> -> memref<10000x32xf32, #tpu.memory_space<vmem_shared>>
      tpu.enqueue_indirect_dma source(%arg8 : memref<125x32xf32, #tpu.memory_space<vmem>>) target(%dma_start3A_157 : memref<10000x32xf32, #tpu.memory_space<vmem_shared>>) offsets(%dma_start3A_154 : memref<125xi32, #tpu.memory_space<vmem>>) semaphore(%arg26 : memref<!tpu.dma_semaphore, #tpu.memory_space<semaphore_mem>>) {add = true}
      %add3A_158 = arith.constant 6 : i32
      %add3A_159 = arith.addi %add3A_145, %add3A_158 : i32
      %lt3A = arith.constant 80 : i32
      %lt3A_160 = arith.cmpi slt, %add3A_159, %lt3A : i32
      %convert_element_type3A_161 = arith.extui %lt3A_160 : i1 to i32
      %cond3A_162 = arith.constant 0 : i32
      %cond3A_163 = arith.cmpi ne, %convert_element_type3A_161, %cond3A_162 : i32
      scf.if %cond3A_163 {
        %ge3A = arith.constant 8 : i32
        %ge3A_311 = arith.cmpi sge, %add3A_159, %ge3A : i32
        %convert_element_type3A_312 = arith.extui %ge3A_311 : i1 to i32
        %cond3A_313 = arith.constant 0 : i32
        %cond3A_314 = arith.cmpi ne, %convert_element_type3A_312, %cond3A_313 : i32
        scf.if %cond3A_314 {
          %sub3A = arith.constant 8 : i32
          %sub3A_321 = arith.subi %add3A_159, %sub3A : i32
          %dma_wait3A_322 = arith.constant 0 : i32
          %dma_wait3A_323 = tpu.memref_slice %arg7[%sub3A_321, %dma_wait3A_322] : memref<80x125xi32, #tpu.memory_space<vmem>> -> memref<1x125xi32, #tpu.memory_space<vmem>>
          %dma_wait3A_324 = tpu.memref_squeeze %dma_wait3A_323 : memref<1x125xi32, #tpu.memory_space<vmem>> -> memref<125xi32, #tpu.memory_space<vmem>>
          %dma_wait3A_325 = arith.constant 0 : i32
          %dma_wait3A_326 = arith.constant 0 : i32
          %dma_wait3A_327 = tpu.memref_slice %arg17[%dma_wait3A_325, %dma_wait3A_326] : memref<10000x32xf32, #tpu.memory_space<vmem_shared>> -> memref<10000x32xf32, #tpu.memory_space<vmem_shared>>
          tpu.wait_indirect_dma semaphore(%arg32 : memref<!tpu.dma_semaphore, #tpu.memory_space<semaphore_mem>>) src(%arg14 : memref<125x32xf32, #tpu.memory_space<vmem>>) dst(%dma_wait3A_327 : memref<10000x32xf32, #tpu.memory_space<vmem_shared>>)
        } else {
        }
        %dma_start3A_315 = arith.constant 0 : i32
        %dma_start3A_316 = tpu.memref_slice %arg6[%add3A_159, %dma_start3A_315] : memref<80x125xi32, #tpu.memory_space<vmem>> -> memref<1x125xi32, #tpu.memory_space<vmem>>
        %dma_start3A_317 = tpu.memref_squeeze %dma_start3A_316 : memref<1x125xi32, #tpu.memory_space<vmem>> -> memref<125xi32, #tpu.memory_space<vmem>>
        %dma_start3A_318 = arith.constant 0 : i32
        %dma_start3A_319 = arith.constant 0 : i32
        %dma_start3A_320 = tpu.memref_slice %arg2[%dma_start3A_318, %dma_start3A_319] : memref<10000x32xf32, #tpu.memory_space<hbm>> -> memref<10000x32xf32, #tpu.memory_space<hbm>>
        tpu.enqueue_indirect_dma source(%dma_start3A_320 : memref<10000x32xf32, #tpu.memory_space<hbm>>) target(%arg14 : memref<125x32xf32, #tpu.memory_space<vmem>>) offsets(%dma_start3A_317 : memref<125xi32, #tpu.memory_space<vmem>>) semaphore(%arg24 : memref<!tpu.dma_semaphore, #tpu.memory_space<semaphore_mem>>)
      } else {
      }
      %add3A_164 = arith.constant 1 : i32
      %add3A_165 = arith.addi %mul3A_144, %add3A_164 : i32
      %dma_wait3A_166 = arith.constant 0 : i32
      %dma_wait3A_167 = tpu.memref_slice %arg6[%add3A_165, %dma_wait3A_166] : memref<80x125xi32, #tpu.memory_space<vmem>> -> memref<1x125xi32, #tpu.memory_space<vmem>>
      %dma_wait3A_168 = tpu.memref_squeeze %dma_wait3A_167 : memref<1x125xi32, #tpu.memory_space<vmem>> -> memref<125xi32, #tpu.memory_space<vmem>>
      %dma_wait3A_169 = arith.constant 0 : i32
      %dma_wait3A_170 = arith.constant 0 : i32
      %dma_wait3A_171 = tpu.memref_slice %arg2[%dma_wait3A_169, %dma_wait3A_170] : memref<10000x32xf32, #tpu.memory_space<hbm>> -> memref<10000x32xf32, #tpu.memory_space<hbm>>
      tpu.wait_indirect_dma semaphore(%arg19 : memref<!tpu.dma_semaphore, #tpu.memory_space<semaphore_mem>>) src(%dma_wait3A_171 : memref<10000x32xf32, #tpu.memory_space<hbm>>) dst(%arg9 : memref<125x32xf32, #tpu.memory_space<vmem>>)
      %dma_start3A_172 = arith.constant 0 : i32
      %dma_start3A_173 = tpu.memref_slice %arg7[%add3A_165, %dma_start3A_172] : memref<80x125xi32, #tpu.memory_space<vmem>> -> memref<1x125xi32, #tpu.memory_space<vmem>>
      %dma_start3A_174 = tpu.memref_squeeze %dma_start3A_173 : memref<1x125xi32, #tpu.memory_space<vmem>> -> memref<125xi32, #tpu.memory_space<vmem>>
      %dma_start3A_175 = arith.constant 0 : i32
      %dma_start3A_176 = arith.constant 0 : i32
      %dma_start3A_177 = tpu.memref_slice %arg17[%dma_start3A_175, %dma_start3A_176] : memref<10000x32xf32, #tpu.memory_space<vmem_shared>> -> memref<10000x32xf32, #tpu.memory_space<vmem_shared>>
      tpu.enqueue_indirect_dma source(%arg9 : memref<125x32xf32, #tpu.memory_space<vmem>>) target(%dma_start3A_177 : memref<10000x32xf32, #tpu.memory_space<vmem_shared>>) offsets(%dma_start3A_174 : memref<125xi32, #tpu.memory_space<vmem>>) semaphore(%arg27 : memref<!tpu.dma_semaphore, #tpu.memory_space<semaphore_mem>>) {add = true}
      %add3A_178 = arith.constant 6 : i32
      %add3A_179 = arith.addi %add3A_165, %add3A_178 : i32
      %lt3A_180 = arith.constant 80 : i32
      %lt3A_181 = arith.cmpi slt, %add3A_179, %lt3A_180 : i32
      %convert_element_type3A_182 = arith.extui %lt3A_181 : i1 to i32
      %cond3A_183 = arith.constant 0 : i32
      %cond3A_184 = arith.cmpi ne, %convert_element_type3A_182, %cond3A_183 : i32
      scf.if %cond3A_184 {
        %ge3A = arith.constant 8 : i32
        %ge3A_311 = arith.cmpi sge, %add3A_179, %ge3A : i32
        %convert_element_type3A_312 = arith.extui %ge3A_311 : i1 to i32
        %cond3A_313 = arith.constant 0 : i32
        %cond3A_314 = arith.cmpi ne, %convert_element_type3A_312, %cond3A_313 : i32
        scf.if %cond3A_314 {
          %sub3A = arith.constant 8 : i32
          %sub3A_321 = arith.subi %add3A_179, %sub3A : i32
          %dma_wait3A_322 = arith.constant 0 : i32
          %dma_wait3A_323 = tpu.memref_slice %arg7[%sub3A_321, %dma_wait3A_322] : memref<80x125xi32, #tpu.memory_space<vmem>> -> memref<1x125xi32, #tpu.memory_space<vmem>>
          %dma_wait3A_324 = tpu.memref_squeeze %dma_wait3A_323 : memref<1x125xi32, #tpu.memory_space<vmem>> -> memref<125xi32, #tpu.memory_space<vmem>>
          %dma_wait3A_325 = arith.constant 0 : i32
          %dma_wait3A_326 = arith.constant 0 : i32
          %dma_wait3A_327 = tpu.memref_slice %arg17[%dma_wait3A_325, %dma_wait3A_326] : memref<10000x32xf32, #tpu.memory_space<vmem_shared>> -> memref<10000x32xf32, #tpu.memory_space<vmem_shared>>
          tpu.wait_indirect_dma semaphore(%arg33 : memref<!tpu.dma_semaphore, #tpu.memory_space<semaphore_mem>>) src(%arg15 : memref<125x32xf32, #tpu.memory_space<vmem>>) dst(%dma_wait3A_327 : memref<10000x32xf32, #tpu.memory_space<vmem_shared>>)
        } else {
        }
        %dma_start3A_315 = arith.constant 0 : i32
        %dma_start3A_316 = tpu.memref_slice %arg6[%add3A_179, %dma_start3A_315] : memref<80x125xi32, #tpu.memory_space<vmem>> -> memref<1x125xi32, #tpu.memory_space<vmem>>
        %dma_start3A_317 = tpu.memref_squeeze %dma_start3A_316 : memref<1x125xi32, #tpu.memory_space<vmem>> -> memref<125xi32, #tpu.memory_space<vmem>>
        %dma_start3A_318 = arith.constant 0 : i32
        %dma_start3A_319 = arith.constant 0 : i32
        %dma_start3A_320 = tpu.memref_slice %arg2[%dma_start3A_318, %dma_start3A_319] : memref<10000x32xf32, #tpu.memory_space<hbm>> -> memref<10000x32xf32, #tpu.memory_space<hbm>>
        tpu.enqueue_indirect_dma source(%dma_start3A_320 : memref<10000x32xf32, #tpu.memory_space<hbm>>) target(%arg15 : memref<125x32xf32, #tpu.memory_space<vmem>>) offsets(%dma_start3A_317 : memref<125xi32, #tpu.memory_space<vmem>>) semaphore(%arg25 : memref<!tpu.dma_semaphore, #tpu.memory_space<semaphore_mem>>)
      } else {
      }
      %add3A_185 = arith.constant 2 : i32
      %add3A_186 = arith.addi %mul3A_144, %add3A_185 : i32
      %dma_wait3A_187 = arith.constant 0 : i32
      %dma_wait3A_188 = tpu.memref_slice %arg6[%add3A_186, %dma_wait3A_187] : memref<80x125xi32, #tpu.memory_space<vmem>> -> memref<1x125xi32, #tpu.memory_space<vmem>>
      %dma_wait3A_189 = tpu.memref_squeeze %dma_wait3A_188 : memref<1x125xi32, #tpu.memory_space<vmem>> -> memref<125xi32, #tpu.memory_space<vmem>>
      %dma_wait3A_190 = arith.constant 0 : i32
      %dma_wait3A_191 = arith.constant 0 : i32
      %dma_wait3A_192 = tpu.memref_slice %arg2[%dma_wait3A_190, %dma_wait3A_191] : memref<10000x32xf32, #tpu.memory_space<hbm>> -> memref<10000x32xf32, #tpu.memory_space<hbm>>
      tpu.wait_indirect_dma semaphore(%arg20 : memref<!tpu.dma_semaphore, #tpu.memory_space<semaphore_mem>>) src(%dma_wait3A_192 : memref<10000x32xf32, #tpu.memory_space<hbm>>) dst(%arg10 : memref<125x32xf32, #tpu.memory_space<vmem>>)
      %dma_start3A_193 = arith.constant 0 : i32
      %dma_start3A_194 = tpu.memref_slice %arg7[%add3A_186, %dma_start3A_193] : memref<80x125xi32, #tpu.memory_space<vmem>> -> memref<1x125xi32, #tpu.memory_space<vmem>>
      %dma_start3A_195 = tpu.memref_squeeze %dma_start3A_194 : memref<1x125xi32, #tpu.memory_space<vmem>> -> memref<125xi32, #tpu.memory_space<vmem>>
      %dma_start3A_196 = arith.constant 0 : i32
      %dma_start3A_197 = arith.constant 0 : i32
      %dma_start3A_198 = tpu.memref_slice %arg17[%dma_start3A_196, %dma_start3A_197] : memref<10000x32xf32, #tpu.memory_space<vmem_shared>> -> memref<10000x32xf32, #tpu.memory_space<vmem_shared>>
      tpu.enqueue_indirect_dma source(%arg10 : memref<125x32xf32, #tpu.memory_space<vmem>>) target(%dma_start3A_198 : memref<10000x32xf32, #tpu.memory_space<vmem_shared>>) offsets(%dma_start3A_195 : memref<125xi32, #tpu.memory_space<vmem>>) semaphore(%arg28 : memref<!tpu.dma_semaphore, #tpu.memory_space<semaphore_mem>>) {add = true}
      %add3A_199 = arith.constant 6 : i32
      %add3A_200 = arith.addi %add3A_186, %add3A_199 : i32
      %lt3A_201 = arith.constant 80 : i32
      %lt3A_202 = arith.cmpi slt, %add3A_200, %lt3A_201 : i32
      %convert_element_type3A_203 = arith.extui %lt3A_202 : i1 to i32
      %cond3A_204 = arith.constant 0 : i32
      %cond3A_205 = arith.cmpi ne, %convert_element_type3A_203, %cond3A_204 : i32
      scf.if %cond3A_205 {
        %ge3A = arith.constant 8 : i32
        %ge3A_311 = arith.cmpi sge, %add3A_200, %ge3A : i32
        %convert_element_type3A_312 = arith.extui %ge3A_311 : i1 to i32
        %cond3A_313 = arith.constant 0 : i32
        %cond3A_314 = arith.cmpi ne, %convert_element_type3A_312, %cond3A_313 : i32
        scf.if %cond3A_314 {
          %sub3A = arith.constant 8 : i32
          %sub3A_321 = arith.subi %add3A_200, %sub3A : i32
          %dma_wait3A_322 = arith.constant 0 : i32
          %dma_wait3A_323 = tpu.memref_slice %arg7[%sub3A_321, %dma_wait3A_322] : memref<80x125xi32, #tpu.memory_space<vmem>> -> memref<1x125xi32, #tpu.memory_space<vmem>>
          %dma_wait3A_324 = tpu.memref_squeeze %dma_wait3A_323 : memref<1x125xi32, #tpu.memory_space<vmem>> -> memref<125xi32, #tpu.memory_space<vmem>>
          %dma_wait3A_325 = arith.constant 0 : i32
          %dma_wait3A_326 = arith.constant 0 : i32
          %dma_wait3A_327 = tpu.memref_slice %arg17[%dma_wait3A_325, %dma_wait3A_326] : memref<10000x32xf32, #tpu.memory_space<vmem_shared>> -> memref<10000x32xf32, #tpu.memory_space<vmem_shared>>
          tpu.wait_indirect_dma semaphore(%arg26 : memref<!tpu.dma_semaphore, #tpu.memory_space<semaphore_mem>>) src(%arg8 : memref<125x32xf32, #tpu.memory_space<vmem>>) dst(%dma_wait3A_327 : memref<10000x32xf32, #tpu.memory_space<vmem_shared>>)
        } else {
        }
        %dma_start3A_315 = arith.constant 0 : i32
        %dma_start3A_316 = tpu.memref_slice %arg6[%add3A_200, %dma_start3A_315] : memref<80x125xi32, #tpu.memory_space<vmem>> -> memref<1x125xi32, #tpu.memory_space<vmem>>
        %dma_start3A_317 = tpu.memref_squeeze %dma_start3A_316 : memref<1x125xi32, #tpu.memory_space<vmem>> -> memref<125xi32, #tpu.memory_space<vmem>>
        %dma_start3A_318 = arith.constant 0 : i32
        %dma_start3A_319 = arith.constant 0 : i32
        %dma_start3A_320 = tpu.memref_slice %arg2[%dma_start3A_318, %dma_start3A_319] : memref<10000x32xf32, #tpu.memory_space<hbm>> -> memref<10000x32xf32, #tpu.memory_space<hbm>>
        tpu.enqueue_indirect_dma source(%dma_start3A_320 : memref<10000x32xf32, #tpu.memory_space<hbm>>) target(%arg8 : memref<125x32xf32, #tpu.memory_space<vmem>>) offsets(%dma_start3A_317 : memref<125xi32, #tpu.memory_space<vmem>>) semaphore(%arg18 : memref<!tpu.dma_semaphore, #tpu.memory_space<semaphore_mem>>)
      } else {
      }
      %add3A_206 = arith.constant 3 : i32
      %add3A_207 = arith.addi %mul3A_144, %add3A_206 : i32
      %dma_wait3A_208 = arith.constant 0 : i32
      %dma_wait3A_209 = tpu.memref_slice %arg6[%add3A_207, %dma_wait3A_208] : memref<80x125xi32, #tpu.memory_space<vmem>> -> memref<1x125xi32, #tpu.memory_space<vmem>>
      %dma_wait3A_210 = tpu.memref_squeeze %dma_wait3A_209 : memref<1x125xi32, #tpu.memory_space<vmem>> -> memref<125xi32, #tpu.memory_space<vmem>>
      %dma_wait3A_211 = arith.constant 0 : i32
      %dma_wait3A_212 = arith.constant 0 : i32
      %dma_wait3A_213 = tpu.memref_slice %arg2[%dma_wait3A_211, %dma_wait3A_212] : memref<10000x32xf32, #tpu.memory_space<hbm>> -> memref<10000x32xf32, #tpu.memory_space<hbm>>
      tpu.wait_indirect_dma semaphore(%arg21 : memref<!tpu.dma_semaphore, #tpu.memory_space<semaphore_mem>>) src(%dma_wait3A_213 : memref<10000x32xf32, #tpu.memory_space<hbm>>) dst(%arg11 : memref<125x32xf32, #tpu.memory_space<vmem>>)
      %dma_start3A_214 = arith.constant 0 : i32
      %dma_start3A_215 = tpu.memref_slice %arg7[%add3A_207, %dma_start3A_214] : memref<80x125xi32, #tpu.memory_space<vmem>> -> memref<1x125xi32, #tpu.memory_space<vmem>>
      %dma_start3A_216 = tpu.memref_squeeze %dma_start3A_215 : memref<1x125xi32, #tpu.memory_space<vmem>> -> memref<125xi32, #tpu.memory_space<vmem>>
      %dma_start3A_217 = arith.constant 0 : i32
      %dma_start3A_218 = arith.constant 0 : i32
      %dma_start3A_219 = tpu.memref_slice %arg17[%dma_start3A_217, %dma_start3A_218] : memref<10000x32xf32, #tpu.memory_space<vmem_shared>> -> memref<10000x32xf32, #tpu.memory_space<vmem_shared>>
      tpu.enqueue_indirect_dma source(%arg11 : memref<125x32xf32, #tpu.memory_space<vmem>>) target(%dma_start3A_219 : memref<10000x32xf32, #tpu.memory_space<vmem_shared>>) offsets(%dma_start3A_216 : memref<125xi32, #tpu.memory_space<vmem>>) semaphore(%arg29 : memref<!tpu.dma_semaphore, #tpu.memory_space<semaphore_mem>>) {add = true}
      %add3A_220 = arith.constant 6 : i32
      %add3A_221 = arith.addi %add3A_207, %add3A_220 : i32
      %lt3A_222 = arith.constant 80 : i32
      %lt3A_223 = arith.cmpi slt, %add3A_221, %lt3A_222 : i32
      %convert_element_type3A_224 = arith.extui %lt3A_223 : i1 to i32
      %cond3A_225 = arith.constant 0 : i32
      %cond3A_226 = arith.cmpi ne, %convert_element_type3A_224, %cond3A_225 : i32
      scf.if %cond3A_226 {
        %ge3A = arith.constant 8 : i32
        %ge3A_311 = arith.cmpi sge, %add3A_221, %ge3A : i32
        %convert_element_type3A_312 = arith.extui %ge3A_311 : i1 to i32
        %cond3A_313 = arith.constant 0 : i32
        %cond3A_314 = arith.cmpi ne, %convert_element_type3A_312, %cond3A_313 : i32
        scf.if %cond3A_314 {
          %sub3A = arith.constant 8 : i32
          %sub3A_321 = arith.subi %add3A_221, %sub3A : i32
          %dma_wait3A_322 = arith.constant 0 : i32
          %dma_wait3A_323 = tpu.memref_slice %arg7[%sub3A_321, %dma_wait3A_322] : memref<80x125xi32, #tpu.memory_space<vmem>> -> memref<1x125xi32, #tpu.memory_space<vmem>>
          %dma_wait3A_324 = tpu.memref_squeeze %dma_wait3A_323 : memref<1x125xi32, #tpu.memory_space<vmem>> -> memref<125xi32, #tpu.memory_space<vmem>>
          %dma_wait3A_325 = arith.constant 0 : i32
          %dma_wait3A_326 = arith.constant 0 : i32
          %dma_wait3A_327 = tpu.memref_slice %arg17[%dma_wait3A_325, %dma_wait3A_326] : memref<10000x32xf32, #tpu.memory_space<vmem_shared>> -> memref<10000x32xf32, #tpu.memory_space<vmem_shared>>
          tpu.wait_indirect_dma semaphore(%arg27 : memref<!tpu.dma_semaphore, #tpu.memory_space<semaphore_mem>>) src(%arg9 : memref<125x32xf32, #tpu.memory_space<vmem>>) dst(%dma_wait3A_327 : memref<10000x32xf32, #tpu.memory_space<vmem_shared>>)
        } else {
        }
        %dma_start3A_315 = arith.constant 0 : i32
        %dma_start3A_316 = tpu.memref_slice %arg6[%add3A_221, %dma_start3A_315] : memref<80x125xi32, #tpu.memory_space<vmem>> -> memref<1x125xi32, #tpu.memory_space<vmem>>
        %dma_start3A_317 = tpu.memref_squeeze %dma_start3A_316 : memref<1x125xi32, #tpu.memory_space<vmem>> -> memref<125xi32, #tpu.memory_space<vmem>>
        %dma_start3A_318 = arith.constant 0 : i32
        %dma_start3A_319 = arith.constant 0 : i32
        %dma_start3A_320 = tpu.memref_slice %arg2[%dma_start3A_318, %dma_start3A_319] : memref<10000x32xf32, #tpu.memory_space<hbm>> -> memref<10000x32xf32, #tpu.memory_space<hbm>>
        tpu.enqueue_indirect_dma source(%dma_start3A_320 : memref<10000x32xf32, #tpu.memory_space<hbm>>) target(%arg9 : memref<125x32xf32, #tpu.memory_space<vmem>>) offsets(%dma_start3A_317 : memref<125xi32, #tpu.memory_space<vmem>>) semaphore(%arg19 : memref<!tpu.dma_semaphore, #tpu.memory_space<semaphore_mem>>)
      } else {
      }
      %add3A_227 = arith.constant 4 : i32
      %add3A_228 = arith.addi %mul3A_144, %add3A_227 : i32
      %dma_wait3A_229 = arith.constant 0 : i32
      %dma_wait3A_230 = tpu.memref_slice %arg6[%add3A_228, %dma_wait3A_229] : memref<80x125xi32, #tpu.memory_space<vmem>> -> memref<1x125xi32, #tpu.memory_space<vmem>>
      %dma_wait3A_231 = tpu.memref_squeeze %dma_wait3A_230 : memref<1x125xi32, #tpu.memory_space<vmem>> -> memref<125xi32, #tpu.memory_space<vmem>>
      %dma_wait3A_232 = arith.constant 0 : i32
      %dma_wait3A_233 = arith.constant 0 : i32
      %dma_wait3A_234 = tpu.memref_slice %arg2[%dma_wait3A_232, %dma_wait3A_233] : memref<10000x32xf32, #tpu.memory_space<hbm>> -> memref<10000x32xf32, #tpu.memory_space<hbm>>
      tpu.wait_indirect_dma semaphore(%arg22 : memref<!tpu.dma_semaphore, #tpu.memory_space<semaphore_mem>>) src(%dma_wait3A_234 : memref<10000x32xf32, #tpu.memory_space<hbm>>) dst(%arg12 : memref<125x32xf32, #tpu.memory_space<vmem>>)
      %dma_start3A_235 = arith.constant 0 : i32
      %dma_start3A_236 = tpu.memref_slice %arg7[%add3A_228, %dma_start3A_235] : memref<80x125xi32, #tpu.memory_space<vmem>> -> memref<1x125xi32, #tpu.memory_space<vmem>>
      %dma_start3A_237 = tpu.memref_squeeze %dma_start3A_236 : memref<1x125xi32, #tpu.memory_space<vmem>> -> memref<125xi32, #tpu.memory_space<vmem>>
      %dma_start3A_238 = arith.constant 0 : i32
      %dma_start3A_239 = arith.constant 0 : i32
      %dma_start3A_240 = tpu.memref_slice %arg17[%dma_start3A_238, %dma_start3A_239] : memref<10000x32xf32, #tpu.memory_space<vmem_shared>> -> memref<10000x32xf32, #tpu.memory_space<vmem_shared>>
      tpu.enqueue_indirect_dma source(%arg12 : memref<125x32xf32, #tpu.memory_space<vmem>>) target(%dma_start3A_240 : memref<10000x32xf32, #tpu.memory_space<vmem_shared>>) offsets(%dma_start3A_237 : memref<125xi32, #tpu.memory_space<vmem>>) semaphore(%arg30 : memref<!tpu.dma_semaphore, #tpu.memory_space<semaphore_mem>>) {add = true}
      %add3A_241 = arith.constant 6 : i32
      %add3A_242 = arith.addi %add3A_228, %add3A_241 : i32
      %lt3A_243 = arith.constant 80 : i32
      %lt3A_244 = arith.cmpi slt, %add3A_242, %lt3A_243 : i32
      %convert_element_type3A_245 = arith.extui %lt3A_244 : i1 to i32
      %cond3A_246 = arith.constant 0 : i32
      %cond3A_247 = arith.cmpi ne, %convert_element_type3A_245, %cond3A_246 : i32
      scf.if %cond3A_247 {
        %ge3A = arith.constant 8 : i32
        %ge3A_311 = arith.cmpi sge, %add3A_242, %ge3A : i32
        %convert_element_type3A_312 = arith.extui %ge3A_311 : i1 to i32
        %cond3A_313 = arith.constant 0 : i32
        %cond3A_314 = arith.cmpi ne, %convert_element_type3A_312, %cond3A_313 : i32
        scf.if %cond3A_314 {
          %sub3A = arith.constant 8 : i32
          %sub3A_321 = arith.subi %add3A_242, %sub3A : i32
          %dma_wait3A_322 = arith.constant 0 : i32
          %dma_wait3A_323 = tpu.memref_slice %arg7[%sub3A_321, %dma_wait3A_322] : memref<80x125xi32, #tpu.memory_space<vmem>> -> memref<1x125xi32, #tpu.memory_space<vmem>>
          %dma_wait3A_324 = tpu.memref_squeeze %dma_wait3A_323 : memref<1x125xi32, #tpu.memory_space<vmem>> -> memref<125xi32, #tpu.memory_space<vmem>>
          %dma_wait3A_325 = arith.constant 0 : i32
          %dma_wait3A_326 = arith.constant 0 : i32
          %dma_wait3A_327 = tpu.memref_slice %arg17[%dma_wait3A_325, %dma_wait3A_326] : memref<10000x32xf32, #tpu.memory_space<vmem_shared>> -> memref<10000x32xf32, #tpu.memory_space<vmem_shared>>
          tpu.wait_indirect_dma semaphore(%arg28 : memref<!tpu.dma_semaphore, #tpu.memory_space<semaphore_mem>>) src(%arg10 : memref<125x32xf32, #tpu.memory_space<vmem>>) dst(%dma_wait3A_327 : memref<10000x32xf32, #tpu.memory_space<vmem_shared>>)
        } else {
        }
        %dma_start3A_315 = arith.constant 0 : i32
        %dma_start3A_316 = tpu.memref_slice %arg6[%add3A_242, %dma_start3A_315] : memref<80x125xi32, #tpu.memory_space<vmem>> -> memref<1x125xi32, #tpu.memory_space<vmem>>
        %dma_start3A_317 = tpu.memref_squeeze %dma_start3A_316 : memref<1x125xi32, #tpu.memory_space<vmem>> -> memref<125xi32, #tpu.memory_space<vmem>>
        %dma_start3A_318 = arith.constant 0 : i32
        %dma_start3A_319 = arith.constant 0 : i32
        %dma_start3A_320 = tpu.memref_slice %arg2[%dma_start3A_318, %dma_start3A_319] : memref<10000x32xf32, #tpu.memory_space<hbm>> -> memref<10000x32xf32, #tpu.memory_space<hbm>>
        tpu.enqueue_indirect_dma source(%dma_start3A_320 : memref<10000x32xf32, #tpu.memory_space<hbm>>) target(%arg10 : memref<125x32xf32, #tpu.memory_space<vmem>>) offsets(%dma_start3A_317 : memref<125xi32, #tpu.memory_space<vmem>>) semaphore(%arg20 : memref<!tpu.dma_semaphore, #tpu.memory_space<semaphore_mem>>)
      } else {
      }
      %add3A_248 = arith.constant 5 : i32
      %add3A_249 = arith.addi %mul3A_144, %add3A_248 : i32
      %dma_wait3A_250 = arith.constant 0 : i32
      %dma_wait3A_251 = tpu.memref_slice %arg6[%add3A_249, %dma_wait3A_250] : memref<80x125xi32, #tpu.memory_space<vmem>> -> memref<1x125xi32, #tpu.memory_space<vmem>>
      %dma_wait3A_252 = tpu.memref_squeeze %dma_wait3A_251 : memref<1x125xi32, #tpu.memory_space<vmem>> -> memref<125xi32, #tpu.memory_space<vmem>>
      %dma_wait3A_253 = arith.constant 0 : i32
      %dma_wait3A_254 = arith.constant 0 : i32
      %dma_wait3A_255 = tpu.memref_slice %arg2[%dma_wait3A_253, %dma_wait3A_254] : memref<10000x32xf32, #tpu.memory_space<hbm>> -> memref<10000x32xf32, #tpu.memory_space<hbm>>
      tpu.wait_indirect_dma semaphore(%arg23 : memref<!tpu.dma_semaphore, #tpu.memory_space<semaphore_mem>>) src(%dma_wait3A_255 : memref<10000x32xf32, #tpu.memory_space<hbm>>) dst(%arg13 : memref<125x32xf32, #tpu.memory_space<vmem>>)
      %dma_start3A_256 = arith.constant 0 : i32
      %dma_start3A_257 = tpu.memref_slice %arg7[%add3A_249, %dma_start3A_256] : memref<80x125xi32, #tpu.memory_space<vmem>> -> memref<1x125xi32, #tpu.memory_space<vmem>>
      %dma_start3A_258 = tpu.memref_squeeze %dma_start3A_257 : memref<1x125xi32, #tpu.memory_space<vmem>> -> memref<125xi32, #tpu.memory_space<vmem>>
      %dma_start3A_259 = arith.constant 0 : i32
      %dma_start3A_260 = arith.constant 0 : i32
      %dma_start3A_261 = tpu.memref_slice %arg17[%dma_start3A_259, %dma_start3A_260] : memref<10000x32xf32, #tpu.memory_space<vmem_shared>> -> memref<10000x32xf32, #tpu.memory_space<vmem_shared>>
      tpu.enqueue_indirect_dma source(%arg13 : memref<125x32xf32, #tpu.memory_space<vmem>>) target(%dma_start3A_261 : memref<10000x32xf32, #tpu.memory_space<vmem_shared>>) offsets(%dma_start3A_258 : memref<125xi32, #tpu.memory_space<vmem>>) semaphore(%arg31 : memref<!tpu.dma_semaphore, #tpu.memory_space<semaphore_mem>>) {add = true}
      %add3A_262 = arith.constant 6 : i32
      %add3A_263 = arith.addi %add3A_249, %add3A_262 : i32
      %lt3A_264 = arith.constant 80 : i32
      %lt3A_265 = arith.cmpi slt, %add3A_263, %lt3A_264 : i32
      %convert_element_type3A_266 = arith.extui %lt3A_265 : i1 to i32
      %cond3A_267 = arith.constant 0 : i32
      %cond3A_268 = arith.cmpi ne, %convert_element_type3A_266, %cond3A_267 : i32
      scf.if %cond3A_268 {
        %ge3A = arith.constant 8 : i32
        %ge3A_311 = arith.cmpi sge, %add3A_263, %ge3A : i32
        %convert_element_type3A_312 = arith.extui %ge3A_311 : i1 to i32
        %cond3A_313 = arith.constant 0 : i32
        %cond3A_314 = arith.cmpi ne, %convert_element_type3A_312, %cond3A_313 : i32
        scf.if %cond3A_314 {
          %sub3A = arith.constant 8 : i32
          %sub3A_321 = arith.subi %add3A_263, %sub3A : i32
          %dma_wait3A_322 = arith.constant 0 : i32
          %dma_wait3A_323 = tpu.memref_slice %arg7[%sub3A_321, %dma_wait3A_322] : memref<80x125xi32, #tpu.memory_space<vmem>> -> memref<1x125xi32, #tpu.memory_space<vmem>>
          %dma_wait3A_324 = tpu.memref_squeeze %dma_wait3A_323 : memref<1x125xi32, #tpu.memory_space<vmem>> -> memref<125xi32, #tpu.memory_space<vmem>>
          %dma_wait3A_325 = arith.constant 0 : i32
          %dma_wait3A_326 = arith.constant 0 : i32
          %dma_wait3A_327 = tpu.memref_slice %arg17[%dma_wait3A_325, %dma_wait3A_326] : memref<10000x32xf32, #tpu.memory_space<vmem_shared>> -> memref<10000x32xf32, #tpu.memory_space<vmem_shared>>
          tpu.wait_indirect_dma semaphore(%arg29 : memref<!tpu.dma_semaphore, #tpu.memory_space<semaphore_mem>>) src(%arg11 : memref<125x32xf32, #tpu.memory_space<vmem>>) dst(%dma_wait3A_327 : memref<10000x32xf32, #tpu.memory_space<vmem_shared>>)
        } else {
        }
        %dma_start3A_315 = arith.constant 0 : i32
        %dma_start3A_316 = tpu.memref_slice %arg6[%add3A_263, %dma_start3A_315] : memref<80x125xi32, #tpu.memory_space<vmem>> -> memref<1x125xi32, #tpu.memory_space<vmem>>
        %dma_start3A_317 = tpu.memref_squeeze %dma_start3A_316 : memref<1x125xi32, #tpu.memory_space<vmem>> -> memref<125xi32, #tpu.memory_space<vmem>>
        %dma_start3A_318 = arith.constant 0 : i32
        %dma_start3A_319 = arith.constant 0 : i32
        %dma_start3A_320 = tpu.memref_slice %arg2[%dma_start3A_318, %dma_start3A_319] : memref<10000x32xf32, #tpu.memory_space<hbm>> -> memref<10000x32xf32, #tpu.memory_space<hbm>>
        tpu.enqueue_indirect_dma source(%dma_start3A_320 : memref<10000x32xf32, #tpu.memory_space<hbm>>) target(%arg11 : memref<125x32xf32, #tpu.memory_space<vmem>>) offsets(%dma_start3A_317 : memref<125xi32, #tpu.memory_space<vmem>>) semaphore(%arg21 : memref<!tpu.dma_semaphore, #tpu.memory_space<semaphore_mem>>)
      } else {
      }
      %add3A_269 = arith.constant 6 : i32
      %add3A_270 = arith.addi %mul3A_144, %add3A_269 : i32
      %dma_wait3A_271 = arith.constant 0 : i32
      %dma_wait3A_272 = tpu.memref_slice %arg6[%add3A_270, %dma_wait3A_271] : memref<80x125xi32, #tpu.memory_space<vmem>> -> memref<1x125xi32, #tpu.memory_space<vmem>>
      %dma_wait3A_273 = tpu.memref_squeeze %dma_wait3A_272 : memref<1x125xi32, #tpu.memory_space<vmem>> -> memref<125xi32, #tpu.memory_space<vmem>>
      %dma_wait3A_274 = arith.constant 0 : i32
      %dma_wait3A_275 = arith.constant 0 : i32
      %dma_wait3A_276 = tpu.memref_slice %arg2[%dma_wait3A_274, %dma_wait3A_275] : memref<10000x32xf32, #tpu.memory_space<hbm>> -> memref<10000x32xf32, #tpu.memory_space<hbm>>
      tpu.wait_indirect_dma semaphore(%arg24 : memref<!tpu.dma_semaphore, #tpu.memory_space<semaphore_mem>>) src(%dma_wait3A_276 : memref<10000x32xf32, #tpu.memory_space<hbm>>) dst(%arg14 : memref<125x32xf32, #tpu.memory_space<vmem>>)
      %dma_start3A_277 = arith.constant 0 : i32
      %dma_start3A_278 = tpu.memref_slice %arg7[%add3A_270, %dma_start3A_277] : memref<80x125xi32, #tpu.memory_space<vmem>> -> memref<1x125xi32, #tpu.memory_space<vmem>>
      %dma_start3A_279 = tpu.memref_squeeze %dma_start3A_278 : memref<1x125xi32, #tpu.memory_space<vmem>> -> memref<125xi32, #tpu.memory_space<vmem>>
      %dma_start3A_280 = arith.constant 0 : i32
      %dma_start3A_281 = arith.constant 0 : i32
      %dma_start3A_282 = tpu.memref_slice %arg17[%dma_start3A_280, %dma_start3A_281] : memref<10000x32xf32, #tpu.memory_space<vmem_shared>> -> memref<10000x32xf32, #tpu.memory_space<vmem_shared>>
      tpu.enqueue_indirect_dma source(%arg14 : memref<125x32xf32, #tpu.memory_space<vmem>>) target(%dma_start3A_282 : memref<10000x32xf32, #tpu.memory_space<vmem_shared>>) offsets(%dma_start3A_279 : memref<125xi32, #tpu.memory_space<vmem>>) semaphore(%arg32 : memref<!tpu.dma_semaphore, #tpu.memory_space<semaphore_mem>>) {add = true}
      %add3A_283 = arith.constant 6 : i32
      %add3A_284 = arith.addi %add3A_270, %add3A_283 : i32
      %lt3A_285 = arith.constant 80 : i32
      %lt3A_286 = arith.cmpi slt, %add3A_284, %lt3A_285 : i32
      %convert_element_type3A_287 = arith.extui %lt3A_286 : i1 to i32
      %cond3A_288 = arith.constant 0 : i32
      %cond3A_289 = arith.cmpi ne, %convert_element_type3A_287, %cond3A_288 : i32
      scf.if %cond3A_289 {
        %ge3A = arith.constant 8 : i32
        %ge3A_311 = arith.cmpi sge, %add3A_284, %ge3A : i32
        %convert_element_type3A_312 = arith.extui %ge3A_311 : i1 to i32
        %cond3A_313 = arith.constant 0 : i32
        %cond3A_314 = arith.cmpi ne, %convert_element_type3A_312, %cond3A_313 : i32
        scf.if %cond3A_314 {
          %sub3A = arith.constant 8 : i32
          %sub3A_321 = arith.subi %add3A_284, %sub3A : i32
          %dma_wait3A_322 = arith.constant 0 : i32
          %dma_wait3A_323 = tpu.memref_slice %arg7[%sub3A_321, %dma_wait3A_322] : memref<80x125xi32, #tpu.memory_space<vmem>> -> memref<1x125xi32, #tpu.memory_space<vmem>>
          %dma_wait3A_324 = tpu.memref_squeeze %dma_wait3A_323 : memref<1x125xi32, #tpu.memory_space<vmem>> -> memref<125xi32, #tpu.memory_space<vmem>>
          %dma_wait3A_325 = arith.constant 0 : i32
          %dma_wait3A_326 = arith.constant 0 : i32
          %dma_wait3A_327 = tpu.memref_slice %arg17[%dma_wait3A_325, %dma_wait3A_326] : memref<10000x32xf32, #tpu.memory_space<vmem_shared>> -> memref<10000x32xf32, #tpu.memory_space<vmem_shared>>
          tpu.wait_indirect_dma semaphore(%arg30 : memref<!tpu.dma_semaphore, #tpu.memory_space<semaphore_mem>>) src(%arg12 : memref<125x32xf32, #tpu.memory_space<vmem>>) dst(%dma_wait3A_327 : memref<10000x32xf32, #tpu.memory_space<vmem_shared>>)
        } else {
        }
        %dma_start3A_315 = arith.constant 0 : i32
        %dma_start3A_316 = tpu.memref_slice %arg6[%add3A_284, %dma_start3A_315] : memref<80x125xi32, #tpu.memory_space<vmem>> -> memref<1x125xi32, #tpu.memory_space<vmem>>
        %dma_start3A_317 = tpu.memref_squeeze %dma_start3A_316 : memref<1x125xi32, #tpu.memory_space<vmem>> -> memref<125xi32, #tpu.memory_space<vmem>>
        %dma_start3A_318 = arith.constant 0 : i32
        %dma_start3A_319 = arith.constant 0 : i32
        %dma_start3A_320 = tpu.memref_slice %arg2[%dma_start3A_318, %dma_start3A_319] : memref<10000x32xf32, #tpu.memory_space<hbm>> -> memref<10000x32xf32, #tpu.memory_space<hbm>>
        tpu.enqueue_indirect_dma source(%dma_start3A_320 : memref<10000x32xf32, #tpu.memory_space<hbm>>) target(%arg12 : memref<125x32xf32, #tpu.memory_space<vmem>>) offsets(%dma_start3A_317 : memref<125xi32, #tpu.memory_space<vmem>>) semaphore(%arg22 : memref<!tpu.dma_semaphore, #tpu.memory_space<semaphore_mem>>)
      } else {
      }
      %add3A_290 = arith.constant 7 : i32
      %add3A_291 = arith.addi %mul3A_144, %add3A_290 : i32
      %dma_wait3A_292 = arith.constant 0 : i32
      %dma_wait3A_293 = tpu.memref_slice %arg6[%add3A_291, %dma_wait3A_292] : memref<80x125xi32, #tpu.memory_space<vmem>> -> memref<1x125xi32, #tpu.memory_space<vmem>>
      %dma_wait3A_294 = tpu.memref_squeeze %dma_wait3A_293 : memref<1x125xi32, #tpu.memory_space<vmem>> -> memref<125xi32, #tpu.memory_space<vmem>>
      %dma_wait3A_295 = arith.constant 0 : i32
      %dma_wait3A_296 = arith.constant 0 : i32
      %dma_wait3A_297 = tpu.memref_slice %arg2[%dma_wait3A_295, %dma_wait3A_296] : memref<10000x32xf32, #tpu.memory_space<hbm>> -> memref<10000x32xf32, #tpu.memory_space<hbm>>
      tpu.wait_indirect_dma semaphore(%arg25 : memref<!tpu.dma_semaphore, #tpu.memory_space<semaphore_mem>>) src(%dma_wait3A_297 : memref<10000x32xf32, #tpu.memory_space<hbm>>) dst(%arg15 : memref<125x32xf32, #tpu.memory_space<vmem>>)
      %dma_start3A_298 = arith.constant 0 : i32
      %dma_start3A_299 = tpu.memref_slice %arg7[%add3A_291, %dma_start3A_298] : memref<80x125xi32, #tpu.memory_space<vmem>> -> memref<1x125xi32, #tpu.memory_space<vmem>>
      %dma_start3A_300 = tpu.memref_squeeze %dma_start3A_299 : memref<1x125xi32, #tpu.memory_space<vmem>> -> memref<125xi32, #tpu.memory_space<vmem>>
      %dma_start3A_301 = arith.constant 0 : i32
      %dma_start3A_302 = arith.constant 0 : i32
      %dma_start3A_303 = tpu.memref_slice %arg17[%dma_start3A_301, %dma_start3A_302] : memref<10000x32xf32, #tpu.memory_space<vmem_shared>> -> memref<10000x32xf32, #tpu.memory_space<vmem_shared>>
      tpu.enqueue_indirect_dma source(%arg15 : memref<125x32xf32, #tpu.memory_space<vmem>>) target(%dma_start3A_303 : memref<10000x32xf32, #tpu.memory_space<vmem_shared>>) offsets(%dma_start3A_300 : memref<125xi32, #tpu.memory_space<vmem>>) semaphore(%arg33 : memref<!tpu.dma_semaphore, #tpu.memory_space<semaphore_mem>>) {add = true}
      %add3A_304 = arith.constant 6 : i32
      %add3A_305 = arith.addi %add3A_291, %add3A_304 : i32
      %lt3A_306 = arith.constant 80 : i32
      %lt3A_307 = arith.cmpi slt, %add3A_305, %lt3A_306 : i32
      %convert_element_type3A_308 = arith.extui %lt3A_307 : i1 to i32
      %cond3A_309 = arith.constant 0 : i32
      %cond3A_310 = arith.cmpi ne, %convert_element_type3A_308, %cond3A_309 : i32
      scf.if %cond3A_310 {
        %ge3A = arith.constant 8 : i32
        %ge3A_311 = arith.cmpi sge, %add3A_305, %ge3A : i32
        %convert_element_type3A_312 = arith.extui %ge3A_311 : i1 to i32
        %cond3A_313 = arith.constant 0 : i32
        %cond3A_314 = arith.cmpi ne, %convert_element_type3A_312, %cond3A_313 : i32
        scf.if %cond3A_314 {
          %sub3A = arith.constant 8 : i32
          %sub3A_321 = arith.subi %add3A_305, %sub3A : i32
          %dma_wait3A_322 = arith.constant 0 : i32
          %dma_wait3A_323 = tpu.memref_slice %arg7[%sub3A_321, %dma_wait3A_322] : memref<80x125xi32, #tpu.memory_space<vmem>> -> memref<1x125xi32, #tpu.memory_space<vmem>>
          %dma_wait3A_324 = tpu.memref_squeeze %dma_wait3A_323 : memref<1x125xi32, #tpu.memory_space<vmem>> -> memref<125xi32, #tpu.memory_space<vmem>>
          %dma_wait3A_325 = arith.constant 0 : i32
          %dma_wait3A_326 = arith.constant 0 : i32
          %dma_wait3A_327 = tpu.memref_slice %arg17[%dma_wait3A_325, %dma_wait3A_326] : memref<10000x32xf32, #tpu.memory_space<vmem_shared>> -> memref<10000x32xf32, #tpu.memory_space<vmem_shared>>
          tpu.wait_indirect_dma semaphore(%arg31 : memref<!tpu.dma_semaphore, #tpu.memory_space<semaphore_mem>>) src(%arg13 : memref<125x32xf32, #tpu.memory_space<vmem>>) dst(%dma_wait3A_327 : memref<10000x32xf32, #tpu.memory_space<vmem_shared>>)
        } else {
        }
        %dma_start3A_315 = arith.constant 0 : i32
        %dma_start3A_316 = tpu.memref_slice %arg6[%add3A_305, %dma_start3A_315] : memref<80x125xi32, #tpu.memory_space<vmem>> -> memref<1x125xi32, #tpu.memory_space<vmem>>
        %dma_start3A_317 = tpu.memref_squeeze %dma_start3A_316 : memref<1x125xi32, #tpu.memory_space<vmem>> -> memref<125xi32, #tpu.memory_space<vmem>>
        %dma_start3A_318 = arith.constant 0 : i32
        %dma_start3A_319 = arith.constant 0 : i32
        %dma_start3A_320 = tpu.memref_slice %arg2[%dma_start3A_318, %dma_start3A_319] : memref<10000x32xf32, #tpu.memory_space<hbm>> -> memref<10000x32xf32, #tpu.memory_space<hbm>>
        tpu.enqueue_indirect_dma source(%dma_start3A_320 : memref<10000x32xf32, #tpu.memory_space<hbm>>) target(%arg13 : memref<125x32xf32, #tpu.memory_space<vmem>>) offsets(%dma_start3A_317 : memref<125xi32, #tpu.memory_space<vmem>>) semaphore(%arg23 : memref<!tpu.dma_semaphore, #tpu.memory_space<semaphore_mem>>)
      } else {
      }
    }
    %scan3A_79 = arith.constant 10 : i32
    %dma_wait3A_80 = arith.constant 72 : i32
    %dma_wait3A_81 = arith.constant 0 : i32
    %dma_wait3A_82 = tpu.memref_slice %arg7[%dma_wait3A_80, %dma_wait3A_81] : memref<80x125xi32, #tpu.memory_space<vmem>> -> memref<1x125xi32, #tpu.memory_space<vmem>>
    %dma_wait3A_83 = tpu.memref_squeeze %dma_wait3A_82 : memref<1x125xi32, #tpu.memory_space<vmem>> -> memref<125xi32, #tpu.memory_space<vmem>>
    %dma_wait3A_84 = arith.constant 0 : i32
    %dma_wait3A_85 = arith.constant 0 : i32
    %dma_wait3A_86 = tpu.memref_slice %arg17[%dma_wait3A_84, %dma_wait3A_85] : memref<10000x32xf32, #tpu.memory_space<vmem_shared>> -> memref<10000x32xf32, #tpu.memory_space<vmem_shared>>
    tpu.wait_indirect_dma semaphore(%arg26 : memref<!tpu.dma_semaphore, #tpu.memory_space<semaphore_mem>>) src(%arg8 : memref<125x32xf32, #tpu.memory_space<vmem>>) dst(%dma_wait3A_86 : memref<10000x32xf32, #tpu.memory_space<vmem_shared>>)
    %dma_wait3A_87 = arith.constant 73 : i32
    %dma_wait3A_88 = arith.constant 0 : i32
    %dma_wait3A_89 = tpu.memref_slice %arg7[%dma_wait3A_87, %dma_wait3A_88] : memref<80x125xi32, #tpu.memory_space<vmem>> -> memref<1x125xi32, #tpu.memory_space<vmem>>
    %dma_wait3A_90 = tpu.memref_squeeze %dma_wait3A_89 : memref<1x125xi32, #tpu.memory_space<vmem>> -> memref<125xi32, #tpu.memory_space<vmem>>
    %dma_wait3A_91 = arith.constant 0 : i32
    %dma_wait3A_92 = arith.constant 0 : i32
    %dma_wait3A_93 = tpu.memref_slice %arg17[%dma_wait3A_91, %dma_wait3A_92] : memref<10000x32xf32, #tpu.memory_space<vmem_shared>> -> memref<10000x32xf32, #tpu.memory_space<vmem_shared>>
    tpu.wait_indirect_dma semaphore(%arg27 : memref<!tpu.dma_semaphore, #tpu.memory_space<semaphore_mem>>) src(%arg9 : memref<125x32xf32, #tpu.memory_space<vmem>>) dst(%dma_wait3A_93 : memref<10000x32xf32, #tpu.memory_space<vmem_shared>>)
    %dma_wait3A_94 = arith.constant 74 : i32
    %dma_wait3A_95 = arith.constant 0 : i32
    %dma_wait3A_96 = tpu.memref_slice %arg7[%dma_wait3A_94, %dma_wait3A_95] : memref<80x125xi32, #tpu.memory_space<vmem>> -> memref<1x125xi32, #tpu.memory_space<vmem>>
    %dma_wait3A_97 = tpu.memref_squeeze %dma_wait3A_96 : memref<1x125xi32, #tpu.memory_space<vmem>> -> memref<125xi32, #tpu.memory_space<vmem>>
    %dma_wait3A_98 = arith.constant 0 : i32
    %dma_wait3A_99 = arith.constant 0 : i32
    %dma_wait3A_100 = tpu.memref_slice %arg17[%dma_wait3A_98, %dma_wait3A_99] : memref<10000x32xf32, #tpu.memory_space<vmem_shared>> -> memref<10000x32xf32, #tpu.memory_space<vmem_shared>>
    tpu.wait_indirect_dma semaphore(%arg28 : memref<!tpu.dma_semaphore, #tpu.memory_space<semaphore_mem>>) src(%arg10 : memref<125x32xf32, #tpu.memory_space<vmem>>) dst(%dma_wait3A_100 : memref<10000x32xf32, #tpu.memory_space<vmem_shared>>)
    %dma_wait3A_101 = arith.constant 75 : i32
    %dma_wait3A_102 = arith.constant 0 : i32
    %dma_wait3A_103 = tpu.memref_slice %arg7[%dma_wait3A_101, %dma_wait3A_102] : memref<80x125xi32, #tpu.memory_space<vmem>> -> memref<1x125xi32, #tpu.memory_space<vmem>>
    %dma_wait3A_104 = tpu.memref_squeeze %dma_wait3A_103 : memref<1x125xi32, #tpu.memory_space<vmem>> -> memref<125xi32, #tpu.memory_space<vmem>>
    %dma_wait3A_105 = arith.constant 0 : i32
    %dma_wait3A_106 = arith.constant 0 : i32
    %dma_wait3A_107 = tpu.memref_slice %arg17[%dma_wait3A_105, %dma_wait3A_106] : memref<10000x32xf32, #tpu.memory_space<vmem_shared>> -> memref<10000x32xf32, #tpu.memory_space<vmem_shared>>
    tpu.wait_indirect_dma semaphore(%arg29 : memref<!tpu.dma_semaphore, #tpu.memory_space<semaphore_mem>>) src(%arg11 : memref<125x32xf32, #tpu.memory_space<vmem>>) dst(%dma_wait3A_107 : memref<10000x32xf32, #tpu.memory_space<vmem_shared>>)
    %dma_wait3A_108 = arith.constant 76 : i32
    %dma_wait3A_109 = arith.constant 0 : i32
    %dma_wait3A_110 = tpu.memref_slice %arg7[%dma_wait3A_108, %dma_wait3A_109] : memref<80x125xi32, #tpu.memory_space<vmem>> -> memref<1x125xi32, #tpu.memory_space<vmem>>
    %dma_wait3A_111 = tpu.memref_squeeze %dma_wait3A_110 : memref<1x125xi32, #tpu.memory_space<vmem>> -> memref<125xi32, #tpu.memory_space<vmem>>
    %dma_wait3A_112 = arith.constant 0 : i32
    %dma_wait3A_113 = arith.constant 0 : i32
    %dma_wait3A_114 = tpu.memref_slice %arg17[%dma_wait3A_112, %dma_wait3A_113] : memref<10000x32xf32, #tpu.memory_space<vmem_shared>> -> memref<10000x32xf32, #tpu.memory_space<vmem_shared>>
    tpu.wait_indirect_dma semaphore(%arg30 : memref<!tpu.dma_semaphore, #tpu.memory_space<semaphore_mem>>) src(%arg12 : memref<125x32xf32, #tpu.memory_space<vmem>>) dst(%dma_wait3A_114 : memref<10000x32xf32, #tpu.memory_space<vmem_shared>>)
    %dma_wait3A_115 = arith.constant 77 : i32
    %dma_wait3A_116 = arith.constant 0 : i32
    %dma_wait3A_117 = tpu.memref_slice %arg7[%dma_wait3A_115, %dma_wait3A_116] : memref<80x125xi32, #tpu.memory_space<vmem>> -> memref<1x125xi32, #tpu.memory_space<vmem>>
    %dma_wait3A_118 = tpu.memref_squeeze %dma_wait3A_117 : memref<1x125xi32, #tpu.memory_space<vmem>> -> memref<125xi32, #tpu.memory_space<vmem>>
    %dma_wait3A_119 = arith.constant 0 : i32
    %dma_wait3A_120 = arith.constant 0 : i32
    %dma_wait3A_121 = tpu.memref_slice %arg17[%dma_wait3A_119, %dma_wait3A_120] : memref<10000x32xf32, #tpu.memory_space<vmem_shared>> -> memref<10000x32xf32, #tpu.memory_space<vmem_shared>>
    tpu.wait_indirect_dma semaphore(%arg31 : memref<!tpu.dma_semaphore, #tpu.memory_space<semaphore_mem>>) src(%arg13 : memref<125x32xf32, #tpu.memory_space<vmem>>) dst(%dma_wait3A_121 : memref<10000x32xf32, #tpu.memory_space<vmem_shared>>)
    %dma_wait3A_122 = arith.constant 78 : i32
    %dma_wait3A_123 = arith.constant 0 : i32
    %dma_wait3A_124 = tpu.memref_slice %arg7[%dma_wait3A_122, %dma_wait3A_123] : memref<80x125xi32, #tpu.memory_space<vmem>> -> memref<1x125xi32, #tpu.memory_space<vmem>>
    %dma_wait3A_125 = tpu.memref_squeeze %dma_wait3A_124 : memref<1x125xi32, #tpu.memory_space<vmem>> -> memref<125xi32, #tpu.memory_space<vmem>>
    %dma_wait3A_126 = arith.constant 0 : i32
    %dma_wait3A_127 = arith.constant 0 : i32
    %dma_wait3A_128 = tpu.memref_slice %arg17[%dma_wait3A_126, %dma_wait3A_127] : memref<10000x32xf32, #tpu.memory_space<vmem_shared>> -> memref<10000x32xf32, #tpu.memory_space<vmem_shared>>
    tpu.wait_indirect_dma semaphore(%arg32 : memref<!tpu.dma_semaphore, #tpu.memory_space<semaphore_mem>>) src(%arg14 : memref<125x32xf32, #tpu.memory_space<vmem>>) dst(%dma_wait3A_128 : memref<10000x32xf32, #tpu.memory_space<vmem_shared>>)
    %dma_wait3A_129 = arith.constant 79 : i32
    %dma_wait3A_130 = arith.constant 0 : i32
    %dma_wait3A_131 = tpu.memref_slice %arg7[%dma_wait3A_129, %dma_wait3A_130] : memref<80x125xi32, #tpu.memory_space<vmem>> -> memref<1x125xi32, #tpu.memory_space<vmem>>
    %dma_wait3A_132 = tpu.memref_squeeze %dma_wait3A_131 : memref<1x125xi32, #tpu.memory_space<vmem>> -> memref<125xi32, #tpu.memory_space<vmem>>
    %dma_wait3A_133 = arith.constant 0 : i32
    %dma_wait3A_134 = arith.constant 0 : i32
    %dma_wait3A_135 = tpu.memref_slice %arg17[%dma_wait3A_133, %dma_wait3A_134] : memref<10000x32xf32, #tpu.memory_space<vmem_shared>> -> memref<10000x32xf32, #tpu.memory_space<vmem_shared>>
    tpu.wait_indirect_dma semaphore(%arg33 : memref<!tpu.dma_semaphore, #tpu.memory_space<semaphore_mem>>) src(%arg15 : memref<125x32xf32, #tpu.memory_space<vmem>>) dst(%dma_wait3A_135 : memref<10000x32xf32, #tpu.memory_space<vmem_shared>>)
    %barrier3A_136 = arith.constant 0 : index
    tpu.barrier barrier_id(%barrier3A_136)
    "tpu.region"() ({
      %run_scoped3A = tpu.sem_alloc : memref<!tpu.dma_semaphore, #tpu.memory_space<semaphore_mem>>
      %dma_start3A_142 = arith.constant 0 : i32
      %dma_start3A_143 = tpu.memref_slice %arg17[%mul3A_0, %dma_start3A_142] : memref<10000x32xf32, #tpu.memory_space<vmem_shared>> -> memref<624x32xf32, #tpu.memory_space<vmem_shared>>
      %dma_start3A_144 = arith.constant 0 : i32
      %dma_start3A_145 = tpu.memref_slice %arg17[%mul3A_0, %dma_start3A_144] : memref<10000x32xf32, #tpu.memory_space<vmem_shared>> -> memref<624x32xf32, #tpu.memory_space<vmem_shared>>
      tpu.enqueue_dma source(%dma_start3A_145 : memref<624x32xf32, #tpu.memory_space<vmem_shared>>) target(%arg16 : memref<624x32xf32, #tpu.memory_space<vmem>>) target_semaphore(%run_scoped3A : memref<!tpu.dma_semaphore, #tpu.memory_space<semaphore_mem>>)
      %dma_wait3A_146 = arith.constant 0 : i32
      %dma_wait3A_147 = tpu.memref_slice %arg17[%mul3A_0, %dma_wait3A_146] : memref<10000x32xf32, #tpu.memory_space<vmem_shared>> -> memref<624x32xf32, #tpu.memory_space<vmem_shared>>
      %dma_wait3A_148 = arith.constant 0 : i32
      %dma_wait3A_149 = tpu.memref_slice %arg17[%mul3A_0, %dma_wait3A_148] : memref<10000x32xf32, #tpu.memory_space<vmem_shared>> -> memref<624x32xf32, #tpu.memory_space<vmem_shared>>
      tpu.wait_dma2 semaphore(%run_scoped3A : memref<!tpu.dma_semaphore, #tpu.memory_space<semaphore_mem>>) src(%dma_wait3A_149 : memref<624x32xf32, #tpu.memory_space<vmem_shared>>) dst(%arg16 : memref<624x32xf32, #tpu.memory_space<vmem>>)
      tpu.yield
    }) : () -> ()
    "tpu.region"() ({
      %run_scoped3A = tpu.sem_alloc : memref<!tpu.dma_semaphore, #tpu.memory_space<semaphore_mem>>
      %dma_start3A_142 = arith.constant 0 : i32
      %dma_start3A_143 = tpu.memref_slice %arg5[%arg0, %mul3A_0, %dma_start3A_142] : memref<2x10000x32xf32, #tpu.memory_space<hbm>> -> memref<1x624x32xf32, #tpu.memory_space<hbm>>
      %dma_start3A_144 = tpu.memref_squeeze %dma_start3A_143 : memref<1x624x32xf32, #tpu.memory_space<hbm>> -> memref<624x32xf32, #tpu.memory_space<hbm>>
      %dma_start3A_145 = arith.constant 0 : i32
      %dma_start3A_146 = tpu.memref_slice %arg5[%arg0, %mul3A_0, %dma_start3A_145] : memref<2x10000x32xf32, #tpu.memory_space<hbm>> -> memref<1x624x32xf32, #tpu.memory_space<hbm>>
      %dma_start3A_147 = tpu.memref_squeeze %dma_start3A_146 : memref<1x624x32xf32, #tpu.memory_space<hbm>> -> memref<624x32xf32, #tpu.memory_space<hbm>>
      tpu.enqueue_dma source(%arg16 : memref<624x32xf32, #tpu.memory_space<vmem>>) target(%dma_start3A_147 : memref<624x32xf32, #tpu.memory_space<hbm>>) target_semaphore(%run_scoped3A : memref<!tpu.dma_semaphore, #tpu.memory_space<semaphore_mem>>)
      %dma_wait3A_148 = arith.constant 0 : i32
      %dma_wait3A_149 = tpu.memref_slice %arg5[%arg0, %mul3A_0, %dma_wait3A_148] : memref<2x10000x32xf32, #tpu.memory_space<hbm>> -> memref<1x624x32xf32, #tpu.memory_space<hbm>>
      %dma_wait3A_150 = tpu.memref_squeeze %dma_wait3A_149 : memref<1x624x32xf32, #tpu.memory_space<hbm>> -> memref<624x32xf32, #tpu.memory_space<hbm>>
      %dma_wait3A_151 = arith.constant 0 : i32
      %dma_wait3A_152 = tpu.memref_slice %arg5[%arg0, %mul3A_0, %dma_wait3A_151] : memref<2x10000x32xf32, #tpu.memory_space<hbm>> -> memref<1x624x32xf32, #tpu.memory_space<hbm>>
      %dma_wait3A_153 = tpu.memref_squeeze %dma_wait3A_152 : memref<1x624x32xf32, #tpu.memory_space<hbm>> -> memref<624x32xf32, #tpu.memory_space<hbm>>
      tpu.wait_dma2 semaphore(%run_scoped3A : memref<!tpu.dma_semaphore, #tpu.memory_space<semaphore_mem>>) src(%arg16 : memref<624x32xf32, #tpu.memory_space<vmem>>) dst(%dma_wait3A_153 : memref<624x32xf32, #tpu.memory_space<hbm>>)
      tpu.yield
    }) : () -> ()
    %eq3A_137 = arith.constant 0 : i32
    %eq3A_138 = arith.cmpi eq, %arg1, %eq3A_137 : i32
    %convert_element_type3A_139 = arith.extui %eq3A_138 : i1 to i32
    %cond3A_140 = arith.constant 0 : i32
    %cond3A_141 = arith.cmpi ne, %convert_element_type3A_139, %cond3A_140 : i32
    scf.if %cond3A_141 {
      "tpu.region"() ({
        %run_scoped3A = tpu.sem_alloc : memref<!tpu.dma_semaphore, #tpu.memory_space<semaphore_mem>>
        %dma_start3A_142 = arith.constant 0 : i32
        %dma_start3A_143 = arith.constant 0 : i32
        %dma_start3A_144 = tpu.memref_slice %arg16[%dma_start3A_142, %dma_start3A_143] : memref<624x32xf32, #tpu.memory_space<vmem>> -> memref<16x32xf32, #tpu.memory_space<vmem>>
        %dma_start3A_145 = arith.constant 9984 : i32
        %dma_start3A_146 = arith.constant 0 : i32
        %dma_start3A_147 = tpu.memref_slice %arg17[%dma_start3A_145, %dma_start3A_146] : memref<10000x32xf32, #tpu.memory_space<vmem_shared>> -> memref<16x32xf32, #tpu.memory_space<vmem_shared>>
        %dma_start3A_148 = arith.constant 0 : i32
        %dma_start3A_149 = arith.constant 0 : i32
        %dma_start3A_150 = tpu.memref_slice %arg16[%dma_start3A_148, %dma_start3A_149] : memref<624x32xf32, #tpu.memory_space<vmem>> -> memref<16x32xf32, #tpu.memory_space<vmem>>
        %dma_start3A_151 = arith.constant 9984 : i32
        %dma_start3A_152 = arith.constant 0 : i32
        %dma_start3A_153 = tpu.memref_slice %arg17[%dma_start3A_151, %dma_start3A_152] : memref<10000x32xf32, #tpu.memory_space<vmem_shared>> -> memref<16x32xf32, #tpu.memory_space<vmem_shared>>
        tpu.enqueue_dma source(%dma_start3A_153 : memref<16x32xf32, #tpu.memory_space<vmem_shared>>) target(%dma_start3A_150 : memref<16x32xf32, #tpu.memory_space<vmem>>) target_semaphore(%run_scoped3A : memref<!tpu.dma_semaphore, #tpu.memory_space<semaphore_mem>>)
        %dma_wait3A_154 = arith.constant 0 : i32
        %dma_wait3A_155 = arith.constant 0 : i32
        %dma_wait3A_156 = tpu.memref_slice %arg16[%dma_wait3A_154, %dma_wait3A_155] : memref<624x32xf32, #tpu.memory_space<vmem>> -> memref<16x32xf32, #tpu.memory_space<vmem>>
        %dma_wait3A_157 = arith.constant 9984 : i32
        %dma_wait3A_158 = arith.constant 0 : i32
        %dma_wait3A_159 = tpu.memref_slice %arg17[%dma_wait3A_157, %dma_wait3A_158] : memref<10000x32xf32, #tpu.memory_space<vmem_shared>> -> memref<16x32xf32, #tpu.memory_space<vmem_shared>>
        %dma_wait3A_160 = arith.constant 0 : i32
        %dma_wait3A_161 = arith.constant 0 : i32
        %dma_wait3A_162 = tpu.memref_slice %arg16[%dma_wait3A_160, %dma_wait3A_161] : memref<624x32xf32, #tpu.memory_space<vmem>> -> memref<16x32xf32, #tpu.memory_space<vmem>>
        %dma_wait3A_163 = arith.constant 9984 : i32
        %dma_wait3A_164 = arith.constant 0 : i32
        %dma_wait3A_165 = tpu.memref_slice %arg17[%dma_wait3A_163, %dma_wait3A_164] : memref<10000x32xf32, #tpu.memory_space<vmem_shared>> -> memref<16x32xf32, #tpu.memory_space<vmem_shared>>
        tpu.wait_dma2 semaphore(%run_scoped3A : memref<!tpu.dma_semaphore, #tpu.memory_space<semaphore_mem>>) src(%dma_wait3A_165 : memref<16x32xf32, #tpu.memory_space<vmem_shared>>) dst(%dma_wait3A_162 : memref<16x32xf32, #tpu.memory_space<vmem>>)
        tpu.yield
      }) : () -> ()
      "tpu.region"() ({
        %run_scoped3A = tpu.sem_alloc : memref<!tpu.dma_semaphore, #tpu.memory_space<semaphore_mem>>
        %dma_start3A_142 = arith.constant 0 : i32
        %dma_start3A_143 = arith.constant 0 : i32
        %dma_start3A_144 = tpu.memref_slice %arg16[%dma_start3A_142, %dma_start3A_143] : memref<624x32xf32, #tpu.memory_space<vmem>> -> memref<16x32xf32, #tpu.memory_space<vmem>>
        %dma_start3A_145 = arith.constant 9984 : i32
        %dma_start3A_146 = arith.constant 0 : i32
        %dma_start3A_147 = tpu.memref_slice %arg5[%arg0, %dma_start3A_145, %dma_start3A_146] : memref<2x10000x32xf32, #tpu.memory_space<hbm>> -> memref<1x16x32xf32, #tpu.memory_space<hbm>>
        %dma_start3A_148 = tpu.memref_squeeze %dma_start3A_147 : memref<1x16x32xf32, #tpu.memory_space<hbm>> -> memref<16x32xf32, #tpu.memory_space<hbm>>
        %dma_start3A_149 = arith.constant 9984 : i32
        %dma_start3A_150 = arith.constant 0 : i32
        %dma_start3A_151 = tpu.memref_slice %arg5[%arg0, %dma_start3A_149, %dma_start3A_150] : memref<2x10000x32xf32, #tpu.memory_space<hbm>> -> memref<1x16x32xf32, #tpu.memory_space<hbm>>
        %dma_start3A_152 = tpu.memref_squeeze %dma_start3A_151 : memref<1x16x32xf32, #tpu.memory_space<hbm>> -> memref<16x32xf32, #tpu.memory_space<hbm>>
        %dma_start3A_153 = arith.constant 0 : i32
        %dma_start3A_154 = arith.constant 0 : i32
        %dma_start3A_155 = tpu.memref_slice %arg16[%dma_start3A_153, %dma_start3A_154] : memref<624x32xf32, #tpu.memory_space<vmem>> -> memref<16x32xf32, #tpu.memory_space<vmem>>
        tpu.enqueue_dma source(%dma_start3A_155 : memref<16x32xf32, #tpu.memory_space<vmem>>) target(%dma_start3A_152 : memref<16x32xf32, #tpu.memory_space<hbm>>) target_semaphore(%run_scoped3A : memref<!tpu.dma_semaphore, #tpu.memory_space<semaphore_mem>>)
        %dma_wait3A_156 = arith.constant 0 : i32
        %dma_wait3A_157 = arith.constant 0 : i32
        %dma_wait3A_158 = tpu.memref_slice %arg16[%dma_wait3A_156, %dma_wait3A_157] : memref<624x32xf32, #tpu.memory_space<vmem>> -> memref<16x32xf32, #tpu.memory_space<vmem>>
        %dma_wait3A_159 = arith.constant 9984 : i32
        %dma_wait3A_160 = arith.constant 0 : i32
        %dma_wait3A_161 = tpu.memref_slice %arg5[%arg0, %dma_wait3A_159, %dma_wait3A_160] : memref<2x10000x32xf32, #tpu.memory_space<hbm>> -> memref<1x16x32xf32, #tpu.memory_space<hbm>>
        %dma_wait3A_162 = tpu.memref_squeeze %dma_wait3A_161 : memref<1x16x32xf32, #tpu.memory_space<hbm>> -> memref<16x32xf32, #tpu.memory_space<hbm>>
        %dma_wait3A_163 = arith.constant 9984 : i32
        %dma_wait3A_164 = arith.constant 0 : i32
        %dma_wait3A_165 = tpu.memref_slice %arg5[%arg0, %dma_wait3A_163, %dma_wait3A_164] : memref<2x10000x32xf32, #tpu.memory_space<hbm>> -> memref<1x16x32xf32, #tpu.memory_space<hbm>>
        %dma_wait3A_166 = tpu.memref_squeeze %dma_wait3A_165 : memref<1x16x32xf32, #tpu.memory_space<hbm>> -> memref<16x32xf32, #tpu.memory_space<hbm>>
        %dma_wait3A_167 = arith.constant 0 : i32
        %dma_wait3A_168 = arith.constant 0 : i32
        %dma_wait3A_169 = tpu.memref_slice %arg16[%dma_wait3A_167, %dma_wait3A_168] : memref<624x32xf32, #tpu.memory_space<vmem>> -> memref<16x32xf32, #tpu.memory_space<vmem>>
        tpu.wait_dma2 semaphore(%run_scoped3A : memref<!tpu.dma_semaphore, #tpu.memory_space<semaphore_mem>>) src(%dma_wait3A_169 : memref<16x32xf32, #tpu.memory_space<vmem>>) dst(%dma_wait3A_166 : memref<16x32xf32, #tpu.memory_space<hbm>>)
        tpu.yield
      }) : () -> ()
    } else {
    }
    return
  }
}

#map = affine_map<(d0, d1) -> (0, 0)>
#map1 = affine_map<(d0, d1) -> (0, 0, 0, 0)>
#map2 = affine_map<(d0, d1) -> (0, 0, 0)>
module attributes {stable_mosaic.version = 14 : i64} {
  func.func @_agg_kernel(%arg0: i32, %arg1: i32, %arg2: memref<10000x32xf32, #tpu.memory_space<hbm>>, %arg3: memref<2x16x80x125xi32, #tpu.memory_space<hbm>>, %arg4: memref<2x16x80x125xi32, #tpu.memory_space<hbm>>, %arg5: memref<2x10000x32xf32, #tpu.memory_space<hbm>>, %arg6: memref<80x125xi32, #tpu.memory_space<vmem>>, %arg7: memref<80x125xi32, #tpu.memory_space<vmem>>, %arg8: memref<125x32xf32, #tpu.memory_space<vmem>>, %arg9: memref<125x32xf32, #tpu.memory_space<vmem>>, %arg10: memref<125x32xf32, #tpu.memory_space<vmem>>, %arg11: memref<125x32xf32, #tpu.memory_space<vmem>>, %arg12: memref<125x32xf32, #tpu.memory_space<vmem>>, %arg13: memref<125x32xf32, #tpu.memory_space<vmem>>, %arg14: memref<125x32xf32, #tpu.memory_space<vmem>>, %arg15: memref<125x32xf32, #tpu.memory_space<vmem>>, %arg16: memref<624x32xf32, #tpu.memory_space<vmem>>, %arg17: memref<10000x32xf32, #tpu.memory_space<vmem_shared>>, %arg18: memref<!tpu.dma_semaphore, #tpu.memory_space<semaphore_mem>>, %arg19: memref<!tpu.dma_semaphore, #tpu.memory_space<semaphore_mem>>, %arg20: memref<!tpu.dma_semaphore, #tpu.memory_space<semaphore_mem>>, %arg21: memref<!tpu.dma_semaphore, #tpu.memory_space<semaphore_mem>>, %arg22: memref<!tpu.dma_semaphore, #tpu.memory_space<semaphore_mem>>, %arg23: memref<!tpu.dma_semaphore, #tpu.memory_space<semaphore_mem>>, %arg24: memref<!tpu.dma_semaphore, #tpu.memory_space<semaphore_mem>>, %arg25: memref<!tpu.dma_semaphore, #tpu.memory_space<semaphore_mem>>, %arg26: memref<!tpu.dma_semaphore, #tpu.memory_space<semaphore_mem>>, %arg27: memref<!tpu.dma_semaphore, #tpu.memory_space<semaphore_mem>>, %arg28: memref<!tpu.dma_semaphore, #tpu.memory_space<semaphore_mem>>, %arg29: memref<!tpu.dma_semaphore, #tpu.memory_space<semaphore_mem>>, %arg30: memref<!tpu.dma_semaphore, #tpu.memory_space<semaphore_mem>>, %arg31: memref<!tpu.dma_semaphore, #tpu.memory_space<semaphore_mem>>, %arg32: memref<!tpu.dma_semaphore, #tpu.memory_space<semaphore_mem>>, %arg33: memref<!tpu.dma_semaphore, #tpu.memory_space<semaphore_mem>>, %arg34: memref<!tpu.dma_semaphore, #tpu.memory_space<semaphore_mem>>, %arg35: memref<!tpu.dma_semaphore, #tpu.memory_space<semaphore_mem>>) attributes {dimension_semantics = [#tpu.dimension_semantics<core_parallel>, #tpu.dimension_semantics<subcore_parallel>], iteration_bounds = array<i64: 2, 16>, scalar_prefetch = 0 : i64, scratch_operands = 30 : i64, tpu.core_type = #tpu.core_type<sc_vector_subcore>, window_params = [{transform_indices = #map}, {transform_indices = #map1}, {transform_indices = #map1}, {transform_indices = #map2}]} {
    %mul3A = arith.constant 624 : i32
    %mul3A_0 = arith.muli %arg1, %mul3A : i32
    %dma_start3A = arith.constant 0 : i32
    %dma_start3A_1 = arith.constant 0 : i32
    %dma_start3A_2 = tpu.memref_slice %arg3[%arg0, %arg1, %dma_start3A, %dma_start3A_1] : memref<2x16x80x125xi32, #tpu.memory_space<hbm>> -> memref<1x1x80x125xi32, #tpu.memory_space<hbm>>
    %dma_start3A_3 = tpu.memref_squeeze %dma_start3A_2 : memref<1x1x80x125xi32, #tpu.memory_space<hbm>> -> memref<80x125xi32, #tpu.memory_space<hbm>>
    %dma_start3A_4 = arith.constant 0 : i32
    %dma_start3A_5 = arith.constant 0 : i32
    %dma_start3A_6 = tpu.memref_slice %arg3[%arg0, %arg1, %dma_start3A_4, %dma_start3A_5] : memref<2x16x80x125xi32, #tpu.memory_space<hbm>> -> memref<1x1x80x125xi32, #tpu.memory_space<hbm>>
    %dma_start3A_7 = tpu.memref_squeeze %dma_start3A_6 : memref<1x1x80x125xi32, #tpu.memory_space<hbm>> -> memref<80x125xi32, #tpu.memory_space<hbm>>
    tpu.enqueue_dma source(%dma_start3A_7 : memref<80x125xi32, #tpu.memory_space<hbm>>) target(%arg6 : memref<80x125xi32, #tpu.memory_space<vmem>>) target_semaphore(%arg34 : memref<!tpu.dma_semaphore, #tpu.memory_space<semaphore_mem>>)
    %dma_start3A_8 = arith.constant 0 : i32
    %dma_start3A_9 = arith.constant 0 : i32
    %dma_start3A_10 = tpu.memref_slice %arg4[%arg0, %arg1, %dma_start3A_8, %dma_start3A_9] : memref<2x16x80x125xi32, #tpu.memory_space<hbm>> -> memref<1x1x80x125xi32, #tpu.memory_space<hbm>>
    %dma_start3A_11 = tpu.memref_squeeze %dma_start3A_10 : memref<1x1x80x125xi32, #tpu.memory_space<hbm>> -> memref<80x125xi32, #tpu.memory_space<hbm>>
    %dma_start3A_12 = arith.constant 0 : i32
    %dma_start3A_13 = arith.constant 0 : i32
    %dma_start3A_14 = tpu.memref_slice %arg4[%arg0, %arg1, %dma_start3A_12, %dma_start3A_13] : memref<2x16x80x125xi32, #tpu.memory_space<hbm>> -> memref<1x1x80x125xi32, #tpu.memory_space<hbm>>
    %dma_start3A_15 = tpu.memref_squeeze %dma_start3A_14 : memref<1x1x80x125xi32, #tpu.memory_space<hbm>> -> memref<80x125xi32, #tpu.memory_space<hbm>>
    tpu.enqueue_dma source(%dma_start3A_15 : memref<80x125xi32, #tpu.memory_space<hbm>>) target(%arg7 : memref<80x125xi32, #tpu.memory_space<vmem>>) target_semaphore(%arg35 : memref<!tpu.dma_semaphore, #tpu.memory_space<semaphore_mem>>)
    "tpu.region"() ({
      %run_scoped3A = tpu.sem_alloc : memref<!tpu.dma_semaphore, #tpu.memory_space<semaphore_mem>>
      %dma_start3A_142 = arith.constant 0 : i32
      %dma_start3A_143 = tpu.memref_slice %arg2[%mul3A_0, %dma_start3A_142] : memref<10000x32xf32, #tpu.memory_space<hbm>> -> memref<624x32xf32, #tpu.memory_space<hbm>>
      %dma_start3A_144 = arith.constant 0 : i32
      %dma_start3A_145 = tpu.memref_slice %arg2[%mul3A_0, %dma_start3A_144] : memref<10000x32xf32, #tpu.memory_space<hbm>> -> memref<624x32xf32, #tpu.memory_space<hbm>>
      tpu.enqueue_dma source(%dma_start3A_145 : memref<624x32xf32, #tpu.memory_space<hbm>>) target(%arg16 : memref<624x32xf32, #tpu.memory_space<vmem>>) target_semaphore(%run_scoped3A : memref<!tpu.dma_semaphore, #tpu.memory_space<semaphore_mem>>)
      %dma_wait3A_146 = arith.constant 0 : i32
      %dma_wait3A_147 = tpu.memref_slice %arg2[%mul3A_0, %dma_wait3A_146] : memref<10000x32xf32, #tpu.memory_space<hbm>> -> memref<624x32xf32, #tpu.memory_space<hbm>>
      %dma_wait3A_148 = arith.constant 0 : i32
      %dma_wait3A_149 = tpu.memref_slice %arg2[%mul3A_0, %dma_wait3A_148] : memref<10000x32xf32, #tpu.memory_space<hbm>> -> memref<624x32xf32, #tpu.memory_space<hbm>>
      tpu.wait_dma2 semaphore(%run_scoped3A : memref<!tpu.dma_semaphore, #tpu.memory_space<semaphore_mem>>) src(%dma_wait3A_149 : memref<624x32xf32, #tpu.memory_space<hbm>>) dst(%arg16 : memref<624x32xf32, #tpu.memory_space<vmem>>)
      tpu.yield
    }) : () -> ()
    "tpu.region"() ({
      %run_scoped3A = tpu.sem_alloc : memref<!tpu.dma_semaphore, #tpu.memory_space<semaphore_mem>>
      %dma_start3A_142 = arith.constant 0 : i32
      %dma_start3A_143 = tpu.memref_slice %arg17[%mul3A_0, %dma_start3A_142] : memref<10000x32xf32, #tpu.memory_space<vmem_shared>> -> memref<624x32xf32, #tpu.memory_space<vmem_shared>>
      %dma_start3A_144 = arith.constant 0 : i32
      %dma_start3A_145 = tpu.memref_slice %arg17[%mul3A_0, %dma_start3A_144] : memref<10000x32xf32, #tpu.memory_space<vmem_shared>> -> memref<624x32xf32, #tpu.memory_space<vmem_shared>>
      tpu.enqueue_dma source(%arg16 : memref<624x32xf32, #tpu.memory_space<vmem>>) target(%dma_start3A_145 : memref<624x32xf32, #tpu.memory_space<vmem_shared>>) target_semaphore(%run_scoped3A : memref<!tpu.dma_semaphore, #tpu.memory_space<semaphore_mem>>)
      %dma_wait3A_146 = arith.constant 0 : i32
      %dma_wait3A_147 = tpu.memref_slice %arg17[%mul3A_0, %dma_wait3A_146] : memref<10000x32xf32, #tpu.memory_space<vmem_shared>> -> memref<624x32xf32, #tpu.memory_space<vmem_shared>>
      %dma_wait3A_148 = arith.constant 0 : i32
      %dma_wait3A_149 = tpu.memref_slice %arg17[%mul3A_0, %dma_wait3A_148] : memref<10000x32xf32, #tpu.memory_space<vmem_shared>> -> memref<624x32xf32, #tpu.memory_space<vmem_shared>>
      tpu.wait_dma2 semaphore(%run_scoped3A : memref<!tpu.dma_semaphore, #tpu.memory_space<semaphore_mem>>) src(%arg16 : memref<624x32xf32, #tpu.memory_space<vmem>>) dst(%dma_wait3A_149 : memref<624x32xf32, #tpu.memory_space<vmem_shared>>)
      tpu.yield
    }) : () -> ()
    %eq3A = arith.constant 0 : i32
    %eq3A_16 = arith.cmpi eq, %arg1, %eq3A : i32
    %convert_element_type3A = arith.extui %eq3A_16 : i1 to i32
    %cond3A = arith.constant 0 : i32
    %cond3A_17 = arith.cmpi ne, %convert_element_type3A, %cond3A : i32
    scf.if %cond3A_17 {
      "tpu.region"() ({
        %run_scoped3A = tpu.sem_alloc : memref<!tpu.dma_semaphore, #tpu.memory_space<semaphore_mem>>
        %dma_start3A_142 = arith.constant 0 : i32
        %dma_start3A_143 = arith.constant 0 : i32
        %dma_start3A_144 = tpu.memref_slice %arg16[%dma_start3A_142, %dma_start3A_143] : memref<624x32xf32, #tpu.memory_space<vmem>> -> memref<16x32xf32, #tpu.memory_space<vmem>>
        %dma_start3A_145 = arith.constant 9984 : i32
        %dma_start3A_146 = arith.constant 0 : i32
        %dma_start3A_147 = tpu.memref_slice %arg2[%dma_start3A_145, %dma_start3A_146] : memref<10000x32xf32, #tpu.memory_space<hbm>> -> memref<16x32xf32, #tpu.memory_space<hbm>>
        %dma_start3A_148 = arith.constant 0 : i32
        %dma_start3A_149 = arith.constant 0 : i32
        %dma_start3A_150 = tpu.memref_slice %arg16[%dma_start3A_148, %dma_start3A_149] : memref<624x32xf32, #tpu.memory_space<vmem>> -> memref<16x32xf32, #tpu.memory_space<vmem>>
        %dma_start3A_151 = arith.constant 9984 : i32
        %dma_start3A_152 = arith.constant 0 : i32
        %dma_start3A_153 = tpu.memref_slice %arg2[%dma_start3A_151, %dma_start3A_152] : memref<10000x32xf32, #tpu.memory_space<hbm>> -> memref<16x32xf32, #tpu.memory_space<hbm>>
        tpu.enqueue_dma source(%dma_start3A_153 : memref<16x32xf32, #tpu.memory_space<hbm>>) target(%dma_start3A_150 : memref<16x32xf32, #tpu.memory_space<vmem>>) target_semaphore(%run_scoped3A : memref<!tpu.dma_semaphore, #tpu.memory_space<semaphore_mem>>)
        %dma_wait3A_154 = arith.constant 0 : i32
        %dma_wait3A_155 = arith.constant 0 : i32
        %dma_wait3A_156 = tpu.memref_slice %arg16[%dma_wait3A_154, %dma_wait3A_155] : memref<624x32xf32, #tpu.memory_space<vmem>> -> memref<16x32xf32, #tpu.memory_space<vmem>>
        %dma_wait3A_157 = arith.constant 9984 : i32
        %dma_wait3A_158 = arith.constant 0 : i32
        %dma_wait3A_159 = tpu.memref_slice %arg2[%dma_wait3A_157, %dma_wait3A_158] : memref<10000x32xf32, #tpu.memory_space<hbm>> -> memref<16x32xf32, #tpu.memory_space<hbm>>
        %dma_wait3A_160 = arith.constant 0 : i32
        %dma_wait3A_161 = arith.constant 0 : i32
        %dma_wait3A_162 = tpu.memref_slice %arg16[%dma_wait3A_160, %dma_wait3A_161] : memref<624x32xf32, #tpu.memory_space<vmem>> -> memref<16x32xf32, #tpu.memory_space<vmem>>
        %dma_wait3A_163 = arith.constant 9984 : i32
        %dma_wait3A_164 = arith.constant 0 : i32
        %dma_wait3A_165 = tpu.memref_slice %arg2[%dma_wait3A_163, %dma_wait3A_164] : memref<10000x32xf32, #tpu.memory_space<hbm>> -> memref<16x32xf32, #tpu.memory_space<hbm>>
        tpu.wait_dma2 semaphore(%run_scoped3A : memref<!tpu.dma_semaphore, #tpu.memory_space<semaphore_mem>>) src(%dma_wait3A_165 : memref<16x32xf32, #tpu.memory_space<hbm>>) dst(%dma_wait3A_162 : memref<16x32xf32, #tpu.memory_space<vmem>>)
        tpu.yield
      }) : () -> ()
      "tpu.region"() ({
        %run_scoped3A = tpu.sem_alloc : memref<!tpu.dma_semaphore, #tpu.memory_space<semaphore_mem>>
        %dma_start3A_142 = arith.constant 0 : i32
        %dma_start3A_143 = arith.constant 0 : i32
        %dma_start3A_144 = tpu.memref_slice %arg16[%dma_start3A_142, %dma_start3A_143] : memref<624x32xf32, #tpu.memory_space<vmem>> -> memref<16x32xf32, #tpu.memory_space<vmem>>
        %dma_start3A_145 = arith.constant 9984 : i32
        %dma_start3A_146 = arith.constant 0 : i32
        %dma_start3A_147 = tpu.memref_slice %arg17[%dma_start3A_145, %dma_start3A_146] : memref<10000x32xf32, #tpu.memory_space<vmem_shared>> -> memref<16x32xf32, #tpu.memory_space<vmem_shared>>
        %dma_start3A_148 = arith.constant 9984 : i32
        %dma_start3A_149 = arith.constant 0 : i32
        %dma_start3A_150 = tpu.memref_slice %arg17[%dma_start3A_148, %dma_start3A_149] : memref<10000x32xf32, #tpu.memory_space<vmem_shared>> -> memref<16x32xf32, #tpu.memory_space<vmem_shared>>
        %dma_start3A_151 = arith.constant 0 : i32
        %dma_start3A_152 = arith.constant 0 : i32
        %dma_start3A_153 = tpu.memref_slice %arg16[%dma_start3A_151, %dma_start3A_152] : memref<624x32xf32, #tpu.memory_space<vmem>> -> memref<16x32xf32, #tpu.memory_space<vmem>>
        tpu.enqueue_dma source(%dma_start3A_153 : memref<16x32xf32, #tpu.memory_space<vmem>>) target(%dma_start3A_150 : memref<16x32xf32, #tpu.memory_space<vmem_shared>>) target_semaphore(%run_scoped3A : memref<!tpu.dma_semaphore, #tpu.memory_space<semaphore_mem>>)
        %dma_wait3A_154 = arith.constant 0 : i32
        %dma_wait3A_155 = arith.constant 0 : i32
        %dma_wait3A_156 = tpu.memref_slice %arg16[%dma_wait3A_154, %dma_wait3A_155] : memref<624x32xf32, #tpu.memory_space<vmem>> -> memref<16x32xf32, #tpu.memory_space<vmem>>
        %dma_wait3A_157 = arith.constant 9984 : i32
        %dma_wait3A_158 = arith.constant 0 : i32
        %dma_wait3A_159 = tpu.memref_slice %arg17[%dma_wait3A_157, %dma_wait3A_158] : memref<10000x32xf32, #tpu.memory_space<vmem_shared>> -> memref<16x32xf32, #tpu.memory_space<vmem_shared>>
        %dma_wait3A_160 = arith.constant 9984 : i32
        %dma_wait3A_161 = arith.constant 0 : i32
        %dma_wait3A_162 = tpu.memref_slice %arg17[%dma_wait3A_160, %dma_wait3A_161] : memref<10000x32xf32, #tpu.memory_space<vmem_shared>> -> memref<16x32xf32, #tpu.memory_space<vmem_shared>>
        %dma_wait3A_163 = arith.constant 0 : i32
        %dma_wait3A_164 = arith.constant 0 : i32
        %dma_wait3A_165 = tpu.memref_slice %arg16[%dma_wait3A_163, %dma_wait3A_164] : memref<624x32xf32, #tpu.memory_space<vmem>> -> memref<16x32xf32, #tpu.memory_space<vmem>>
        tpu.wait_dma2 semaphore(%run_scoped3A : memref<!tpu.dma_semaphore, #tpu.memory_space<semaphore_mem>>) src(%dma_wait3A_165 : memref<16x32xf32, #tpu.memory_space<vmem>>) dst(%dma_wait3A_162 : memref<16x32xf32, #tpu.memory_space<vmem_shared>>)
        tpu.yield
      }) : () -> ()
    } else {
    }
    %dma_wait3A = arith.constant 0 : i32
    %dma_wait3A_18 = arith.constant 0 : i32
    %dma_wait3A_19 = tpu.memref_slice %arg3[%arg0, %arg1, %dma_wait3A, %dma_wait3A_18] : memref<2x16x80x125xi32, #tpu.memory_space<hbm>> -> memref<1x1x80x125xi32, #tpu.memory_space<hbm>>
    %dma_wait3A_20 = tpu.memref_squeeze %dma_wait3A_19 : memref<1x1x80x125xi32, #tpu.memory_space<hbm>> -> memref<80x125xi32, #tpu.memory_space<hbm>>
    %dma_wait3A_21 = arith.constant 0 : i32
    %dma_wait3A_22 = arith.constant 0 : i32
    %dma_wait3A_23 = tpu.memref_slice %arg3[%arg0, %arg1, %dma_wait3A_21, %dma_wait3A_22] : memref<2x16x80x125xi32, #tpu.memory_space<hbm>> -> memref<1x1x80x125xi32, #tpu.memory_space<hbm>>
    %dma_wait3A_24 = tpu.memref_squeeze %dma_wait3A_23 : memref<1x1x80x125xi32, #tpu.memory_space<hbm>> -> memref<80x125xi32, #tpu.memory_space<hbm>>
    tpu.wait_dma2 semaphore(%arg34 : memref<!tpu.dma_semaphore, #tpu.memory_space<semaphore_mem>>) src(%dma_wait3A_24 : memref<80x125xi32, #tpu.memory_space<hbm>>) dst(%arg6 : memref<80x125xi32, #tpu.memory_space<vmem>>)
    %dma_wait3A_25 = arith.constant 0 : i32
    %dma_wait3A_26 = arith.constant 0 : i32
    %dma_wait3A_27 = tpu.memref_slice %arg4[%arg0, %arg1, %dma_wait3A_25, %dma_wait3A_26] : memref<2x16x80x125xi32, #tpu.memory_space<hbm>> -> memref<1x1x80x125xi32, #tpu.memory_space<hbm>>
    %dma_wait3A_28 = tpu.memref_squeeze %dma_wait3A_27 : memref<1x1x80x125xi32, #tpu.memory_space<hbm>> -> memref<80x125xi32, #tpu.memory_space<hbm>>
    %dma_wait3A_29 = arith.constant 0 : i32
    %dma_wait3A_30 = arith.constant 0 : i32
    %dma_wait3A_31 = tpu.memref_slice %arg4[%arg0, %arg1, %dma_wait3A_29, %dma_wait3A_30] : memref<2x16x80x125xi32, #tpu.memory_space<hbm>> -> memref<1x1x80x125xi32, #tpu.memory_space<hbm>>
    %dma_wait3A_32 = tpu.memref_squeeze %dma_wait3A_31 : memref<1x1x80x125xi32, #tpu.memory_space<hbm>> -> memref<80x125xi32, #tpu.memory_space<hbm>>
    tpu.wait_dma2 semaphore(%arg35 : memref<!tpu.dma_semaphore, #tpu.memory_space<semaphore_mem>>) src(%dma_wait3A_32 : memref<80x125xi32, #tpu.memory_space<hbm>>) dst(%arg7 : memref<80x125xi32, #tpu.memory_space<vmem>>)
    %barrier3A = arith.constant 0 : index
    tpu.barrier barrier_id(%barrier3A)
    %dma_start3A_33 = arith.constant 0 : i32
    %dma_start3A_34 = arith.constant 0 : i32
    %dma_start3A_35 = tpu.memref_slice %arg6[%dma_start3A_33, %dma_start3A_34] : memref<80x125xi32, #tpu.memory_space<vmem>> -> memref<1x125xi32, #tpu.memory_space<vmem>>
    %dma_start3A_36 = tpu.memref_squeeze %dma_start3A_35 : memref<1x125xi32, #tpu.memory_space<vmem>> -> memref<125xi32, #tpu.memory_space<vmem>>
    %dma_start3A_37 = arith.constant 0 : i32
    %dma_start3A_38 = arith.constant 0 : i32
    %dma_start3A_39 = tpu.memref_slice %arg2[%dma_start3A_37, %dma_start3A_38] : memref<10000x32xf32, #tpu.memory_space<hbm>> -> memref<10000x32xf32, #tpu.memory_space<hbm>>
    tpu.enqueue_indirect_dma source(%dma_start3A_39 : memref<10000x32xf32, #tpu.memory_space<hbm>>) target(%arg8 : memref<125x32xf32, #tpu.memory_space<vmem>>) offsets(%dma_start3A_36 : memref<125xi32, #tpu.memory_space<vmem>>) semaphore(%arg18 : memref<!tpu.dma_semaphore, #tpu.memory_space<semaphore_mem>>)
    %dma_start3A_40 = arith.constant 1 : i32
    %dma_start3A_41 = arith.constant 0 : i32
    %dma_start3A_42 = tpu.memref_slice %arg6[%dma_start3A_40, %dma_start3A_41] : memref<80x125xi32, #tpu.memory_space<vmem>> -> memref<1x125xi32, #tpu.memory_space<vmem>>
    %dma_start3A_43 = tpu.memref_squeeze %dma_start3A_42 : memref<1x125xi32, #tpu.memory_space<vmem>> -> memref<125xi32, #tpu.memory_space<vmem>>
    %dma_start3A_44 = arith.constant 0 : i32
    %dma_start3A_45 = arith.constant 0 : i32
    %dma_start3A_46 = tpu.memref_slice %arg2[%dma_start3A_44, %dma_start3A_45] : memref<10000x32xf32, #tpu.memory_space<hbm>> -> memref<10000x32xf32, #tpu.memory_space<hbm>>
    tpu.enqueue_indirect_dma source(%dma_start3A_46 : memref<10000x32xf32, #tpu.memory_space<hbm>>) target(%arg9 : memref<125x32xf32, #tpu.memory_space<vmem>>) offsets(%dma_start3A_43 : memref<125xi32, #tpu.memory_space<vmem>>) semaphore(%arg19 : memref<!tpu.dma_semaphore, #tpu.memory_space<semaphore_mem>>)
    %dma_start3A_47 = arith.constant 2 : i32
    %dma_start3A_48 = arith.constant 0 : i32
    %dma_start3A_49 = tpu.memref_slice %arg6[%dma_start3A_47, %dma_start3A_48] : memref<80x125xi32, #tpu.memory_space<vmem>> -> memref<1x125xi32, #tpu.memory_space<vmem>>
    %dma_start3A_50 = tpu.memref_squeeze %dma_start3A_49 : memref<1x125xi32, #tpu.memory_space<vmem>> -> memref<125xi32, #tpu.memory_space<vmem>>
    %dma_start3A_51 = arith.constant 0 : i32
    %dma_start3A_52 = arith.constant 0 : i32
    %dma_start3A_53 = tpu.memref_slice %arg2[%dma_start3A_51, %dma_start3A_52] : memref<10000x32xf32, #tpu.memory_space<hbm>> -> memref<10000x32xf32, #tpu.memory_space<hbm>>
    tpu.enqueue_indirect_dma source(%dma_start3A_53 : memref<10000x32xf32, #tpu.memory_space<hbm>>) target(%arg10 : memref<125x32xf32, #tpu.memory_space<vmem>>) offsets(%dma_start3A_50 : memref<125xi32, #tpu.memory_space<vmem>>) semaphore(%arg20 : memref<!tpu.dma_semaphore, #tpu.memory_space<semaphore_mem>>)
    %dma_start3A_54 = arith.constant 3 : i32
    %dma_start3A_55 = arith.constant 0 : i32
    %dma_start3A_56 = tpu.memref_slice %arg6[%dma_start3A_54, %dma_start3A_55] : memref<80x125xi32, #tpu.memory_space<vmem>> -> memref<1x125xi32, #tpu.memory_space<vmem>>
    %dma_start3A_57 = tpu.memref_squeeze %dma_start3A_56 : memref<1x125xi32, #tpu.memory_space<vmem>> -> memref<125xi32, #tpu.memory_space<vmem>>
    %dma_start3A_58 = arith.constant 0 : i32
    %dma_start3A_59 = arith.constant 0 : i32
    %dma_start3A_60 = tpu.memref_slice %arg2[%dma_start3A_58, %dma_start3A_59] : memref<10000x32xf32, #tpu.memory_space<hbm>> -> memref<10000x32xf32, #tpu.memory_space<hbm>>
    tpu.enqueue_indirect_dma source(%dma_start3A_60 : memref<10000x32xf32, #tpu.memory_space<hbm>>) target(%arg11 : memref<125x32xf32, #tpu.memory_space<vmem>>) offsets(%dma_start3A_57 : memref<125xi32, #tpu.memory_space<vmem>>) semaphore(%arg21 : memref<!tpu.dma_semaphore, #tpu.memory_space<semaphore_mem>>)
    %dma_start3A_61 = arith.constant 4 : i32
    %dma_start3A_62 = arith.constant 0 : i32
    %dma_start3A_63 = tpu.memref_slice %arg6[%dma_start3A_61, %dma_start3A_62] : memref<80x125xi32, #tpu.memory_space<vmem>> -> memref<1x125xi32, #tpu.memory_space<vmem>>
    %dma_start3A_64 = tpu.memref_squeeze %dma_start3A_63 : memref<1x125xi32, #tpu.memory_space<vmem>> -> memref<125xi32, #tpu.memory_space<vmem>>
    %dma_start3A_65 = arith.constant 0 : i32
    %dma_start3A_66 = arith.constant 0 : i32
    %dma_start3A_67 = tpu.memref_slice %arg2[%dma_start3A_65, %dma_start3A_66] : memref<10000x32xf32, #tpu.memory_space<hbm>> -> memref<10000x32xf32, #tpu.memory_space<hbm>>
    tpu.enqueue_indirect_dma source(%dma_start3A_67 : memref<10000x32xf32, #tpu.memory_space<hbm>>) target(%arg12 : memref<125x32xf32, #tpu.memory_space<vmem>>) offsets(%dma_start3A_64 : memref<125xi32, #tpu.memory_space<vmem>>) semaphore(%arg22 : memref<!tpu.dma_semaphore, #tpu.memory_space<semaphore_mem>>)
    %dma_start3A_68 = arith.constant 5 : i32
    %dma_start3A_69 = arith.constant 0 : i32
    %dma_start3A_70 = tpu.memref_slice %arg6[%dma_start3A_68, %dma_start3A_69] : memref<80x125xi32, #tpu.memory_space<vmem>> -> memref<1x125xi32, #tpu.memory_space<vmem>>
    %dma_start3A_71 = tpu.memref_squeeze %dma_start3A_70 : memref<1x125xi32, #tpu.memory_space<vmem>> -> memref<125xi32, #tpu.memory_space<vmem>>
    %dma_start3A_72 = arith.constant 0 : i32
    %dma_start3A_73 = arith.constant 0 : i32
    %dma_start3A_74 = tpu.memref_slice %arg2[%dma_start3A_72, %dma_start3A_73] : memref<10000x32xf32, #tpu.memory_space<hbm>> -> memref<10000x32xf32, #tpu.memory_space<hbm>>
    tpu.enqueue_indirect_dma source(%dma_start3A_74 : memref<10000x32xf32, #tpu.memory_space<hbm>>) target(%arg13 : memref<125x32xf32, #tpu.memory_space<vmem>>) offsets(%dma_start3A_71 : memref<125xi32, #tpu.memory_space<vmem>>) semaphore(%arg23 : memref<!tpu.dma_semaphore, #tpu.memory_space<semaphore_mem>>)
    %scan3A = arith.constant 0 : i32
    %scan3A_75 = arith.constant 0 : i32
    %scan3A_76 = arith.constant 10 : i32
    %scan3A_77 = arith.addi %scan3A_75, %scan3A_76 : i32
    %scan3A_78 = arith.constant 1 : i32
    scf.for %scan3A_142 = %scan3A_75 to %scan3A_77 step %scan3A_78  : i32 {
      %mul3A_143 = arith.constant 8 : i32
      %mul3A_144 = arith.muli %scan3A_142, %mul3A_143 : i32
      %add3A = arith.constant 0 : i32
      %add3A_145 = arith.addi %mul3A_144, %add3A : i32
      %dma_wait3A_146 = arith.constant 0 : i32
      %dma_wait3A_147 = tpu.memref_slice %arg6[%add3A_145, %dma_wait3A_146] : memref<80x125xi32, #tpu.memory_space<vmem>> -> memref<1x125xi32, #tpu.memory_space<vmem>>
      %dma_wait3A_148 = tpu.memref_squeeze %dma_wait3A_147 : memref<1x125xi32, #tpu.memory_space<vmem>> -> memref<125xi32, #tpu.memory_space<vmem>>
      %dma_wait3A_149 = arith.constant 0 : i32
      %dma_wait3A_150 = arith.constant 0 : i32
      %dma_wait3A_151 = tpu.memref_slice %arg2[%dma_wait3A_149, %dma_wait3A_150] : memref<10000x32xf32, #tpu.memory_space<hbm>> -> memref<10000x32xf32, #tpu.memory_space<hbm>>
      tpu.wait_indirect_dma semaphore(%arg18 : memref<!tpu.dma_semaphore, #tpu.memory_space<semaphore_mem>>) src(%dma_wait3A_151 : memref<10000x32xf32, #tpu.memory_space<hbm>>) dst(%arg8 : memref<125x32xf32, #tpu.memory_space<vmem>>)
      %dma_start3A_152 = arith.constant 0 : i32
      %dma_start3A_153 = tpu.memref_slice %arg7[%add3A_145, %dma_start3A_152] : memref<80x125xi32, #tpu.memory_space<vmem>> -> memref<1x125xi32, #tpu.memory_space<vmem>>
      %dma_start3A_154 = tpu.memref_squeeze %dma_start3A_153 : memref<1x125xi32, #tpu.memory_space<vmem>> -> memref<125xi32, #tpu.memory_space<vmem>>
      %dma_start3A_155 = arith.constant 0 : i32
      %dma_start3A_156 = arith.constant 0 : i32
      %dma_start3A_157 = tpu.memref_slice %arg17[%dma_start3A_155, %dma_start3A_156] : memref<10000x32xf32, #tpu.memory_space<vmem_shared>> -> memref<10000x32xf32, #tpu.memory_space<vmem_shared>>
      tpu.enqueue_indirect_dma source(%arg8 : memref<125x32xf32, #tpu.memory_space<vmem>>) target(%dma_start3A_157 : memref<10000x32xf32, #tpu.memory_space<vmem_shared>>) offsets(%dma_start3A_154 : memref<125xi32, #tpu.memory_space<vmem>>) semaphore(%arg26 : memref<!tpu.dma_semaphore, #tpu.memory_space<semaphore_mem>>) {add = true}
      %add3A_158 = arith.constant 6 : i32
      %add3A_159 = arith.addi %add3A_145, %add3A_158 : i32
      %lt3A = arith.constant 80 : i32
      %lt3A_160 = arith.cmpi slt, %add3A_159, %lt3A : i32
      %convert_element_type3A_161 = arith.extui %lt3A_160 : i1 to i32
      %cond3A_162 = arith.constant 0 : i32
      %cond3A_163 = arith.cmpi ne, %convert_element_type3A_161, %cond3A_162 : i32
      scf.if %cond3A_163 {
        %ge3A = arith.constant 8 : i32
        %ge3A_311 = arith.cmpi sge, %add3A_159, %ge3A : i32
        %convert_element_type3A_312 = arith.extui %ge3A_311 : i1 to i32
        %cond3A_313 = arith.constant 0 : i32
        %cond3A_314 = arith.cmpi ne, %convert_element_type3A_312, %cond3A_313 : i32
        scf.if %cond3A_314 {
          %sub3A = arith.constant 8 : i32
          %sub3A_321 = arith.subi %add3A_159, %sub3A : i32
          %dma_wait3A_322 = arith.constant 0 : i32
          %dma_wait3A_323 = tpu.memref_slice %arg7[%sub3A_321, %dma_wait3A_322] : memref<80x125xi32, #tpu.memory_space<vmem>> -> memref<1x125xi32, #tpu.memory_space<vmem>>
          %dma_wait3A_324 = tpu.memref_squeeze %dma_wait3A_323 : memref<1x125xi32, #tpu.memory_space<vmem>> -> memref<125xi32, #tpu.memory_space<vmem>>
          %dma_wait3A_325 = arith.constant 0 : i32
          %dma_wait3A_326 = arith.constant 0 : i32
          %dma_wait3A_327 = tpu.memref_slice %arg17[%dma_wait3A_325, %dma_wait3A_326] : memref<10000x32xf32, #tpu.memory_space<vmem_shared>> -> memref<10000x32xf32, #tpu.memory_space<vmem_shared>>
          tpu.wait_indirect_dma semaphore(%arg32 : memref<!tpu.dma_semaphore, #tpu.memory_space<semaphore_mem>>) src(%arg14 : memref<125x32xf32, #tpu.memory_space<vmem>>) dst(%dma_wait3A_327 : memref<10000x32xf32, #tpu.memory_space<vmem_shared>>)
        } else {
        }
        %dma_start3A_315 = arith.constant 0 : i32
        %dma_start3A_316 = tpu.memref_slice %arg6[%add3A_159, %dma_start3A_315] : memref<80x125xi32, #tpu.memory_space<vmem>> -> memref<1x125xi32, #tpu.memory_space<vmem>>
        %dma_start3A_317 = tpu.memref_squeeze %dma_start3A_316 : memref<1x125xi32, #tpu.memory_space<vmem>> -> memref<125xi32, #tpu.memory_space<vmem>>
        %dma_start3A_318 = arith.constant 0 : i32
        %dma_start3A_319 = arith.constant 0 : i32
        %dma_start3A_320 = tpu.memref_slice %arg2[%dma_start3A_318, %dma_start3A_319] : memref<10000x32xf32, #tpu.memory_space<hbm>> -> memref<10000x32xf32, #tpu.memory_space<hbm>>
        tpu.enqueue_indirect_dma source(%dma_start3A_320 : memref<10000x32xf32, #tpu.memory_space<hbm>>) target(%arg14 : memref<125x32xf32, #tpu.memory_space<vmem>>) offsets(%dma_start3A_317 : memref<125xi32, #tpu.memory_space<vmem>>) semaphore(%arg24 : memref<!tpu.dma_semaphore, #tpu.memory_space<semaphore_mem>>)
      } else {
      }
      %add3A_164 = arith.constant 1 : i32
      %add3A_165 = arith.addi %mul3A_144, %add3A_164 : i32
      %dma_wait3A_166 = arith.constant 0 : i32
      %dma_wait3A_167 = tpu.memref_slice %arg6[%add3A_165, %dma_wait3A_166] : memref<80x125xi32, #tpu.memory_space<vmem>> -> memref<1x125xi32, #tpu.memory_space<vmem>>
      %dma_wait3A_168 = tpu.memref_squeeze %dma_wait3A_167 : memref<1x125xi32, #tpu.memory_space<vmem>> -> memref<125xi32, #tpu.memory_space<vmem>>
      %dma_wait3A_169 = arith.constant 0 : i32
      %dma_wait3A_170 = arith.constant 0 : i32
      %dma_wait3A_171 = tpu.memref_slice %arg2[%dma_wait3A_169, %dma_wait3A_170] : memref<10000x32xf32, #tpu.memory_space<hbm>> -> memref<10000x32xf32, #tpu.memory_space<hbm>>
      tpu.wait_indirect_dma semaphore(%arg19 : memref<!tpu.dma_semaphore, #tpu.memory_space<semaphore_mem>>) src(%dma_wait3A_171 : memref<10000x32xf32, #tpu.memory_space<hbm>>) dst(%arg9 : memref<125x32xf32, #tpu.memory_space<vmem>>)
      %dma_start3A_172 = arith.constant 0 : i32
      %dma_start3A_173 = tpu.memref_slice %arg7[%add3A_165, %dma_start3A_172] : memref<80x125xi32, #tpu.memory_space<vmem>> -> memref<1x125xi32, #tpu.memory_space<vmem>>
      %dma_start3A_174 = tpu.memref_squeeze %dma_start3A_173 : memref<1x125xi32, #tpu.memory_space<vmem>> -> memref<125xi32, #tpu.memory_space<vmem>>
      %dma_start3A_175 = arith.constant 0 : i32
      %dma_start3A_176 = arith.constant 0 : i32
      %dma_start3A_177 = tpu.memref_slice %arg17[%dma_start3A_175, %dma_start3A_176] : memref<10000x32xf32, #tpu.memory_space<vmem_shared>> -> memref<10000x32xf32, #tpu.memory_space<vmem_shared>>
      tpu.enqueue_indirect_dma source(%arg9 : memref<125x32xf32, #tpu.memory_space<vmem>>) target(%dma_start3A_177 : memref<10000x32xf32, #tpu.memory_space<vmem_shared>>) offsets(%dma_start3A_174 : memref<125xi32, #tpu.memory_space<vmem>>) semaphore(%arg27 : memref<!tpu.dma_semaphore, #tpu.memory_space<semaphore_mem>>) {add = true}
      %add3A_178 = arith.constant 6 : i32
      %add3A_179 = arith.addi %add3A_165, %add3A_178 : i32
      %lt3A_180 = arith.constant 80 : i32
      %lt3A_181 = arith.cmpi slt, %add3A_179, %lt3A_180 : i32
      %convert_element_type3A_182 = arith.extui %lt3A_181 : i1 to i32
      %cond3A_183 = arith.constant 0 : i32
      %cond3A_184 = arith.cmpi ne, %convert_element_type3A_182, %cond3A_183 : i32
      scf.if %cond3A_184 {
        %ge3A = arith.constant 8 : i32
        %ge3A_311 = arith.cmpi sge, %add3A_179, %ge3A : i32
        %convert_element_type3A_312 = arith.extui %ge3A_311 : i1 to i32
        %cond3A_313 = arith.constant 0 : i32
        %cond3A_314 = arith.cmpi ne, %convert_element_type3A_312, %cond3A_313 : i32
        scf.if %cond3A_314 {
          %sub3A = arith.constant 8 : i32
          %sub3A_321 = arith.subi %add3A_179, %sub3A : i32
          %dma_wait3A_322 = arith.constant 0 : i32
          %dma_wait3A_323 = tpu.memref_slice %arg7[%sub3A_321, %dma_wait3A_322] : memref<80x125xi32, #tpu.memory_space<vmem>> -> memref<1x125xi32, #tpu.memory_space<vmem>>
          %dma_wait3A_324 = tpu.memref_squeeze %dma_wait3A_323 : memref<1x125xi32, #tpu.memory_space<vmem>> -> memref<125xi32, #tpu.memory_space<vmem>>
          %dma_wait3A_325 = arith.constant 0 : i32
          %dma_wait3A_326 = arith.constant 0 : i32
          %dma_wait3A_327 = tpu.memref_slice %arg17[%dma_wait3A_325, %dma_wait3A_326] : memref<10000x32xf32, #tpu.memory_space<vmem_shared>> -> memref<10000x32xf32, #tpu.memory_space<vmem_shared>>
          tpu.wait_indirect_dma semaphore(%arg33 : memref<!tpu.dma_semaphore, #tpu.memory_space<semaphore_mem>>) src(%arg15 : memref<125x32xf32, #tpu.memory_space<vmem>>) dst(%dma_wait3A_327 : memref<10000x32xf32, #tpu.memory_space<vmem_shared>>)
        } else {
        }
        %dma_start3A_315 = arith.constant 0 : i32
        %dma_start3A_316 = tpu.memref_slice %arg6[%add3A_179, %dma_start3A_315] : memref<80x125xi32, #tpu.memory_space<vmem>> -> memref<1x125xi32, #tpu.memory_space<vmem>>
        %dma_start3A_317 = tpu.memref_squeeze %dma_start3A_316 : memref<1x125xi32, #tpu.memory_space<vmem>> -> memref<125xi32, #tpu.memory_space<vmem>>
        %dma_start3A_318 = arith.constant 0 : i32
        %dma_start3A_319 = arith.constant 0 : i32
        %dma_start3A_320 = tpu.memref_slice %arg2[%dma_start3A_318, %dma_start3A_319] : memref<10000x32xf32, #tpu.memory_space<hbm>> -> memref<10000x32xf32, #tpu.memory_space<hbm>>
        tpu.enqueue_indirect_dma source(%dma_start3A_320 : memref<10000x32xf32, #tpu.memory_space<hbm>>) target(%arg15 : memref<125x32xf32, #tpu.memory_space<vmem>>) offsets(%dma_start3A_317 : memref<125xi32, #tpu.memory_space<vmem>>) semaphore(%arg25 : memref<!tpu.dma_semaphore, #tpu.memory_space<semaphore_mem>>)
      } else {
      }
      %add3A_185 = arith.constant 2 : i32
      %add3A_186 = arith.addi %mul3A_144, %add3A_185 : i32
      %dma_wait3A_187 = arith.constant 0 : i32
      %dma_wait3A_188 = tpu.memref_slice %arg6[%add3A_186, %dma_wait3A_187] : memref<80x125xi32, #tpu.memory_space<vmem>> -> memref<1x125xi32, #tpu.memory_space<vmem>>
      %dma_wait3A_189 = tpu.memref_squeeze %dma_wait3A_188 : memref<1x125xi32, #tpu.memory_space<vmem>> -> memref<125xi32, #tpu.memory_space<vmem>>
      %dma_wait3A_190 = arith.constant 0 : i32
      %dma_wait3A_191 = arith.constant 0 : i32
      %dma_wait3A_192 = tpu.memref_slice %arg2[%dma_wait3A_190, %dma_wait3A_191] : memref<10000x32xf32, #tpu.memory_space<hbm>> -> memref<10000x32xf32, #tpu.memory_space<hbm>>
      tpu.wait_indirect_dma semaphore(%arg20 : memref<!tpu.dma_semaphore, #tpu.memory_space<semaphore_mem>>) src(%dma_wait3A_192 : memref<10000x32xf32, #tpu.memory_space<hbm>>) dst(%arg10 : memref<125x32xf32, #tpu.memory_space<vmem>>)
      %dma_start3A_193 = arith.constant 0 : i32
      %dma_start3A_194 = tpu.memref_slice %arg7[%add3A_186, %dma_start3A_193] : memref<80x125xi32, #tpu.memory_space<vmem>> -> memref<1x125xi32, #tpu.memory_space<vmem>>
      %dma_start3A_195 = tpu.memref_squeeze %dma_start3A_194 : memref<1x125xi32, #tpu.memory_space<vmem>> -> memref<125xi32, #tpu.memory_space<vmem>>
      %dma_start3A_196 = arith.constant 0 : i32
      %dma_start3A_197 = arith.constant 0 : i32
      %dma_start3A_198 = tpu.memref_slice %arg17[%dma_start3A_196, %dma_start3A_197] : memref<10000x32xf32, #tpu.memory_space<vmem_shared>> -> memref<10000x32xf32, #tpu.memory_space<vmem_shared>>
      tpu.enqueue_indirect_dma source(%arg10 : memref<125x32xf32, #tpu.memory_space<vmem>>) target(%dma_start3A_198 : memref<10000x32xf32, #tpu.memory_space<vmem_shared>>) offsets(%dma_start3A_195 : memref<125xi32, #tpu.memory_space<vmem>>) semaphore(%arg28 : memref<!tpu.dma_semaphore, #tpu.memory_space<semaphore_mem>>) {add = true}
      %add3A_199 = arith.constant 6 : i32
      %add3A_200 = arith.addi %add3A_186, %add3A_199 : i32
      %lt3A_201 = arith.constant 80 : i32
      %lt3A_202 = arith.cmpi slt, %add3A_200, %lt3A_201 : i32
      %convert_element_type3A_203 = arith.extui %lt3A_202 : i1 to i32
      %cond3A_204 = arith.constant 0 : i32
      %cond3A_205 = arith.cmpi ne, %convert_element_type3A_203, %cond3A_204 : i32
      scf.if %cond3A_205 {
        %ge3A = arith.constant 8 : i32
        %ge3A_311 = arith.cmpi sge, %add3A_200, %ge3A : i32
        %convert_element_type3A_312 = arith.extui %ge3A_311 : i1 to i32
        %cond3A_313 = arith.constant 0 : i32
        %cond3A_314 = arith.cmpi ne, %convert_element_type3A_312, %cond3A_313 : i32
        scf.if %cond3A_314 {
          %sub3A = arith.constant 8 : i32
          %sub3A_321 = arith.subi %add3A_200, %sub3A : i32
          %dma_wait3A_322 = arith.constant 0 : i32
          %dma_wait3A_323 = tpu.memref_slice %arg7[%sub3A_321, %dma_wait3A_322] : memref<80x125xi32, #tpu.memory_space<vmem>> -> memref<1x125xi32, #tpu.memory_space<vmem>>
          %dma_wait3A_324 = tpu.memref_squeeze %dma_wait3A_323 : memref<1x125xi32, #tpu.memory_space<vmem>> -> memref<125xi32, #tpu.memory_space<vmem>>
          %dma_wait3A_325 = arith.constant 0 : i32
          %dma_wait3A_326 = arith.constant 0 : i32
          %dma_wait3A_327 = tpu.memref_slice %arg17[%dma_wait3A_325, %dma_wait3A_326] : memref<10000x32xf32, #tpu.memory_space<vmem_shared>> -> memref<10000x32xf32, #tpu.memory_space<vmem_shared>>
          tpu.wait_indirect_dma semaphore(%arg26 : memref<!tpu.dma_semaphore, #tpu.memory_space<semaphore_mem>>) src(%arg8 : memref<125x32xf32, #tpu.memory_space<vmem>>) dst(%dma_wait3A_327 : memref<10000x32xf32, #tpu.memory_space<vmem_shared>>)
        } else {
        }
        %dma_start3A_315 = arith.constant 0 : i32
        %dma_start3A_316 = tpu.memref_slice %arg6[%add3A_200, %dma_start3A_315] : memref<80x125xi32, #tpu.memory_space<vmem>> -> memref<1x125xi32, #tpu.memory_space<vmem>>
        %dma_start3A_317 = tpu.memref_squeeze %dma_start3A_316 : memref<1x125xi32, #tpu.memory_space<vmem>> -> memref<125xi32, #tpu.memory_space<vmem>>
        %dma_start3A_318 = arith.constant 0 : i32
        %dma_start3A_319 = arith.constant 0 : i32
        %dma_start3A_320 = tpu.memref_slice %arg2[%dma_start3A_318, %dma_start3A_319] : memref<10000x32xf32, #tpu.memory_space<hbm>> -> memref<10000x32xf32, #tpu.memory_space<hbm>>
        tpu.enqueue_indirect_dma source(%dma_start3A_320 : memref<10000x32xf32, #tpu.memory_space<hbm>>) target(%arg8 : memref<125x32xf32, #tpu.memory_space<vmem>>) offsets(%dma_start3A_317 : memref<125xi32, #tpu.memory_space<vmem>>) semaphore(%arg18 : memref<!tpu.dma_semaphore, #tpu.memory_space<semaphore_mem>>)
      } else {
      }
      %add3A_206 = arith.constant 3 : i32
      %add3A_207 = arith.addi %mul3A_144, %add3A_206 : i32
      %dma_wait3A_208 = arith.constant 0 : i32
      %dma_wait3A_209 = tpu.memref_slice %arg6[%add3A_207, %dma_wait3A_208] : memref<80x125xi32, #tpu.memory_space<vmem>> -> memref<1x125xi32, #tpu.memory_space<vmem>>
      %dma_wait3A_210 = tpu.memref_squeeze %dma_wait3A_209 : memref<1x125xi32, #tpu.memory_space<vmem>> -> memref<125xi32, #tpu.memory_space<vmem>>
      %dma_wait3A_211 = arith.constant 0 : i32
      %dma_wait3A_212 = arith.constant 0 : i32
      %dma_wait3A_213 = tpu.memref_slice %arg2[%dma_wait3A_211, %dma_wait3A_212] : memref<10000x32xf32, #tpu.memory_space<hbm>> -> memref<10000x32xf32, #tpu.memory_space<hbm>>
      tpu.wait_indirect_dma semaphore(%arg21 : memref<!tpu.dma_semaphore, #tpu.memory_space<semaphore_mem>>) src(%dma_wait3A_213 : memref<10000x32xf32, #tpu.memory_space<hbm>>) dst(%arg11 : memref<125x32xf32, #tpu.memory_space<vmem>>)
      %dma_start3A_214 = arith.constant 0 : i32
      %dma_start3A_215 = tpu.memref_slice %arg7[%add3A_207, %dma_start3A_214] : memref<80x125xi32, #tpu.memory_space<vmem>> -> memref<1x125xi32, #tpu.memory_space<vmem>>
      %dma_start3A_216 = tpu.memref_squeeze %dma_start3A_215 : memref<1x125xi32, #tpu.memory_space<vmem>> -> memref<125xi32, #tpu.memory_space<vmem>>
      %dma_start3A_217 = arith.constant 0 : i32
      %dma_start3A_218 = arith.constant 0 : i32
      %dma_start3A_219 = tpu.memref_slice %arg17[%dma_start3A_217, %dma_start3A_218] : memref<10000x32xf32, #tpu.memory_space<vmem_shared>> -> memref<10000x32xf32, #tpu.memory_space<vmem_shared>>
      tpu.enqueue_indirect_dma source(%arg11 : memref<125x32xf32, #tpu.memory_space<vmem>>) target(%dma_start3A_219 : memref<10000x32xf32, #tpu.memory_space<vmem_shared>>) offsets(%dma_start3A_216 : memref<125xi32, #tpu.memory_space<vmem>>) semaphore(%arg29 : memref<!tpu.dma_semaphore, #tpu.memory_space<semaphore_mem>>) {add = true}
      %add3A_220 = arith.constant 6 : i32
      %add3A_221 = arith.addi %add3A_207, %add3A_220 : i32
      %lt3A_222 = arith.constant 80 : i32
      %lt3A_223 = arith.cmpi slt, %add3A_221, %lt3A_222 : i32
      %convert_element_type3A_224 = arith.extui %lt3A_223 : i1 to i32
      %cond3A_225 = arith.constant 0 : i32
      %cond3A_226 = arith.cmpi ne, %convert_element_type3A_224, %cond3A_225 : i32
      scf.if %cond3A_226 {
        %ge3A = arith.constant 8 : i32
        %ge3A_311 = arith.cmpi sge, %add3A_221, %ge3A : i32
        %convert_element_type3A_312 = arith.extui %ge3A_311 : i1 to i32
        %cond3A_313 = arith.constant 0 : i32
        %cond3A_314 = arith.cmpi ne, %convert_element_type3A_312, %cond3A_313 : i32
        scf.if %cond3A_314 {
          %sub3A = arith.constant 8 : i32
          %sub3A_321 = arith.subi %add3A_221, %sub3A : i32
          %dma_wait3A_322 = arith.constant 0 : i32
          %dma_wait3A_323 = tpu.memref_slice %arg7[%sub3A_321, %dma_wait3A_322] : memref<80x125xi32, #tpu.memory_space<vmem>> -> memref<1x125xi32, #tpu.memory_space<vmem>>
          %dma_wait3A_324 = tpu.memref_squeeze %dma_wait3A_323 : memref<1x125xi32, #tpu.memory_space<vmem>> -> memref<125xi32, #tpu.memory_space<vmem>>
          %dma_wait3A_325 = arith.constant 0 : i32
          %dma_wait3A_326 = arith.constant 0 : i32
          %dma_wait3A_327 = tpu.memref_slice %arg17[%dma_wait3A_325, %dma_wait3A_326] : memref<10000x32xf32, #tpu.memory_space<vmem_shared>> -> memref<10000x32xf32, #tpu.memory_space<vmem_shared>>
          tpu.wait_indirect_dma semaphore(%arg27 : memref<!tpu.dma_semaphore, #tpu.memory_space<semaphore_mem>>) src(%arg9 : memref<125x32xf32, #tpu.memory_space<vmem>>) dst(%dma_wait3A_327 : memref<10000x32xf32, #tpu.memory_space<vmem_shared>>)
        } else {
        }
        %dma_start3A_315 = arith.constant 0 : i32
        %dma_start3A_316 = tpu.memref_slice %arg6[%add3A_221, %dma_start3A_315] : memref<80x125xi32, #tpu.memory_space<vmem>> -> memref<1x125xi32, #tpu.memory_space<vmem>>
        %dma_start3A_317 = tpu.memref_squeeze %dma_start3A_316 : memref<1x125xi32, #tpu.memory_space<vmem>> -> memref<125xi32, #tpu.memory_space<vmem>>
        %dma_start3A_318 = arith.constant 0 : i32
        %dma_start3A_319 = arith.constant 0 : i32
        %dma_start3A_320 = tpu.memref_slice %arg2[%dma_start3A_318, %dma_start3A_319] : memref<10000x32xf32, #tpu.memory_space<hbm>> -> memref<10000x32xf32, #tpu.memory_space<hbm>>
        tpu.enqueue_indirect_dma source(%dma_start3A_320 : memref<10000x32xf32, #tpu.memory_space<hbm>>) target(%arg9 : memref<125x32xf32, #tpu.memory_space<vmem>>) offsets(%dma_start3A_317 : memref<125xi32, #tpu.memory_space<vmem>>) semaphore(%arg19 : memref<!tpu.dma_semaphore, #tpu.memory_space<semaphore_mem>>)
      } else {
      }
      %add3A_227 = arith.constant 4 : i32
      %add3A_228 = arith.addi %mul3A_144, %add3A_227 : i32
      %dma_wait3A_229 = arith.constant 0 : i32
      %dma_wait3A_230 = tpu.memref_slice %arg6[%add3A_228, %dma_wait3A_229] : memref<80x125xi32, #tpu.memory_space<vmem>> -> memref<1x125xi32, #tpu.memory_space<vmem>>
      %dma_wait3A_231 = tpu.memref_squeeze %dma_wait3A_230 : memref<1x125xi32, #tpu.memory_space<vmem>> -> memref<125xi32, #tpu.memory_space<vmem>>
      %dma_wait3A_232 = arith.constant 0 : i32
      %dma_wait3A_233 = arith.constant 0 : i32
      %dma_wait3A_234 = tpu.memref_slice %arg2[%dma_wait3A_232, %dma_wait3A_233] : memref<10000x32xf32, #tpu.memory_space<hbm>> -> memref<10000x32xf32, #tpu.memory_space<hbm>>
      tpu.wait_indirect_dma semaphore(%arg22 : memref<!tpu.dma_semaphore, #tpu.memory_space<semaphore_mem>>) src(%dma_wait3A_234 : memref<10000x32xf32, #tpu.memory_space<hbm>>) dst(%arg12 : memref<125x32xf32, #tpu.memory_space<vmem>>)
      %dma_start3A_235 = arith.constant 0 : i32
      %dma_start3A_236 = tpu.memref_slice %arg7[%add3A_228, %dma_start3A_235] : memref<80x125xi32, #tpu.memory_space<vmem>> -> memref<1x125xi32, #tpu.memory_space<vmem>>
      %dma_start3A_237 = tpu.memref_squeeze %dma_start3A_236 : memref<1x125xi32, #tpu.memory_space<vmem>> -> memref<125xi32, #tpu.memory_space<vmem>>
      %dma_start3A_238 = arith.constant 0 : i32
      %dma_start3A_239 = arith.constant 0 : i32
      %dma_start3A_240 = tpu.memref_slice %arg17[%dma_start3A_238, %dma_start3A_239] : memref<10000x32xf32, #tpu.memory_space<vmem_shared>> -> memref<10000x32xf32, #tpu.memory_space<vmem_shared>>
      tpu.enqueue_indirect_dma source(%arg12 : memref<125x32xf32, #tpu.memory_space<vmem>>) target(%dma_start3A_240 : memref<10000x32xf32, #tpu.memory_space<vmem_shared>>) offsets(%dma_start3A_237 : memref<125xi32, #tpu.memory_space<vmem>>) semaphore(%arg30 : memref<!tpu.dma_semaphore, #tpu.memory_space<semaphore_mem>>) {add = true}
      %add3A_241 = arith.constant 6 : i32
      %add3A_242 = arith.addi %add3A_228, %add3A_241 : i32
      %lt3A_243 = arith.constant 80 : i32
      %lt3A_244 = arith.cmpi slt, %add3A_242, %lt3A_243 : i32
      %convert_element_type3A_245 = arith.extui %lt3A_244 : i1 to i32
      %cond3A_246 = arith.constant 0 : i32
      %cond3A_247 = arith.cmpi ne, %convert_element_type3A_245, %cond3A_246 : i32
      scf.if %cond3A_247 {
        %ge3A = arith.constant 8 : i32
        %ge3A_311 = arith.cmpi sge, %add3A_242, %ge3A : i32
        %convert_element_type3A_312 = arith.extui %ge3A_311 : i1 to i32
        %cond3A_313 = arith.constant 0 : i32
        %cond3A_314 = arith.cmpi ne, %convert_element_type3A_312, %cond3A_313 : i32
        scf.if %cond3A_314 {
          %sub3A = arith.constant 8 : i32
          %sub3A_321 = arith.subi %add3A_242, %sub3A : i32
          %dma_wait3A_322 = arith.constant 0 : i32
          %dma_wait3A_323 = tpu.memref_slice %arg7[%sub3A_321, %dma_wait3A_322] : memref<80x125xi32, #tpu.memory_space<vmem>> -> memref<1x125xi32, #tpu.memory_space<vmem>>
          %dma_wait3A_324 = tpu.memref_squeeze %dma_wait3A_323 : memref<1x125xi32, #tpu.memory_space<vmem>> -> memref<125xi32, #tpu.memory_space<vmem>>
          %dma_wait3A_325 = arith.constant 0 : i32
          %dma_wait3A_326 = arith.constant 0 : i32
          %dma_wait3A_327 = tpu.memref_slice %arg17[%dma_wait3A_325, %dma_wait3A_326] : memref<10000x32xf32, #tpu.memory_space<vmem_shared>> -> memref<10000x32xf32, #tpu.memory_space<vmem_shared>>
          tpu.wait_indirect_dma semaphore(%arg28 : memref<!tpu.dma_semaphore, #tpu.memory_space<semaphore_mem>>) src(%arg10 : memref<125x32xf32, #tpu.memory_space<vmem>>) dst(%dma_wait3A_327 : memref<10000x32xf32, #tpu.memory_space<vmem_shared>>)
        } else {
        }
        %dma_start3A_315 = arith.constant 0 : i32
        %dma_start3A_316 = tpu.memref_slice %arg6[%add3A_242, %dma_start3A_315] : memref<80x125xi32, #tpu.memory_space<vmem>> -> memref<1x125xi32, #tpu.memory_space<vmem>>
        %dma_start3A_317 = tpu.memref_squeeze %dma_start3A_316 : memref<1x125xi32, #tpu.memory_space<vmem>> -> memref<125xi32, #tpu.memory_space<vmem>>
        %dma_start3A_318 = arith.constant 0 : i32
        %dma_start3A_319 = arith.constant 0 : i32
        %dma_start3A_320 = tpu.memref_slice %arg2[%dma_start3A_318, %dma_start3A_319] : memref<10000x32xf32, #tpu.memory_space<hbm>> -> memref<10000x32xf32, #tpu.memory_space<hbm>>
        tpu.enqueue_indirect_dma source(%dma_start3A_320 : memref<10000x32xf32, #tpu.memory_space<hbm>>) target(%arg10 : memref<125x32xf32, #tpu.memory_space<vmem>>) offsets(%dma_start3A_317 : memref<125xi32, #tpu.memory_space<vmem>>) semaphore(%arg20 : memref<!tpu.dma_semaphore, #tpu.memory_space<semaphore_mem>>)
      } else {
      }
      %add3A_248 = arith.constant 5 : i32
      %add3A_249 = arith.addi %mul3A_144, %add3A_248 : i32
      %dma_wait3A_250 = arith.constant 0 : i32
      %dma_wait3A_251 = tpu.memref_slice %arg6[%add3A_249, %dma_wait3A_250] : memref<80x125xi32, #tpu.memory_space<vmem>> -> memref<1x125xi32, #tpu.memory_space<vmem>>
      %dma_wait3A_252 = tpu.memref_squeeze %dma_wait3A_251 : memref<1x125xi32, #tpu.memory_space<vmem>> -> memref<125xi32, #tpu.memory_space<vmem>>
      %dma_wait3A_253 = arith.constant 0 : i32
      %dma_wait3A_254 = arith.constant 0 : i32
      %dma_wait3A_255 = tpu.memref_slice %arg2[%dma_wait3A_253, %dma_wait3A_254] : memref<10000x32xf32, #tpu.memory_space<hbm>> -> memref<10000x32xf32, #tpu.memory_space<hbm>>
      tpu.wait_indirect_dma semaphore(%arg23 : memref<!tpu.dma_semaphore, #tpu.memory_space<semaphore_mem>>) src(%dma_wait3A_255 : memref<10000x32xf32, #tpu.memory_space<hbm>>) dst(%arg13 : memref<125x32xf32, #tpu.memory_space<vmem>>)
      %dma_start3A_256 = arith.constant 0 : i32
      %dma_start3A_257 = tpu.memref_slice %arg7[%add3A_249, %dma_start3A_256] : memref<80x125xi32, #tpu.memory_space<vmem>> -> memref<1x125xi32, #tpu.memory_space<vmem>>
      %dma_start3A_258 = tpu.memref_squeeze %dma_start3A_257 : memref<1x125xi32, #tpu.memory_space<vmem>> -> memref<125xi32, #tpu.memory_space<vmem>>
      %dma_start3A_259 = arith.constant 0 : i32
      %dma_start3A_260 = arith.constant 0 : i32
      %dma_start3A_261 = tpu.memref_slice %arg17[%dma_start3A_259, %dma_start3A_260] : memref<10000x32xf32, #tpu.memory_space<vmem_shared>> -> memref<10000x32xf32, #tpu.memory_space<vmem_shared>>
      tpu.enqueue_indirect_dma source(%arg13 : memref<125x32xf32, #tpu.memory_space<vmem>>) target(%dma_start3A_261 : memref<10000x32xf32, #tpu.memory_space<vmem_shared>>) offsets(%dma_start3A_258 : memref<125xi32, #tpu.memory_space<vmem>>) semaphore(%arg31 : memref<!tpu.dma_semaphore, #tpu.memory_space<semaphore_mem>>) {add = true}
      %add3A_262 = arith.constant 6 : i32
      %add3A_263 = arith.addi %add3A_249, %add3A_262 : i32
      %lt3A_264 = arith.constant 80 : i32
      %lt3A_265 = arith.cmpi slt, %add3A_263, %lt3A_264 : i32
      %convert_element_type3A_266 = arith.extui %lt3A_265 : i1 to i32
      %cond3A_267 = arith.constant 0 : i32
      %cond3A_268 = arith.cmpi ne, %convert_element_type3A_266, %cond3A_267 : i32
      scf.if %cond3A_268 {
        %ge3A = arith.constant 8 : i32
        %ge3A_311 = arith.cmpi sge, %add3A_263, %ge3A : i32
        %convert_element_type3A_312 = arith.extui %ge3A_311 : i1 to i32
        %cond3A_313 = arith.constant 0 : i32
        %cond3A_314 = arith.cmpi ne, %convert_element_type3A_312, %cond3A_313 : i32
        scf.if %cond3A_314 {
          %sub3A = arith.constant 8 : i32
          %sub3A_321 = arith.subi %add3A_263, %sub3A : i32
          %dma_wait3A_322 = arith.constant 0 : i32
          %dma_wait3A_323 = tpu.memref_slice %arg7[%sub3A_321, %dma_wait3A_322] : memref<80x125xi32, #tpu.memory_space<vmem>> -> memref<1x125xi32, #tpu.memory_space<vmem>>
          %dma_wait3A_324 = tpu.memref_squeeze %dma_wait3A_323 : memref<1x125xi32, #tpu.memory_space<vmem>> -> memref<125xi32, #tpu.memory_space<vmem>>
          %dma_wait3A_325 = arith.constant 0 : i32
          %dma_wait3A_326 = arith.constant 0 : i32
          %dma_wait3A_327 = tpu.memref_slice %arg17[%dma_wait3A_325, %dma_wait3A_326] : memref<10000x32xf32, #tpu.memory_space<vmem_shared>> -> memref<10000x32xf32, #tpu.memory_space<vmem_shared>>
          tpu.wait_indirect_dma semaphore(%arg29 : memref<!tpu.dma_semaphore, #tpu.memory_space<semaphore_mem>>) src(%arg11 : memref<125x32xf32, #tpu.memory_space<vmem>>) dst(%dma_wait3A_327 : memref<10000x32xf32, #tpu.memory_space<vmem_shared>>)
        } else {
        }
        %dma_start3A_315 = arith.constant 0 : i32
        %dma_start3A_316 = tpu.memref_slice %arg6[%add3A_263, %dma_start3A_315] : memref<80x125xi32, #tpu.memory_space<vmem>> -> memref<1x125xi32, #tpu.memory_space<vmem>>
        %dma_start3A_317 = tpu.memref_squeeze %dma_start3A_316 : memref<1x125xi32, #tpu.memory_space<vmem>> -> memref<125xi32, #tpu.memory_space<vmem>>
        %dma_start3A_318 = arith.constant 0 : i32
        %dma_start3A_319 = arith.constant 0 : i32
        %dma_start3A_320 = tpu.memref_slice %arg2[%dma_start3A_318, %dma_start3A_319] : memref<10000x32xf32, #tpu.memory_space<hbm>> -> memref<10000x32xf32, #tpu.memory_space<hbm>>
        tpu.enqueue_indirect_dma source(%dma_start3A_320 : memref<10000x32xf32, #tpu.memory_space<hbm>>) target(%arg11 : memref<125x32xf32, #tpu.memory_space<vmem>>) offsets(%dma_start3A_317 : memref<125xi32, #tpu.memory_space<vmem>>) semaphore(%arg21 : memref<!tpu.dma_semaphore, #tpu.memory_space<semaphore_mem>>)
      } else {
      }
      %add3A_269 = arith.constant 6 : i32
      %add3A_270 = arith.addi %mul3A_144, %add3A_269 : i32
      %dma_wait3A_271 = arith.constant 0 : i32
      %dma_wait3A_272 = tpu.memref_slice %arg6[%add3A_270, %dma_wait3A_271] : memref<80x125xi32, #tpu.memory_space<vmem>> -> memref<1x125xi32, #tpu.memory_space<vmem>>
      %dma_wait3A_273 = tpu.memref_squeeze %dma_wait3A_272 : memref<1x125xi32, #tpu.memory_space<vmem>> -> memref<125xi32, #tpu.memory_space<vmem>>
      %dma_wait3A_274 = arith.constant 0 : i32
      %dma_wait3A_275 = arith.constant 0 : i32
      %dma_wait3A_276 = tpu.memref_slice %arg2[%dma_wait3A_274, %dma_wait3A_275] : memref<10000x32xf32, #tpu.memory_space<hbm>> -> memref<10000x32xf32, #tpu.memory_space<hbm>>
      tpu.wait_indirect_dma semaphore(%arg24 : memref<!tpu.dma_semaphore, #tpu.memory_space<semaphore_mem>>) src(%dma_wait3A_276 : memref<10000x32xf32, #tpu.memory_space<hbm>>) dst(%arg14 : memref<125x32xf32, #tpu.memory_space<vmem>>)
      %dma_start3A_277 = arith.constant 0 : i32
      %dma_start3A_278 = tpu.memref_slice %arg7[%add3A_270, %dma_start3A_277] : memref<80x125xi32, #tpu.memory_space<vmem>> -> memref<1x125xi32, #tpu.memory_space<vmem>>
      %dma_start3A_279 = tpu.memref_squeeze %dma_start3A_278 : memref<1x125xi32, #tpu.memory_space<vmem>> -> memref<125xi32, #tpu.memory_space<vmem>>
      %dma_start3A_280 = arith.constant 0 : i32
      %dma_start3A_281 = arith.constant 0 : i32
      %dma_start3A_282 = tpu.memref_slice %arg17[%dma_start3A_280, %dma_start3A_281] : memref<10000x32xf32, #tpu.memory_space<vmem_shared>> -> memref<10000x32xf32, #tpu.memory_space<vmem_shared>>
      tpu.enqueue_indirect_dma source(%arg14 : memref<125x32xf32, #tpu.memory_space<vmem>>) target(%dma_start3A_282 : memref<10000x32xf32, #tpu.memory_space<vmem_shared>>) offsets(%dma_start3A_279 : memref<125xi32, #tpu.memory_space<vmem>>) semaphore(%arg32 : memref<!tpu.dma_semaphore, #tpu.memory_space<semaphore_mem>>) {add = true}
      %add3A_283 = arith.constant 6 : i32
      %add3A_284 = arith.addi %add3A_270, %add3A_283 : i32
      %lt3A_285 = arith.constant 80 : i32
      %lt3A_286 = arith.cmpi slt, %add3A_284, %lt3A_285 : i32
      %convert_element_type3A_287 = arith.extui %lt3A_286 : i1 to i32
      %cond3A_288 = arith.constant 0 : i32
      %cond3A_289 = arith.cmpi ne, %convert_element_type3A_287, %cond3A_288 : i32
      scf.if %cond3A_289 {
        %ge3A = arith.constant 8 : i32
        %ge3A_311 = arith.cmpi sge, %add3A_284, %ge3A : i32
        %convert_element_type3A_312 = arith.extui %ge3A_311 : i1 to i32
        %cond3A_313 = arith.constant 0 : i32
        %cond3A_314 = arith.cmpi ne, %convert_element_type3A_312, %cond3A_313 : i32
        scf.if %cond3A_314 {
          %sub3A = arith.constant 8 : i32
          %sub3A_321 = arith.subi %add3A_284, %sub3A : i32
          %dma_wait3A_322 = arith.constant 0 : i32
          %dma_wait3A_323 = tpu.memref_slice %arg7[%sub3A_321, %dma_wait3A_322] : memref<80x125xi32, #tpu.memory_space<vmem>> -> memref<1x125xi32, #tpu.memory_space<vmem>>
          %dma_wait3A_324 = tpu.memref_squeeze %dma_wait3A_323 : memref<1x125xi32, #tpu.memory_space<vmem>> -> memref<125xi32, #tpu.memory_space<vmem>>
          %dma_wait3A_325 = arith.constant 0 : i32
          %dma_wait3A_326 = arith.constant 0 : i32
          %dma_wait3A_327 = tpu.memref_slice %arg17[%dma_wait3A_325, %dma_wait3A_326] : memref<10000x32xf32, #tpu.memory_space<vmem_shared>> -> memref<10000x32xf32, #tpu.memory_space<vmem_shared>>
          tpu.wait_indirect_dma semaphore(%arg30 : memref<!tpu.dma_semaphore, #tpu.memory_space<semaphore_mem>>) src(%arg12 : memref<125x32xf32, #tpu.memory_space<vmem>>) dst(%dma_wait3A_327 : memref<10000x32xf32, #tpu.memory_space<vmem_shared>>)
        } else {
        }
        %dma_start3A_315 = arith.constant 0 : i32
        %dma_start3A_316 = tpu.memref_slice %arg6[%add3A_284, %dma_start3A_315] : memref<80x125xi32, #tpu.memory_space<vmem>> -> memref<1x125xi32, #tpu.memory_space<vmem>>
        %dma_start3A_317 = tpu.memref_squeeze %dma_start3A_316 : memref<1x125xi32, #tpu.memory_space<vmem>> -> memref<125xi32, #tpu.memory_space<vmem>>
        %dma_start3A_318 = arith.constant 0 : i32
        %dma_start3A_319 = arith.constant 0 : i32
        %dma_start3A_320 = tpu.memref_slice %arg2[%dma_start3A_318, %dma_start3A_319] : memref<10000x32xf32, #tpu.memory_space<hbm>> -> memref<10000x32xf32, #tpu.memory_space<hbm>>
        tpu.enqueue_indirect_dma source(%dma_start3A_320 : memref<10000x32xf32, #tpu.memory_space<hbm>>) target(%arg12 : memref<125x32xf32, #tpu.memory_space<vmem>>) offsets(%dma_start3A_317 : memref<125xi32, #tpu.memory_space<vmem>>) semaphore(%arg22 : memref<!tpu.dma_semaphore, #tpu.memory_space<semaphore_mem>>)
      } else {
      }
      %add3A_290 = arith.constant 7 : i32
      %add3A_291 = arith.addi %mul3A_144, %add3A_290 : i32
      %dma_wait3A_292 = arith.constant 0 : i32
      %dma_wait3A_293 = tpu.memref_slice %arg6[%add3A_291, %dma_wait3A_292] : memref<80x125xi32, #tpu.memory_space<vmem>> -> memref<1x125xi32, #tpu.memory_space<vmem>>
      %dma_wait3A_294 = tpu.memref_squeeze %dma_wait3A_293 : memref<1x125xi32, #tpu.memory_space<vmem>> -> memref<125xi32, #tpu.memory_space<vmem>>
      %dma_wait3A_295 = arith.constant 0 : i32
      %dma_wait3A_296 = arith.constant 0 : i32
      %dma_wait3A_297 = tpu.memref_slice %arg2[%dma_wait3A_295, %dma_wait3A_296] : memref<10000x32xf32, #tpu.memory_space<hbm>> -> memref<10000x32xf32, #tpu.memory_space<hbm>>
      tpu.wait_indirect_dma semaphore(%arg25 : memref<!tpu.dma_semaphore, #tpu.memory_space<semaphore_mem>>) src(%dma_wait3A_297 : memref<10000x32xf32, #tpu.memory_space<hbm>>) dst(%arg15 : memref<125x32xf32, #tpu.memory_space<vmem>>)
      %dma_start3A_298 = arith.constant 0 : i32
      %dma_start3A_299 = tpu.memref_slice %arg7[%add3A_291, %dma_start3A_298] : memref<80x125xi32, #tpu.memory_space<vmem>> -> memref<1x125xi32, #tpu.memory_space<vmem>>
      %dma_start3A_300 = tpu.memref_squeeze %dma_start3A_299 : memref<1x125xi32, #tpu.memory_space<vmem>> -> memref<125xi32, #tpu.memory_space<vmem>>
      %dma_start3A_301 = arith.constant 0 : i32
      %dma_start3A_302 = arith.constant 0 : i32
      %dma_start3A_303 = tpu.memref_slice %arg17[%dma_start3A_301, %dma_start3A_302] : memref<10000x32xf32, #tpu.memory_space<vmem_shared>> -> memref<10000x32xf32, #tpu.memory_space<vmem_shared>>
      tpu.enqueue_indirect_dma source(%arg15 : memref<125x32xf32, #tpu.memory_space<vmem>>) target(%dma_start3A_303 : memref<10000x32xf32, #tpu.memory_space<vmem_shared>>) offsets(%dma_start3A_300 : memref<125xi32, #tpu.memory_space<vmem>>) semaphore(%arg33 : memref<!tpu.dma_semaphore, #tpu.memory_space<semaphore_mem>>) {add = true}
      %add3A_304 = arith.constant 6 : i32
      %add3A_305 = arith.addi %add3A_291, %add3A_304 : i32
      %lt3A_306 = arith.constant 80 : i32
      %lt3A_307 = arith.cmpi slt, %add3A_305, %lt3A_306 : i32
      %convert_element_type3A_308 = arith.extui %lt3A_307 : i1 to i32
      %cond3A_309 = arith.constant 0 : i32
      %cond3A_310 = arith.cmpi ne, %convert_element_type3A_308, %cond3A_309 : i32
      scf.if %cond3A_310 {
        %ge3A = arith.constant 8 : i32
        %ge3A_311 = arith.cmpi sge, %add3A_305, %ge3A : i32
        %convert_element_type3A_312 = arith.extui %ge3A_311 : i1 to i32
        %cond3A_313 = arith.constant 0 : i32
        %cond3A_314 = arith.cmpi ne, %convert_element_type3A_312, %cond3A_313 : i32
        scf.if %cond3A_314 {
          %sub3A = arith.constant 8 : i32
          %sub3A_321 = arith.subi %add3A_305, %sub3A : i32
          %dma_wait3A_322 = arith.constant 0 : i32
          %dma_wait3A_323 = tpu.memref_slice %arg7[%sub3A_321, %dma_wait3A_322] : memref<80x125xi32, #tpu.memory_space<vmem>> -> memref<1x125xi32, #tpu.memory_space<vmem>>
          %dma_wait3A_324 = tpu.memref_squeeze %dma_wait3A_323 : memref<1x125xi32, #tpu.memory_space<vmem>> -> memref<125xi32, #tpu.memory_space<vmem>>
          %dma_wait3A_325 = arith.constant 0 : i32
          %dma_wait3A_326 = arith.constant 0 : i32
          %dma_wait3A_327 = tpu.memref_slice %arg17[%dma_wait3A_325, %dma_wait3A_326] : memref<10000x32xf32, #tpu.memory_space<vmem_shared>> -> memref<10000x32xf32, #tpu.memory_space<vmem_shared>>
          tpu.wait_indirect_dma semaphore(%arg31 : memref<!tpu.dma_semaphore, #tpu.memory_space<semaphore_mem>>) src(%arg13 : memref<125x32xf32, #tpu.memory_space<vmem>>) dst(%dma_wait3A_327 : memref<10000x32xf32, #tpu.memory_space<vmem_shared>>)
        } else {
        }
        %dma_start3A_315 = arith.constant 0 : i32
        %dma_start3A_316 = tpu.memref_slice %arg6[%add3A_305, %dma_start3A_315] : memref<80x125xi32, #tpu.memory_space<vmem>> -> memref<1x125xi32, #tpu.memory_space<vmem>>
        %dma_start3A_317 = tpu.memref_squeeze %dma_start3A_316 : memref<1x125xi32, #tpu.memory_space<vmem>> -> memref<125xi32, #tpu.memory_space<vmem>>
        %dma_start3A_318 = arith.constant 0 : i32
        %dma_start3A_319 = arith.constant 0 : i32
        %dma_start3A_320 = tpu.memref_slice %arg2[%dma_start3A_318, %dma_start3A_319] : memref<10000x32xf32, #tpu.memory_space<hbm>> -> memref<10000x32xf32, #tpu.memory_space<hbm>>
        tpu.enqueue_indirect_dma source(%dma_start3A_320 : memref<10000x32xf32, #tpu.memory_space<hbm>>) target(%arg13 : memref<125x32xf32, #tpu.memory_space<vmem>>) offsets(%dma_start3A_317 : memref<125xi32, #tpu.memory_space<vmem>>) semaphore(%arg23 : memref<!tpu.dma_semaphore, #tpu.memory_space<semaphore_mem>>)
      } else {
      }
    }
    %scan3A_79 = arith.constant 10 : i32
    %dma_wait3A_80 = arith.constant 72 : i32
    %dma_wait3A_81 = arith.constant 0 : i32
    %dma_wait3A_82 = tpu.memref_slice %arg7[%dma_wait3A_80, %dma_wait3A_81] : memref<80x125xi32, #tpu.memory_space<vmem>> -> memref<1x125xi32, #tpu.memory_space<vmem>>
    %dma_wait3A_83 = tpu.memref_squeeze %dma_wait3A_82 : memref<1x125xi32, #tpu.memory_space<vmem>> -> memref<125xi32, #tpu.memory_space<vmem>>
    %dma_wait3A_84 = arith.constant 0 : i32
    %dma_wait3A_85 = arith.constant 0 : i32
    %dma_wait3A_86 = tpu.memref_slice %arg17[%dma_wait3A_84, %dma_wait3A_85] : memref<10000x32xf32, #tpu.memory_space<vmem_shared>> -> memref<10000x32xf32, #tpu.memory_space<vmem_shared>>
    tpu.wait_indirect_dma semaphore(%arg26 : memref<!tpu.dma_semaphore, #tpu.memory_space<semaphore_mem>>) src(%arg8 : memref<125x32xf32, #tpu.memory_space<vmem>>) dst(%dma_wait3A_86 : memref<10000x32xf32, #tpu.memory_space<vmem_shared>>)
    %dma_wait3A_87 = arith.constant 73 : i32
    %dma_wait3A_88 = arith.constant 0 : i32
    %dma_wait3A_89 = tpu.memref_slice %arg7[%dma_wait3A_87, %dma_wait3A_88] : memref<80x125xi32, #tpu.memory_space<vmem>> -> memref<1x125xi32, #tpu.memory_space<vmem>>
    %dma_wait3A_90 = tpu.memref_squeeze %dma_wait3A_89 : memref<1x125xi32, #tpu.memory_space<vmem>> -> memref<125xi32, #tpu.memory_space<vmem>>
    %dma_wait3A_91 = arith.constant 0 : i32
    %dma_wait3A_92 = arith.constant 0 : i32
    %dma_wait3A_93 = tpu.memref_slice %arg17[%dma_wait3A_91, %dma_wait3A_92] : memref<10000x32xf32, #tpu.memory_space<vmem_shared>> -> memref<10000x32xf32, #tpu.memory_space<vmem_shared>>
    tpu.wait_indirect_dma semaphore(%arg27 : memref<!tpu.dma_semaphore, #tpu.memory_space<semaphore_mem>>) src(%arg9 : memref<125x32xf32, #tpu.memory_space<vmem>>) dst(%dma_wait3A_93 : memref<10000x32xf32, #tpu.memory_space<vmem_shared>>)
    %dma_wait3A_94 = arith.constant 74 : i32
    %dma_wait3A_95 = arith.constant 0 : i32
    %dma_wait3A_96 = tpu.memref_slice %arg7[%dma_wait3A_94, %dma_wait3A_95] : memref<80x125xi32, #tpu.memory_space<vmem>> -> memref<1x125xi32, #tpu.memory_space<vmem>>
    %dma_wait3A_97 = tpu.memref_squeeze %dma_wait3A_96 : memref<1x125xi32, #tpu.memory_space<vmem>> -> memref<125xi32, #tpu.memory_space<vmem>>
    %dma_wait3A_98 = arith.constant 0 : i32
    %dma_wait3A_99 = arith.constant 0 : i32
    %dma_wait3A_100 = tpu.memref_slice %arg17[%dma_wait3A_98, %dma_wait3A_99] : memref<10000x32xf32, #tpu.memory_space<vmem_shared>> -> memref<10000x32xf32, #tpu.memory_space<vmem_shared>>
    tpu.wait_indirect_dma semaphore(%arg28 : memref<!tpu.dma_semaphore, #tpu.memory_space<semaphore_mem>>) src(%arg10 : memref<125x32xf32, #tpu.memory_space<vmem>>) dst(%dma_wait3A_100 : memref<10000x32xf32, #tpu.memory_space<vmem_shared>>)
    %dma_wait3A_101 = arith.constant 75 : i32
    %dma_wait3A_102 = arith.constant 0 : i32
    %dma_wait3A_103 = tpu.memref_slice %arg7[%dma_wait3A_101, %dma_wait3A_102] : memref<80x125xi32, #tpu.memory_space<vmem>> -> memref<1x125xi32, #tpu.memory_space<vmem>>
    %dma_wait3A_104 = tpu.memref_squeeze %dma_wait3A_103 : memref<1x125xi32, #tpu.memory_space<vmem>> -> memref<125xi32, #tpu.memory_space<vmem>>
    %dma_wait3A_105 = arith.constant 0 : i32
    %dma_wait3A_106 = arith.constant 0 : i32
    %dma_wait3A_107 = tpu.memref_slice %arg17[%dma_wait3A_105, %dma_wait3A_106] : memref<10000x32xf32, #tpu.memory_space<vmem_shared>> -> memref<10000x32xf32, #tpu.memory_space<vmem_shared>>
    tpu.wait_indirect_dma semaphore(%arg29 : memref<!tpu.dma_semaphore, #tpu.memory_space<semaphore_mem>>) src(%arg11 : memref<125x32xf32, #tpu.memory_space<vmem>>) dst(%dma_wait3A_107 : memref<10000x32xf32, #tpu.memory_space<vmem_shared>>)
    %dma_wait3A_108 = arith.constant 76 : i32
    %dma_wait3A_109 = arith.constant 0 : i32
    %dma_wait3A_110 = tpu.memref_slice %arg7[%dma_wait3A_108, %dma_wait3A_109] : memref<80x125xi32, #tpu.memory_space<vmem>> -> memref<1x125xi32, #tpu.memory_space<vmem>>
    %dma_wait3A_111 = tpu.memref_squeeze %dma_wait3A_110 : memref<1x125xi32, #tpu.memory_space<vmem>> -> memref<125xi32, #tpu.memory_space<vmem>>
    %dma_wait3A_112 = arith.constant 0 : i32
    %dma_wait3A_113 = arith.constant 0 : i32
    %dma_wait3A_114 = tpu.memref_slice %arg17[%dma_wait3A_112, %dma_wait3A_113] : memref<10000x32xf32, #tpu.memory_space<vmem_shared>> -> memref<10000x32xf32, #tpu.memory_space<vmem_shared>>
    tpu.wait_indirect_dma semaphore(%arg30 : memref<!tpu.dma_semaphore, #tpu.memory_space<semaphore_mem>>) src(%arg12 : memref<125x32xf32, #tpu.memory_space<vmem>>) dst(%dma_wait3A_114 : memref<10000x32xf32, #tpu.memory_space<vmem_shared>>)
    %dma_wait3A_115 = arith.constant 77 : i32
    %dma_wait3A_116 = arith.constant 0 : i32
    %dma_wait3A_117 = tpu.memref_slice %arg7[%dma_wait3A_115, %dma_wait3A_116] : memref<80x125xi32, #tpu.memory_space<vmem>> -> memref<1x125xi32, #tpu.memory_space<vmem>>
    %dma_wait3A_118 = tpu.memref_squeeze %dma_wait3A_117 : memref<1x125xi32, #tpu.memory_space<vmem>> -> memref<125xi32, #tpu.memory_space<vmem>>
    %dma_wait3A_119 = arith.constant 0 : i32
    %dma_wait3A_120 = arith.constant 0 : i32
    %dma_wait3A_121 = tpu.memref_slice %arg17[%dma_wait3A_119, %dma_wait3A_120] : memref<10000x32xf32, #tpu.memory_space<vmem_shared>> -> memref<10000x32xf32, #tpu.memory_space<vmem_shared>>
    tpu.wait_indirect_dma semaphore(%arg31 : memref<!tpu.dma_semaphore, #tpu.memory_space<semaphore_mem>>) src(%arg13 : memref<125x32xf32, #tpu.memory_space<vmem>>) dst(%dma_wait3A_121 : memref<10000x32xf32, #tpu.memory_space<vmem_shared>>)
    %dma_wait3A_122 = arith.constant 78 : i32
    %dma_wait3A_123 = arith.constant 0 : i32
    %dma_wait3A_124 = tpu.memref_slice %arg7[%dma_wait3A_122, %dma_wait3A_123] : memref<80x125xi32, #tpu.memory_space<vmem>> -> memref<1x125xi32, #tpu.memory_space<vmem>>
    %dma_wait3A_125 = tpu.memref_squeeze %dma_wait3A_124 : memref<1x125xi32, #tpu.memory_space<vmem>> -> memref<125xi32, #tpu.memory_space<vmem>>
    %dma_wait3A_126 = arith.constant 0 : i32
    %dma_wait3A_127 = arith.constant 0 : i32
    %dma_wait3A_128 = tpu.memref_slice %arg17[%dma_wait3A_126, %dma_wait3A_127] : memref<10000x32xf32, #tpu.memory_space<vmem_shared>> -> memref<10000x32xf32, #tpu.memory_space<vmem_shared>>
    tpu.wait_indirect_dma semaphore(%arg32 : memref<!tpu.dma_semaphore, #tpu.memory_space<semaphore_mem>>) src(%arg14 : memref<125x32xf32, #tpu.memory_space<vmem>>) dst(%dma_wait3A_128 : memref<10000x32xf32, #tpu.memory_space<vmem_shared>>)
    %dma_wait3A_129 = arith.constant 79 : i32
    %dma_wait3A_130 = arith.constant 0 : i32
    %dma_wait3A_131 = tpu.memref_slice %arg7[%dma_wait3A_129, %dma_wait3A_130] : memref<80x125xi32, #tpu.memory_space<vmem>> -> memref<1x125xi32, #tpu.memory_space<vmem>>
    %dma_wait3A_132 = tpu.memref_squeeze %dma_wait3A_131 : memref<1x125xi32, #tpu.memory_space<vmem>> -> memref<125xi32, #tpu.memory_space<vmem>>
    %dma_wait3A_133 = arith.constant 0 : i32
    %dma_wait3A_134 = arith.constant 0 : i32
    %dma_wait3A_135 = tpu.memref_slice %arg17[%dma_wait3A_133, %dma_wait3A_134] : memref<10000x32xf32, #tpu.memory_space<vmem_shared>> -> memref<10000x32xf32, #tpu.memory_space<vmem_shared>>
    tpu.wait_indirect_dma semaphore(%arg33 : memref<!tpu.dma_semaphore, #tpu.memory_space<semaphore_mem>>) src(%arg15 : memref<125x32xf32, #tpu.memory_space<vmem>>) dst(%dma_wait3A_135 : memref<10000x32xf32, #tpu.memory_space<vmem_shared>>)
    %barrier3A_136 = arith.constant 0 : index
    tpu.barrier barrier_id(%barrier3A_136)
    "tpu.region"() ({
      %run_scoped3A = tpu.sem_alloc : memref<!tpu.dma_semaphore, #tpu.memory_space<semaphore_mem>>
      %dma_start3A_142 = arith.constant 0 : i32
      %dma_start3A_143 = tpu.memref_slice %arg17[%mul3A_0, %dma_start3A_142] : memref<10000x32xf32, #tpu.memory_space<vmem_shared>> -> memref<624x32xf32, #tpu.memory_space<vmem_shared>>
      %dma_start3A_144 = arith.constant 0 : i32
      %dma_start3A_145 = tpu.memref_slice %arg17[%mul3A_0, %dma_start3A_144] : memref<10000x32xf32, #tpu.memory_space<vmem_shared>> -> memref<624x32xf32, #tpu.memory_space<vmem_shared>>
      tpu.enqueue_dma source(%dma_start3A_145 : memref<624x32xf32, #tpu.memory_space<vmem_shared>>) target(%arg16 : memref<624x32xf32, #tpu.memory_space<vmem>>) target_semaphore(%run_scoped3A : memref<!tpu.dma_semaphore, #tpu.memory_space<semaphore_mem>>)
      %dma_wait3A_146 = arith.constant 0 : i32
      %dma_wait3A_147 = tpu.memref_slice %arg17[%mul3A_0, %dma_wait3A_146] : memref<10000x32xf32, #tpu.memory_space<vmem_shared>> -> memref<624x32xf32, #tpu.memory_space<vmem_shared>>
      %dma_wait3A_148 = arith.constant 0 : i32
      %dma_wait3A_149 = tpu.memref_slice %arg17[%mul3A_0, %dma_wait3A_148] : memref<10000x32xf32, #tpu.memory_space<vmem_shared>> -> memref<624x32xf32, #tpu.memory_space<vmem_shared>>
      tpu.wait_dma2 semaphore(%run_scoped3A : memref<!tpu.dma_semaphore, #tpu.memory_space<semaphore_mem>>) src(%dma_wait3A_149 : memref<624x32xf32, #tpu.memory_space<vmem_shared>>) dst(%arg16 : memref<624x32xf32, #tpu.memory_space<vmem>>)
      tpu.yield
    }) : () -> ()
    "tpu.region"() ({
      %run_scoped3A = tpu.sem_alloc : memref<!tpu.dma_semaphore, #tpu.memory_space<semaphore_mem>>
      %dma_start3A_142 = arith.constant 0 : i32
      %dma_start3A_143 = tpu.memref_slice %arg5[%arg0, %mul3A_0, %dma_start3A_142] : memref<2x10000x32xf32, #tpu.memory_space<hbm>> -> memref<1x624x32xf32, #tpu.memory_space<hbm>>
      %dma_start3A_144 = tpu.memref_squeeze %dma_start3A_143 : memref<1x624x32xf32, #tpu.memory_space<hbm>> -> memref<624x32xf32, #tpu.memory_space<hbm>>
      %dma_start3A_145 = arith.constant 0 : i32
      %dma_start3A_146 = tpu.memref_slice %arg5[%arg0, %mul3A_0, %dma_start3A_145] : memref<2x10000x32xf32, #tpu.memory_space<hbm>> -> memref<1x624x32xf32, #tpu.memory_space<hbm>>
      %dma_start3A_147 = tpu.memref_squeeze %dma_start3A_146 : memref<1x624x32xf32, #tpu.memory_space<hbm>> -> memref<624x32xf32, #tpu.memory_space<hbm>>
      tpu.enqueue_dma source(%arg16 : memref<624x32xf32, #tpu.memory_space<vmem>>) target(%dma_start3A_147 : memref<624x32xf32, #tpu.memory_space<hbm>>) target_semaphore(%run_scoped3A : memref<!tpu.dma_semaphore, #tpu.memory_space<semaphore_mem>>)
      %dma_wait3A_148 = arith.constant 0 : i32
      %dma_wait3A_149 = tpu.memref_slice %arg5[%arg0, %mul3A_0, %dma_wait3A_148] : memref<2x10000x32xf32, #tpu.memory_space<hbm>> -> memref<1x624x32xf32, #tpu.memory_space<hbm>>
      %dma_wait3A_150 = tpu.memref_squeeze %dma_wait3A_149 : memref<1x624x32xf32, #tpu.memory_space<hbm>> -> memref<624x32xf32, #tpu.memory_space<hbm>>
      %dma_wait3A_151 = arith.constant 0 : i32
      %dma_wait3A_152 = tpu.memref_slice %arg5[%arg0, %mul3A_0, %dma_wait3A_151] : memref<2x10000x32xf32, #tpu.memory_space<hbm>> -> memref<1x624x32xf32, #tpu.memory_space<hbm>>
      %dma_wait3A_153 = tpu.memref_squeeze %dma_wait3A_152 : memref<1x624x32xf32, #tpu.memory_space<hbm>> -> memref<624x32xf32, #tpu.memory_space<hbm>>
      tpu.wait_dma2 semaphore(%run_scoped3A : memref<!tpu.dma_semaphore, #tpu.memory_space<semaphore_mem>>) src(%arg16 : memref<624x32xf32, #tpu.memory_space<vmem>>) dst(%dma_wait3A_153 : memref<624x32xf32, #tpu.memory_space<hbm>>)
      tpu.yield
    }) : () -> ()
    %eq3A_137 = arith.constant 0 : i32
    %eq3A_138 = arith.cmpi eq, %arg1, %eq3A_137 : i32
    %convert_element_type3A_139 = arith.extui %eq3A_138 : i1 to i32
    %cond3A_140 = arith.constant 0 : i32
    %cond3A_141 = arith.cmpi ne, %convert_element_type3A_139, %cond3A_140 : i32
    scf.if %cond3A_141 {
      "tpu.region"() ({
        %run_scoped3A = tpu.sem_alloc : memref<!tpu.dma_semaphore, #tpu.memory_space<semaphore_mem>>
        %dma_start3A_142 = arith.constant 0 : i32
        %dma_start3A_143 = arith.constant 0 : i32
        %dma_start3A_144 = tpu.memref_slice %arg16[%dma_start3A_142, %dma_start3A_143] : memref<624x32xf32, #tpu.memory_space<vmem>> -> memref<16x32xf32, #tpu.memory_space<vmem>>
        %dma_start3A_145 = arith.constant 9984 : i32
        %dma_start3A_146 = arith.constant 0 : i32
        %dma_start3A_147 = tpu.memref_slice %arg17[%dma_start3A_145, %dma_start3A_146] : memref<10000x32xf32, #tpu.memory_space<vmem_shared>> -> memref<16x32xf32, #tpu.memory_space<vmem_shared>>
        %dma_start3A_148 = arith.constant 0 : i32
        %dma_start3A_149 = arith.constant 0 : i32
        %dma_start3A_150 = tpu.memref_slice %arg16[%dma_start3A_148, %dma_start3A_149] : memref<624x32xf32, #tpu.memory_space<vmem>> -> memref<16x32xf32, #tpu.memory_space<vmem>>
        %dma_start3A_151 = arith.constant 9984 : i32
        %dma_start3A_152 = arith.constant 0 : i32
        %dma_start3A_153 = tpu.memref_slice %arg17[%dma_start3A_151, %dma_start3A_152] : memref<10000x32xf32, #tpu.memory_space<vmem_shared>> -> memref<16x32xf32, #tpu.memory_space<vmem_shared>>
        tpu.enqueue_dma source(%dma_start3A_153 : memref<16x32xf32, #tpu.memory_space<vmem_shared>>) target(%dma_start3A_150 : memref<16x32xf32, #tpu.memory_space<vmem>>) target_semaphore(%run_scoped3A : memref<!tpu.dma_semaphore, #tpu.memory_space<semaphore_mem>>)
        %dma_wait3A_154 = arith.constant 0 : i32
        %dma_wait3A_155 = arith.constant 0 : i32
        %dma_wait3A_156 = tpu.memref_slice %arg16[%dma_wait3A_154, %dma_wait3A_155] : memref<624x32xf32, #tpu.memory_space<vmem>> -> memref<16x32xf32, #tpu.memory_space<vmem>>
        %dma_wait3A_157 = arith.constant 9984 : i32
        %dma_wait3A_158 = arith.constant 0 : i32
        %dma_wait3A_159 = tpu.memref_slice %arg17[%dma_wait3A_157, %dma_wait3A_158] : memref<10000x32xf32, #tpu.memory_space<vmem_shared>> -> memref<16x32xf32, #tpu.memory_space<vmem_shared>>
        %dma_wait3A_160 = arith.constant 0 : i32
        %dma_wait3A_161 = arith.constant 0 : i32
        %dma_wait3A_162 = tpu.memref_slice %arg16[%dma_wait3A_160, %dma_wait3A_161] : memref<624x32xf32, #tpu.memory_space<vmem>> -> memref<16x32xf32, #tpu.memory_space<vmem>>
        %dma_wait3A_163 = arith.constant 9984 : i32
        %dma_wait3A_164 = arith.constant 0 : i32
        %dma_wait3A_165 = tpu.memref_slice %arg17[%dma_wait3A_163, %dma_wait3A_164] : memref<10000x32xf32, #tpu.memory_space<vmem_shared>> -> memref<16x32xf32, #tpu.memory_space<vmem_shared>>
        tpu.wait_dma2 semaphore(%run_scoped3A : memref<!tpu.dma_semaphore, #tpu.memory_space<semaphore_mem>>) src(%dma_wait3A_165 : memref<16x32xf32, #tpu.memory_space<vmem_shared>>) dst(%dma_wait3A_162 : memref<16x32xf32, #tpu.memory_space<vmem>>)
        tpu.yield
      }) : () -> ()
      "tpu.region"() ({
        %run_scoped3A = tpu.sem_alloc : memref<!tpu.dma_semaphore, #tpu.memory_space<semaphore_mem>>
        %dma_start3A_142 = arith.constant 0 : i32
        %dma_start3A_143 = arith.constant 0 : i32
        %dma_start3A_144 = tpu.memref_slice %arg16[%dma_start3A_142, %dma_start3A_143] : memref<624x32xf32, #tpu.memory_space<vmem>> -> memref<16x32xf32, #tpu.memory_space<vmem>>
        %dma_start3A_145 = arith.constant 9984 : i32
        %dma_start3A_146 = arith.constant 0 : i32
        %dma_start3A_147 = tpu.memref_slice %arg5[%arg0, %dma_start3A_145, %dma_start3A_146] : memref<2x10000x32xf32, #tpu.memory_space<hbm>> -> memref<1x16x32xf32, #tpu.memory_space<hbm>>
        %dma_start3A_148 = tpu.memref_squeeze %dma_start3A_147 : memref<1x16x32xf32, #tpu.memory_space<hbm>> -> memref<16x32xf32, #tpu.memory_space<hbm>>
        %dma_start3A_149 = arith.constant 9984 : i32
        %dma_start3A_150 = arith.constant 0 : i32
        %dma_start3A_151 = tpu.memref_slice %arg5[%arg0, %dma_start3A_149, %dma_start3A_150] : memref<2x10000x32xf32, #tpu.memory_space<hbm>> -> memref<1x16x32xf32, #tpu.memory_space<hbm>>
        %dma_start3A_152 = tpu.memref_squeeze %dma_start3A_151 : memref<1x16x32xf32, #tpu.memory_space<hbm>> -> memref<16x32xf32, #tpu.memory_space<hbm>>
        %dma_start3A_153 = arith.constant 0 : i32
        %dma_start3A_154 = arith.constant 0 : i32
        %dma_start3A_155 = tpu.memref_slice %arg16[%dma_start3A_153, %dma_start3A_154] : memref<624x32xf32, #tpu.memory_space<vmem>> -> memref<16x32xf32, #tpu.memory_space<vmem>>
        tpu.enqueue_dma source(%dma_start3A_155 : memref<16x32xf32, #tpu.memory_space<vmem>>) target(%dma_start3A_152 : memref<16x32xf32, #tpu.memory_space<hbm>>) target_semaphore(%run_scoped3A : memref<!tpu.dma_semaphore, #tpu.memory_space<semaphore_mem>>)
        %dma_wait3A_156 = arith.constant 0 : i32
        %dma_wait3A_157 = arith.constant 0 : i32
        %dma_wait3A_158 = tpu.memref_slice %arg16[%dma_wait3A_156, %dma_wait3A_157] : memref<624x32xf32, #tpu.memory_space<vmem>> -> memref<16x32xf32, #tpu.memory_space<vmem>>
        %dma_wait3A_159 = arith.constant 9984 : i32
        %dma_wait3A_160 = arith.constant 0 : i32
        %dma_wait3A_161 = tpu.memref_slice %arg5[%arg0, %dma_wait3A_159, %dma_wait3A_160] : memref<2x10000x32xf32, #tpu.memory_space<hbm>> -> memref<1x16x32xf32, #tpu.memory_space<hbm>>
        %dma_wait3A_162 = tpu.memref_squeeze %dma_wait3A_161 : memref<1x16x32xf32, #tpu.memory_space<hbm>> -> memref<16x32xf32, #tpu.memory_space<hbm>>
        %dma_wait3A_163 = arith.constant 9984 : i32
        %dma_wait3A_164 = arith.constant 0 : i32
        %dma_wait3A_165 = tpu.memref_slice %arg5[%arg0, %dma_wait3A_163, %dma_wait3A_164] : memref<2x10000x32xf32, #tpu.memory_space<hbm>> -> memref<1x16x32xf32, #tpu.memory_space<hbm>>
        %dma_wait3A_166 = tpu.memref_squeeze %dma_wait3A_165 : memref<1x16x32xf32, #tpu.memory_space<hbm>> -> memref<16x32xf32, #tpu.memory_space<hbm>>
        %dma_wait3A_167 = arith.constant 0 : i32
        %dma_wait3A_168 = arith.constant 0 : i32
        %dma_wait3A_169 = tpu.memref_slice %arg16[%dma_wait3A_167, %dma_wait3A_168] : memref<624x32xf32, #tpu.memory_space<vmem>> -> memref<16x32xf32, #tpu.memory_space<vmem>>
        tpu.wait_dma2 semaphore(%run_scoped3A : memref<!tpu.dma_semaphore, #tpu.memory_space<semaphore_mem>>) src(%dma_wait3A_169 : memref<16x32xf32, #tpu.memory_space<vmem>>) dst(%dma_wait3A_166 : memref<16x32xf32, #tpu.memory_space<hbm>>)
        tpu.yield
      }) : () -> ()
    } else {
    }
    return
  }
}

module attributes {stable_mosaic.version = 14 : i64} {
  func.func @_mm1_body(%arg0: memref<10000x128xf32, #tpu.memory_space<vmem>>, %arg1: memref<128x20xf32, #tpu.memory_space<vmem>>, %arg2: memref<10000x32xf32, #tpu.memory_space<vmem>>) attributes {dimension_semantics = [], scalar_prefetch = 0 : i64, scratch_operands = 0 : i64, tpu.core_type = #tpu.core_type<tc>} {
    %get3A = arith.constant 0 : index
    %get3A_0 = arith.constant 0 : index
    %get3A_1 = vector.load %arg1[%get3A, %get3A_0] : memref<128x20xf32, #tpu.memory_space<vmem>>, vector<128x20xf32>
    %broadcast_in_dim3A = arith.constant 0.000000e+00 : f32
    %broadcast_in_dim3A_2 = vector.broadcast %broadcast_in_dim3A : f32 to vector<128x12xf32>
    %concatenate3A = tpu.concatenate %get3A_1, %broadcast_in_dim3A_2 in 1 : vector<128x20xf32>, vector<128x12xf32> -> vector<128x32xf32>
    %get3A_3 = arith.constant 0 : index
    %get3A_4 = arith.constant 0 : index
    %get3A_5 = vector.load %arg0[%get3A_3, %get3A_4] : memref<10000x128xf32, #tpu.memory_space<vmem>>, vector<10000x128xf32>
    %dot_general3A = arith.constant dense<0.000000e+00> : vector<10000x32xf32>
    %dot_general3A_6 = tpu.matmul %get3A_5, %concatenate3A, %dot_general3A {dimension_numbers = #tpu.dot_dimension_numbers<[1], [0], [0], [1], [0, 0, 1, 1], [], []>, transpose_lhs_hint = false} : vector<10000x128xf32>, vector<128x32xf32>, vector<10000x32xf32> -> vector<10000x32xf32>
    %swap3A = arith.constant 0 : index
    %swap3A_7 = arith.constant 0 : index
    %swap3A_8 = vector.load %arg2[%swap3A, %swap3A_7] : memref<10000x32xf32, #tpu.memory_space<vmem>>, vector<10000x32xf32>
    tpu.vector_store %arg2[%swap3A, %swap3A_7], %dot_general3A_6 {strides = array<i32>} : memref<10000x32xf32, #tpu.memory_space<vmem>>, vector<10000x32xf32>,
    return
  }
}

module attributes {stable_mosaic.version = 14 : i64} {
  func.func @_scale_body(%arg0: memref<2x10000xf32, #tpu.memory_space<vmem>>, %arg1: memref<10000x32xf32, #tpu.memory_space<vmem>>, %arg2: memref<10000x32xf32, #tpu.memory_space<vmem>>, %arg3: memref<10000x1xf32, #tpu.memory_space<vmem>>, %arg4: memref<10000xf32, #tpu.memory_space<vmem>>) attributes {dimension_semantics = [], scalar_prefetch = 0 : i64, scratch_operands = 0 : i64, tpu.core_type = #tpu.core_type<tc>} {
    %get3A = arith.constant 0 : index
    %get3A_0 = arith.constant 0 : index
    %get3A_1 = vector.load %arg0[%get3A, %get3A_0] : memref<2x10000xf32, #tpu.memory_space<vmem>>, vector<1x10000xf32>
    %get3A_2 = vector.shape_cast %get3A_1 : vector<1x10000xf32> to vector<10000xf32>
    %get3A_3 = arith.constant 1 : index
    %get3A_4 = arith.constant 0 : index
    %get3A_5 = vector.load %arg0[%get3A_3, %get3A_4] : memref<2x10000xf32, #tpu.memory_space<vmem>>, vector<1x10000xf32>
    %get3A_6 = vector.shape_cast %get3A_5 : vector<1x10000xf32> to vector<10000xf32>
    %add3A = arith.addf %get3A_2, %get3A_6 : vector<10000xf32>
    %add3A_7 = arith.constant 1.000000e+00 : f32
    %add3A_8 = vector.broadcast %add3A_7 : f32 to vector<10000xf32>
    %add3A_9 = arith.addf %add3A, %add3A_8 : vector<10000xf32>
    %rsqrt3A = math.rsqrt %add3A_9 : vector<10000xf32>
    %reshape3A = vector.shape_cast %rsqrt3A : vector<10000xf32> to vector<10000x1xf32>
    %swap3A = arith.constant 0 : index
    %swap3A_10 = arith.constant 0 : index
    %swap3A_11 = vector.load %arg3[%swap3A, %swap3A_10] : memref<10000x1xf32, #tpu.memory_space<vmem>>, vector<10000x1xf32>
    tpu.vector_store %arg3[%swap3A, %swap3A_10], %reshape3A {strides = array<i32>} : memref<10000x1xf32, #tpu.memory_space<vmem>>, vector<10000x1xf32>,
    %reshape3A_12 = vector.shape_cast %reshape3A : vector<10000x1xf32> to vector<10000xf32>
    %swap3A_13 = arith.constant 0 : index
    %swap3A_14 = vector.load %arg4[%swap3A_13] : memref<10000xf32, #tpu.memory_space<vmem>>, vector<10000xf32>
    tpu.vector_store %arg4[%swap3A_13], %reshape3A_12 {strides = array<i32>} : memref<10000xf32, #tpu.memory_space<vmem>>, vector<10000xf32>,
    %get3A_15 = arith.constant 0 : index
    %get3A_16 = arith.constant 0 : index
    %get3A_17 = vector.load %arg1[%get3A_15, %get3A_16] : memref<10000x32xf32, #tpu.memory_space<vmem>>, vector<10000x32xf32>
    %mul3A = vector.broadcast %reshape3A : vector<10000x1xf32> to vector<10000x32xf32>
    %mul3A_18 = arith.mulf %mul3A, %get3A_17 : vector<10000x32xf32>
    %swap3A_19 = arith.constant 0 : index
    %swap3A_20 = arith.constant 0 : index
    %swap3A_21 = vector.load %arg2[%swap3A_19, %swap3A_20] : memref<10000x32xf32, #tpu.memory_space<vmem>>, vector<10000x32xf32>
    tpu.vector_store %arg2[%swap3A_19, %swap3A_20], %mul3A_18 {strides = array<i32>} : memref<10000x32xf32, #tpu.memory_space<vmem>>, vector<10000x32xf32>,
    return
  }
}

module attributes {stable_mosaic.version = 14 : i64} {
  func.func @_fin_body(%arg0: memref<2x10000x32xf32, #tpu.memory_space<vmem>>, %arg1: memref<10000x32xf32, #tpu.memory_space<vmem>>, %arg2: memref<10000x1xf32, #tpu.memory_space<vmem>>, %arg3: memref<20x10xf32, #tpu.memory_space<vmem>>, %arg4: memref<1x10xf32, #tpu.memory_space<vmem>>, %arg5: memref<20x10xf32, #tpu.memory_space<vmem>>, %arg6: memref<1x10xf32, #tpu.memory_space<vmem>>, %arg7: memref<10000x10xf32, #tpu.memory_space<vmem>>, %arg8: memref<10000x10xf32, #tpu.memory_space<vmem>>) attributes {dimension_semantics = [], scalar_prefetch = 0 : i64, scratch_operands = 0 : i64, tpu.core_type = #tpu.core_type<tc>} {
    %broadcast_in_dim3A = arith.constant 0.000000e+00 : f32
    %broadcast_in_dim3A_0 = vector.broadcast %broadcast_in_dim3A : f32 to vector<12x10xf32>
    %get3A = arith.constant 0 : index
    %get3A_1 = arith.constant 0 : index
    %get3A_2 = vector.load %arg3[%get3A, %get3A_1] : memref<20x10xf32, #tpu.memory_space<vmem>>, vector<20x10xf32>
    %concatenate3A = tpu.concatenate %get3A_2, %broadcast_in_dim3A_0 in 0 : vector<20x10xf32>, vector<12x10xf32> -> vector<32x10xf32>
    %get3A_3 = arith.constant 0 : index
    %get3A_4 = arith.constant 0 : index
    %get3A_5 = vector.load %arg5[%get3A_3, %get3A_4] : memref<20x10xf32, #tpu.memory_space<vmem>>, vector<20x10xf32>
    %concatenate3A_6 = tpu.concatenate %get3A_5, %broadcast_in_dim3A_0 in 0 : vector<20x10xf32>, vector<12x10xf32> -> vector<32x10xf32>
    %get3A_7 = arith.constant 0 : index
    %get3A_8 = arith.constant 0 : index
    %get3A_9 = vector.load %arg2[%get3A_7, %get3A_8] : memref<10000x1xf32, #tpu.memory_space<vmem>>, vector<10000x1xf32>
    %get3A_10 = arith.constant 0 : index
    %get3A_11 = arith.constant 0 : index
    %get3A_12 = arith.constant 0 : index
    %get3A_13 = vector.load %arg0[%get3A_10, %get3A_11, %get3A_12] : memref<2x10000x32xf32, #tpu.memory_space<vmem>>, vector<1x10000x32xf32>
    %get3A_14 = vector.shape_cast %get3A_13 : vector<1x10000x32xf32> to vector<10000x32xf32>
    %get3A_15 = arith.constant 1 : index
    %get3A_16 = arith.constant 0 : index
    %get3A_17 = arith.constant 0 : index
    %get3A_18 = vector.load %arg0[%get3A_15, %get3A_16, %get3A_17] : memref<2x10000x32xf32, #tpu.memory_space<vmem>>, vector<1x10000x32xf32>
    %get3A_19 = vector.shape_cast %get3A_18 : vector<1x10000x32xf32> to vector<10000x32xf32>
    %add3A = arith.addf %get3A_14, %get3A_19 : vector<10000x32xf32>
    %get3A_20 = arith.constant 0 : index
    %get3A_21 = arith.constant 0 : index
    %get3A_22 = vector.load %arg1[%get3A_20, %get3A_21] : memref<10000x32xf32, #tpu.memory_space<vmem>>, vector<10000x32xf32>
    %sub3A = arith.subf %add3A, %get3A_22 : vector<10000x32xf32>
    %mul3A = vector.broadcast %get3A_9 : vector<10000x1xf32> to vector<10000x32xf32>
    %mul3A_23 = arith.mulf %mul3A, %sub3A : vector<10000x32xf32>
    %dot_general3A = arith.constant dense<0.000000e+00> : vector<10000x10xf32>
    %dot_general3A_24 = tpu.matmul %mul3A_23, %concatenate3A, %dot_general3A {dimension_numbers = #tpu.dot_dimension_numbers<[1], [0], [0], [1], [0, 0, 1, 1], [], []>, transpose_lhs_hint = false} : vector<10000x32xf32>, vector<32x10xf32>, vector<10000x10xf32> -> vector<10000x10xf32>
    %get3A_25 = arith.constant 0 : index
    %get3A_26 = arith.constant 0 : index
    %get3A_27 = vector.load %arg4[%get3A_25, %get3A_26] : memref<1x10xf32, #tpu.memory_space<vmem>>, vector<1x10xf32>
    %add3A_28 = vector.broadcast %get3A_27 : vector<1x10xf32> to vector<10000x10xf32>
    %add3A_29 = arith.addf %dot_general3A_24, %add3A_28 : vector<10000x10xf32>
    %swap3A = arith.constant 0 : index
    %swap3A_30 = arith.constant 0 : index
    %swap3A_31 = vector.load %arg7[%swap3A, %swap3A_30] : memref<10000x10xf32, #tpu.memory_space<vmem>>, vector<10000x10xf32>
    tpu.vector_store %arg7[%swap3A, %swap3A_30], %add3A_29 {strides = array<i32>} : memref<10000x10xf32, #tpu.memory_space<vmem>>, vector<10000x10xf32>,
    %dot_general3A_32 = arith.constant dense<0.000000e+00> : vector<10000x10xf32>
    %dot_general3A_33 = tpu.matmul %mul3A_23, %concatenate3A_6, %dot_general3A_32 {dimension_numbers = #tpu.dot_dimension_numbers<[1], [0], [0], [1], [0, 0, 1, 1], [], []>, transpose_lhs_hint = false} : vector<10000x32xf32>, vector<32x10xf32>, vector<10000x10xf32> -> vector<10000x10xf32>
    %get3A_34 = arith.constant 0 : index
    %get3A_35 = arith.constant 0 : index
    %get3A_36 = vector.load %arg6[%get3A_34, %get3A_35] : memref<1x10xf32, #tpu.memory_space<vmem>>, vector<1x10xf32>
    %add3A_37 = vector.broadcast %get3A_36 : vector<1x10xf32> to vector<10000x10xf32>
    %add3A_38 = arith.addf %dot_general3A_33, %add3A_37 : vector<10000x10xf32>
    %swap3A_39 = arith.constant 0 : index
    %swap3A_40 = arith.constant 0 : index
    %swap3A_41 = vector.load %arg8[%swap3A_39, %swap3A_40] : memref<10000x10xf32, #tpu.memory_space<vmem>>, vector<10000x10xf32>
    tpu.vector_store %arg8[%swap3A_39, %swap3A_40], %add3A_38 {strides = array<i32>} : memref<10000x10xf32, #tpu.memory_space<vmem>>, vector<10000x10xf32>,
    return
  }
}

</mosaic_0001>

<sc_bundles>
// kernel: kernel.12.cloned.1.call-start
scs
__scs_entry_jumppad:
0x0: {  	(pc) =	sbr.rel $0x88, $3  }
0x1: {  	(tag) =	ssettag $0x0;
	lr =	simm.s32 $0x1  }
0x2: {  	[smem:$0x3F99] =	sst lr;
	_ =	strace $0xD0000000  }
0x3: {  	_ = 	snop  }
0x4: {  	_ = 	snop  }
0x5: {  	_ = 	snop  }
0x6: {  	_ = 	snop  }
0x7: {  	_ = 	snop  }
__scs_overlays_trampoline_lowered:
0x8: {  	[smem:$0x3FA8] =	sst s0  }
0x9: {  	[smem:$0x3FA9] =	sst s1  }
0xa: {  	[smem:$0x3FAA] =	sst s2  }
0xb: {  	[smem:$0x3FAB] =	sst s3  }
0xc: {  	[smem:$0x3FAC] =	sst s4  }
0xd: {  	[smem:$0x3FAD] =	sst s5  }
0xe: {  	[smem:$0x3FAE] =	sst s6  }
0xf: {  	[smem:$0x3FAF] =	sst s7  }
0x10: {  	[smem:$0x3FB0] =	sst s8  }
0x11: {  	[smem:$0x3FB1] =	sst s9;
	s0 =	simm.s32 @!p0 $0x0  }
0x12: {  	s1 =	sld [smem:$0x3F97];
	s0 =	simm.s32 @p0 $0x1  }
0x13: {  	[smem:$0x3FB2] =	sst s0;
	s0 =	simm.s32 @!p1 $0x0  }
0x14: {  	s2 =	sld [smem:$0x3F96];
	s0 =	simm.s32 @p1 $0x1  }
0x15: {  	[smem:$0x3FB3] =	sst s0;
	s0 =	simm.s32 @!p2 $0x0  }
0x16: {  	s3 =	sld [smem:$0x3FDB];
	s0 =	simm.s32 @p2 $0x1  }
0x17: {  	s4 =	simm.s32 $0x1BF5;
	[smem:$0x3FB5] =	sst s0  }
0x18: {  	s0 =	sld [smem:$0x3F98];
	_ =	swait.ge [sflag:s4], $0x0  }
0x19: {  	s7 =	sld [smem:$0x3F99]  }
0x1a: {  	s8 =	sadd.s32 $0xFFFFE003, lr  }
0x1b: {  	s9 =	sadd.s32 $0xFFFFFEF7, lr;
	s5 =	simm.s32 $0xFFFFFFFF;
	p2 =	slt.u32 s8, $0xFFFFF086  }
0x1c: {  	p1 =	slt.u32 s9, $0xF7A;
	s5 =	simm.s32 @!p2 $0x0  }
0x1d: {  	s5 =	simm.s32 @p1 $0x1;
	p0 =	seq.s32 s7, s2  }
0x1e: {  	s7 =	smul.u32 @!p0 $0xF7A, s2;
	p2 =	seq.s32 @!p0 s5, $0x0  }
0x1f: {  	s9 =	smul.u32 $0xF7A, s1;
	s8 =	simm.s32 @!p0 $0x1BF5;
	p2 =	por !p2, p0  }
0x20: {  	[sflag:s8] =	ssyncset.s32 @!p0 $0xFFFFF086;
	s6 =	sadd.s32 @!p0 s3, s7;
	s7 =	simm.s32 @!p0 $0x108  }
0x21: {  	s3 =	sadd.s32 s3, s9;
	s6 =	sadd.s32 @!p0 $0x88, s6;
	s7 =	simm.s32 @p2 $0x1082  }
0x22: {  	[simem:s7], [sflag:s8] =	dma.local @!p0 [hbm:s6], $0xF7A  }
0x23: {  	s9 =	sor.u32 $0xD0000000, s2;
	s6 =	simm.s32 $0x108;
	_ =	swait.ge @!p0 [sflag:s8], $0x0  }
0x24: {  	s3 =	sadd.s32 $0x88, s3;
	s6 =	simm.s32 @!p1 $0x1082;
	[sflag:s4] =	ssyncset.s32 $0xFFFFF086  }
0x25: {  	[simem:s6], [sflag:s4] =	dma.local [hbm:s3], $0xF7A  }
0x26: {  	[smem:$0x3F99] =	sst s1;
	(tag) =	ssettag s2;
	_ =	strace s9  }
0x27: {  	s1 =	sld [smem:$0x3FA9]  }
0x28: {  	s2 =	sld [smem:$0x3FAA]  }
0x29: {  	s4 =	sld [smem:$0x3FAC]  }
0x2a: {  	p0 =	seq.s32 s5, $0x0;
	s5 =	sld [smem:$0x3FAD]  }
0x2b: {  	s6 =	sld [smem:$0x3FAE]  }
0x2c: {  	s7 =	sld [smem:$0x3FAF]  }
0x2d: {  	s3 =	simm.s32 $0x108;
	s8 =	sld [smem:$0x3FB0]  }
0x2e: {  	s3 =	simm.s32 @!p0 $0x1082;
	s9 =	sld [smem:$0x3FB1]  }
0x2f: {  	lr =	sadd.s32 s0, s3;
	s0 =	sld [smem:$0x3FA8]  }
0x30: {  	s3 =	sld [smem:$0x3FAB]  }
0x31: {  	[smem:$0x3FB4] =	sst s10  }
0x32: {  	s10 =	sld [smem:$0x3FB2];
	_ =	sdelay $0x3  }
0x33: {  	p0 =	seq.s32 s10, $0x1;
	s10 =	sld [smem:$0x3FB4];
	_ =	sdelay $0x3  }
0x34: {  	[smem:$0x3FB4] =	sst s10  }
0x35: {  	s10 =	sld [smem:$0x3FB3];
	_ =	sdelay $0x3  }
0x36: {  	p1 =	seq.s32 s10, $0x1;
	s10 =	sld [smem:$0x3FB4];
	_ =	sdelay $0x3  }
0x37: {  	[smem:$0x3FB4] =	sst s10  }
0x38: {  	s10 =	sld [smem:$0x3FB5]  }
0x39: {  	_ = 	snop;
	(pc) =	sbr.ind lr, $3  }
0x3a: {  	_ = 	snop  }
0x3b: {  	_ = 	snop  }
0x3c: {  	p2 =	seq.s32 s10, $0x1;
	s10 =	sld [smem:$0x3FB4]  }
0x3d: {  	_ =	shalt  }
0x3e: {  	_ =	shalt  }
0x3f: {  	_ =	shalt  }
0x40: {  	_ =	shalt  }
0x41: {  	_ =	shalt  }
0x42: {  	_ =	shalt  }
0x43: {  	_ =	shalt  }
0x44: {  	_ =	shalt  }
0x45: {  	_ =	shalt  }
0x46: {  	_ =	shalt  }
0x47: {  	_ =	shalt  }
0x48: {  	_ =	shalt  }
0x49: {  	_ =	shalt  }
0x4a: {  	_ =	shalt  }
0x4b: {  	_ =	shalt  }
0x4c: {  	_ =	shalt  }
0x4d: {  	_ =	shalt  }
0x4e: {  	_ =	shalt  }
0x4f: {  	_ =	shalt  }
0x50: {  	_ =	shalt  }
0x51: {  	_ =	shalt  }
0x52: {  	_ =	shalt  }
0x53: {  	_ =	shalt  }
0x54: {  	_ =	shalt  }
0x55: {  	_ =	shalt  }
0x56: {  	_ =	shalt  }
0x57: {  	_ =	shalt  }
0x58: {  	_ =	shalt  }
0x59: {  	_ =	shalt  }
0x5a: {  	_ =	shalt  }
0x5b: {  	_ =	shalt  }
0x5c: {  	_ =	shalt  }
0x5d: {  	_ =	shalt  }
0x5e: {  	_ =	shalt  }
0x5f: {  	_ =	shalt  }
0x60: {  	_ =	shalt  }
0x61: {  	_ =	shalt  }
0x62: {  	_ =	shalt  }
0x63: {  	_ =	shalt  }
0x64: {  	_ =	shalt  }
0x65: {  	_ =	shalt  }
0x66: {  	_ =	shalt  }
0x67: {  	_ =	shalt  }
0x68: {  	_ =	shalt  }
0x69: {  	_ =	shalt  }
0x6a: {  	_ =	shalt  }
0x6b: {  	_ =	shalt  }
0x6c: {  	_ =	shalt  }
0x6d: {  	_ =	shalt  }
0x6e: {  	_ =	shalt  }
0x6f: {  	_ =	shalt  }
0x70: {  	_ =	shalt  }
0x71: {  	_ =	shalt  }
0x72: {  	_ =	shalt  }
0x73: {  	_ =	shalt  }
0x74: {  	_ =	shalt  }
0x75: {  	_ =	shalt  }
0x76: {  	_ =	shalt  }
0x77: {  	_ =	shalt  }
0x78: {  	_ =	shalt  }
0x79: {  	_ =	shalt  }
0x7a: {  	_ =	shalt  }
0x7b: {  	_ =	shalt  }
0x7c: {  	_ =	shalt  }
0x7d: {  	_ =	shalt  }
0x7e: {  	_ =	shalt  }
0x7f: {  	_ =	shalt  }
0x80: {  	_ =	shalt  }
0x81: {  	_ =	shalt  }
0x82: {  	_ =	shalt  }
0x83: {  	_ =	shalt  }
0x84: {  	_ =	shalt  }
0x85: {  	_ =	shalt  }
0x86: {  	_ =	shalt  }
0x87: {  	_ =	shalt  }
.Lfunc_end0:
.L_simem_size_0:
called_computation.1_lowered:
.L_overlay_start_0:
0x88: {  	s2 =	sld [smem:$0x3FD9]  }
0x89: {  	s3 =	sld [smem:$0x3FFE];
	_ =	sdelay $0x1  }
0x8a: {  	s1 =	srdreg.scid  }
0x8b: {  	s0 =	sand.u32 $0x1, s1  }
0x8c: {  	s16 =	sshll.u32 s0, $0xA;
	s2 =	sadd.s32 s3, s2  }
0x8d: {  	s2 =	sadd.s32 s2, s16  }
0x8e: {  	[smem:$0x3FC0] =	sst s2  }
0x8f: {  	_ = 	snop  }
0x90: {  	(tm) =	ssettm $0x1  }
0x91: {  	s17 =	sld [smem:$0x3FFB];
	_ =	sdelay $0x3  }
0x92: {  	_ =	strace s17  }
0x93: {  	s2 =	sld [smem:$0x3FFC];
	_ =	sdelay $0x3  }
0x94: {  	_ =	strace s2  }
0x95: {  	s2 =	sld [smem:$0x3FFD];
	_ =	sdelay $0x3  }
0x96: {  	_ =	strace s2  }
0x97: {  	_ =	strace $0x8FFFFFFF  }
0x98: {  	s18 =	sld [smem:$0x3FDB];
	_ =	sdelay $0x1  }
0x99: {  	s19 =	simm.s32 $_scs_section_size  }
0x9a: {  	s4 =	simm.s32 $_size__tile_overlayer_lowered;
	s5 =	simm.s32 $_tile_overlayer_lowered  }
0x9b: {  	s22 =	simm.s32 $0x1BFF;
	s21 =	sshll.u32 s5, $0x1;
	s2 =	sadd.s32 s19, s18  }
0x9c: {  	s6 =	simm.s32 $0x0;
	s20 =	sshll.u32 s4, $0x1;
	s4 =	sadd.s32 s21, s2  }
0x9d: {  	[timem:s6], [sflag:s22] =	dma.local [hbm:s4], s20  }
0x9e: {  	_ =	swait.ge [sflag:s22], s20  }
0x9f: {  	s3 =	ssub.s32 $0x0, s20;
	[sflag:s22] =	ssyncset.done $0x0  }
0xa0: {  	[sflag:s22] =	ssyncadd.s32 s3;
	_ =	sdelay $0x1  }
0xa1: {  	s23 =	simm.s32 $0x1B8B  }
0xa2: {  	_ =	swait.ge [sflag:s23], $0x1  }
0xa3: {  	[sflag:s23] =	ssyncset.done $0x0  }
0xa4: {  	s25 =	simm.s32 $0x1B8E;
	s24 =	sld [smem:$0x3FFE];
	[sflag:s23] =	ssyncadd.s32 $0xFFFFFFFF  }
0xa5: {  	s26 =	simm.s32 $execute0_lowered;
	[smem:$0x3FD2] =	sst s25  }
0xa6: {  	s4 =	sshll.u32 s26, $0x1;
	_ =	strace $0x80000049;
	[dreg:$0x1] =	wrdreg $0xFFFFFFFF  }
0xa7: {  	s28 =	simm.s32 $_size_execute0_lowered;
	s2 =	sadd.s32 s2, s4;
	[dreg:$0x0] =	wrdreg $0x0  }
0xa8: {  	s4 =	sshll.u32 s28, $0x1;
	[dreg:$0x2] =	wrdreg s2  }
0xa9: {  	[dreg:$0x3] =	wrdreg s4  }
0xaa: {  	[dreg:$0x4] =	wrdreg $0xC0  }
0xab: {  	_ =	task [dreg:s6], $0x5FFFF  }
0xac: {  	[dreg:$0x1] =	wrdreg $0xFFFFFFFF  }
0xad: {  	[dreg:$0x0] =	wrdreg $0x60  }
0xae: {  	[dreg:$0x2] =	wrdreg s24  }
0xaf: {  	[dreg:$0x3] =	wrdreg $0x11B000  }
0xb0: {  	[dreg:$0x4] =	wrdreg $0x9  }
0xb1: {  	_ =	task.clear_ibuf [dreg:s6], $0x5FFFF;
	_ =	strace $0x90000049  }
0xb2: {  	s29 =	simm.s32 $0x9;
	_ =	strace $0x8000004B  }
0xb3: {  	_ =	swait.ge [sflag:s29], $0x1  }
0xb4: {  	[sflag:s29] =	ssyncadd.s32 $0xFFFFFFFF  }
0xb5: {  	_ =	strace $0x9000004B  }
0xb6: {  	_ =	sfence  }
0xb7: {  	s30 =	sld [smem:$0x0];
	_ =	sdelay $0x2  }
0xb8: {  	s31 =	sshll.u32 s1, $0xD;
	s1 =	sshrl.u32 s1, $0x2  }
0xb9: {  	s3 =	sand.u32 $0x4000, s31;
	s1 =	sadd.s32 s1, s30  }
0xba: {  	s0 =	sor.u32 s3, s0;
	s1 =	sshll.u32 s1, $0x11  }
0xbb: {  	s0 =	sor.u32 s1, s0  }
0xbc: {  	s0 =	sadd.s32 $0x8F2B, s0  }
0xbd: {  	[sflag:s0] =	ssyncadd.remote.s32 $0x1  }
0xbe: {  	_ =	sfence.sel $0xFFFF  }
0xbf: {  	[dreg:$0x0] =	wrdreg $0xFFFFFFFF;
	(pc) =	sbr.abs _section_cstart, $3  }
0xc0: {  	[dreg:$0x1] =	wrdreg $0xFFFFFFFF  }
0xc1: {  	_ =	task.clear_ibuf [dreg:s6], $0x2FFFF;
	_ =	strace $0x9FFFFFFF  }
0xc2: {  	(tm) =	ssettm $0x7FFFFFFF  }
0xc3: {  	_ =	shalt  }
tec
execute0_lowered:
.L_overlay_start_1:
0x0: {  	(tag) =	ssettag $0x1  }
0x1: {  	s0 =	rddreg [dreg:$0x0];
	s2 =	srdreg.scid  }
0x2: {  	s1 =	rddreg [dreg:$0x1];
	s5 =	stileid.u32;
	s12 =	simm.s32 $0x0  }
0x3: {  	s15 =	simm.s32 $0x13;
	s18 =	simm.s32 $0x7D;
	s19 =	simm.s32 $0x5000  }
0x4: {  	s28 =	simm.s32 $0x8E80;
	s30 =	simm.s32 $0x9E20;
	s31 =	simm.s32 $0x1  }
0x5: {  	s13 =	simm.s32 $0x2;
	s16 =	simm.s32 $0x0;
	s4 =	sand.u32 $0x1, s2  }
0x6: {  	s7 =	smul.u32 $0x2800, s5;
	[smem:$0x7FF] =	sst s12;
	s3 =	sadd.s32 $0x2600, s0  }
0x7: {  	s8 =	smul.u32 $0x4E00, s5;
	s10 =	sadd.s32 $0x20600, s0;
	p0 =	sne.s32 s5, $0x0  }
0x8: {  	s6 =	smul.u32 $0x28000, s4;
	_ =	strace $0x8000004A;
	s20 =	ssub.s32 $0x2, s4  }
0x9: {  	s4 =	smul.u32 $0x4E200, s4;
	s9 =	sshrl.u32 s20, $0x1;
	s21 =	sshrl.u32 s8, $0x3  }
0xa: {  	s6 =	sadd.s32 s7, s6;
	s11 =	ssub.s32 s20, s9;
	s23 =	sadd.s32 s3, s21  }
0xb: {  	s7 =	sadd.s32 s8, s1;
	s24 =	sadd.s32 s8, s4;
	s4 =	sshrl.u32 s4, $0x3  }
0xc: {  	s9 =	sadd.s32 $0x4E000, s1;
	s21 =	simm.s32 $0x5FA0;
	s20 =	simm.s32 $0xBD60  }
0xd: {  	s8 =	simm.s32 $0xD;
	s6 =	sshrl.u32 s6, $0x3;
	[dreg:$0x5] =	wrdreg s23  }
0xe: {  	s25 =	sshrl.u32 s24, $0x3;
	s4 =	sadd.s32 s10, s4;
	s29 =	smax.u32 s11, $0x1  }
0xf: {  	s11 =	simm.s32 $0xCD00;
	s23 =	simm.s32 $0x6F40;
	s24 =	simm.s32 $0x5  }
0x10: {  	s6 =	sadd.s32 s6, s0;
	s0 =	sadd.s32 $0xC200, s0;
	[dreg:$0x9] =	wrdreg s29  }
.Ltmp0:
0x11: {  	s26 =	sadd.s32 $0x9C00, s4;
	[dreg:$0x6] =	wrdreg s0;
	(pc) =	sbr.rel .LBB2_1-.Ltmp0, $4  }
0x12: {  	s22 =	sadd.s32 $0xC600, s6;
	s6 =	sadd.s32 $0x16600, s6;
	[dreg:$0x8] =	wrdreg s26  }
0x13: {  	s0 =	sadd.s32 s10, s25;
	s25 =	simm.s32 $0x7;
	[dreg:$0x3] =	wrdreg s22  }
0x14: {  	s26 =	simm.s32 $0x8;
	s10 =	simm.s32 $0xE;
	[dreg:$0x4] =	wrdreg s6  }
0x15: {  	[dreg:$0x7] =	wrdreg s0;
	s0 =	simm.s32 $0xADC0;
	s22 =	simm.s32 $0x3  }
.LBB2_4:
0x16: {  	_ =	swait.ge [sflag:s26], $0xFA0  }
0x17: {  	[sflag:s26] =	ssyncset.done $0x0  }
0x18: {  	s5 =	simm.s32 $0x9;
	[sflag:s26] =	ssyncadd.s32 $0xFFFFF060  }
0x19: {  	[spmem:s1] =	stream.indirect.scatter.add.f32 [tilespmem:s20], [sflag:$0x10], $0x20, s4, s18, $0xb8;
	[tilespmem:$0x16920] =	vst v63  }
0x1a: {  	_ =	swait.ge [sflag:s5], $0xFA0  }
0x1b: {  	[sflag:s5] =	ssyncset.done $0x0  }
0x1c: {  	s6 =	simm.s32 $0xA;
	[sflag:s5] =	ssyncadd.s32 $0xFFFFF060  }
0x1d: {  	_ =	swait.ge [sflag:s6], $0xFA0  }
0x1e: {  	[sflag:s6] =	ssyncset.done $0x0  }
0x1f: {  	s7 =	simm.s32 $0xB;
	[sflag:s6] =	ssyncadd.s32 $0xFFFFF060  }
0x20: {  	_ =	swait.ge [sflag:s7], $0xFA0  }
0x21: {  	[sflag:s7] =	ssyncset.done $0x0  }
0x22: {  	s9 =	simm.s32 $0xC;
	[sflag:s7] =	ssyncadd.s32 $0xFFFFF060  }
0x23: {  	_ =	swait.ge [sflag:s9], $0xFA0  }
0x24: {  	[sflag:s9] =	ssyncset.done $0x0  }
0x25: {  	[sflag:s9] =	ssyncadd.s32 $0xFFFFF060  }
0x26: {  	_ =	swait.ge [sflag:s8], $0xFA0  }
0x27: {  	[sflag:s8] =	ssyncset.done $0x0  }
0x28: {  	[sflag:s8] =	ssyncadd.s32 $0xFFFFF060  }
0x29: {  	_ =	swait.ge [sflag:s10], $0xFA0  }
0x2a: {  	[sflag:s10] =	ssyncset.done $0x0  }
0x2b: {  	s11 =	simm.s32 $0xF;
	[sflag:s10] =	ssyncadd.s32 $0xFFFFF060  }
0x2c: {  	_ =	swait.ge [sflag:s11], $0xFA0  }
0x2d: {  	[sflag:s11] =	ssyncset.done $0x0  }
0x2e: {  	s12 =	simm.s32 $0x10;
	[sflag:s11] =	ssyncadd.s32 $0xFFFFF060  }
0x2f: {  	_ =	swait.ge [sflag:s12], $0xFA0  }
0x30: {  	[sflag:s12] =	ssyncset.done $0x0  }
0x31: {  	[sflag:s12] =	ssyncadd.s32 $0xFFFFF060  }
0x32: {  	s11 =	simm.s32 $0xCD00;
	[bflag:$0x0] =	sbarrier.arrive $0xFFFF  }
0x33: {  	[tilespmem:s11], [sflag:$0x13] =	stream.linear.gather [spmem:s14], $0x4E00, $0x38;
	[tilespmem:$0x16920] =	vst v63  }
0x34: {  	_ =	swait.ge [sflag:s15], $0x4E00  }
0x35: {  	[sflag:s15] =	ssyncset.done $0x0  }
0x36: {  	s12 =	simm.s32 $0x0;
	s17 =	rddreg [dreg:$0x7];
	[sflag:s15] =	ssyncadd.s32 $0xFFFFB200  }
0x37: {  	[hbm4b:s17+s12] =	stream.linear.scatter [tilespmem:s11], [sflag:$0x13], $0x4E00, $0x38;
	[tilespmem:$0x16920] =	vst v63  }
0x38: {  	_ =	swait.ge [sflag:s15], $0x4E00  }
0x39: {  	[sflag:s15] =	ssyncset.done $0x0  }
0x3a: {  	s4 =	simm.s32 @!p0 $0xCD00;
	s5 =	simm.s32 @!p0 $0x13;
	[sflag:s15] =	ssyncadd.s32 $0xFFFFB200  }
0x3b: {  	[tilespmem:s4], [sflag:$0x13] =	stream.linear.gather @!p0 [spmem:s2], $0x200, $0x38;
	[tilespmem:$0x16920] =	vst v63  }
0x3c: {  	_ =	swait.ge @!p0 [sflag:s5], $0x200  }
0x3d: {  	s6 =	simm.s32 @!p0 $0x0;
	[sflag:s5] =	ssyncset.done @!p0 $0x0  }
0x3e: {  	s9 =	smov.u32 s2;
	s2 =	rddreg [dreg:$0x8];
	[sflag:s5] =	ssyncadd.s32 @!p0 $0xFFFFFE00  }
0x3f: {  	[hbm4b:s2+s6] =	stream.linear.scatter @!p0 [tilespmem:s4], [sflag:$0x13], $0x200, $0x38;
	[tilespmem:$0x16920] =	vst v63  }
0x40: {  	_ =	swait.ge @!p0 [sflag:s5], $0x200  }
0x41: {  	s16 =	sadd.s32 $0x1, s16;
	s29 =	rddreg [dreg:$0x9]  }
0x42: {  	p1 =	sne.s32 s16, s29  }
.Ltmp1:
0x43: {  	_ = 	snop;
	(pc) =	sbr.rel @!p1 .LBB2_5-.Ltmp1, $3  }
0x44: {  	_ =	sdelay $0x1  }
0x45: {  	[sflag:s5] =	ssyncset.done @!p0 $0x0  }
0x46: {  	s7 =	smov.u32 s14;
	[sflag:s5] =	ssyncadd.s32 @!p0 $0xFFFFFE00  }
.LBB2_1:
0x47: {  	s4 =	rddreg [dreg:$0x3]  }
0x48: {  	[tilespmem:s12], [sflag:$0x11] =	stream.linear.gather [hbm4b:s4+s12], $0x2800, $0x38;
	[tilespmem:$0x16920] =	vst v63  }
0x49: {  	s29 =	rddreg [dreg:$0x4];
	s2 =	simm.s32 $0x2800  }
0x4a: {  	[tilespmem:s2], [sflag:$0x12] =	stream.linear.gather [hbm4b:s29+s12], $0x2800, $0x38;
	[tilespmem:$0x16920] =	vst v63  }
0x4b: {  	s2 =	rddreg [dreg:$0x5]  }
0x4c: {  	[tilespmem:s11], [sflag:$0x13] =	stream.linear.gather [hbm4b:s2+s12], $0x4E00, $0x38;
	[tilespmem:$0x16920] =	vst v63  }
0x4d: {  	_ =	swait.ge [sflag:s15], $0x4E00  }
0x4e: {  	[sflag:s15] =	ssyncset.done $0x0  }
0x4f: {  	[sflag:s15] =	ssyncadd.s32 $0xFFFFB200  }
0x50: {  	[spmem:s7] =	stream.linear.scatter [tilespmem:s11], [sflag:$0x13], $0x4E00, $0x38;
	[tilespmem:$0x16920] =	vst v63  }
0x51: {  	_ =	swait.ge [sflag:s15], $0x4E00  }
0x52: {  	s17 =	simm.s32 @!p0 $0xCD00;
	[sflag:s15] =	ssyncset.done $0x0  }
0x53: {  	s4 =	simm.s32 @!p0 $0x0;
	s5 =	rddreg [dreg:$0x6];
	[sflag:s15] =	ssyncadd.s32 $0xFFFFB200  }
0x54: {  	[tilespmem:s17], [sflag:$0x13] =	stream.linear.gather @!p0 [hbm4b:s5+s4], $0x200, $0x38;
	[tilespmem:$0x16920] =	vst v63  }
0x55: {  	s4 =	simm.s32 @!p0 $0x13  }
0x56: {  	_ =	swait.ge @!p0 [sflag:s4], $0x200  }
0x57: {  	[sflag:s4] =	ssyncset.done @!p0 $0x0  }
0x58: {  	[sflag:s4] =	ssyncadd.s32 @!p0 $0xFFFFFE00  }
0x59: {  	[spmem:s9] =	stream.linear.scatter @!p0 [tilespmem:s17], [sflag:$0x13], $0x200, $0x38;
	[tilespmem:$0x16920] =	vst v63  }
0x5a: {  	_ =	swait.ge @!p0 [sflag:s4], $0x200  }
0x5b: {  	[sflag:s4] =	ssyncset.done @!p0 $0x0  }
0x5c: {  	s5 =	simm.s32 $0x11;
	[sflag:s4] =	ssyncadd.s32 @!p0 $0xFFFFFE00  }
0x5d: {  	_ =	swait.ge [sflag:s5], $0x2800  }
0x5e: {  	[sflag:s5] =	ssyncset.done $0x0  }
0x5f: {  	s6 =	simm.s32 $0x12;
	[sflag:s5] =	ssyncadd.s32 $0xFFFFD800  }
0x60: {  	_ =	swait.ge [sflag:s6], $0x2800  }
0x61: {  	[sflag:s6] =	ssyncset.done $0x0  }
0x62: {  	[sflag:s6] =	ssyncadd.s32 $0xFFFFD800  }
0x63: {  	[bflag:$0x0] =	sbarrier.arrive $0xFFFF  }
0x64: {  	[tilespmem:s19], [sflag:$0x1] =	stream.indirect.gather [hbm4b:s3+s18], $0x20, s12, s18, $0xb8;
	[tilespmem:$0x16920] =	vst v63  }
0x65: {  	s14 =	smov.u32 s7;
	s7 =	simm.s32 $0x80  }
0x66: {  	[tilespmem:s21], [sflag:$0x2] =	stream.indirect.gather [hbm4b:s3+s18], $0x20, s7, s18, $0xb8;
	[tilespmem:$0x16920] =	vst v63  }
0x67: {  	s2 =	smov.u32 s9;
	s9 =	simm.s32 $0x100  }
0x68: {  	[tilespmem:s23], [sflag:$0x3] =	stream.indirect.gather [hbm4b:s3+s18], $0x20, s9, s18, $0xb8;
	[tilespmem:$0x16920] =	vst v63  }
0x69: {  	s11 =	simm.s32 $0x180;
	s12 =	simm.s32 $0x7EE0  }
0x6a: {  	[tilespmem:s12], [sflag:$0x4] =	stream.indirect.gather [hbm4b:s3+s18], $0x20, s11, s18, $0xb8;
	[tilespmem:$0x16920] =	vst v63  }
0x6b: {  	s17 =	simm.s32 $0x200  }
0x6c: {  	[tilespmem:s28], [sflag:$0x5] =	stream.indirect.gather [hbm4b:s3+s18], $0x20, s17, s18, $0xb8;
	[tilespmem:$0x16920] =	vst v63  }
0x6d: {  	s29 =	simm.s32 $0x280;
	s17 =	simm.s32 $0x0  }
0x6e: {  	[tilespmem:s30], [sflag:$0x6] =	stream.indirect.gather [hbm4b:s3+s18], $0x20, s29, s18, $0xb8;
	[tilespmem:$0x16920] =	vst v63  }
.LBB2_2:
0x6f: {  	_ =	swait.ge [sflag:s31], $0xFA0  }
0x70: {  	s29 =	sshra.s32 s17, $0x2;
	[sflag:s31] =	ssyncset.done $0x0  }
0x71: {  	p1 =	seq.s32 s17, $0x0;
	s4 =	sadd.s32 $0x2800, s29;
	[sflag:s31] =	ssyncadd.s32 $0xFFFFF060  }
0x72: {  	[spmem:s1] =	stream.indirect.scatter.add.f32 [tilespmem:s19], [sflag:$0x9], $0x20, s4, s18, $0xb8;
	[tilespmem:$0x16920] =	vst v63  }
0x73: {  	s4 =	simm.s32 @!p1 $0xF  }
0x74: {  	_ =	swait.ge @!p1 [sflag:s4], $0xFA0  }
0x75: {  	[sflag:s4] =	ssyncset.done @!p1 $0x0  }
0x76: {  	s12 =	sadd.s32 $0x300, s29;
	[sflag:s4] =	ssyncadd.s32 @!p1 $0xFFFFF060  }
0x77: {  	[tilespmem:s0], [sflag:$0x7] =	stream.indirect.gather [hbm4b:s3+s18], $0x20, s12, s18, $0xb8;
	[tilespmem:$0x16920] =	vst v63  }
0x78: {  	_ =	swait.ge [sflag:s13], $0xFA0  }
0x79: {  	[sflag:s13] =	ssyncset.done $0x0  }
0x7a: {  	s5 =	sadd.s32 $0x2880, s29;
	s4 =	simm.s32 @!p1 $0x10;
	[sflag:s13] =	ssyncadd.s32 $0xFFFFF060  }
0x7b: {  	[spmem:s1] =	stream.indirect.scatter.add.f32 [tilespmem:s21], [sflag:$0xA], $0x20, s5, s18, $0xb8;
	[tilespmem:$0x16920] =	vst v63  }
0x7c: {  	_ =	swait.ge @!p1 [sflag:s4], $0xFA0  }
0x7d: {  	[sflag:s4] =	ssyncset.done @!p1 $0x0  }
0x7e: {  	s6 =	sadd.s32 $0x380, s29;
	[sflag:s4] =	ssyncadd.s32 @!p1 $0xFFFFF060  }
0x7f: {  	[tilespmem:s20], [sflag:$0x8] =	stream.indirect.gather [hbm4b:s3+s18], $0x20, s6, s18, $0xb8;
	[tilespmem:$0x16920] =	vst v63  }
0x80: {  	_ =	swait.ge [sflag:s22], $0xFA0  }
0x81: {  	p1 =	seq.s32 s17, $0x9000;
	[sflag:s22] =	ssyncset.done $0x0  }
0x82: {  	s7 =	sadd.s32 $0x2900, s29;
	s4 =	simm.s32 @p1 $0x4;
	[sflag:s22] =	ssyncadd.s32 $0xFFFFF060  }
0x83: {  	[spmem:s1] =	stream.indirect.scatter.add.f32 [tilespmem:s23], [sflag:$0xB], $0x20, s7, s18, $0xb8;
	[tilespmem:$0x16920] =	vst v63  }
0x84: {  	_ =	swait.ge @p1 [sflag:s4], $0xFA0  }
0x85: {  	[sflag:s4] =	ssyncset.done @p1 $0x0  }
0x86: {  	[sflag:s4] =	ssyncadd.s32 @p1 $0xFFFFF060;
	s4 =	sshra.s32 @p1 s17, $0x2  }
0x87: {  	s6 =	simm.s32 @p1 $0x7D;
	s11 =	simm.s32 @p1 $0x7EE0;
	s5 =	sadd.s32 @p1 $0x2980, s4  }
0x88: {  	[spmem:s1] =	stream.indirect.scatter.add.f32 @p1 [tilespmem:s11], [sflag:$0xC], $0x20, s5, s6, $0xb8;
	[tilespmem:$0x16920] =	vst v63  }
0x89: {  	s5 =	simm.s32 @!p1 $0x9  }
0x8a: {  	_ =	swait.ge @!p1 [sflag:s5], $0xFA0  }
0x8b: {  	[sflag:s5] =	ssyncset.done @!p1 $0x0  }
0x8c: {  	[sflag:s5] =	ssyncadd.s32 @!p1 $0xFFFFF060;
	s5 =	sshra.s32 @!p1 s17, $0x2  }
0x8d: {  	s12 =	simm.s32 @!p1 $0x7D;
	s7 =	simm.s32 @!p1 $0x5000;
	s11 =	sadd.s32 @!p1 $0x400, s5  }
0x8e: {  	[tilespmem:s7], [sflag:$0x1] =	stream.indirect.gather @!p1 [hbm4b:s3+s12], $0x20, s11, s12, $0xb8;
	[tilespmem:$0x16920] =	vst v63  }
0x8f: {  	s7 =	simm.s32 @!p1 $0x4  }
0x90: {  	_ =	swait.ge @!p1 [sflag:s7], $0xFA0  }
0x91: {  	[sflag:s7] =	ssyncset.done @!p1 $0x0  }
0x92: {  	s11 =	simm.s32 @!p1 $0x7EE0;
	[sflag:s7] =	ssyncadd.s32 @!p1 $0xFFFFF060;
	s7 =	sadd.s32 @!p1 $0x2980, s5  }
0x93: {  	[spmem:s1] =	stream.indirect.scatter.add.f32 @!p1 [tilespmem:s11], [sflag:$0xC], $0x20, s7, s12, $0xb8;
	[tilespmem:$0x16920] =	vst v63  }
0x94: {  	s7 =	simm.s32 @!p1 $0xA  }
0x95: {  	_ =	swait.ge @!p1 [sflag:s7], $0xFA0  }
0x96: {  	[sflag:s7] =	ssyncset.done @!p1 $0x0  }
0x97: {  	s9 =	simm.s32 @!p1 $0x5FA0;
	[sflag:s7] =	ssyncadd.s32 @!p1 $0xFFFFF060;
	s7 =	sadd.s32 @!p1 $0x480, s5  }
0x98: {  	[tilespmem:s9], [sflag:$0x2] =	stream.indirect.gather @!p1 [hbm4b:s3+s12], $0x20, s7, s12, $0xb8;
	[tilespmem:$0x16920] =	vst v63  }
0x99: {  	_ =	swait.ge [sflag:s24], $0xFA0  }
0x9a: {  	[sflag:s24] =	ssyncset.done $0x0  }
0x9b: {  	s9 =	sadd.s32 $0x2A00, s29;
	s7 =	simm.s32 @p1 $0x6;
	[sflag:s24] =	ssyncadd.s32 $0xFFFFF060  }
0x9c: {  	[spmem:s1] =	stream.indirect.scatter.add.f32 [tilespmem:s28], [sflag:$0xD], $0x20, s9, s18, $0xb8;
	[tilespmem:$0x16920] =	vst v63  }
0x9d: {  	_ =	swait.ge @p1 [sflag:s7], $0xFA0  }
0x9e: {  	[sflag:s7] =	ssyncset.done @p1 $0x0  }
0x9f: {  	s4 =	sadd.s32 @p1 $0x2A80, s4;
	[sflag:s7] =	ssyncadd.s32 @p1 $0xFFFFF060;
	s7 =	simm.s32 @p1 $0x9E20  }
0xa0: {  	[spmem:s1] =	stream.indirect.scatter.add.f32 @p1 [tilespmem:s7], [sflag:$0xE], $0x20, s4, s6, $0xb8;
	[tilespmem:$0x16920] =	vst v63  }
0xa1: {  	s4 =	simm.s32 @!p1 $0xB  }
0xa2: {  	_ =	swait.ge @!p1 [sflag:s4], $0xFA0  }
0xa3: {  	[sflag:s4] =	ssyncset.done @!p1 $0x0  }
0xa4: {  	s6 =	simm.s32 @!p1 $0x6F40;
	[sflag:s4] =	ssyncadd.s32 @!p1 $0xFFFFF060;
	s4 =	sadd.s32 @!p1 $0x500, s5  }
0xa5: {  	[tilespmem:s6], [sflag:$0x3] =	stream.indirect.gather @!p1 [hbm4b:s3+s12], $0x20, s4, s12, $0xb8;
	[tilespmem:$0x16920] =	vst v63  }
0xa6: {  	s4 =	simm.s32 @!p1 $0x6  }
0xa7: {  	_ =	swait.ge @!p1 [sflag:s4], $0xFA0  }
0xa8: {  	[sflag:s4] =	ssyncset.done @!p1 $0x0  }
0xa9: {  	s6 =	simm.s32 @!p1 $0x9E20;
	[sflag:s4] =	ssyncadd.s32 @!p1 $0xFFFFF060;
	s4 =	sadd.s32 @!p1 $0x2A80, s5  }
0xaa: {  	[spmem:s1] =	stream.indirect.scatter.add.f32 @!p1 [tilespmem:s6], [sflag:$0xE], $0x20, s4, s12, $0xb8;
	[tilespmem:$0x16920] =	vst v63  }
0xab: {  	s4 =	simm.s32 @!p1 $0xC  }
0xac: {  	_ =	swait.ge @!p1 [sflag:s4], $0xFA0  }
0xad: {  	[sflag:s4] =	ssyncset.done @!p1 $0x0  }
0xae: {  	[sflag:s4] =	ssyncadd.s32 @!p1 $0xFFFFF060;
	s4 =	sadd.s32 @!p1 $0x580, s5  }
0xaf: {  	[tilespmem:s11], [sflag:$0x4] =	stream.indirect.gather @!p1 [hbm4b:s3+s12], $0x20, s4, s12, $0xb8;
	[tilespmem:$0x16920] =	vst v63  }
.Ltmp2:
0xb0: {  	_ = 	snop;
	(pc) =	sbr.rel @p1 .LBB2_4-.Ltmp2, $4  }
0xb1: {  	_ =	swait.ge [sflag:s25], $0xFA0  }
0xb2: {  	[sflag:s25] =	ssyncset.done $0x0  }
0xb3: {  	s12 =	sadd.s32 $0x2B00, s29;
	s4 =	sadd.s32 $0x2B80, s29;
	[sflag:s25] =	ssyncadd.s32 $0xFFFFF060  }
0xb4: {  	[spmem:s1] =	stream.indirect.scatter.add.f32 [tilespmem:s0], [sflag:$0xF], $0x20, s12, s18, $0xb8;
	[tilespmem:$0x16920] =	vst v63  }
0xb5: {  	_ =	swait.ge [sflag:s8], $0xFA0  }
0xb6: {  	[sflag:s8] =	ssyncset.done $0x0  }
0xb7: {  	s5 =	sadd.s32 $0x600, s29;
	[sflag:s8] =	ssyncadd.s32 $0xFFFFF060  }
0xb8: {  	[tilespmem:s28], [sflag:$0x5] =	stream.indirect.gather [hbm4b:s3+s18], $0x20, s5, s18, $0xb8;
	[tilespmem:$0x16920] =	vst v63  }
0xb9: {  	_ =	swait.ge [sflag:s26], $0xFA0  }
0xba: {  	[sflag:s26] =	ssyncset.done $0x0  }
0xbb: {  	[sflag:s26] =	ssyncadd.s32 $0xFFFFF060  }
0xbc: {  	[spmem:s1] =	stream.indirect.scatter.add.f32 [tilespmem:s20], [sflag:$0x10], $0x20, s4, s18, $0xb8;
	[tilespmem:$0x16920] =	vst v63  }
.Ltmp3:
0xbd: {  	_ = 	snop;
	(pc) =	sbr.rel .LBB2_2-.Ltmp3, $4  }
0xbe: {  	_ =	swait.ge [sflag:s10], $0xFA0  }
0xbf: {  	[sflag:s10] =	ssyncset.done $0x0  }
0xc0: {  	s29 =	sadd.s32 $0x680, s29;
	s17 =	sadd.s32 $0x1000, s17;
	[sflag:s10] =	ssyncadd.s32 $0xFFFFF060  }
0xc1: {  	[tilespmem:s30], [sflag:$0x6] =	stream.indirect.gather [hbm4b:s3+s18], $0x20, s29, s18, $0xb8;
	[tilespmem:$0x16920] =	vst v63  }
.LBB2_5:
0xc2: {  	_ =	sfence.sel $0x180000  }
0xc3: {  	[bflag:$0x0] =	sbarrier.arrive $0xFFFF  }
0xc4: {  	_ =	strace $0x9000004A  }
0xc5: {  	[bflag:$0x2] =	sbarrier.arrive $0xFFFF  }
0xc6: {  	s0 =	rddreg [dreg:$0x2]  }
0xc7: {  	s0 =	sadd.s32 @!p0 $0x100000, s0  }
0xc8: {  	[sflag:s0] =	ssyncadd.tile.s32 @!p0 $0x1;
	_ =	shalt  }
.Lfunc_end2:
_tile_overlayer_lowered:
.L_overlay_start_2:
0xc9: {  	(tag) =	ssettag $0x2  }
0xca: {  	s0 =	rddreg [dreg:$0x0];
	s2 =	stileid.u32  }
0xcb: {  	s1 =	rddreg [dreg:$0x1];
	p0 =	sne.s32 s2, $0x0  }
0xcc: {  	s3 =	rddreg [dreg:$0x2];
	[bflag:$0x3] =	sbarrier.arrive $0xFFFF;
	s2 =	simm.s32 @!p0 $0x1C13  }
0xcd: {  	[timem:s3], [sflag:s2] =	dma.local @!p0 [hbm:s0], s1  }
0xce: {  	s0 =	simm.s32 @!p0 $0x13  }
0xcf: {  	_ =	swait.ge @!p0 [sflag:s0], s1  }
0xd0: {  	s1 =	ssub.s32 @!p0 $0x0, s1;
	[sflag:s0] =	ssyncset.done @!p0 $0x0  }
0xd1: {  	[sflag:s0] =	ssyncadd.s32 @!p0 s1  }
0xd2: {  	[bflag:$0x3] =	sbarrier.arrive $0xFFFF  }
0xd3: {  	_ =	shalt  }

// kernel: kernel.15.cloned.1.call-start
scs
__scs_entry_jumppad:
0x0: {  	(pc) =	sbr.rel $0x88, $3  }
0x1: {  	(tag) =	ssettag $0x0;
	lr =	simm.s32 $0x1  }
0x2: {  	[smem:$0x3F99] =	sst lr;
	_ =	strace $0xD0000000  }
0x3: {  	_ = 	snop  }
0x4: {  	_ = 	snop  }
0x5: {  	_ = 	snop  }
0x6: {  	_ = 	snop  }
0x7: {  	_ = 	snop  }
__scs_overlays_trampoline_lowered:
0x8: {  	[smem:$0x3FA8] =	sst s0  }
0x9: {  	[smem:$0x3FA9] =	sst s1  }
0xa: {  	[smem:$0x3FAA] =	sst s2  }
0xb: {  	[smem:$0x3FAB] =	sst s3  }
0xc: {  	[smem:$0x3FAC] =	sst s4  }
0xd: {  	[smem:$0x3FAD] =	sst s5  }
0xe: {  	[smem:$0x3FAE] =	sst s6  }
0xf: {  	[smem:$0x3FAF] =	sst s7  }
0x10: {  	[smem:$0x3FB0] =	sst s8  }
0x11: {  	[smem:$0x3FB1] =	sst s9;
	s0 =	simm.s32 @!p0 $0x0  }
0x12: {  	s1 =	sld [smem:$0x3F97];
	s0 =	simm.s32 @p0 $0x1  }
0x13: {  	[smem:$0x3FB2] =	sst s0;
	s0 =	simm.s32 @!p1 $0x0  }
0x14: {  	s2 =	sld [smem:$0x3F96];
	s0 =	simm.s32 @p1 $0x1  }
0x15: {  	[smem:$0x3FB3] =	sst s0;
	s0 =	simm.s32 @!p2 $0x0  }
0x16: {  	s3 =	sld [smem:$0x3FDB];
	s0 =	simm.s32 @p2 $0x1  }
0x17: {  	s4 =	simm.s32 $0x1BF5;
	[smem:$0x3FB5] =	sst s0  }
0x18: {  	s0 =	sld [smem:$0x3F98];
	_ =	swait.ge [sflag:s4], $0x0  }
0x19: {  	s7 =	sld [smem:$0x3F99]  }
0x1a: {  	s8 =	sadd.s32 $0xFFFFE003, lr  }
0x1b: {  	s9 =	sadd.s32 $0xFFFFFEF7, lr;
	s5 =	simm.s32 $0xFFFFFFFF;
	p2 =	slt.u32 s8, $0xFFFFF086  }
0x1c: {  	p1 =	slt.u32 s9, $0xF7A;
	s5 =	simm.s32 @!p2 $0x0  }
0x1d: {  	s5 =	simm.s32 @p1 $0x1;
	p0 =	seq.s32 s7, s2  }
0x1e: {  	s7 =	smul.u32 @!p0 $0xF7A, s2;
	p2 =	seq.s32 @!p0 s5, $0x0  }
0x1f: {  	s9 =	smul.u32 $0xF7A, s1;
	s8 =	simm.s32 @!p0 $0x1BF5;
	p2 =	por !p2, p0  }
0x20: {  	[sflag:s8] =	ssyncset.s32 @!p0 $0xFFFFF086;
	s6 =	sadd.s32 @!p0 s3, s7;
	s7 =	simm.s32 @!p0 $0x108  }
0x21: {  	s3 =	sadd.s32 s3, s9;
	s6 =	sadd.s32 @!p0 $0x88, s6;
	s7 =	simm.s32 @p2 $0x1082  }
0x22: {  	[simem:s7], [sflag:s8] =	dma.local @!p0 [hbm:s6], $0xF7A  }
0x23: {  	s9 =	sor.u32 $0xD0000000, s2;
	s6 =	simm.s32 $0x108;
	_ =	swait.ge @!p0 [sflag:s8], $0x0  }
0x24: {  	s3 =	sadd.s32 $0x88, s3;
	s6 =	simm.s32 @!p1 $0x1082;
	[sflag:s4] =	ssyncset.s32 $0xFFFFF086  }
0x25: {  	[simem:s6], [sflag:s4] =	dma.local [hbm:s3], $0xF7A  }
0x26: {  	[smem:$0x3F99] =	sst s1;
	(tag) =	ssettag s2;
	_ =	strace s9  }
0x27: {  	s1 =	sld [smem:$0x3FA9]  }
0x28: {  	s2 =	sld [smem:$0x3FAA]  }
0x29: {  	s4 =	sld [smem:$0x3FAC]  }
0x2a: {  	p0 =	seq.s32 s5, $0x0;
	s5 =	sld [smem:$0x3FAD]  }
0x2b: {  	s6 =	sld [smem:$0x3FAE]  }
0x2c: {  	s7 =	sld [smem:$0x3FAF]  }
0x2d: {  	s3 =	simm.s32 $0x108;
	s8 =	sld [smem:$0x3FB0]  }
0x2e: {  	s3 =	simm.s32 @!p0 $0x1082;
	s9 =	sld [smem:$0x3FB1]  }
0x2f: {  	lr =	sadd.s32 s0, s3;
	s0 =	sld [smem:$0x3FA8]  }
0x30: {  	s3 =	sld [smem:$0x3FAB]  }
0x31: {  	[smem:$0x3FB4] =	sst s10  }
0x32: {  	s10 =	sld [smem:$0x3FB2];
	_ =	sdelay $0x3  }
0x33: {  	p0 =	seq.s32 s10, $0x1;
	s10 =	sld [smem:$0x3FB4];
	_ =	sdelay $0x3  }
0x34: {  	[smem:$0x3FB4] =	sst s10  }
0x35: {  	s10 =	sld [smem:$0x3FB3];
	_ =	sdelay $0x3  }
0x36: {  	p1 =	seq.s32 s10, $0x1;
	s10 =	sld [smem:$0x3FB4];
	_ =	sdelay $0x3  }
0x37: {  	[smem:$0x3FB4] =	sst s10  }
0x38: {  	s10 =	sld [smem:$0x3FB5]  }
0x39: {  	_ = 	snop;
	(pc) =	sbr.ind lr, $3  }
0x3a: {  	_ = 	snop  }
0x3b: {  	_ = 	snop  }
0x3c: {  	p2 =	seq.s32 s10, $0x1;
	s10 =	sld [smem:$0x3FB4]  }
0x3d: {  	_ =	shalt  }
0x3e: {  	_ =	shalt  }
0x3f: {  	_ =	shalt  }
0x40: {  	_ =	shalt  }
0x41: {  	_ =	shalt  }
0x42: {  	_ =	shalt  }
0x43: {  	_ =	shalt  }
0x44: {  	_ =	shalt  }
0x45: {  	_ =	shalt  }
0x46: {  	_ =	shalt  }
0x47: {  	_ =	shalt  }
0x48: {  	_ =	shalt  }
0x49: {  	_ =	shalt  }
0x4a: {  	_ =	shalt  }
0x4b: {  	_ =	shalt  }
0x4c: {  	_ =	shalt  }
0x4d: {  	_ =	shalt  }
0x4e: {  	_ =	shalt  }
0x4f: {  	_ =	shalt  }
0x50: {  	_ =	shalt  }
0x51: {  	_ =	shalt  }
0x52: {  	_ =	shalt  }
0x53: {  	_ =	shalt  }
0x54: {  	_ =	shalt  }
0x55: {  	_ =	shalt  }
0x56: {  	_ =	shalt  }
0x57: {  	_ =	shalt  }
0x58: {  	_ =	shalt  }
0x59: {  	_ =	shalt  }
0x5a: {  	_ =	shalt  }
0x5b: {  	_ =	shalt  }
0x5c: {  	_ =	shalt  }
0x5d: {  	_ =	shalt  }
0x5e: {  	_ =	shalt  }
0x5f: {  	_ =	shalt  }
0x60: {  	_ =	shalt  }
0x61: {  	_ =	shalt  }
0x62: {  	_ =	shalt  }
0x63: {  	_ =	shalt  }
0x64: {  	_ =	shalt  }
0x65: {  	_ =	shalt  }
0x66: {  	_ =	shalt  }
0x67: {  	_ =	shalt  }
0x68: {  	_ =	shalt  }
0x69: {  	_ =	shalt  }
0x6a: {  	_ =	shalt  }
0x6b: {  	_ =	shalt  }
0x6c: {  	_ =	shalt  }
0x6d: {  	_ =	shalt  }
0x6e: {  	_ =	shalt  }
0x6f: {  	_ =	shalt  }
0x70: {  	_ =	shalt  }
0x71: {  	_ =	shalt  }
0x72: {  	_ =	shalt  }
0x73: {  	_ =	shalt  }
0x74: {  	_ =	shalt  }
0x75: {  	_ =	shalt  }
0x76: {  	_ =	shalt  }
0x77: {  	_ =	shalt  }
0x78: {  	_ =	shalt  }
0x79: {  	_ =	shalt  }
0x7a: {  	_ =	shalt  }
0x7b: {  	_ =	shalt  }
0x7c: {  	_ =	shalt  }
0x7d: {  	_ =	shalt  }
0x7e: {  	_ =	shalt  }
0x7f: {  	_ =	shalt  }
0x80: {  	_ =	shalt  }
0x81: {  	_ =	shalt  }
0x82: {  	_ =	shalt  }
0x83: {  	_ =	shalt  }
0x84: {  	_ =	shalt  }
0x85: {  	_ =	shalt  }
0x86: {  	_ =	shalt  }
0x87: {  	_ =	shalt  }
.Lfunc_end0:
.L_simem_size_0:
called_computation.2_lowered:
.L_overlay_start_0:
0x88: {  	s2 =	sld [smem:$0x3FD9]  }
0x89: {  	s3 =	sld [smem:$0x3FFE];
	_ =	sdelay $0x1  }
0x8a: {  	s1 =	srdreg.scid  }
0x8b: {  	s0 =	sand.u32 $0x1, s1  }
0x8c: {  	s14 =	sshll.u32 s0, $0xA;
	s2 =	sadd.s32 s3, s2  }
0x8d: {  	s2 =	sadd.s32 s2, s14  }
0x8e: {  	[smem:$0x3FC0] =	sst s2  }
0x8f: {  	_ = 	snop  }
0x90: {  	s2 =	sld [smem:$0x3FD0];
	_ =	sdelay $0x2  }
0x91: {  	s15 =	simm.s32 $0xA;
	s4 =	simm.s32 $0x10  }
0x92: {  	[smem:s4], [sflag:s15] =	dma.local [hbm:s2], $0x1  }
0x93: {  	_ =	swait.eq [sflag:s15], $0x1  }
0x94: {  	[sflag:s15] =	ssyncset.done $0x0  }
0x95: {  	s16 =	sld [smem:$0x10];
	[sflag:s15] =	ssyncadd.s32 $0xFFFFFFFF  }
0x96: {  	s17 =	sld [smem:$0x11];
	(tm) =	ssettm $0x1  }
0x97: {  	s18 =	sld [smem:$0x3FFB];
	_ =	sdelay $0x3  }
0x98: {  	_ =	strace s18  }
0x99: {  	s4 =	sld [smem:$0x3FFC];
	_ =	sdelay $0x3  }
0x9a: {  	_ =	strace s4  }
0x9b: {  	s4 =	sld [smem:$0x3FFD];
	_ =	sdelay $0x3  }
0x9c: {  	_ =	strace s4  }
0x9d: {  	_ =	strace $0x8FFFFFFF  }
0x9e: {  	s19 =	sld [smem:$0x3FDB];
	_ =	sdelay $0x1  }
0x9f: {  	s5 =	simm.s32 $_scs_section_size  }
0xa0: {  	s6 =	simm.s32 $_size__tile_overlayer_lowered;
	s7 =	simm.s32 $_tile_overlayer_lowered  }
0xa1: {  	s22 =	simm.s32 $0x1BFF;
	s21 =	sshll.u32 s7, $0x1;
	s4 =	sadd.s32 s5, s19  }
0xa2: {  	s8 =	simm.s32 $0x0;
	s20 =	sshll.u32 s6, $0x1;
	s6 =	sadd.s32 s21, s4  }
0xa3: {  	[timem:s8], [sflag:s22] =	dma.local [hbm:s6], s20  }
0xa4: {  	_ =	swait.ge [sflag:s22], s20  }
0xa5: {  	s5 =	ssub.s32 $0x0, s20;
	[sflag:s22] =	ssyncset.done $0x0  }
0xa6: {  	[sflag:s22] =	ssyncadd.s32 s5;
	_ =	sdelay $0x1  }
0xa7: {  	s23 =	simm.s32 $0x1B8B  }
0xa8: {  	_ =	swait.ge [sflag:s23], $0x1  }
0xa9: {  	[sflag:s23] =	ssyncset.done $0x0  }
0xaa: {  	s25 =	simm.s32 $0x1B8E;
	s24 =	sld [smem:$0x3FFE];
	[sflag:s23] =	ssyncadd.s32 $0xFFFFFFFF  }
0xab: {  	s26 =	simm.s32 $execute0_lowered;
	[smem:$0x3FD2] =	sst s25  }
0xac: {  	s6 =	sshll.u32 s26, $0x1;
	_ =	strace $0x8000004C;
	[dreg:$0x1] =	wrdreg $0xFFFFFFFF  }
0xad: {  	s28 =	simm.s32 $_size_execute0_lowered;
	s4 =	sadd.s32 s4, s6;
	[dreg:$0x0] =	wrdreg $0x0  }
0xae: {  	s6 =	sshll.u32 s28, $0x1;
	[dreg:$0x2] =	wrdreg s4  }
0xaf: {  	[dreg:$0x3] =	wrdreg s6  }
0xb0: {  	[dreg:$0x4] =	wrdreg $0xC0  }
0xb1: {  	_ =	task [dreg:s8], $0x5FFFF  }
0xb2: {  	[dreg:$0x1] =	wrdreg $0xFFFFFFFF  }
0xb3: {  	[dreg:$0x0] =	wrdreg $0x60  }
0xb4: {  	[dreg:$0x2] =	wrdreg s24  }
0xb5: {  	[dreg:$0x3] =	wrdreg s17  }
0xb6: {  	[dreg:$0x4] =	wrdreg s16  }
0xb7: {  	[dreg:$0x5] =	wrdreg $0x9  }
0xb8: {  	_ =	task.clear_ibuf [dreg:s8], $0x6FFFF;
	_ =	strace $0x9000004C  }
0xb9: {  	s29 =	simm.s32 $0x9;
	_ =	strace $0x8000004E  }
0xba: {  	_ =	swait.ge [sflag:s29], $0x1  }
0xbb: {  	[sflag:s29] =	ssyncadd.s32 $0xFFFFFFFF  }
0xbc: {  	_ =	strace $0x9000004E  }
0xbd: {  	_ =	sfence  }
0xbe: {  	s30 =	sld [smem:$0x0];
	_ =	sdelay $0x2  }
0xbf: {  	s31 =	sshll.u32 s1, $0xD;
	s1 =	sshrl.u32 s1, $0x2  }
0xc0: {  	s3 =	sand.u32 $0x4000, s31;
	s1 =	sadd.s32 s1, s30  }
0xc1: {  	s0 =	sor.u32 s3, s0;
	s1 =	sshll.u32 s1, $0x11  }
0xc2: {  	s0 =	sor.u32 s1, s0  }
0xc3: {  	s0 =	sadd.s32 $0x8F2B, s0  }
0xc4: {  	[sflag:s0] =	ssyncadd.remote.s32 $0x1  }
0xc5: {  	_ =	sfence.sel $0xFFFF  }
0xc6: {  	[dreg:$0x0] =	wrdreg $0xFFFFFFFF;
	(pc) =	sbr.abs _section_cstart, $3  }
0xc7: {  	[dreg:$0x1] =	wrdreg $0xFFFFFFFF  }
0xc8: {  	_ =	task.clear_ibuf [dreg:s8], $0x2FFFF;
	_ =	strace $0x9FFFFFFF  }
0xc9: {  	(tm) =	ssettm $0x7FFFFFFF  }
tec
execute0_lowered:
.L_overlay_start_1:
0x0: {  	(tag) =	ssettag $0x1  }
0x1: {  	s13 =	rddreg [dreg:$0x0]  }
0x2: {  	s0 =	srdreg.scid;
	s11 =	rddreg [dreg:$0x1]  }
0x3: {  	s2 =	rddreg [dreg:$0x2];
	s3 =	simm.s32 $0x0;
	s16 =	simm.s32 $0x2900  }
0x4: {  	s17 =	simm.s32 $0x5200;
	s18 =	simm.s32 $0x7B00;
	s19 =	simm.s32 $0x7C58  }
0x5: {  	s20 =	simm.s32 $0x2700;
	s21 =	simm.s32 $0x0;
	s4 =	sand.u32 $0x1, s0  }
0x6: {  	s0 =	stileid.u32;
	[smem:$0x7FF] =	sst s3;
	s1 =	sshll.u32 s4, $0x4  }
0x7: {  	s8 =	sadd.s32 $0x2A200, s13;
	s9 =	sadd.s32 $0x33E40, s13;
	s15 =	sor.u32 s0, s1  }
0x8: {  	s10 =	sadd.s32 $0xC200, s13;
	s4 =	ssub.s32 $0x2, s4;
	s5 =	smul.u32 $0x2700, s15  }
0x9: {  	s1 =	rddreg [dreg:$0x3];
	s31 =	sshrl.u32 s4, $0x1;
	s7 =	smul.u32 $0x27, s15  }
.Ltmp0:
0xa: {  	_ =	strace $0x8000004D;
	s14 =	ssub.s32 s4, s31;
	(pc) =	sbr.rel .LBB2_1-.Ltmp0, $4  }
0xb: {  	p0 =	sne.s32 s15, $0x1F;
	s15 =	simm.s32 $0x1;
	s5 =	sshrl.u32 s5, $0x3  }
0xc: {  	s14 =	smax.u32 s14, $0x1;
	s7 =	sadd.s32 s11, s7;
	s12 =	sadd.s32 s5, s13  }
0xd: {  	s11 =	sadd.s32 $0x4E0, s11;
	s13 =	sadd.s32 $0x3DC00, s13;
	s4 =	sadd.s32 $0x20600, s12  }
0xe: {  	s5 =	sadd.s32 $0x2A240, s12;
	s6 =	sadd.s32 $0x2600, s12;
	s12 =	sadd.s32 $0x34000, s12  }
.LBB2_7:
0xf: {  	[hbm4b:s12+s3] =	stream.linear.scatter [tilespmem:s3], [sflag:$0x1], $0x2700, $0x38;
	[tilespmem:$0x7C78] =	vst v63  }
0x10: {  	_ =	swait.ge [sflag:s15], $0x2700  }
0x11: {  	[sflag:s15] =	ssyncset.done $0x0  }
0x12: {  	[sflag:s15] =	ssyncadd.s32 $0xFFFFD900  }
.LBB2_8:
0x13: {  	s21 =	sadd.s32 $0x1, s21  }
0x14: {  	p1 =	sne.s32 s21, s14  }
.Ltmp1:
0x15: {  	_ = 	snop;
	(pc) =	sbr.rel @!p1 .LBB2_9-.Ltmp1, $1  }
0x16: {  	_ =	sdelay $0x3  }
.LBB2_1:
0x17: {  	[tilespmem:s3], [sflag:$0x1] =	stream.linear.gather [hbm4b:s4+s3], $0x2700, $0x38;
	[tilespmem:$0x7C78] =	vst v63  }
0x18: {  	_ =	swait.ge [sflag:s15], $0x2700  }
0x19: {  	[sflag:s15] =	ssyncset.done $0x0  }
0x1a: {  	[sflag:s15] =	ssyncadd.s32 $0xFFFFD900  }
0x1b: {  	[tilespmem:s16], [sflag:$0x1] =	stream.linear.gather [hbm4b:s5+s3], $0x2700, $0x38;
	[tilespmem:$0x7C78] =	vst v63  }
0x1c: {  	_ =	swait.ge [sflag:s15], $0x2700  }
0x1d: {  	[sflag:s15] =	ssyncset.done $0x0  }
0x1e: {  	[sflag:s15] =	ssyncadd.s32 $0xFFFFD900  }
0x1f: {  	[tilespmem:s17], [sflag:$0x1] =	stream.linear.gather [hbm4b:s6+s3], $0x2700, $0x38;
	[tilespmem:$0x7C78] =	vst v63  }
0x20: {  	_ =	swait.ge [sflag:s15], $0x2700  }
0x21: {  	[sflag:s15] =	ssyncset.done $0x0  }
0x22: {  	[sflag:s15] =	ssyncadd.s32 $0xFFFFD900  }
0x23: {  	[tilespmem:s18], [sflag:$0x1] =	stream.linear.gather [hbm4b:s7+s3], $0x138, $0x38;
	[tilespmem:$0x7C78] =	vst v63  }
0x24: {  	_ =	swait.ge [sflag:s15], $0x138  }
0x25: {  	[sflag:s15] =	ssyncset.done $0x0  }
0x26: {  	[sflag:s15] =	ssyncadd.s32 $0xFFFFFEC8  }
0x27: {  	[tilespmem:s19], [sflag:$0x1] =	stream.linear.gather [hbm4b:s2+s3], $0x20, $0x38;
	[tilespmem:$0x7C78] =	vst v63  }
0x28: {  	_ =	swait.ge [sflag:s15], $0x20  }
0x29: {  	[sflag:s15] =	ssyncset.done $0x0  }
0x2a: {  	s22 =	simm.s32 @!p0 $0x0;
	s23 =	simm.s32 @!p0 $0x2700;
	[sflag:s15] =	ssyncadd.s32 $0xFFFFFFE0  }
0x2b: {  	[tilespmem:s23], [sflag:$0x1] =	stream.linear.gather @!p0 [hbm4b:s8+s22], $0x200, $0x38;
	[tilespmem:$0x7C78] =	vst v63  }
0x2c: {  	s23 =	simm.s32 @!p0 $0x1  }
0x2d: {  	_ =	swait.ge @!p0 [sflag:s23], $0x200  }
0x2e: {  	[sflag:s23] =	ssyncset.done @!p0 $0x0  }
0x2f: {  	s24 =	simm.s32 @!p0 $0x5000;
	[sflag:s23] =	ssyncadd.s32 @!p0 $0xFFFFFE00  }
0x30: {  	[tilespmem:s24], [sflag:$0x1] =	stream.linear.gather @!p0 [hbm4b:s9+s22], $0x200, $0x38;
	[tilespmem:$0x7C78] =	vst v63  }
0x31: {  	_ =	swait.ge @!p0 [sflag:s23], $0x200  }
0x32: {  	[sflag:s23] =	ssyncset.done @!p0 $0x0  }
0x33: {  	s24 =	simm.s32 @!p0 $0x7900;
	[sflag:s23] =	ssyncadd.s32 @!p0 $0xFFFFFE00  }
0x34: {  	[tilespmem:s24], [sflag:$0x1] =	stream.linear.gather @!p0 [hbm4b:s10+s22], $0x200, $0x38;
	[tilespmem:$0x7C78] =	vst v63  }
0x35: {  	_ =	swait.ge @!p0 [sflag:s23], $0x200  }
0x36: {  	[sflag:s23] =	ssyncset.done @!p0 $0x0  }
0x37: {  	s24 =	simm.s32 @!p0 $0x7C38;
	[sflag:s23] =	ssyncadd.s32 @!p0 $0xFFFFFE00  }
0x38: {  	[tilespmem:s24], [sflag:$0x1] =	stream.linear.gather @!p0 [hbm4b:s11+s22], $0x10, $0x38;
	[tilespmem:$0x7C78] =	vst v63  }
0x39: {  	_ =	swait.ge @!p0 [sflag:s23], $0x10  }
0x3a: {  	[sflag:s23] =	ssyncset.done @!p0 $0x0  }
0x3b: {  	s31 =	simm.s32 $0x0;
	[sflag:s23] =	ssyncadd.s32 @!p0 $0xFFFFFFF0  }
0x3c: {  	v0 =	vld [tilespmem:s31+$0x2900]  }
0x3d: {  	v2 =	vld [tilespmem:s31+$0x0]  }
0x3e: {  	v3 =	vld [tilespmem:s31+$0x2910]  }
0x3f: {  	v4 =	vld [tilespmem:s31+$0x10]  }
0x40: {  	v1 =	vld [tilespmem:s31+$0x5200]  }
0x41: {  	v6 =	vld [tilespmem:s31+$0x5210]  }
0x42: {  	v5 =	vld.msk [tilespmem:s18+$0x0 ss:$0x0], $0xffff  }
0x43: {  	v2 =	vadd.f32 v0, v2  }
0x44: {  	v0 =	vld [tilespmem:$0x7C58];
	v3 =	vadd.f32 v3, v4  }
0x45: {  	v2 =	vsub.f32 v2, v1;
	v1 =	vld [tilespmem:$0x7C68]  }
0x46: {  	v3 =	vsub.f32 v3, v6  }
0x47: {  	v2 =	vmul.f32 v2, v5  }
0x48: {  	v3 =	vmul.f32 v3, v5  }
0x49: {  	v2 =	vadd.f32 v2, v0  }
0x4a: {  	v4 =	vadd.f32 v3, v1  }
0x4b: {  	s22 =	simm.s32 $0x20;
	v3 =	vmax.f32 v2, $0.0e+00  }
0x4c: {  	v2 =	vld [tilespmem:s22+$0x5200];
	v6 =	vmul.f32 v3, v5;
	v7 =	vmax.f32 v4, $0.0e+00  }
0x4d: {  	v3 =	vld [tilespmem:s22+$0x2900];
	v7 =	vmul.f32 v7, v5  }
0x4e: {  	v4 =	vld [tilespmem:s22+$0x2910];
	[tilespmem:s31+$0x0] =	vst v6  }
0x4f: {  	s24 =	simm.s32 $0x100;
	s23 =	simm.s32 $0x7B00;
	v5 =	vld [tilespmem:s22+$0x0];
	[tilespmem:s31+$0x10] =	vst v7  }
.LBB2_2:
0x50: {  	p1 =	sne.s32 s24, $0x9B80;
	v6 =	vld [tilespmem:s22+$0x10];
	s23 =	sadd.s32 $0x1, s23  }
0x51: {  	v7 =	vld.msk [tilespmem:s23+$0x0 ss:$0x0], $0xffff  }
0x52: {  	v8 =	vld [tilespmem:s22+$0x5210];
	_ =	sdelay $0x1  }
0x53: {  	v3 =	vadd.f32 v3, v5  }
0x54: {  	v4 =	vadd.f32 v4, v6  }
0x55: {  	v2 =	vsub.f32 v3, v2  }
0x56: {  	v3 =	vsub.f32 v4, v8  }
0x57: {  	v2 =	vmul.f32 v2, v7  }
0x58: {  	v3 =	vmul.f32 v3, v7  }
0x59: {  	v2 =	vadd.f32 v2, v0  }
0x5a: {  	v3 =	vadd.f32 v3, v1  }
.Ltmp2:
0x5b: {  	s25 =	sshra.s32 s24, $0x2;
	v4 =	vmax.f32 v2, $0.0e+00;
	(pc) =	sbr.rel @p1 .LBB2_2-.Ltmp2, $4  }
0x5c: {  	v2 =	vld [tilespmem:s25+$0x5200];
	v5 =	vmul.f32 v4, v7;
	v4 =	vmax.f32 v3, $0.0e+00  }
0x5d: {  	v3 =	vld [tilespmem:s25+$0x2900];
	v6 =	vmul.f32 v4, v7  }
0x5e: {  	v4 =	vld [tilespmem:s25+$0x2910];
	[tilespmem:s22+$0x0] =	vst v5  }
0x5f: {  	s24 =	sadd.s32 $0x80, s24;
	v5 =	vld [tilespmem:s25+$0x0];
	[tilespmem:s22+$0x10] =	vst v6;
	s22 =	smov.u32 s25  }
0x60: {  	v6 =	vld [tilespmem:s22+$0x10];
	_ =	sdelay $0x1  }
0x61: {  	s23 =	sadd.s32 $0x1, s23;
	v7 =	vld [tilespmem:s22+$0x5210]  }
0x62: {  	v8 =	vld.msk [tilespmem:s23+$0x0 ss:$0x0], $0xffff  }
0x63: {  	v3 =	vadd.f32 v3, v5  }
0x64: {  	v4 =	vadd.f32 v4, v6  }
0x65: {  	v2 =	vsub.f32 v3, v2  }
0x66: {  	v3 =	vsub.f32 v4, v7  }
0x67: {  	v2 =	vmul.f32 v2, v8  }
0x68: {  	v3 =	vmul.f32 v3, v8  }
0x69: {  	v2 =	vadd.f32 v2, v0  }
0x6a: {  	v3 =	vadd.f32 v3, v1  }
.Ltmp3:
0x6b: {  	v2 =	vmax.f32 v2, $0.0e+00;
	(pc) =	sbr.rel @p0 .LBB2_7-.Ltmp3, $4  }
0x6c: {  	v2 =	vmul.f32 v2, v8;
	v3 =	vmax.f32 v3, $0.0e+00  }
0x6d: {  	v3 =	vmul.f32 v3, v8  }
0x6e: {  	[tilespmem:s22+$0x0] =	vst v2  }
0x6f: {  	[tilespmem:s22+$0x10] =	vst v3  }
0x70: {  	s25 =	simm.s32 $0x0  }
0x71: {  	v3 =	vld [tilespmem:s25+$0x5000]  }
0x72: {  	v4 =	vld [tilespmem:s25+$0x2700]  }
0x73: {  	v5 =	vld [tilespmem:s25+$0x5010]  }
0x74: {  	v6 =	vld [tilespmem:s25+$0x2710]  }
0x75: {  	v2 =	vld [tilespmem:s25+$0x7900]  }
0x76: {  	s23 =	simm.s32 $0x7C38;
	v8 =	vld [tilespmem:s25+$0x7910]  }
0x77: {  	v7 =	vld.msk [tilespmem:s23+$0x0 ss:$0x0], $0xffff  }
0x78: {  	v3 =	vadd.f32 v3, v4  }
0x79: {  	v4 =	vadd.f32 v5, v6  }
0x7a: {  	v2 =	vsub.f32 v3, v2  }
0x7b: {  	v3 =	vsub.f32 v4, v8  }
0x7c: {  	v2 =	vmul.f32 v2, v7  }
0x7d: {  	v3 =	vmul.f32 v3, v7  }
0x7e: {  	v2 =	vadd.f32 v2, v0  }
0x7f: {  	v4 =	vadd.f32 v3, v1  }
0x80: {  	s22 =	simm.s32 $0x20;
	v3 =	vmax.f32 v2, $0.0e+00  }
0x81: {  	v2 =	vld [tilespmem:s22+$0x7900];
	v6 =	vmax.f32 v4, $0.0e+00;
	v5 =	vmul.f32 v3, v7  }
0x82: {  	v4 =	vld [tilespmem:s22+$0x5010];
	v6 =	vmul.f32 v6, v7  }
0x83: {  	v3 =	vld [tilespmem:s22+$0x5000];
	[tilespmem:s25+$0x2700] =	vst v5  }
0x84: {  	s24 =	simm.s32 $0x100;
	v5 =	vld [tilespmem:s22+$0x2700];
	[tilespmem:s25+$0x2710] =	vst v6  }
.LBB2_5:
0x85: {  	p1 =	sne.s32 s24, $0x780;
	v6 =	vld [tilespmem:s22+$0x2710];
	s23 =	sadd.s32 $0x1, s23  }
0x86: {  	v7 =	vld.msk [tilespmem:s23+$0x0 ss:$0x0], $0xffff  }
0x87: {  	v8 =	vld [tilespmem:s22+$0x7910];
	_ =	sdelay $0x1  }
0x88: {  	v3 =	vadd.f32 v3, v5  }
0x89: {  	v4 =	vadd.f32 v4, v6  }
0x8a: {  	v2 =	vsub.f32 v3, v2  }
0x8b: {  	v3 =	vsub.f32 v4, v8  }
0x8c: {  	v2 =	vmul.f32 v2, v7  }
0x8d: {  	v3 =	vmul.f32 v3, v7  }
0x8e: {  	v2 =	vadd.f32 v2, v0  }
0x8f: {  	v3 =	vadd.f32 v3, v1  }
.Ltmp4:
0x90: {  	s25 =	sshra.s32 s24, $0x2;
	v4 =	vmax.f32 v2, $0.0e+00;
	(pc) =	sbr.rel @p1 .LBB2_5-.Ltmp4, $4  }
0x91: {  	v2 =	vld [tilespmem:s25+$0x7900];
	v5 =	vmul.f32 v4, v7;
	v4 =	vmax.f32 v3, $0.0e+00  }
0x92: {  	v3 =	vld [tilespmem:s25+$0x5000];
	v6 =	vmul.f32 v4, v7  }
0x93: {  	v4 =	vld [tilespmem:s25+$0x5010];
	[tilespmem:s22+$0x2700] =	vst v5  }
0x94: {  	s24 =	sadd.s32 $0x80, s24;
	v5 =	vld [tilespmem:s25+$0x2700];
	[tilespmem:s22+$0x2710] =	vst v6;
	s22 =	smov.u32 s25  }
0x95: {  	v6 =	vld [tilespmem:s22+$0x2710];
	_ =	sdelay $0x1  }
0x96: {  	s23 =	sadd.s32 $0x1, s23;
	v7 =	vld [tilespmem:s22+$0x7910]  }
0x97: {  	v8 =	vld.msk [tilespmem:s23+$0x0 ss:$0x0], $0xffff  }
0x98: {  	v3 =	vadd.f32 v3, v5  }
0x99: {  	v4 =	vadd.f32 v4, v6  }
0x9a: {  	v2 =	vsub.f32 v3, v2  }
0x9b: {  	v63 =	vsub.f32 v4, v7  }
0x9c: {  	v2 =	vmul.f32 v2, v8  }
0x9d: {  	v3 =	vmul.f32 v63, v8  }
0x9e: {  	v0 =	vadd.f32 v2, v0  }
0x9f: {  	v1 =	vadd.f32 v3, v1  }
0xa0: {  	v0 =	vmax.f32 v0, $0.0e+00  }
0xa1: {  	v0 =	vmul.f32 v0, v8;
	v1 =	vmax.f32 v1, $0.0e+00  }
0xa2: {  	v1 =	vmul.f32 v1, v8  }
0xa3: {  	[tilespmem:s22+$0x2700] =	vst v0  }
0xa4: {  	[tilespmem:s22+$0x2710] =	vst v1  }
0xa5: {  	[hbm4b:s12+s3] =	stream.linear.scatter [tilespmem:s3], [sflag:$0x1], $0x2700, $0x38;
	[tilespmem:$0x7C78] =	vst v63  }
0xa6: {  	_ =	swait.ge [sflag:s15], $0x2700  }
0xa7: {  	[sflag:s15] =	ssyncset.done $0x0  }
.Ltmp5:
0xa8: {  	[sflag:s15] =	ssyncadd.s32 $0xFFFFD900;
	(pc) =	sbr.rel .LBB2_8-.Ltmp5, $4  }
0xa9: {  	[hbm4b:s13+s3] =	stream.linear.scatter [tilespmem:s20], [sflag:$0x1], $0x200, $0x38;
	[tilespmem:$0x7C78] =	vst v63  }
0xaa: {  	_ =	swait.ge [sflag:s15], $0x200  }
0xab: {  	[sflag:s15] =	ssyncset.done $0x0  }
0xac: {  	[sflag:s15] =	ssyncadd.s32 $0xFFFFFE00  }
.LBB2_9:
0xad: {  	_ =	sfence.sel $0x180000  }
0xae: {  	[bflag:$0x0] =	sbarrier.arrive $0xFFFF  }
0xaf: {  	p0 =	sne.s32 s0, $0x0;
	_ =	strace $0x9000004D  }
0xb0: {  	s0 =	sadd.s32 @!p0 $0x100000, s1;
	[bflag:$0x2] =	sbarrier.arrive $0xFFFF  }
0xb1: {  	[sflag:s0] =	ssyncadd.tile.s32 @!p0 $0x1;
	_ =	shalt  }
.Lfunc_end2:
_tile_overlayer_lowered:
.L_overlay_start_2:
0xb2: {  	(tag) =	ssettag $0x2  }
0xb3: {  	s0 =	rddreg [dreg:$0x0];
	s2 =	stileid.u32  }
0xb4: {  	s1 =	rddreg [dreg:$0x1];
	p0 =	sne.s32 s2, $0x0  }
0xb5: {  	s3 =	rddreg [dreg:$0x2];
	[bflag:$0x3] =	sbarrier.arrive $0xFFFF;
	s2 =	simm.s32 @!p0 $0x1C01  }
0xb6: {  	[timem:s3], [sflag:s2] =	dma.local @!p0 [hbm:s0], s1  }
0xb7: {  	s0 =	simm.s32 @!p0 $0x1  }
0xb8: {  	_ =	swait.ge @!p0 [sflag:s0], s1  }
0xb9: {  	s1 =	ssub.s32 @!p0 $0x0, s1;
	[sflag:s0] =	ssyncset.done @!p0 $0x0  }
0xba: {  	[sflag:s0] =	ssyncadd.s32 @!p0 s1  }
0xbb: {  	[bflag:$0x3] =	sbarrier.arrive $0xFFFF  }
0xbc: {  	_ =	shalt  }

// kernel: kernel.18.cloned.1.call-start
scs
__scs_entry_jumppad:
0x0: {  	(pc) =	sbr.rel $0x88, $3  }
0x1: {  	(tag) =	ssettag $0x0;
	lr =	simm.s32 $0x1  }
0x2: {  	[smem:$0x3F99] =	sst lr;
	_ =	strace $0xD0000000  }
0x3: {  	_ = 	snop  }
0x4: {  	_ = 	snop  }
0x5: {  	_ = 	snop  }
0x6: {  	_ = 	snop  }
0x7: {  	_ = 	snop  }
__scs_overlays_trampoline_lowered:
0x8: {  	[smem:$0x3FA8] =	sst s0  }
0x9: {  	[smem:$0x3FA9] =	sst s1  }
0xa: {  	[smem:$0x3FAA] =	sst s2  }
0xb: {  	[smem:$0x3FAB] =	sst s3  }
0xc: {  	[smem:$0x3FAC] =	sst s4  }
0xd: {  	[smem:$0x3FAD] =	sst s5  }
0xe: {  	[smem:$0x3FAE] =	sst s6  }
0xf: {  	[smem:$0x3FAF] =	sst s7  }
0x10: {  	[smem:$0x3FB0] =	sst s8  }
0x11: {  	[smem:$0x3FB1] =	sst s9;
	s0 =	simm.s32 @!p0 $0x0  }
0x12: {  	s1 =	sld [smem:$0x3F97];
	s0 =	simm.s32 @p0 $0x1  }
0x13: {  	[smem:$0x3FB2] =	sst s0;
	s0 =	simm.s32 @!p1 $0x0  }
0x14: {  	s2 =	sld [smem:$0x3F96];
	s0 =	simm.s32 @p1 $0x1  }
0x15: {  	[smem:$0x3FB3] =	sst s0;
	s0 =	simm.s32 @!p2 $0x0  }
0x16: {  	s3 =	sld [smem:$0x3FDB];
	s0 =	simm.s32 @p2 $0x1  }
0x17: {  	s4 =	simm.s32 $0x1BF5;
	[smem:$0x3FB5] =	sst s0  }
0x18: {  	s0 =	sld [smem:$0x3F98];
	_ =	swait.ge [sflag:s4], $0x0  }
0x19: {  	s7 =	sld [smem:$0x3F99]  }
0x1a: {  	s8 =	sadd.s32 $0xFFFFE003, lr  }
0x1b: {  	s9 =	sadd.s32 $0xFFFFFEF7, lr;
	s5 =	simm.s32 $0xFFFFFFFF;
	p2 =	slt.u32 s8, $0xFFFFF086  }
0x1c: {  	p1 =	slt.u32 s9, $0xF7A;
	s5 =	simm.s32 @!p2 $0x0  }
0x1d: {  	s5 =	simm.s32 @p1 $0x1;
	p0 =	seq.s32 s7, s2  }
0x1e: {  	s7 =	smul.u32 @!p0 $0xF7A, s2;
	p2 =	seq.s32 @!p0 s5, $0x0  }
0x1f: {  	s9 =	smul.u32 $0xF7A, s1;
	s8 =	simm.s32 @!p0 $0x1BF5;
	p2 =	por !p2, p0  }
0x20: {  	[sflag:s8] =	ssyncset.s32 @!p0 $0xFFFFF086;
	s6 =	sadd.s32 @!p0 s3, s7;
	s7 =	simm.s32 @!p0 $0x108  }
0x21: {  	s3 =	sadd.s32 s3, s9;
	s6 =	sadd.s32 @!p0 $0x88, s6;
	s7 =	simm.s32 @p2 $0x1082  }
0x22: {  	[simem:s7], [sflag:s8] =	dma.local @!p0 [hbm:s6], $0xF7A  }
0x23: {  	s9 =	sor.u32 $0xD0000000, s2;
	s6 =	simm.s32 $0x108;
	_ =	swait.ge @!p0 [sflag:s8], $0x0  }
0x24: {  	s3 =	sadd.s32 $0x88, s3;
	s6 =	simm.s32 @!p1 $0x1082;
	[sflag:s4] =	ssyncset.s32 $0xFFFFF086  }
0x25: {  	[simem:s6], [sflag:s4] =	dma.local [hbm:s3], $0xF7A  }
0x26: {  	[smem:$0x3F99] =	sst s1;
	(tag) =	ssettag s2;
	_ =	strace s9  }
0x27: {  	s1 =	sld [smem:$0x3FA9]  }
0x28: {  	s2 =	sld [smem:$0x3FAA]  }
0x29: {  	s4 =	sld [smem:$0x3FAC]  }
0x2a: {  	p0 =	seq.s32 s5, $0x0;
	s5 =	sld [smem:$0x3FAD]  }
0x2b: {  	s6 =	sld [smem:$0x3FAE]  }
0x2c: {  	s7 =	sld [smem:$0x3FAF]  }
0x2d: {  	s3 =	simm.s32 $0x108;
	s8 =	sld [smem:$0x3FB0]  }
0x2e: {  	s3 =	simm.s32 @!p0 $0x1082;
	s9 =	sld [smem:$0x3FB1]  }
0x2f: {  	lr =	sadd.s32 s0, s3;
	s0 =	sld [smem:$0x3FA8]  }
0x30: {  	s3 =	sld [smem:$0x3FAB]  }
0x31: {  	[smem:$0x3FB4] =	sst s10  }
0x32: {  	s10 =	sld [smem:$0x3FB2];
	_ =	sdelay $0x3  }
0x33: {  	p0 =	seq.s32 s10, $0x1;
	s10 =	sld [smem:$0x3FB4];
	_ =	sdelay $0x3  }
0x34: {  	[smem:$0x3FB4] =	sst s10  }
0x35: {  	s10 =	sld [smem:$0x3FB3];
	_ =	sdelay $0x3  }
0x36: {  	p1 =	seq.s32 s10, $0x1;
	s10 =	sld [smem:$0x3FB4];
	_ =	sdelay $0x3  }
0x37: {  	[smem:$0x3FB4] =	sst s10  }
0x38: {  	s10 =	sld [smem:$0x3FB5]  }
0x39: {  	_ = 	snop;
	(pc) =	sbr.ind lr, $3  }
0x3a: {  	_ = 	snop  }
0x3b: {  	_ = 	snop  }
0x3c: {  	p2 =	seq.s32 s10, $0x1;
	s10 =	sld [smem:$0x3FB4]  }
0x3d: {  	_ =	shalt  }
0x3e: {  	_ =	shalt  }
0x3f: {  	_ =	shalt  }
0x40: {  	_ =	shalt  }
0x41: {  	_ =	shalt  }
0x42: {  	_ =	shalt  }
0x43: {  	_ =	shalt  }
0x44: {  	_ =	shalt  }
0x45: {  	_ =	shalt  }
0x46: {  	_ =	shalt  }
0x47: {  	_ =	shalt  }
0x48: {  	_ =	shalt  }
0x49: {  	_ =	shalt  }
0x4a: {  	_ =	shalt  }
0x4b: {  	_ =	shalt  }
0x4c: {  	_ =	shalt  }
0x4d: {  	_ =	shalt  }
0x4e: {  	_ =	shalt  }
0x4f: {  	_ =	shalt  }
0x50: {  	_ =	shalt  }
0x51: {  	_ =	shalt  }
0x52: {  	_ =	shalt  }
0x53: {  	_ =	shalt  }
0x54: {  	_ =	shalt  }
0x55: {  	_ =	shalt  }
0x56: {  	_ =	shalt  }
0x57: {  	_ =	shalt  }
0x58: {  	_ =	shalt  }
0x59: {  	_ =	shalt  }
0x5a: {  	_ =	shalt  }
0x5b: {  	_ =	shalt  }
0x5c: {  	_ =	shalt  }
0x5d: {  	_ =	shalt  }
0x5e: {  	_ =	shalt  }
0x5f: {  	_ =	shalt  }
0x60: {  	_ =	shalt  }
0x61: {  	_ =	shalt  }
0x62: {  	_ =	shalt  }
0x63: {  	_ =	shalt  }
0x64: {  	_ =	shalt  }
0x65: {  	_ =	shalt  }
0x66: {  	_ =	shalt  }
0x67: {  	_ =	shalt  }
0x68: {  	_ =	shalt  }
0x69: {  	_ =	shalt  }
0x6a: {  	_ =	shalt  }
0x6b: {  	_ =	shalt  }
0x6c: {  	_ =	shalt  }
0x6d: {  	_ =	shalt  }
0x6e: {  	_ =	shalt  }
0x6f: {  	_ =	shalt  }
0x70: {  	_ =	shalt  }
0x71: {  	_ =	shalt  }
0x72: {  	_ =	shalt  }
0x73: {  	_ =	shalt  }
0x74: {  	_ =	shalt  }
0x75: {  	_ =	shalt  }
0x76: {  	_ =	shalt  }
0x77: {  	_ =	shalt  }
0x78: {  	_ =	shalt  }
0x79: {  	_ =	shalt  }
0x7a: {  	_ =	shalt  }
0x7b: {  	_ =	shalt  }
0x7c: {  	_ =	shalt  }
0x7d: {  	_ =	shalt  }
0x7e: {  	_ =	shalt  }
0x7f: {  	_ =	shalt  }
0x80: {  	_ =	shalt  }
0x81: {  	_ =	shalt  }
0x82: {  	_ =	shalt  }
0x83: {  	_ =	shalt  }
0x84: {  	_ =	shalt  }
0x85: {  	_ =	shalt  }
0x86: {  	_ =	shalt  }
0x87: {  	_ =	shalt  }
.Lfunc_end0:
.L_simem_size_0:
called_computation.3_lowered:
.L_overlay_start_0:
0x88: {  	s2 =	sld [smem:$0x3FD9]  }
0x89: {  	s3 =	sld [smem:$0x3FFE];
	_ =	sdelay $0x1  }
0x8a: {  	s1 =	srdreg.scid  }
0x8b: {  	s0 =	sand.u32 $0x1, s1  }
0x8c: {  	s16 =	sshll.u32 s0, $0xA;
	s2 =	sadd.s32 s3, s2  }
0x8d: {  	s2 =	sadd.s32 s2, s16  }
0x8e: {  	[smem:$0x3FC0] =	sst s2  }
0x8f: {  	_ = 	snop  }
0x90: {  	(tm) =	ssettm $0x1  }
0x91: {  	s17 =	sld [smem:$0x3FFB];
	_ =	sdelay $0x3  }
0x92: {  	_ =	strace s17  }
0x93: {  	s2 =	sld [smem:$0x3FFC];
	_ =	sdelay $0x3  }
0x94: {  	_ =	strace s2  }
0x95: {  	s2 =	sld [smem:$0x3FFD];
	_ =	sdelay $0x3  }
0x96: {  	_ =	strace s2  }
0x97: {  	_ =	strace $0x8FFFFFFF  }
0x98: {  	s18 =	sld [smem:$0x3FDB];
	_ =	sdelay $0x1  }
0x99: {  	s19 =	simm.s32 $_scs_section_size  }
0x9a: {  	s4 =	simm.s32 $_size__tile_overlayer_lowered;
	s5 =	simm.s32 $_tile_overlayer_lowered  }
0x9b: {  	s22 =	simm.s32 $0x1BFF;
	s21 =	sshll.u32 s5, $0x1;
	s2 =	sadd.s32 s19, s18  }
0x9c: {  	s6 =	simm.s32 $0x0;
	s20 =	sshll.u32 s4, $0x1;
	s4 =	sadd.s32 s21, s2  }
0x9d: {  	[timem:s6], [sflag:s22] =	dma.local [hbm:s4], s20  }
0x9e: {  	_ =	swait.ge [sflag:s22], s20  }
0x9f: {  	s3 =	ssub.s32 $0x0, s20;
	[sflag:s22] =	ssyncset.done $0x0  }
0xa0: {  	[sflag:s22] =	ssyncadd.s32 s3;
	_ =	sdelay $0x1  }
0xa1: {  	s23 =	simm.s32 $0x1B8B  }
0xa2: {  	_ =	swait.ge [sflag:s23], $0x1  }
0xa3: {  	[sflag:s23] =	ssyncset.done $0x0  }
0xa4: {  	s25 =	simm.s32 $0x1B8E;
	s24 =	sld [smem:$0x3FFE];
	[sflag:s23] =	ssyncadd.s32 $0xFFFFFFFF  }
0xa5: {  	s26 =	simm.s32 $execute0_lowered;
	[smem:$0x3FD2] =	sst s25  }
0xa6: {  	s4 =	sshll.u32 s26, $0x1;
	_ =	strace $0x8000004F;
	[dreg:$0x1] =	wrdreg $0xFFFFFFFF  }
0xa7: {  	s28 =	simm.s32 $_size_execute0_lowered;
	s2 =	sadd.s32 s2, s4;
	[dreg:$0x0] =	wrdreg $0x0  }
0xa8: {  	s4 =	sshll.u32 s28, $0x1;
	[dreg:$0x2] =	wrdreg s2  }
0xa9: {  	[dreg:$0x3] =	wrdreg s4  }
0xaa: {  	[dreg:$0x4] =	wrdreg $0xC0  }
0xab: {  	_ =	task [dreg:s6], $0x5FFFF  }
0xac: {  	[dreg:$0x1] =	wrdreg $0xFFFFFFFF  }
0xad: {  	[dreg:$0x0] =	wrdreg $0x60  }
0xae: {  	[dreg:$0x2] =	wrdreg s24  }
0xaf: {  	[dreg:$0x3] =	wrdreg $0x11B000  }
0xb0: {  	[dreg:$0x4] =	wrdreg $0x9  }
0xb1: {  	_ =	task.clear_ibuf [dreg:s6], $0x5FFFF;
	_ =	strace $0x9000004F  }
0xb2: {  	s29 =	simm.s32 $0x9;
	_ =	strace $0x80000051  }
0xb3: {  	_ =	swait.ge [sflag:s29], $0x1  }
0xb4: {  	[sflag:s29] =	ssyncadd.s32 $0xFFFFFFFF  }
0xb5: {  	_ =	strace $0x90000051  }
0xb6: {  	_ =	sfence  }
0xb7: {  	s30 =	sld [smem:$0x0];
	_ =	sdelay $0x2  }
0xb8: {  	s31 =	sshll.u32 s1, $0xD;
	s1 =	sshrl.u32 s1, $0x2  }
0xb9: {  	s3 =	sand.u32 $0x4000, s31;
	s1 =	sadd.s32 s1, s30  }
0xba: {  	s0 =	sor.u32 s3, s0;
	s1 =	sshll.u32 s1, $0x11  }
0xbb: {  	s0 =	sor.u32 s1, s0  }
0xbc: {  	s0 =	sadd.s32 $0x8F2B, s0  }
0xbd: {  	[sflag:s0] =	ssyncadd.remote.s32 $0x1  }
0xbe: {  	_ =	sfence.sel $0xFFFF  }
0xbf: {  	[dreg:$0x0] =	wrdreg $0xFFFFFFFF;
	(pc) =	sbr.abs _section_cstart, $3  }
0xc0: {  	[dreg:$0x1] =	wrdreg $0xFFFFFFFF  }
0xc1: {  	_ =	task.clear_ibuf [dreg:s6], $0x2FFFF;
	_ =	strace $0x9FFFFFFF  }
0xc2: {  	(tm) =	ssettm $0x7FFFFFFF  }
0xc3: {  	_ =	shalt  }
tec
execute0_lowered:
.L_overlay_start_1:
0x0: {  	(tag) =	ssettag $0x1  }
0x1: {  	s0 =	rddreg [dreg:$0x0];
	s2 =	srdreg.scid  }
0x2: {  	s1 =	rddreg [dreg:$0x1];
	s5 =	stileid.u32;
	s12 =	simm.s32 $0x0  }
0x3: {  	s15 =	simm.s32 $0x13;
	s18 =	simm.s32 $0x7D;
	s19 =	simm.s32 $0x5000  }
0x4: {  	s28 =	simm.s32 $0x8E80;
	s30 =	simm.s32 $0x9E20;
	s31 =	simm.s32 $0x1  }
0x5: {  	s13 =	simm.s32 $0x2;
	s16 =	simm.s32 $0x0;
	s4 =	sand.u32 $0x1, s2  }
0x6: {  	s7 =	smul.u32 $0x2800, s5;
	[smem:$0x7FF] =	sst s12;
	s3 =	sadd.s32 $0x34000, s0  }
0x7: {  	s8 =	smul.u32 $0x4E00, s5;
	s10 =	sadd.s32 $0x20600, s0;
	p0 =	sne.s32 s5, $0x0  }
0x8: {  	s6 =	smul.u32 $0x28000, s4;
	_ =	strace $0x80000050;
	s20 =	ssub.s32 $0x2, s4  }
0x9: {  	s4 =	smul.u32 $0x4E200, s4;
	s9 =	sshrl.u32 s20, $0x1;
	s21 =	sshrl.u32 s8, $0x3  }
0xa: {  	s6 =	sadd.s32 s7, s6;
	s11 =	ssub.s32 s20, s9;
	s23 =	sadd.s32 s3, s21  }
0xb: {  	s7 =	sadd.s32 s8, s1;
	s24 =	sadd.s32 s8, s4;
	s4 =	sshrl.u32 s4, $0x3  }
0xc: {  	s9 =	sadd.s32 $0x4E000, s1;
	s21 =	simm.s32 $0x5FA0;
	s20 =	simm.s32 $0xBD60  }
0xd: {  	s8 =	simm.s32 $0xD;
	s6 =	sshrl.u32 s6, $0x3;
	[dreg:$0x5] =	wrdreg s23  }
0xe: {  	s25 =	sshrl.u32 s24, $0x3;
	s4 =	sadd.s32 s10, s4;
	s29 =	smax.u32 s11, $0x1  }
0xf: {  	s11 =	simm.s32 $0xCD00;
	s23 =	simm.s32 $0x6F40;
	s24 =	simm.s32 $0x5  }
0x10: {  	s6 =	sadd.s32 s6, s0;
	s0 =	sadd.s32 $0x3DC00, s0;
	[dreg:$0x9] =	wrdreg s29  }
.Ltmp0:
0x11: {  	s26 =	sadd.s32 $0x9C00, s4;
	[dreg:$0x6] =	wrdreg s0;
	(pc) =	sbr.rel .LBB2_1-.Ltmp0, $4  }
0x12: {  	s22 =	sadd.s32 $0xC600, s6;
	s6 =	sadd.s32 $0x16600, s6;
	[dreg:$0x8] =	wrdreg s26  }
0x13: {  	s0 =	sadd.s32 s10, s25;
	s25 =	simm.s32 $0x7;
	[dreg:$0x3] =	wrdreg s22  }
0x14: {  	s26 =	simm.s32 $0x8;
	s10 =	simm.s32 $0xE;
	[dreg:$0x4] =	wrdreg s6  }
0x15: {  	[dreg:$0x7] =	wrdreg s0;
	s0 =	simm.s32 $0xADC0;
	s22 =	simm.s32 $0x3  }
.LBB2_4:
0x16: {  	_ =	swait.ge [sflag:s26], $0xFA0  }
0x17: {  	[sflag:s26] =	ssyncset.done $0x0  }
0x18: {  	s5 =	simm.s32 $0x9;
	[sflag:s26] =	ssyncadd.s32 $0xFFFFF060  }
0x19: {  	[spmem:s1] =	stream.indirect.scatter.add.f32 [tilespmem:s20], [sflag:$0x10], $0x20, s4, s18, $0xb8;
	[tilespmem:$0x16920] =	vst v63  }
0x1a: {  	_ =	swait.ge [sflag:s5], $0xFA0  }
0x1b: {  	[sflag:s5] =	ssyncset.done $0x0  }
0x1c: {  	s6 =	simm.s32 $0xA;
	[sflag:s5] =	ssyncadd.s32 $0xFFFFF060  }
0x1d: {  	_ =	swait.ge [sflag:s6], $0xFA0  }
0x1e: {  	[sflag:s6] =	ssyncset.done $0x0  }
0x1f: {  	s7 =	simm.s32 $0xB;
	[sflag:s6] =	ssyncadd.s32 $0xFFFFF060  }
0x20: {  	_ =	swait.ge [sflag:s7], $0xFA0  }
0x21: {  	[sflag:s7] =	ssyncset.done $0x0  }
0x22: {  	s9 =	simm.s32 $0xC;
	[sflag:s7] =	ssyncadd.s32 $0xFFFFF060  }
0x23: {  	_ =	swait.ge [sflag:s9], $0xFA0  }
0x24: {  	[sflag:s9] =	ssyncset.done $0x0  }
0x25: {  	[sflag:s9] =	ssyncadd.s32 $0xFFFFF060  }
0x26: {  	_ =	swait.ge [sflag:s8], $0xFA0  }
0x27: {  	[sflag:s8] =	ssyncset.done $0x0  }
0x28: {  	[sflag:s8] =	ssyncadd.s32 $0xFFFFF060  }
0x29: {  	_ =	swait.ge [sflag:s10], $0xFA0  }
0x2a: {  	[sflag:s10] =	ssyncset.done $0x0  }
0x2b: {  	s11 =	simm.s32 $0xF;
	[sflag:s10] =	ssyncadd.s32 $0xFFFFF060  }
0x2c: {  	_ =	swait.ge [sflag:s11], $0xFA0  }
0x2d: {  	[sflag:s11] =	ssyncset.done $0x0  }
0x2e: {  	s12 =	simm.s32 $0x10;
	[sflag:s11] =	ssyncadd.s32 $0xFFFFF060  }
0x2f: {  	_ =	swait.ge [sflag:s12], $0xFA0  }
0x30: {  	[sflag:s12] =	ssyncset.done $0x0  }
0x31: {  	[sflag:s12] =	ssyncadd.s32 $0xFFFFF060  }
0x32: {  	s11 =	simm.s32 $0xCD00;
	[bflag:$0x0] =	sbarrier.arrive $0xFFFF  }
0x33: {  	[tilespmem:s11], [sflag:$0x13] =	stream.linear.gather [spmem:s14], $0x4E00, $0x38;
	[tilespmem:$0x16920] =	vst v63  }
0x34: {  	_ =	swait.ge [sflag:s15], $0x4E00  }
0x35: {  	[sflag:s15] =	ssyncset.done $0x0  }
0x36: {  	s12 =	simm.s32 $0x0;
	s17 =	rddreg [dreg:$0x7];
	[sflag:s15] =	ssyncadd.s32 $0xFFFFB200  }
0x37: {  	[hbm4b:s17+s12] =	stream.linear.scatter [tilespmem:s11], [sflag:$0x13], $0x4E00, $0x38;
	[tilespmem:$0x16920] =	vst v63  }
0x38: {  	_ =	swait.ge [sflag:s15], $0x4E00  }
0x39: {  	[sflag:s15] =	ssyncset.done $0x0  }
0x3a: {  	s4 =	simm.s32 @!p0 $0xCD00;
	s5 =	simm.s32 @!p0 $0x13;
	[sflag:s15] =	ssyncadd.s32 $0xFFFFB200  }
0x3b: {  	[tilespmem:s4], [sflag:$0x13] =	stream.linear.gather @!p0 [spmem:s2], $0x200, $0x38;
	[tilespmem:$0x16920] =	vst v63  }
0x3c: {  	_ =	swait.ge @!p0 [sflag:s5], $0x200  }
0x3d: {  	s6 =	simm.s32 @!p0 $0x0;
	[sflag:s5] =	ssyncset.done @!p0 $0x0  }
0x3e: {  	s9 =	smov.u32 s2;
	s2 =	rddreg [dreg:$0x8];
	[sflag:s5] =	ssyncadd.s32 @!p0 $0xFFFFFE00  }
0x3f: {  	[hbm4b:s2+s6] =	stream.linear.scatter @!p0 [tilespmem:s4], [sflag:$0x13], $0x200, $0x38;
	[tilespmem:$0x16920] =	vst v63  }
0x40: {  	_ =	swait.ge @!p0 [sflag:s5], $0x200  }
0x41: {  	s16 =	sadd.s32 $0x1, s16;
	s29 =	rddreg [dreg:$0x9]  }
0x42: {  	p1 =	sne.s32 s16, s29  }
.Ltmp1:
0x43: {  	_ = 	snop;
	(pc) =	sbr.rel @!p1 .LBB2_5-.Ltmp1, $3  }
0x44: {  	_ =	sdelay $0x1  }
0x45: {  	[sflag:s5] =	ssyncset.done @!p0 $0x0  }
0x46: {  	s7 =	smov.u32 s14;
	[sflag:s5] =	ssyncadd.s32 @!p0 $0xFFFFFE00  }
.LBB2_1:
0x47: {  	s4 =	rddreg [dreg:$0x3]  }
0x48: {  	[tilespmem:s12], [sflag:$0x11] =	stream.linear.gather [hbm4b:s4+s12], $0x2800, $0x38;
	[tilespmem:$0x16920] =	vst v63  }
0x49: {  	s29 =	rddreg [dreg:$0x4];
	s2 =	simm.s32 $0x2800  }
0x4a: {  	[tilespmem:s2], [sflag:$0x12] =	stream.linear.gather [hbm4b:s29+s12], $0x2800, $0x38;
	[tilespmem:$0x16920] =	vst v63  }
0x4b: {  	s2 =	rddreg [dreg:$0x5]  }
0x4c: {  	[tilespmem:s11], [sflag:$0x13] =	stream.linear.gather [hbm4b:s2+s12], $0x4E00, $0x38;
	[tilespmem:$0x16920] =	vst v63  }
0x4d: {  	_ =	swait.ge [sflag:s15], $0x4E00  }
0x4e: {  	[sflag:s15] =	ssyncset.done $0x0  }
0x4f: {  	[sflag:s15] =	ssyncadd.s32 $0xFFFFB200  }
0x50: {  	[spmem:s7] =	stream.linear.scatter [tilespmem:s11], [sflag:$0x13], $0x4E00, $0x38;
	[tilespmem:$0x16920] =	vst v63  }
0x51: {  	_ =	swait.ge [sflag:s15], $0x4E00  }
0x52: {  	s17 =	simm.s32 @!p0 $0xCD00;
	[sflag:s15] =	ssyncset.done $0x0  }
0x53: {  	s4 =	simm.s32 @!p0 $0x0;
	s5 =	rddreg [dreg:$0x6];
	[sflag:s15] =	ssyncadd.s32 $0xFFFFB200  }
0x54: {  	[tilespmem:s17], [sflag:$0x13] =	stream.linear.gather @!p0 [hbm4b:s5+s4], $0x200, $0x38;
	[tilespmem:$0x16920] =	vst v63  }
0x55: {  	s4 =	simm.s32 @!p0 $0x13  }
0x56: {  	_ =	swait.ge @!p0 [sflag:s4], $0x200  }
0x57: {  	[sflag:s4] =	ssyncset.done @!p0 $0x0  }
0x58: {  	[sflag:s4] =	ssyncadd.s32 @!p0 $0xFFFFFE00  }
0x59: {  	[spmem:s9] =	stream.linear.scatter @!p0 [tilespmem:s17], [sflag:$0x13], $0x200, $0x38;
	[tilespmem:$0x16920] =	vst v63  }
0x5a: {  	_ =	swait.ge @!p0 [sflag:s4], $0x200  }
0x5b: {  	[sflag:s4] =	ssyncset.done @!p0 $0x0  }
0x5c: {  	s5 =	simm.s32 $0x11;
	[sflag:s4] =	ssyncadd.s32 @!p0 $0xFFFFFE00  }
0x5d: {  	_ =	swait.ge [sflag:s5], $0x2800  }
0x5e: {  	[sflag:s5] =	ssyncset.done $0x0  }
0x5f: {  	s6 =	simm.s32 $0x12;
	[sflag:s5] =	ssyncadd.s32 $0xFFFFD800  }
0x60: {  	_ =	swait.ge [sflag:s6], $0x2800  }
0x61: {  	[sflag:s6] =	ssyncset.done $0x0  }
0x62: {  	[sflag:s6] =	ssyncadd.s32 $0xFFFFD800  }
0x63: {  	[bflag:$0x0] =	sbarrier.arrive $0xFFFF  }
0x64: {  	[tilespmem:s19], [sflag:$0x1] =	stream.indirect.gather [hbm4b:s3+s18], $0x20, s12, s18, $0xb8;
	[tilespmem:$0x16920] =	vst v63  }
0x65: {  	s14 =	smov.u32 s7;
	s7 =	simm.s32 $0x80  }
0x66: {  	[tilespmem:s21], [sflag:$0x2] =	stream.indirect.gather [hbm4b:s3+s18], $0x20, s7, s18, $0xb8;
	[tilespmem:$0x16920] =	vst v63  }
0x67: {  	s2 =	smov.u32 s9;
	s9 =	simm.s32 $0x100  }
0x68: {  	[tilespmem:s23], [sflag:$0x3] =	stream.indirect.gather [hbm4b:s3+s18], $0x20, s9, s18, $0xb8;
	[tilespmem:$0x16920] =	vst v63  }
0x69: {  	s11 =	simm.s32 $0x180;
	s12 =	simm.s32 $0x7EE0  }
0x6a: {  	[tilespmem:s12], [sflag:$0x4] =	stream.indirect.gather [hbm4b:s3+s18], $0x20, s11, s18, $0xb8;
	[tilespmem:$0x16920] =	vst v63  }
0x6b: {  	s17 =	simm.s32 $0x200  }
0x6c: {  	[tilespmem:s28], [sflag:$0x5] =	stream.indirect.gather [hbm4b:s3+s18], $0x20, s17, s18, $0xb8;
	[tilespmem:$0x16920] =	vst v63  }
0x6d: {  	s29 =	simm.s32 $0x280;
	s17 =	simm.s32 $0x0  }
0x6e: {  	[tilespmem:s30], [sflag:$0x6] =	stream.indirect.gather [hbm4b:s3+s18], $0x20, s29, s18, $0xb8;
	[tilespmem:$0x16920] =	vst v63  }
.LBB2_2:
0x6f: {  	_ =	swait.ge [sflag:s31], $0xFA0  }
0x70: {  	s29 =	sshra.s32 s17, $0x2;
	[sflag:s31] =	ssyncset.done $0x0  }
0x71: {  	p1 =	seq.s32 s17, $0x0;
	s4 =	sadd.s32 $0x2800, s29;
	[sflag:s31] =	ssyncadd.s32 $0xFFFFF060  }
0x72: {  	[spmem:s1] =	stream.indirect.scatter.add.f32 [tilespmem:s19], [sflag:$0x9], $0x20, s4, s18, $0xb8;
	[tilespmem:$0x16920] =	vst v63  }
0x73: {  	s4 =	simm.s32 @!p1 $0xF  }
0x74: {  	_ =	swait.ge @!p1 [sflag:s4], $0xFA0  }
0x75: {  	[sflag:s4] =	ssyncset.done @!p1 $0x0  }
0x76: {  	s12 =	sadd.s32 $0x300, s29;
	[sflag:s4] =	ssyncadd.s32 @!p1 $0xFFFFF060  }
0x77: {  	[tilespmem:s0], [sflag:$0x7] =	stream.indirect.gather [hbm4b:s3+s18], $0x20, s12, s18, $0xb8;
	[tilespmem:$0x16920] =	vst v63  }
0x78: {  	_ =	swait.ge [sflag:s13], $0xFA0  }
0x79: {  	[sflag:s13] =	ssyncset.done $0x0  }
0x7a: {  	s5 =	sadd.s32 $0x2880, s29;
	s4 =	simm.s32 @!p1 $0x10;
	[sflag:s13] =	ssyncadd.s32 $0xFFFFF060  }
0x7b: {  	[spmem:s1] =	stream.indirect.scatter.add.f32 [tilespmem:s21], [sflag:$0xA], $0x20, s5, s18, $0xb8;
	[tilespmem:$0x16920] =	vst v63  }
0x7c: {  	_ =	swait.ge @!p1 [sflag:s4], $0xFA0  }
0x7d: {  	[sflag:s4] =	ssyncset.done @!p1 $0x0  }
0x7e: {  	s6 =	sadd.s32 $0x380, s29;
	[sflag:s4] =	ssyncadd.s32 @!p1 $0xFFFFF060  }
0x7f: {  	[tilespmem:s20], [sflag:$0x8] =	stream.indirect.gather [hbm4b:s3+s18], $0x20, s6, s18, $0xb8;
	[tilespmem:$0x16920] =	vst v63  }
0x80: {  	_ =	swait.ge [sflag:s22], $0xFA0  }
0x81: {  	p1 =	seq.s32 s17, $0x9000;
	[sflag:s22] =	ssyncset.done $0x0  }
0x82: {  	s7 =	sadd.s32 $0x2900, s29;
	s4 =	simm.s32 @p1 $0x4;
	[sflag:s22] =	ssyncadd.s32 $0xFFFFF060  }
0x83: {  	[spmem:s1] =	stream.indirect.scatter.add.f32 [tilespmem:s23], [sflag:$0xB], $0x20, s7, s18, $0xb8;
	[tilespmem:$0x16920] =	vst v63  }
0x84: {  	_ =	swait.ge @p1 [sflag:s4], $0xFA0  }
0x85: {  	[sflag:s4] =	ssyncset.done @p1 $0x0  }
0x86: {  	[sflag:s4] =	ssyncadd.s32 @p1 $0xFFFFF060;
	s4 =	sshra.s32 @p1 s17, $0x2  }
0x87: {  	s6 =	simm.s32 @p1 $0x7D;
	s11 =	simm.s32 @p1 $0x7EE0;
	s5 =	sadd.s32 @p1 $0x2980, s4  }
0x88: {  	[spmem:s1] =	stream.indirect.scatter.add.f32 @p1 [tilespmem:s11], [sflag:$0xC], $0x20, s5, s6, $0xb8;
	[tilespmem:$0x16920] =	vst v63  }
0x89: {  	s5 =	simm.s32 @!p1 $0x9  }
0x8a: {  	_ =	swait.ge @!p1 [sflag:s5], $0xFA0  }
0x8b: {  	[sflag:s5] =	ssyncset.done @!p1 $0x0  }
0x8c: {  	[sflag:s5] =	ssyncadd.s32 @!p1 $0xFFFFF060;
	s5 =	sshra.s32 @!p1 s17, $0x2  }
0x8d: {  	s12 =	simm.s32 @!p1 $0x7D;
	s7 =	simm.s32 @!p1 $0x5000;
	s11 =	sadd.s32 @!p1 $0x400, s5  }
0x8e: {  	[tilespmem:s7], [sflag:$0x1] =	stream.indirect.gather @!p1 [hbm4b:s3+s12], $0x20, s11, s12, $0xb8;
	[tilespmem:$0x16920] =	vst v63  }
0x8f: {  	s7 =	simm.s32 @!p1 $0x4  }
0x90: {  	_ =	swait.ge @!p1 [sflag:s7], $0xFA0  }
0x91: {  	[sflag:s7] =	ssyncset.done @!p1 $0x0  }
0x92: {  	s11 =	simm.s32 @!p1 $0x7EE0;
	[sflag:s7] =	ssyncadd.s32 @!p1 $0xFFFFF060;
	s7 =	sadd.s32 @!p1 $0x2980, s5  }
0x93: {  	[spmem:s1] =	stream.indirect.scatter.add.f32 @!p1 [tilespmem:s11], [sflag:$0xC], $0x20, s7, s12, $0xb8;
	[tilespmem:$0x16920] =	vst v63  }
0x94: {  	s7 =	simm.s32 @!p1 $0xA  }
0x95: {  	_ =	swait.ge @!p1 [sflag:s7], $0xFA0  }
0x96: {  	[sflag:s7] =	ssyncset.done @!p1 $0x0  }
0x97: {  	s9 =	simm.s32 @!p1 $0x5FA0;
	[sflag:s7] =	ssyncadd.s32 @!p1 $0xFFFFF060;
	s7 =	sadd.s32 @!p1 $0x480, s5  }
0x98: {  	[tilespmem:s9], [sflag:$0x2] =	stream.indirect.gather @!p1 [hbm4b:s3+s12], $0x20, s7, s12, $0xb8;
	[tilespmem:$0x16920] =	vst v63  }
0x99: {  	_ =	swait.ge [sflag:s24], $0xFA0  }
0x9a: {  	[sflag:s24] =	ssyncset.done $0x0  }
0x9b: {  	s9 =	sadd.s32 $0x2A00, s29;
	s7 =	simm.s32 @p1 $0x6;
	[sflag:s24] =	ssyncadd.s32 $0xFFFFF060  }
0x9c: {  	[spmem:s1] =	stream.indirect.scatter.add.f32 [tilespmem:s28], [sflag:$0xD], $0x20, s9, s18, $0xb8;
	[tilespmem:$0x16920] =	vst v63  }
0x9d: {  	_ =	swait.ge @p1 [sflag:s7], $0xFA0  }
0x9e: {  	[sflag:s7] =	ssyncset.done @p1 $0x0  }
0x9f: {  	s4 =	sadd.s32 @p1 $0x2A80, s4;
	[sflag:s7] =	ssyncadd.s32 @p1 $0xFFFFF060;
	s7 =	simm.s32 @p1 $0x9E20  }
0xa0: {  	[spmem:s1] =	stream.indirect.scatter.add.f32 @p1 [tilespmem:s7], [sflag:$0xE], $0x20, s4, s6, $0xb8;
	[tilespmem:$0x16920] =	vst v63  }
0xa1: {  	s4 =	simm.s32 @!p1 $0xB  }
0xa2: {  	_ =	swait.ge @!p1 [sflag:s4], $0xFA0  }
0xa3: {  	[sflag:s4] =	ssyncset.done @!p1 $0x0  }
0xa4: {  	s6 =	simm.s32 @!p1 $0x6F40;
	[sflag:s4] =	ssyncadd.s32 @!p1 $0xFFFFF060;
	s4 =	sadd.s32 @!p1 $0x500, s5  }
0xa5: {  	[tilespmem:s6], [sflag:$0x3] =	stream.indirect.gather @!p1 [hbm4b:s3+s12], $0x20, s4, s12, $0xb8;
	[tilespmem:$0x16920] =	vst v63  }
0xa6: {  	s4 =	simm.s32 @!p1 $0x6  }
0xa7: {  	_ =	swait.ge @!p1 [sflag:s4], $0xFA0  }
0xa8: {  	[sflag:s4] =	ssyncset.done @!p1 $0x0  }
0xa9: {  	s6 =	simm.s32 @!p1 $0x9E20;
	[sflag:s4] =	ssyncadd.s32 @!p1 $0xFFFFF060;
	s4 =	sadd.s32 @!p1 $0x2A80, s5  }
0xaa: {  	[spmem:s1] =	stream.indirect.scatter.add.f32 @!p1 [tilespmem:s6], [sflag:$0xE], $0x20, s4, s12, $0xb8;
	[tilespmem:$0x16920] =	vst v63  }
0xab: {  	s4 =	simm.s32 @!p1 $0xC  }
0xac: {  	_ =	swait.ge @!p1 [sflag:s4], $0xFA0  }
0xad: {  	[sflag:s4] =	ssyncset.done @!p1 $0x0  }
0xae: {  	[sflag:s4] =	ssyncadd.s32 @!p1 $0xFFFFF060;
	s4 =	sadd.s32 @!p1 $0x580, s5  }
0xaf: {  	[tilespmem:s11], [sflag:$0x4] =	stream.indirect.gather @!p1 [hbm4b:s3+s12], $0x20, s4, s12, $0xb8;
	[tilespmem:$0x16920] =	vst v63  }
.Ltmp2:
0xb0: {  	_ = 	snop;
	(pc) =	sbr.rel @p1 .LBB2_4-.Ltmp2, $4  }
0xb1: {  	_ =	swait.ge [sflag:s25], $0xFA0  }
0xb2: {  	[sflag:s25] =	ssyncset.done $0x0  }
0xb3: {  	s12 =	sadd.s32 $0x2B00, s29;
	s4 =	sadd.s32 $0x2B80, s29;
	[sflag:s25] =	ssyncadd.s32 $0xFFFFF060  }
0xb4: {  	[spmem:s1] =	stream.indirect.scatter.add.f32 [tilespmem:s0], [sflag:$0xF], $0x20, s12, s18, $0xb8;
	[tilespmem:$0x16920] =	vst v63  }
0xb5: {  	_ =	swait.ge [sflag:s8], $0xFA0  }
0xb6: {  	[sflag:s8] =	ssyncset.done $0x0  }
0xb7: {  	s5 =	sadd.s32 $0x600, s29;
	[sflag:s8] =	ssyncadd.s32 $0xFFFFF060  }
0xb8: {  	[tilespmem:s28], [sflag:$0x5] =	stream.indirect.gather [hbm4b:s3+s18], $0x20, s5, s18, $0xb8;
	[tilespmem:$0x16920] =	vst v63  }
0xb9: {  	_ =	swait.ge [sflag:s26], $0xFA0  }
0xba: {  	[sflag:s26] =	ssyncset.done $0x0  }
0xbb: {  	[sflag:s26] =	ssyncadd.s32 $0xFFFFF060  }
0xbc: {  	[spmem:s1] =	stream.indirect.scatter.add.f32 [tilespmem:s20], [sflag:$0x10], $0x20, s4, s18, $0xb8;
	[tilespmem:$0x16920] =	vst v63  }
.Ltmp3:
0xbd: {  	_ = 	snop;
	(pc) =	sbr.rel .LBB2_2-.Ltmp3, $4  }
0xbe: {  	_ =	swait.ge [sflag:s10], $0xFA0  }
0xbf: {  	[sflag:s10] =	ssyncset.done $0x0  }
0xc0: {  	s29 =	sadd.s32 $0x680, s29;
	s17 =	sadd.s32 $0x1000, s17;
	[sflag:s10] =	ssyncadd.s32 $0xFFFFF060  }
0xc1: {  	[tilespmem:s30], [sflag:$0x6] =	stream.indirect.gather [hbm4b:s3+s18], $0x20, s29, s18, $0xb8;
	[tilespmem:$0x16920] =	vst v63  }
.LBB2_5:
0xc2: {  	_ =	sfence.sel $0x180000  }
0xc3: {  	[bflag:$0x0] =	sbarrier.arrive $0xFFFF  }
0xc4: {  	_ =	strace $0x90000050  }
0xc5: {  	[bflag:$0x2] =	sbarrier.arrive $0xFFFF  }
0xc6: {  	s0 =	rddreg [dreg:$0x2]  }
0xc7: {  	s0 =	sadd.s32 @!p0 $0x100000, s0  }
0xc8: {  	[sflag:s0] =	ssyncadd.tile.s32 @!p0 $0x1;
	_ =	shalt  }
.Lfunc_end2:
_tile_overlayer_lowered:
.L_overlay_start_2:
0xc9: {  	(tag) =	ssettag $0x2  }
0xca: {  	s0 =	rddreg [dreg:$0x0];
	s2 =	stileid.u32  }
0xcb: {  	s1 =	rddreg [dreg:$0x1];
	p0 =	sne.s32 s2, $0x0  }
0xcc: {  	s3 =	rddreg [dreg:$0x2];
	[bflag:$0x3] =	sbarrier.arrive $0xFFFF;
	s2 =	simm.s32 @!p0 $0x1C13  }
0xcd: {  	[timem:s3], [sflag:s2] =	dma.local @!p0 [hbm:s0], s1  }
0xce: {  	s0 =	simm.s32 @!p0 $0x13  }
0xcf: {  	_ =	swait.ge @!p0 [sflag:s0], s1  }
0xd0: {  	s1 =	ssub.s32 @!p0 $0x0, s1;
	[sflag:s0] =	ssyncset.done @!p0 $0x0  }
0xd1: {  	[sflag:s0] =	ssyncadd.s32 @!p0 s1  }
0xd2: {  	[bflag:$0x3] =	sbarrier.arrive $0xFFFF  }
0xd3: {  	_ =	shalt  }

// kernel: kernel.9.cloned.1.call-start
scs
__scs_entry_jumppad:
0x0: {  	(pc) =	sbr.rel $0x88, $3  }
0x1: {  	(tag) =	ssettag $0x0;
	lr =	simm.s32 $0x1  }
0x2: {  	[smem:$0x3F99] =	sst lr;
	_ =	strace $0xD0000000  }
0x3: {  	_ = 	snop  }
0x4: {  	_ = 	snop  }
0x5: {  	_ = 	snop  }
0x6: {  	_ = 	snop  }
0x7: {  	_ = 	snop  }
__scs_overlays_trampoline_lowered:
0x8: {  	[smem:$0x3FA8] =	sst s0  }
0x9: {  	[smem:$0x3FA9] =	sst s1  }
0xa: {  	[smem:$0x3FAA] =	sst s2  }
0xb: {  	[smem:$0x3FAB] =	sst s3  }
0xc: {  	[smem:$0x3FAC] =	sst s4  }
0xd: {  	[smem:$0x3FAD] =	sst s5  }
0xe: {  	[smem:$0x3FAE] =	sst s6  }
0xf: {  	[smem:$0x3FAF] =	sst s7  }
0x10: {  	[smem:$0x3FB0] =	sst s8  }
0x11: {  	[smem:$0x3FB1] =	sst s9;
	s0 =	simm.s32 @!p0 $0x0  }
0x12: {  	s1 =	sld [smem:$0x3F97];
	s0 =	simm.s32 @p0 $0x1  }
0x13: {  	[smem:$0x3FB2] =	sst s0;
	s0 =	simm.s32 @!p1 $0x0  }
0x14: {  	s2 =	sld [smem:$0x3F96];
	s0 =	simm.s32 @p1 $0x1  }
0x15: {  	[smem:$0x3FB3] =	sst s0;
	s0 =	simm.s32 @!p2 $0x0  }
0x16: {  	s3 =	sld [smem:$0x3FDB];
	s0 =	simm.s32 @p2 $0x1  }
0x17: {  	s4 =	simm.s32 $0x1BF5;
	[smem:$0x3FB5] =	sst s0  }
0x18: {  	s0 =	sld [smem:$0x3F98];
	_ =	swait.ge [sflag:s4], $0x0  }
0x19: {  	s7 =	sld [smem:$0x3F99]  }
0x1a: {  	s8 =	sadd.s32 $0xFFFFE003, lr  }
0x1b: {  	s9 =	sadd.s32 $0xFFFFFEF7, lr;
	s5 =	simm.s32 $0xFFFFFFFF;
	p2 =	slt.u32 s8, $0xFFFFF086  }
0x1c: {  	p1 =	slt.u32 s9, $0xF7A;
	s5 =	simm.s32 @!p2 $0x0  }
0x1d: {  	s5 =	simm.s32 @p1 $0x1;
	p0 =	seq.s32 s7, s2  }
0x1e: {  	s7 =	smul.u32 @!p0 $0xF7A, s2;
	p2 =	seq.s32 @!p0 s5, $0x0  }
0x1f: {  	s9 =	smul.u32 $0xF7A, s1;
	s8 =	simm.s32 @!p0 $0x1BF5;
	p2 =	por !p2, p0  }
0x20: {  	[sflag:s8] =	ssyncset.s32 @!p0 $0xFFFFF086;
	s6 =	sadd.s32 @!p0 s3, s7;
	s7 =	simm.s32 @!p0 $0x108  }
0x21: {  	s3 =	sadd.s32 s3, s9;
	s6 =	sadd.s32 @!p0 $0x88, s6;
	s7 =	simm.s32 @p2 $0x1082  }
0x22: {  	[simem:s7], [sflag:s8] =	dma.local @!p0 [hbm:s6], $0xF7A  }
0x23: {  	s9 =	sor.u32 $0xD0000000, s2;
	s6 =	simm.s32 $0x108;
	_ =	swait.ge @!p0 [sflag:s8], $0x0  }
0x24: {  	s3 =	sadd.s32 $0x88, s3;
	s6 =	simm.s32 @!p1 $0x1082;
	[sflag:s4] =	ssyncset.s32 $0xFFFFF086  }
0x25: {  	[simem:s6], [sflag:s4] =	dma.local [hbm:s3], $0xF7A  }
0x26: {  	[smem:$0x3F99] =	sst s1;
	(tag) =	ssettag s2;
	_ =	strace s9  }
0x27: {  	s1 =	sld [smem:$0x3FA9]  }
0x28: {  	s2 =	sld [smem:$0x3FAA]  }
0x29: {  	s4 =	sld [smem:$0x3FAC]  }
0x2a: {  	p0 =	seq.s32 s5, $0x0;
	s5 =	sld [smem:$0x3FAD]  }
0x2b: {  	s6 =	sld [smem:$0x3FAE]  }
0x2c: {  	s7 =	sld [smem:$0x3FAF]  }
0x2d: {  	s3 =	simm.s32 $0x108;
	s8 =	sld [smem:$0x3FB0]  }
0x2e: {  	s3 =	simm.s32 @!p0 $0x1082;
	s9 =	sld [smem:$0x3FB1]  }
0x2f: {  	lr =	sadd.s32 s0, s3;
	s0 =	sld [smem:$0x3FA8]  }
0x30: {  	s3 =	sld [smem:$0x3FAB]  }
0x31: {  	[smem:$0x3FB4] =	sst s10  }
0x32: {  	s10 =	sld [smem:$0x3FB2];
	_ =	sdelay $0x3  }
0x33: {  	p0 =	seq.s32 s10, $0x1;
	s10 =	sld [smem:$0x3FB4];
	_ =	sdelay $0x3  }
0x34: {  	[smem:$0x3FB4] =	sst s10  }
0x35: {  	s10 =	sld [smem:$0x3FB3];
	_ =	sdelay $0x3  }
0x36: {  	p1 =	seq.s32 s10, $0x1;
	s10 =	sld [smem:$0x3FB4];
	_ =	sdelay $0x3  }
0x37: {  	[smem:$0x3FB4] =	sst s10  }
0x38: {  	s10 =	sld [smem:$0x3FB5]  }
0x39: {  	_ = 	snop;
	(pc) =	sbr.ind lr, $3  }
0x3a: {  	_ = 	snop  }
0x3b: {  	_ = 	snop  }
0x3c: {  	p2 =	seq.s32 s10, $0x1;
	s10 =	sld [smem:$0x3FB4]  }
0x3d: {  	_ =	shalt  }
0x3e: {  	_ =	shalt  }
0x3f: {  	_ =	shalt  }
0x40: {  	_ =	shalt  }
0x41: {  	_ =	shalt  }
0x42: {  	_ =	shalt  }
0x43: {  	_ =	shalt  }
0x44: {  	_ =	shalt  }
0x45: {  	_ =	shalt  }
0x46: {  	_ =	shalt  }
0x47: {  	_ =	shalt  }
0x48: {  	_ =	shalt  }
0x49: {  	_ =	shalt  }
0x4a: {  	_ =	shalt  }
0x4b: {  	_ =	shalt  }
0x4c: {  	_ =	shalt  }
0x4d: {  	_ =	shalt  }
0x4e: {  	_ =	shalt  }
0x4f: {  	_ =	shalt  }
0x50: {  	_ =	shalt  }
0x51: {  	_ =	shalt  }
0x52: {  	_ =	shalt  }
0x53: {  	_ =	shalt  }
0x54: {  	_ =	shalt  }
0x55: {  	_ =	shalt  }
0x56: {  	_ =	shalt  }
0x57: {  	_ =	shalt  }
0x58: {  	_ =	shalt  }
0x59: {  	_ =	shalt  }
0x5a: {  	_ =	shalt  }
0x5b: {  	_ =	shalt  }
0x5c: {  	_ =	shalt  }
0x5d: {  	_ =	shalt  }
0x5e: {  	_ =	shalt  }
0x5f: {  	_ =	shalt  }
0x60: {  	_ =	shalt  }
0x61: {  	_ =	shalt  }
0x62: {  	_ =	shalt  }
0x63: {  	_ =	shalt  }
0x64: {  	_ =	shalt  }
0x65: {  	_ =	shalt  }
0x66: {  	_ =	shalt  }
0x67: {  	_ =	shalt  }
0x68: {  	_ =	shalt  }
0x69: {  	_ =	shalt  }
0x6a: {  	_ =	shalt  }
0x6b: {  	_ =	shalt  }
0x6c: {  	_ =	shalt  }
0x6d: {  	_ =	shalt  }
0x6e: {  	_ =	shalt  }
0x6f: {  	_ =	shalt  }
0x70: {  	_ =	shalt  }
0x71: {  	_ =	shalt  }
0x72: {  	_ =	shalt  }
0x73: {  	_ =	shalt  }
0x74: {  	_ =	shalt  }
0x75: {  	_ =	shalt  }
0x76: {  	_ =	shalt  }
0x77: {  	_ =	shalt  }
0x78: {  	_ =	shalt  }
0x79: {  	_ =	shalt  }
0x7a: {  	_ =	shalt  }
0x7b: {  	_ =	shalt  }
0x7c: {  	_ =	shalt  }
0x7d: {  	_ =	shalt  }
0x7e: {  	_ =	shalt  }
0x7f: {  	_ =	shalt  }
0x80: {  	_ =	shalt  }
0x81: {  	_ =	shalt  }
0x82: {  	_ =	shalt  }
0x83: {  	_ =	shalt  }
0x84: {  	_ =	shalt  }
0x85: {  	_ =	shalt  }
0x86: {  	_ =	shalt  }
0x87: {  	_ =	shalt  }
.Lfunc_end0:
.L_simem_size_0:
called_computation_lowered:
.L_overlay_start_0:
0x88: {  	s2 =	sld [smem:$0x3FD9]  }
0x89: {  	s3 =	sld [smem:$0x3FFE];
	_ =	sdelay $0x1  }
0x8a: {  	s1 =	srdreg.scid  }
0x8b: {  	s0 =	sand.u32 $0x1, s1  }
0x8c: {  	s14 =	sshll.u32 s0, $0xA;
	s2 =	sadd.s32 s3, s2  }
0x8d: {  	s2 =	sadd.s32 s2, s14  }
0x8e: {  	[smem:$0x3FC0] =	sst s2  }
0x8f: {  	_ = 	snop  }
0x90: {  	s2 =	sld [smem:$0x3FD0];
	_ =	sdelay $0x2  }
0x91: {  	s15 =	simm.s32 $0xA;
	s4 =	simm.s32 $0x10  }
0x92: {  	[smem:s4], [sflag:s15] =	dma.local [hbm:s2], $0x1  }
0x93: {  	_ =	swait.eq [sflag:s15], $0x1  }
0x94: {  	[sflag:s15] =	ssyncset.done $0x0  }
0x95: {  	s16 =	sld [smem:$0x10];
	[sflag:s15] =	ssyncadd.s32 $0xFFFFFFFF  }
0x96: {  	s17 =	sld [smem:$0x11];
	(tm) =	ssettm $0x1  }
0x97: {  	s18 =	sld [smem:$0x3FFB];
	_ =	sdelay $0x3  }
0x98: {  	_ =	strace s18  }
0x99: {  	s4 =	sld [smem:$0x3FFC];
	_ =	sdelay $0x3  }
0x9a: {  	_ =	strace s4  }
0x9b: {  	s4 =	sld [smem:$0x3FFD];
	_ =	sdelay $0x3  }
0x9c: {  	_ =	strace s4  }
0x9d: {  	_ =	strace $0x8FFFFFFF  }
0x9e: {  	s19 =	sld [smem:$0x3FDB];
	_ =	sdelay $0x1  }
0x9f: {  	s5 =	simm.s32 $_scs_section_size  }
0xa0: {  	s6 =	simm.s32 $_size__tile_overlayer_lowered;
	s7 =	simm.s32 $_tile_overlayer_lowered  }
0xa1: {  	s22 =	simm.s32 $0x1BFF;
	s21 =	sshll.u32 s7, $0x1;
	s4 =	sadd.s32 s5, s19  }
0xa2: {  	s8 =	simm.s32 $0x0;
	s20 =	sshll.u32 s6, $0x1;
	s6 =	sadd.s32 s21, s4  }
0xa3: {  	[timem:s8], [sflag:s22] =	dma.local [hbm:s6], s20  }
0xa4: {  	_ =	swait.ge [sflag:s22], s20  }
0xa5: {  	s5 =	ssub.s32 $0x0, s20;
	[sflag:s22] =	ssyncset.done $0x0  }
0xa6: {  	[sflag:s22] =	ssyncadd.s32 s5;
	_ =	sdelay $0x1  }
0xa7: {  	s23 =	simm.s32 $0x1B8B  }
0xa8: {  	_ =	swait.ge [sflag:s23], $0x1  }
0xa9: {  	[sflag:s23] =	ssyncset.done $0x0  }
0xaa: {  	s25 =	simm.s32 $0x1B8E;
	s24 =	sld [smem:$0x3FFE];
	[sflag:s23] =	ssyncadd.s32 $0xFFFFFFFF  }
0xab: {  	s26 =	simm.s32 $execute0_lowered;
	[smem:$0x3FD2] =	sst s25  }
0xac: {  	s6 =	sshll.u32 s26, $0x1;
	_ =	strace $0x80000046;
	[dreg:$0x1] =	wrdreg $0xFFFFFFFF  }
0xad: {  	s28 =	simm.s32 $_size_execute0_lowered;
	s4 =	sadd.s32 s4, s6;
	[dreg:$0x0] =	wrdreg $0x0  }
0xae: {  	s6 =	sshll.u32 s28, $0x1;
	[dreg:$0x2] =	wrdreg s4  }
0xaf: {  	[dreg:$0x3] =	wrdreg s6  }
0xb0: {  	[dreg:$0x4] =	wrdreg $0xC0  }
0xb1: {  	_ =	task [dreg:s8], $0x5FFFF  }
0xb2: {  	[dreg:$0x1] =	wrdreg $0xFFFFFFFF  }
0xb3: {  	[dreg:$0x0] =	wrdreg $0x60  }
0xb4: {  	[dreg:$0x2] =	wrdreg s24  }
0xb5: {  	[dreg:$0x3] =	wrdreg s16  }
0xb6: {  	[dreg:$0x4] =	wrdreg s17  }
0xb7: {  	[dreg:$0x5] =	wrdreg $0x2A800  }
0xb8: {  	[dreg:$0x6] =	wrdreg $0x9  }
0xb9: {  	_ =	task.clear_ibuf [dreg:s8], $0x7FFFF;
	_ =	strace $0x90000046  }
0xba: {  	s29 =	simm.s32 $0x9;
	_ =	strace $0x80000048  }
0xbb: {  	_ =	swait.ge [sflag:s29], $0x1  }
0xbc: {  	[sflag:s29] =	ssyncadd.s32 $0xFFFFFFFF  }
0xbd: {  	_ =	strace $0x90000048  }
0xbe: {  	_ =	sfence  }
0xbf: {  	s30 =	sld [smem:$0x0];
	_ =	sdelay $0x2  }
0xc0: {  	s31 =	sshll.u32 s1, $0xD;
	s1 =	sshrl.u32 s1, $0x2  }
0xc1: {  	s3 =	sand.u32 $0x4000, s31;
	s1 =	sadd.s32 s1, s30  }
0xc2: {  	s0 =	sor.u32 s3, s0;
	s1 =	sshll.u32 s1, $0x11  }
0xc3: {  	s0 =	sor.u32 s1, s0  }
0xc4: {  	s0 =	sadd.s32 $0x8F2B, s0  }
0xc5: {  	[sflag:s0] =	ssyncadd.remote.s32 $0x1  }
0xc6: {  	_ =	sfence.sel $0xFFFF  }
0xc7: {  	[dreg:$0x0] =	wrdreg $0xFFFFFFFF;
	(pc) =	sbr.abs _section_cstart, $3  }
0xc8: {  	[dreg:$0x1] =	wrdreg $0xFFFFFFFF  }
0xc9: {  	_ =	task.clear_ibuf [dreg:s8], $0x2FFFF;
	_ =	strace $0x9FFFFFFF  }
0xca: {  	(tm) =	ssettm $0x7FFFFFFF  }
0xcb: {  	_ =	shalt  }
tec
execute0_lowered:
.L_overlay_start_1:
0x0: {  	(tag) =	ssettag $0x1  }
0x1: {  	s4 =	rddreg [dreg:$0x0]  }
0x2: {  	s1 =	srdreg.scid;
	s0 =	rddreg [dreg:$0x1]  }
0x3: {  	s9 =	rddreg [dreg:$0x2];
	s11 =	stileid.u32  }
0x4: {  	s2 =	rddreg [dreg:$0x3];
	s3 =	simm.s32 $0x0;
	s13 =	simm.s32 $0x2780  }
0x5: {  	s14 =	simm.s32 $0x1;
	s15 =	simm.s32 $0x80;
	s16 =	simm.s32 $0x10  }
0x6: {  	s17 =	simm.s32 $0x2700;
	s18 =	simm.s32 $0x2;
	s19 =	simm.s32 $0x0  }
0x7: {  	s5 =	sand.u32 $0x1, s1;
	[smem:$0x7FF] =	sst s3;
	s7 =	smul.u32 $0x270, s11  }
0x8: {  	p0 =	sne.s32 s11, $0x0;
	s1 =	sshll.u32 s5, $0x4;
	s8 =	ssub.s32 $0x2, s5  }
0x9: {  	s10 =	smul.u32 $0x2710, s5;
	s6 =	sor.u32 s11, s1;
	s1 =	rddreg [dreg:$0x4]  }
0xa: {  	_ =	strace $0x80000047;
	s30 =	sshrl.u32 s8, $0x1;
	s6 =	smul.u32 $0x4E2, s6  }
0xb: {  	s11 =	simm.s32 $0x2800;
	s12 =	ssub.s32 s8, s30;
	s31 =	sadd.s32 s7, s10  }
0xc: {  	s10 =	sshrl.u32 s10, $0x3;
	s8 =	sshrl.u32 s31, $0x3;
	s29 =	sadd.s32 s6, s4  }
0xd: {  	s4 =	sadd.s32 $0xC400, s4;
	s6 =	sadd.s32 s7, s2;
	s7 =	sadd.s32 $0x2700, s2  }
0xe: {  	s8 =	sadd.s32 s9, s8;
	s9 =	sadd.s32 s9, s10;
	s10 =	smax.u32 s12, $0x1  }
0xf: {  	s12 =	simm.s32 $0x3;
	s5 =	sadd.s32 $0x2600, s29;
	s9 =	sadd.s32 $0x4E0, s9  }
.LBB2_1:
0x10: {  	[tilespmem:s3], [sflag:$0x1] =	stream.linear.gather [hbm4b:s5+s3], $0x2710, $0x38;
	[tilespmem:$0x2CF8] =	vst v63  }
0x11: {  	_ = 	snop  }
0x12: {  	[tilespmem:s11], [sflag:$0x3] =	stream.linear.gather [hbm4b:s0+s3], $0x280, $0x38;
	[tilespmem:$0x2CF8] =	vst v63  }
0x13: {  	_ =	swait.ge [sflag:s12], $0x280  }
0x14: {  	[sflag:s12] =	ssyncset.done $0x0  }
0x15: {  	[sflag:s12] =	ssyncadd.s32 $0xFFFFFD80  }
0x16: {  	[spmem:s6] =	stream.linear.scatter [tilespmem:s11], [sflag:$0x3], $0x270, $0x38;
	[tilespmem:$0x2CF8] =	vst v63  }
0x17: {  	_ =	swait.ge [sflag:s12], $0x270  }
0x18: {  	[sflag:s12] =	ssyncset.done $0x0  }
0x19: {  	s20 =	simm.s32 @!p0 $0x2800;
	[sflag:s12] =	ssyncadd.s32 $0xFFFFFD90  }
0x1a: {  	[spmem:s7] =	stream.linear.scatter @!p0 [tilespmem:s20], [sflag:$0x3], $0x10, $0x38;
	[tilespmem:$0x2CF8] =	vst v63  }
0x1b: {  	s20 =	simm.s32 @!p0 $0x3  }
0x1c: {  	_ =	swait.ge @!p0 [sflag:s20], $0x10  }
0x1d: {  	[sflag:s20] =	ssyncset.done @!p0 $0x0  }
0x1e: {  	[sflag:s20] =	ssyncadd.s32 @!p0 $0xFFFFFFF0  }
0x1f: {  	[tilespmem:s13], [sflag:$0x3] =	stream.linear.gather [hbm4b:s4+s3], $0x80, $0x38;
	[tilespmem:$0x2CF8] =	vst v63  }
0x20: {  	_ =	swait.ge [sflag:s12], $0x80  }
0x21: {  	[sflag:s12] =	ssyncset.done $0x0  }
0x22: {  	[sflag:s12] =	ssyncadd.s32 $0xFFFFFF80  }
0x23: {  	_ =	swait.ge [sflag:s14], $0x2710  }
0x24: {  	[sflag:s14] =	ssyncset.done $0x0  }
0x25: {  	[sflag:s14] =	ssyncadd.s32 $0xFFFFD8F0  }
0x26: {  	s21 =	simm.s32 $0x0;
	s20 =	simm.s32 $0x200;
	[bflag:$0x0] =	sbarrier.arrive $0xFFFF  }
.LBB2_2:
0x27: {  	[spmem:s2] =	stream.indirect.scatter.add.f32 [tilespmem:s13], [sflag:$0x2], $0x1, s21, s15, $0xb8;
	[tilespmem:$0x2CF8] =	vst v63  }
0x28: {  	s21 =	smov.u32 s20;
	p1 =	sne.s32 s20, $0x9A00  }
.Ltmp0:
0x29: {  	s20 =	sadd.s32 $0x200, s20;
	(pc) =	sbr.rel @p1 .LBB2_2-.Ltmp0, $2  }
0x2a: {  	_ =	sdelay $0x2  }
0x2b: {  	s21 =	sshra.s32 s21, $0x2  }
0x2c: {  	[spmem:s2] =	stream.indirect.scatter.add.f32 [tilespmem:s13], [sflag:$0x2], $0x1, s21, s15, $0xb8;
	[tilespmem:$0x2CF8] =	vst v63  }
0x2d: {  	_ = 	snop  }
0x2e: {  	[spmem:s2] =	stream.indirect.scatter.add.f32 [tilespmem:s13], [sflag:$0x2], $0x1, s17, s16, $0xb8;
	[tilespmem:$0x2CF8] =	vst v63  }
0x2f: {  	_ =	swait.ge [sflag:s18], $0x80  }
0x30: {  	s20 =	simm.s32 $0x4D;
	[sflag:s18] =	ssyncset.done $0x0  }
.LBB2_4:
0x31: {  	p1 =	sne.s32 s20, $0x1;
	s20 =	sadd.s32 $0xFFFFFFFF, s20;
	[sflag:s18] =	ssyncadd.s32 $0xFFFFFF80  }
.Ltmp1:
0x32: {  	(pc) =	sbr.rel @p1 .LBB2_4-.Ltmp1, $3  }
0x33: {  	_ =	sdelay $0x1  }
0x34: {  	_ =	swait.ge [sflag:s18], $0x80  }
0x35: {  	[sflag:s18] =	ssyncset.done $0x0  }
0x36: {  	[sflag:s18] =	ssyncadd.s32 $0xFFFFFF80  }
0x37: {  	_ =	swait.ge [sflag:s18], $0x10  }
0x38: {  	[sflag:s18] =	ssyncset.done $0x0  }
0x39: {  	[sflag:s18] =	ssyncadd.s32 $0xFFFFFFF0  }
0x3a: {  	[bflag:$0x0] =	sbarrier.arrive $0xFFFF  }
0x3b: {  	[tilespmem:s11], [sflag:$0x3] =	stream.linear.gather [spmem:s6], $0x270, $0x38;
	[tilespmem:$0x2CF8] =	vst v63  }
0x3c: {  	_ =	swait.ge [sflag:s12], $0x270  }
0x3d: {  	[sflag:s12] =	ssyncset.done $0x0  }
0x3e: {  	[sflag:s12] =	ssyncadd.s32 $0xFFFFFD90  }
0x3f: {  	[hbm4b:s8+s3] =	stream.linear.scatter [tilespmem:s11], [sflag:$0x3], $0x270, $0x38;
	[tilespmem:$0x2CF8] =	vst v63  }
0x40: {  	_ =	swait.ge [sflag:s12], $0x270  }
0x41: {  	[sflag:s12] =	ssyncset.done $0x0  }
0x42: {  	s20 =	simm.s32 @!p0 $0x2800;
	s21 =	simm.s32 @!p0 $0x3;
	[sflag:s12] =	ssyncadd.s32 $0xFFFFFD90  }
0x43: {  	[tilespmem:s20], [sflag:$0x3] =	stream.linear.gather @!p0 [spmem:s7], $0x10, $0x38;
	[tilespmem:$0x2CF8] =	vst v63  }
0x44: {  	s19 =	sadd.s32 $0x1, s19;
	_ =	swait.ge @!p0 [sflag:s21], $0x10  }
0x45: {  	p1 =	sne.s32 s19, s10;
	[sflag:s21] =	ssyncset.done @!p0 $0x0  }
.Ltmp2:
0x46: {  	s22 =	simm.s32 @!p0 $0x0;
	[sflag:s21] =	ssyncadd.s32 @!p0 $0xFFFFFFF0;
	(pc) =	sbr.rel @p1 .LBB2_1-.Ltmp2, $4  }
0x47: {  	[hbm4b:s9+s22] =	stream.linear.scatter @!p0 [tilespmem:s20], [sflag:$0x3], $0x10, $0x38;
	[tilespmem:$0x2CF8] =	vst v63  }
0x48: {  	_ =	swait.ge @!p0 [sflag:s21], $0x10  }
0x49: {  	[sflag:s21] =	ssyncset.done @!p0 $0x0  }
0x4a: {  	[sflag:s21] =	ssyncadd.s32 @!p0 $0xFFFFFFF0  }
0x4b: {  	_ =	sfence.sel $0x180000  }
0x4c: {  	[bflag:$0x0] =	sbarrier.arrive $0xFFFF  }
0x4d: {  	_ =	strace $0x90000047  }
0x4e: {  	s0 =	sadd.s32 @!p0 $0x100000, s1;
	[bflag:$0x2] =	sbarrier.arrive $0xFFFF  }
0x4f: {  	[sflag:s0] =	ssyncadd.tile.s32 @!p0 $0x1;
	_ =	shalt  }
.Lfunc_end2:
_tile_overlayer_lowered:
.L_overlay_start_2:
0x50: {  	(tag) =	ssettag $0x2  }
0x51: {  	s0 =	rddreg [dreg:$0x0];
	s2 =	stileid.u32  }
0x52: {  	s1 =	rddreg [dreg:$0x1];
	p0 =	sne.s32 s2, $0x0  }
0x53: {  	s3 =	rddreg [dreg:$0x2];
	[bflag:$0x3] =	sbarrier.arrive $0xFFFF;
	s2 =	simm.s32 @!p0 $0x1C03  }
0x54: {  	[timem:s3], [sflag:s2] =	dma.local @!p0 [hbm:s0], s1  }
0x55: {  	s0 =	simm.s32 @!p0 $0x3  }
0x56: {  	_ =	swait.ge @!p0 [sflag:s0], s1  }
0x57: {  	s1 =	ssub.s32 @!p0 $0x0, s1;
	[sflag:s0] =	ssyncset.done @!p0 $0x0  }
0x58: {  	[sflag:s0] =	ssyncadd.s32 @!p0 s1  }
0x59: {  	[bflag:$0x3] =	sbarrier.arrive $0xFFFF  }
0x5a: {  	_ =	shalt  }

</sc_bundles>
